<compile_context>
chip_gen: v7x
topology: tpu7x:2x2x1
jax: 0.10.2.dev20260603
libtpu: 0.0.44.dev20260713+nightly
codegen_flags: <defaults>
</compile_context>

<pallas_src>
import functools
import math

import jax
import jax.numpy as jnp
from jax import lax
from jax.experimental import pallas as pl
from jax.experimental.pallas import tpu as pltpu
from jax.experimental.pallas import tpu_sc as plsc

RC = 5.0
NORM = 10.0
SCALE = 1.0
NMAX = 6


def _make_edge_gather(N, E, interpret=False):
    NW = 32
    EPW = E // NW
    CH = 2000
    NCH = EPW // CH
    G = CH // 16
    mesh = plsc.VectorSubcoreMesh(core_axis_name="c", subcore_axis_name="s")

    @functools.partial(
        pl.kernel,
        mesh=mesh,
        out_type=(
            jax.ShapeDtypeStruct((E,), jnp.float32),
            jax.ShapeDtypeStruct((E,), jnp.float32),
            jax.ShapeDtypeStruct((E,), jnp.float32),
            jax.ShapeDtypeStruct((E,), jnp.int32),
        ),
        scratch_types=[
            pltpu.VMEM((3 * N,), jnp.float32),
            pltpu.VMEM((N,), jnp.int32),
            pltpu.VMEM((CH,), jnp.int32),
            pltpu.VMEM((CH,), jnp.int32),
            pltpu.VMEM((CH,), jnp.float32),
            pltpu.VMEM((CH,), jnp.float32),
            pltpu.VMEM((CH,), jnp.float32),
            pltpu.VMEM((CH,), jnp.int32),
        ],
        compiler_params=pltpu.CompilerParams(needs_layout_passes=False),
        interpret=interpret,
    )
    def k(pos_hbm, num_hbm, src_hbm, dst_hbm, dx_hbm, dy_hbm, dz_hbm, ri_hbm,
          posf, numv, srcv, dstv, dxv, dyv, dzv, riv):
        wid = lax.axis_index("s") * 2 + lax.axis_index("c")
        base_t = wid * EPW
        pltpu.sync_copy(pos_hbm, posf)
        pltpu.sync_copy(num_hbm, numv)

        def chunk_body(ci, _):
            gb = pl.multiple_of(base_t + ci * CH, 8)
            pltpu.sync_copy(src_hbm.at[pl.ds(gb, CH)], srcv)
            pltpu.sync_copy(dst_hbm.at[pl.ds(gb, CH)], dstv)

            def grp(g, _):
                sl = pl.ds(g * 16, 16)
                s = srcv[sl]
                d = dstv[sl]
                s3 = s * 3
                d3 = d * 3
                pxs = plsc.load_gather(posf, [s3])
                pys = plsc.load_gather(posf, [s3 + 1])
                pzs = plsc.load_gather(posf, [s3 + 2])
                pxd = plsc.load_gather(posf, [d3])
                pyd = plsc.load_gather(posf, [d3 + 1])
                pzd = plsc.load_gather(posf, [d3 + 2])
                ns = plsc.load_gather(numv, [s])
                dxv[sl] = pxs - pxd
                dyv[sl] = pys - pyd
                dzv[sl] = pzs - pzd
                riv[sl] = ns * N + d
                return 0

            lax.fori_loop(0, G, grp, 0, unroll=False)
            pltpu.sync_copy(dxv, dx_hbm.at[pl.ds(gb, CH)])
            pltpu.sync_copy(dyv, dy_hbm.at[pl.ds(gb, CH)])
            pltpu.sync_copy(dzv, dz_hbm.at[pl.ds(gb, CH)])
            pltpu.sync_copy(riv, ri_hbm.at[pl.ds(gb, CH)])
            return 0

        lax.fori_loop(0, NCH, chunk_body, 0, unroll=False)

    return k


def _make_edge_feats(E, interpret=False):
    ROWS = E // 128
    RB = 125
    GRID = ROWS // RB
    isq = 1.0 / math.sqrt(NORM)

    def body(dx_ref, dy_ref, dz_ref, rn_ref, y_ref):
        x = dx_ref[0]
        yy = dy_ref[0]
        z = dz_ref[0]
        r2 = x * x + yy * yy + z * z + 1e-12
        r = jnp.sqrt(r2)
        inv = 1.0 / r
        ux = x * inv
        uy = yy * inv
        uz = z * inv
        pi = math.pi
        rcut = jnp.minimum(r, RC)
        fc = 0.5 * (jnp.cos(rcut * (pi / RC)) + 1.0)
        fc = jnp.where(r < RC, fc, 0.0)
        g = fc * inv * isq
        for n in range(1, NMAX + 1):
            rn_ref[:, n - 1, :] = jnp.sin(r * (n * pi / RC)) * g
        x2 = ux * ux
        y2 = uy * uy
        z2 = uz * uz
        ys = [
            0.282095 * jnp.ones_like(ux),
            0.488603 * uy, 0.488603 * uz, 0.488603 * ux,
            1.092548 * ux * uy, 1.092548 * uy * uz,
            0.315392 * (3.0 * z2 - 1.0),
            1.092548 * ux * uz, 0.546274 * (x2 - y2),
            0.590044 * uy * (3.0 * x2 - y2), 2.890611 * ux * uy * uz,
            0.457046 * uy * (5.0 * z2 - 1.0),
            0.373176 * uz * (5.0 * z2 - 3.0),
            0.457046 * ux * (5.0 * z2 - 1.0), 1.445306 * uz * (x2 - y2),
            0.590044 * ux * (x2 - 3.0 * y2),
        ]
        for m in range(16):
            y_ref[:, m, :] = ys[m]

    return pl.pallas_call(
        body,
        grid=(GRID,),
        in_specs=[
            pl.BlockSpec((1, RB, 128), lambda i: (i, 0, 0)),
            pl.BlockSpec((1, RB, 128), lambda i: (i, 0, 0)),
            pl.BlockSpec((1, RB, 128), lambda i: (i, 0, 0)),
        ],
        out_specs=[
            pl.BlockSpec((RB, NMAX, 128), lambda i: (i, 0, 0)),
            pl.BlockSpec((RB, 16, 128), lambda i: (i, 0, 0)),
        ],
        out_shape=[
            jax.ShapeDtypeStruct((ROWS, NMAX, 128), jnp.float32),
            jax.ShapeDtypeStruct((ROWS, 16, 128), jnp.float32),
        ],
        interpret=interpret,
    )


def _make_scatter(N, E, interpret=False):
    NSUB = 16
    NCHUNK = E // 128
    BASE_CH = NCHUNK // NSUB
    EXTRA = NCHUNK - BASE_CH * NSUB
    FW = 32
    RPT = ((4 * N // NSUB) + 7) // 8 * 8
    R2 = NSUB * RPT
    NZB = (RPT + 127) // 128
    mesh = plsc.VectorSubcoreMesh(core_axis_name="c", subcore_axis_name="s")

    @functools.partial(
        pl.kernel,
        mesh=mesh,
        out_type=jax.ShapeDtypeStruct((2, 2, R2, FW), jnp.float32),
        scratch_types=[
            pltpu.VMEM((NMAX, 128), jnp.float32),
            pltpu.VMEM((4, 128), jnp.float32),
            pltpu.VMEM((128,), jnp.int32),
            pltpu.VMEM((128, FW), jnp.float32),
            pltpu.VMEM((128, FW), jnp.float32),
            pltpu.VMEM((128, FW), jnp.float32),
            pltpu.VMEM_SHARED((R2, FW), jnp.float32),
        ],
        compiler_params=pltpu.CompilerParams(
            needs_layout_passes=False, use_tc_tiling_on_sc=False),
        interpret=interpret,
    )
    def k(rn_hbm, y_hbm, ri_hbm, out_hbm, rnb, yb, ib, stg, zb, obuf, slab):
        core = lax.axis_index("c")
        sid = lax.axis_index("s")
        iota16 = lax.iota(jnp.int32, 16)

        def zfill(i, _):
            zb[i, pl.ds(0, 16)] = jnp.zeros((16,), jnp.float32)
            zb[i, pl.ds(16, 16)] = jnp.zeros((16,), jnp.float32)
            return 0

        lax.fori_loop(0, 128, zfill, 0, unroll=False)

        def sfill(i, _):
            stg[i, pl.ds(0, 16)] = jnp.zeros((16,), jnp.float32)
            stg[i, pl.ds(16, 16)] = jnp.zeros((16,), jnp.float32)
            return 0

        lax.fori_loop(0, 128, sfill, 0, unroll=False)

        r0 = sid * RPT
        nch = BASE_CH + (sid < EXTRA).astype(jnp.int32)

        def fill_ib(start):
            def g(gi, _):
                ib[pl.ds(gi * 16, 16)] = iota16 + (start + gi * 16)
                return 0
            lax.fori_loop(0, 8, g, 0, unroll=False)

        for q in range(2):
            def zbatch(j, _):
                st = jnp.minimum(j * 128, RPT - 128)
                fill_ib(r0 + st)
                pltpu.sync_copy(zb, slab.at[ib])
                return 0

            lax.fori_loop(0, NZB, zbatch, 0, unroll=False)

            plsc.subcore_barrier()
            yrow = pl.multiple_of(core * 8 + q * 4, 4)

            def chunk(kk, _):
                cid = kk * NSUB + sid
                pltpu.sync_copy(rn_hbm.at[cid], rnb)
                pltpu.sync_copy(y_hbm.at[cid, pl.ds(yrow, 4), :], yb)
                pltpu.sync_copy(
                    ri_hbm.at[pl.ds(pl.multiple_of(cid * 128, 8), 128)], ib)

                def subf(sub, _):
                    base16 = sub * 16
                    rows_v = iota16 + base16
                    for ml in range(4):
                        yv = yb[ml, pl.ds(base16, 16)]
                        for n in range(NMAX):
                            rnv = rnb[n, pl.ds(base16, 16)]
                            fv = iota16 * 0 + (ml * 8 + n)
                            plsc.store_scatter(stg, [rows_v, fv], rnv * yv)
                    return 0

                lax.fori_loop(0, 8, subf, 0, unroll=False)
                pltpu.sync_copy(stg, slab.at[ib], add=True)
                return 0

            lax.fori_loop(0, nch, chunk, 0, unroll=False)
            plsc.subcore_barrier()

            def obatch(j, _):
                st = jnp.minimum(j * 128, RPT - 128)
                fill_ib(r0 + st)
                pltpu.sync_copy(slab.at[ib], obuf)
                hb = pl.multiple_of(r0 + st, 8)
                pltpu.sync_copy(obuf, out_hbm.at[core, q, pl.ds(hb, 128)])
                return 0

            lax.fori_loop(0, NZB, obatch, 0, unroll=False)

            plsc.subcore_barrier()

    return k


def _make_psnn(N, B, NS, P, HID, OUT, interpret=False):
    XB = 1000
    NBLK = N // XB
    FEAT = P * P * NMAX * NMAX * 4
    LBLOCKS = ((0, 1, 0), (1, 4, 1), (4, 9, 2), (9, 16, 3))

    def body(d_ref, num_ref, bt_ref, cw_ref, emb_ref, w0_ref, w1_ref,
             w2_ref, out_ref, eacc, cacc):
        i = pl.program_id(0)
        X = XB
        eye = (lax.broadcasted_iota(jnp.int32, (X, X), 0)
               == lax.broadcasted_iota(jnp.int32, (X, X), 1)
               ).astype(jnp.float32)
        ctas = []
        for a in range(P):
            qs = []
            for qq in range(4):
                ea = None
                for s in range(NS):
                    term = d_ref[qq, s] * emb_ref[s, a]
                    ea = term if ea is None else ea + term
                t = lax.dot_general(ea, eye, (((0,), (0,)), ((), ())),
                                    preferred_element_type=jnp.float32)
                qs.append(t.reshape(4, 8, X))
            ctas.append(jnp.concatenate(qs, axis=0))
        ct = jnp.stack(ctas, axis=0)

        blocks = []
        for (s0, e0, l) in LBLOCKS:
            cl = ct[:, s0:e0]
            scale = 1.0 / math.sqrt(2 * l + 1)
            for st in range(NMAX):
                cs = cl[:, :, st:st + 1, :]
                prod = cs[:, None] * cl[None, :]
                plv = prod.sum(axis=2) * scale
                blocks.append(plv.reshape(P * P * 8, X))
        ps_t = jnp.concatenate(blocks, axis=0)

        num2 = num_ref[0]
        masks = [(num2 == s).astype(jnp.float32) for s in range(NS)]

        def lmap_t(xt, w_ref, ksl):
            acc = None
            for s in range(NS):
                ws = w_ref[s]
                o = lax.dot_general(ws, xt, (((0,), (0,)), ((), ())),
                                    preferred_element_type=jnp.float32)
                o = o * masks[s]
                acc = o if acc is None else acc + o
            return acc

        h1 = lmap_t(ps_t, w0_ref, FEAT)
        h1 = h1 * jax.nn.sigmoid(h1)
        h2 = lmap_t(h1, w1_ref, HID)
        h2 = h2 * jax.nn.sigmoid(h2)
        acc = None
        for s in range(NS):
            o = lax.dot_general(w2_ref[s], h2, (((1,), (0,)), ((), ())),
                                preferred_element_type=jnp.float32)
            o = o * masks[s]
            acc = o if acc is None else acc + o
        a_t = acc

        bt2 = bt_ref[0]
        oh = (lax.broadcasted_iota(jnp.int32, (B, X), 0)
              == jnp.broadcast_to(bt2, (B, X))).astype(jnp.float32)
        noh = (lax.broadcasted_iota(jnp.int32, (8, X), 0)
               == jnp.broadcast_to(num2, (8, X))).astype(jnp.float32)

        @pl.when(i == 0)
        def _():
            eacc[...] = jnp.zeros((B, 8), jnp.float32)
            cacc[...] = jnp.zeros((B, 8), jnp.float32)

        eacc[...] += lax.dot_general(oh, a_t, (((1,), (1,)), ((), ())),
                                     preferred_element_type=jnp.float32)
        cacc[...] += lax.dot_general(oh, noh, (((1,), (1,)), ((), ())),
                                     preferred_element_type=jnp.float32)

        @pl.when(i == NBLK - 1)
        def _():
            out_ref[...] = (
                lax.dot_general(cacc[...], cw_ref[...],
                                (((1,), (0,)), ((), ())),
                                preferred_element_type=jnp.float32)
                + SCALE * eacc[...])

    return pl.pallas_call(
        body,
        grid=(NBLK,),
        in_specs=[
            pl.BlockSpec((4, NS, XB, 32), lambda i: (0, 0, i, 0)),
            pl.BlockSpec((1, 1, XB), lambda i: (i, 0, 0)),
            pl.BlockSpec((1, 1, XB), lambda i: (i, 0, 0)),
            pl.BlockSpec((8, 8), lambda i: (0, 0)),
            pl.BlockSpec(memory_space=pltpu.MemorySpace.SMEM),
            pl.BlockSpec((NS, 4 * NMAX * P * P * 8, HID),
                         lambda i: (0, 0, 0)),
            pl.BlockSpec((NS, HID, HID), lambda i: (0, 0, 0)),
            pl.BlockSpec((NS, 8, HID), lambda i: (0, 0, 0)),
        ],
        out_specs=pl.BlockSpec((B, 8), lambda i: (0, 0)),
        out_shape=jax.ShapeDtypeStruct((B, 8), jnp.float32),
        scratch_shapes=[
            pltpu.VMEM((B, 8), jnp.float32),
            pltpu.VMEM((B, 8), jnp.float32),
        ],
        interpret=interpret,
    )


def kernel(positions, cells, numbers, edge_indices, edge_offsets, batch,
           comp_W, pseudo_emb, W0, W1, W2):
    N = positions.shape[0]
    E = edge_indices.shape[1]
    B = cells.shape[0]
    NS = comp_W.shape[1]
    P = pseudo_emb.shape[1]
    HID = W1.shape[1]
    OUT = W2.shape[2]

    posf = positions.reshape(-1)
    numbers = numbers.astype(jnp.int32)
    edge_indices = edge_indices.astype(jnp.int32)

    dx, dy, dz, rowidx = _make_edge_gather(N, E)(
        posf, numbers, edge_indices[0], edge_indices[1])

    ROWS = E // 128
    RB = 125
    GRID = ROWS // RB
    dx2 = dx.reshape(GRID, RB, 128)
    dy2 = dy.reshape(GRID, RB, 128)
    dz2 = dz.reshape(GRID, RB, 128)
    rn, yv = _make_edge_feats(E)(dx2, dy2, dz2)

    dmat = _make_scatter(N, E)(rn, yv, rowidx)
    R2 = dmat.shape[2]
    dmat4 = dmat.reshape(2, 2, R2, 32)[:, :, :4 * N].reshape(4, NS, N, 32)

    import numpy as np
    perm = np.zeros((4 * NMAX * P * P * 8,), dtype=np.int32)
    valid = np.zeros((4 * NMAX * P * P * 8,), dtype=np.float32)
    for l in range(4):
        for st in range(NMAX):
            for a in range(P):
                for b in range(P):
                    for t in range(NMAX):
                        my = (l * (NMAX * P * P * 8) + st * (P * P * 8)
                              + a * (P * 8) + b * 8 + t)
                        ref_i = (l * (P * P * NMAX * NMAX)
                                 + ((a * P + b) * NMAX + st) * NMAX + t)
                        perm[my] = ref_i
                        valid[my] = 1.0
    W0p = W0[:, perm, :] * valid[None, :, None]

    cw8 = jnp.zeros((8, 8), jnp.float32)
    cw8 = cw8.at[:NS, :].set(jnp.broadcast_to(comp_W[0][:, None], (NS, 8)))
    w2t8 = jnp.tile(jnp.transpose(W2, (0, 2, 1)), (1, 8, 1))

    XB = 1000
    NBLK = N // XB
    out8 = _make_psnn(N, B, NS, P, HID, OUT)(
        dmat4,
        numbers.reshape(NBLK, 1, XB),
        batch.astype(jnp.int32).reshape(NBLK, 1, XB),
        cw8,
        pseudo_emb,
        W0p,
        W1,
        w2t8,
    )
    return out8[:, :OUT]

# --- scband reference (transcript-rebuilt; emitter-appended) ---
"""Pipeline reference for scband-bppsmodel-43791486550212 (READ-ONLY COPY).

The authoritative reference and input builder live on the scoring server;
editing this copy changes nothing except your own understanding.
"""

import jax, jax.numpy as jnp
import numpy as np

N = 10000
E = 320000
B = 100
NS = 4
P = 4
NMAX = 6
RC = 5.0
NORM = 10.0
SCALE = 1.0
HID = 128
OUT = 1
FEAT = P * P * NMAX * NMAX * 4


def _sph(u):
    x = u[:, 0]; y = u[:, 1]; z = u[:, 2]
    x2 = x * x; y2 = y * y; z2 = z * z
    return jnp.stack([
        0.282095 * jnp.ones_like(x),
        0.488603 * y, 0.488603 * z, 0.488603 * x,
        1.092548 * x * y, 1.092548 * y * z, 0.315392 * (3.0 * z2 - 1.0),
        1.092548 * x * z, 0.546274 * (x2 - y2),
        0.590044 * y * (3.0 * x2 - y2), 2.890611 * x * y * z,
        0.457046 * y * (5.0 * z2 - 1.0), 0.373176 * z * (5.0 * z2 - 3.0),
        0.457046 * x * (5.0 * z2 - 1.0), 1.445306 * z * (x2 - y2),
        0.590044 * x * (x2 - 3.0 * y2)
    ], axis=-1)


def setup_inputs(seed: int = 0):
    key = jax.random.key(seed)
    ks = jax.random.split(key, 12)
    positions = jax.random.normal(ks[0], (N, 3), dtype=jnp.float32)
    cells = jax.random.normal(ks[1], (B, 3, 3), dtype=jnp.float32)
    numbers = jax.random.randint(ks[2], (N,), 0, NS)
    edge_indices = jax.random.randint(ks[3], (2, E), 0, N)
    edge_offsets = jnp.zeros((E, 3), dtype=jnp.float32)
    batch = jnp.sort(jax.random.randint(ks[4], (N,), 0, B))
    comp_W = 0.1 * jax.random.normal(ks[5], (OUT, NS), dtype=jnp.float32)
    pseudo_emb = 0.5 * jax.random.normal(ks[6], (NS, P), dtype=jnp.float32)
    W0 = jax.random.normal(ks[7], (NS, FEAT, HID), dtype=jnp.float32) / np.sqrt(FEAT)
    W1 = jax.random.normal(ks[8], (NS, HID, HID), dtype=jnp.float32) / np.sqrt(HID)
    W2 = jax.random.normal(ks[9], (NS, HID, OUT), dtype=jnp.float32) / np.sqrt(HID)
    return {"positions": positions, "cells": cells, "numbers": numbers,
            "edge_indices": edge_indices, "edge_offsets": edge_offsets, "batch": batch,
            "comp_W": comp_W, "pseudo_emb": pseudo_emb, "W0": W0, "W1": W1, "W2": W2}


def reference(positions, cells, numbers, edge_indices, edge_offsets, batch, comp_W, pseudo_emb, W0, W1, W2):
    # composition baseline energies
    comp = jax.ops.segment_sum(jax.nn.one_hot(numbers, NS, dtype=positions.dtype), batch, num_segments=B)
    energies = comp @ comp_W.T
    # pair vectors with periodic offsets
    src = edge_indices[0]
    dst = edge_indices[1]
    shift = jnp.einsum('ej,ejk->ek', edge_offsets, cells[batch[dst]])
    rij = positions[src] - positions[dst] + shift
    r = jnp.sqrt(jnp.sum(rij * rij, axis=-1) + 1e-12)
    u = rij / r[:, None]
    fc = 0.5 * (jnp.cos(jnp.pi * jnp.minimum(r, RC) / RC) + 1.0) * (r < RC).astype(positions.dtype)
    nvec = jnp.arange(1, NMAX + 1, dtype=positions.dtype)
    Rn = jnp.sin(nvec[None, :] * jnp.pi * r[:, None] / RC) / r[:, None] * fc[:, None] / np.sqrt(NORM)
    Y = _sph(u)
    emb = pseudo_emb[numbers[src]]
    # spherical expansion coefficients via scatter-add over destination atoms
    contrib = (emb[:, :, None, None] * Rn[:, None, :, None] * Y[:, None, None, :]).reshape(E, -1)
    c = jax.ops.segment_sum(contrib, dst, num_segments=N).reshape(N, P, NMAX, 16)
    # power spectrum invariants
    feats = []
    for (s0, e0, l) in ((0, 1, 0), (1, 4, 1), (4, 9, 2), (9, 16, 3)):
        cl = c[:, :, :, s0:e0]
        pl = jnp.einsum('iasm,ibtm->iabst', cl, cl) / np.sqrt(2.0 * l + 1.0)
        feats.append(pl.reshape(N, -1))
    ps = jnp.concatenate(feats, axis=-1)
    # per-species LinearMap MLP with SiLU
    def lmap(xin, W):
        out = jnp.zeros((xin.shape[0], W.shape[-1]), xin.dtype)
        for s in range(NS):
            out = out + (xin @ W[s]) * (numbers == s).astype(xin.dtype)[:, None]
        return out
    h = lmap(ps, W0)
    h = h * jax.nn.sigmoid(h)
    h = lmap(h, W1)
    h = h * jax.nn.sigmoid(h)
    a = lmap(h, W2)
    e_psnn = jax.ops.segment_sum(a, batch, num_segments=B)
    return energies + SCALE * e_psnn

if __name__ == "__main__":
    import jax
    _d = setup_inputs()
    print(jax.jit(kernel)(*tuple(_d.values())))

</pallas_src>

<mosaic_0001>
#map = affine_map<(d0, d1) -> (0)>
module attributes {stable_mosaic.version = 14 : i64} {
  func.func @k(%arg0: i32, %arg1: i32, %arg2: memref<30000xf32, #tpu.memory_space<hbm>>, %arg3: memref<10000xi32, #tpu.memory_space<hbm>>, %arg4: memref<320000xi32, #tpu.memory_space<hbm>>, %arg5: memref<320000xi32, #tpu.memory_space<hbm>>, %arg6: memref<320000xf32, #tpu.memory_space<hbm>>, %arg7: memref<320000xf32, #tpu.memory_space<hbm>>, %arg8: memref<320000xf32, #tpu.memory_space<hbm>>, %arg9: memref<320000xi32, #tpu.memory_space<hbm>>, %arg10: memref<30000xf32, #tpu.memory_space<vmem>>, %arg11: memref<10000xi32, #tpu.memory_space<vmem>>, %arg12: memref<2000xi32, #tpu.memory_space<vmem>>, %arg13: memref<2000xi32, #tpu.memory_space<vmem>>, %arg14: memref<2000xf32, #tpu.memory_space<vmem>>, %arg15: memref<2000xf32, #tpu.memory_space<vmem>>, %arg16: memref<2000xf32, #tpu.memory_space<vmem>>, %arg17: memref<2000xi32, #tpu.memory_space<vmem>>) attributes {dimension_semantics = [#tpu.dimension_semantics<core_parallel>, #tpu.dimension_semantics<subcore_parallel>], iteration_bounds = array<i64: 2, 16>, scalar_prefetch = 0 : i64, scratch_operands = 8 : i64, tpu.core_type = #tpu.core_type<sc_vector_subcore>, window_params = [{transform_indices = #map}, {transform_indices = #map}, {transform_indices = #map}, {transform_indices = #map}, {transform_indices = #map}, {transform_indices = #map}, {transform_indices = #map}, {transform_indices = #map}]} {
    %mul3A = arith.constant 2 : i32
    %mul3A_0 = arith.muli %arg1, %mul3A : i32
    %add3A = arith.addi %mul3A_0, %arg0 : i32
    %mul3A_1 = arith.constant 10000 : i32
    %mul3A_2 = arith.muli %add3A, %mul3A_1 : i32
    "tpu.region"() ({
      %run_scoped3A = tpu.sem_alloc : memref<!tpu.dma_semaphore, #tpu.memory_space<semaphore_mem>>
      tpu.enqueue_dma source(%arg2 : memref<30000xf32, #tpu.memory_space<hbm>>) target(%arg10 : memref<30000xf32, #tpu.memory_space<vmem>>) target_semaphore(%run_scoped3A : memref<!tpu.dma_semaphore, #tpu.memory_space<semaphore_mem>>)
      tpu.wait_dma2 semaphore(%run_scoped3A : memref<!tpu.dma_semaphore, #tpu.memory_space<semaphore_mem>>) src(%arg2 : memref<30000xf32, #tpu.memory_space<hbm>>) dst(%arg10 : memref<30000xf32, #tpu.memory_space<vmem>>)
      tpu.yield
    }) : () -> ()
    "tpu.region"() ({
      %run_scoped3A = tpu.sem_alloc : memref<!tpu.dma_semaphore, #tpu.memory_space<semaphore_mem>>
      tpu.enqueue_dma source(%arg3 : memref<10000xi32, #tpu.memory_space<hbm>>) target(%arg11 : memref<10000xi32, #tpu.memory_space<vmem>>) target_semaphore(%run_scoped3A : memref<!tpu.dma_semaphore, #tpu.memory_space<semaphore_mem>>)
      tpu.wait_dma2 semaphore(%run_scoped3A : memref<!tpu.dma_semaphore, #tpu.memory_space<semaphore_mem>>) src(%arg3 : memref<10000xi32, #tpu.memory_space<hbm>>) dst(%arg11 : memref<10000xi32, #tpu.memory_space<vmem>>)
      tpu.yield
    }) : () -> ()
    %scan3A = arith.constant 0 : i32
    %scan3A_3 = arith.constant 0 : i32
    %scan3A_4 = arith.constant 5 : i32
    %scan3A_5 = arith.addi %scan3A_3, %scan3A_4 : i32
    %scan3A_6 = arith.constant 1 : i32
    %scan3A_7 = scf.for %scan3A_9 = %scan3A_3 to %scan3A_5 step %scan3A_6 iter_args(%scan3A_10 = %scan3A) -> (i32)  : i32 {
      %mul3A_11 = arith.constant 2000 : i32
      %mul3A_12 = arith.muli %scan3A_9, %mul3A_11 : i32
      %add3A_13 = arith.addi %mul3A_2, %mul3A_12 : i32
      %multiple_of3A = tpu.assume_multiple %add3A_13, 8 : i32
      "tpu.region"() ({
        %run_scoped3A = tpu.sem_alloc : memref<!tpu.dma_semaphore, #tpu.memory_space<semaphore_mem>>
        %dma_start3A = tpu.memref_slice %arg4[%multiple_of3A] : memref<320000xi32, #tpu.memory_space<hbm>> -> memref<2000xi32, #tpu.memory_space<hbm>>
        %dma_start3A_22 = tpu.memref_slice %arg4[%multiple_of3A] : memref<320000xi32, #tpu.memory_space<hbm>> -> memref<2000xi32, #tpu.memory_space<hbm>>
        tpu.enqueue_dma source(%dma_start3A_22 : memref<2000xi32, #tpu.memory_space<hbm>>) target(%arg12 : memref<2000xi32, #tpu.memory_space<vmem>>) target_semaphore(%run_scoped3A : memref<!tpu.dma_semaphore, #tpu.memory_space<semaphore_mem>>)
        %dma_wait3A = tpu.memref_slice %arg4[%multiple_of3A] : memref<320000xi32, #tpu.memory_space<hbm>> -> memref<2000xi32, #tpu.memory_space<hbm>>
        %dma_wait3A_23 = tpu.memref_slice %arg4[%multiple_of3A] : memref<320000xi32, #tpu.memory_space<hbm>> -> memref<2000xi32, #tpu.memory_space<hbm>>
        tpu.wait_dma2 semaphore(%run_scoped3A : memref<!tpu.dma_semaphore, #tpu.memory_space<semaphore_mem>>) src(%dma_wait3A_23 : memref<2000xi32, #tpu.memory_space<hbm>>) dst(%arg12 : memref<2000xi32, #tpu.memory_space<vmem>>)
        tpu.yield
      }) : () -> ()
      "tpu.region"() ({
        %run_scoped3A = tpu.sem_alloc : memref<!tpu.dma_semaphore, #tpu.memory_space<semaphore_mem>>
        %dma_start3A = tpu.memref_slice %arg5[%multiple_of3A] : memref<320000xi32, #tpu.memory_space<hbm>> -> memref<2000xi32, #tpu.memory_space<hbm>>
        %dma_start3A_22 = tpu.memref_slice %arg5[%multiple_of3A] : memref<320000xi32, #tpu.memory_space<hbm>> -> memref<2000xi32, #tpu.memory_space<hbm>>
        tpu.enqueue_dma source(%dma_start3A_22 : memref<2000xi32, #tpu.memory_space<hbm>>) target(%arg13 : memref<2000xi32, #tpu.memory_space<vmem>>) target_semaphore(%run_scoped3A : memref<!tpu.dma_semaphore, #tpu.memory_space<semaphore_mem>>)
        %dma_wait3A = tpu.memref_slice %arg5[%multiple_of3A] : memref<320000xi32, #tpu.memory_space<hbm>> -> memref<2000xi32, #tpu.memory_space<hbm>>
        %dma_wait3A_23 = tpu.memref_slice %arg5[%multiple_of3A] : memref<320000xi32, #tpu.memory_space<hbm>> -> memref<2000xi32, #tpu.memory_space<hbm>>
        tpu.wait_dma2 semaphore(%run_scoped3A : memref<!tpu.dma_semaphore, #tpu.memory_space<semaphore_mem>>) src(%dma_wait3A_23 : memref<2000xi32, #tpu.memory_space<hbm>>) dst(%arg13 : memref<2000xi32, #tpu.memory_space<vmem>>)
        tpu.yield
      }) : () -> ()
      %scan3A_14 = arith.constant 0 : i32
      %scan3A_15 = arith.constant 0 : i32
      %scan3A_16 = arith.constant 125 : i32
      %scan3A_17 = arith.addi %scan3A_15, %scan3A_16 : i32
      %scan3A_18 = arith.constant 1 : i32
      %scan3A_19 = scf.for %scan3A_22 = %scan3A_15 to %scan3A_17 step %scan3A_18 iter_args(%scan3A_23 = %scan3A_14) -> (i32)  : i32 {
        %mul3A_24 = arith.constant 16 : i32
        %mul3A_25 = arith.muli %scan3A_22, %mul3A_24 : i32
        %get3A = arith.index_cast %mul3A_25 : i32 to index
        %get3A_26 = tpu.vector_load %arg12[%get3A] {strides = array<i32>} : memref<2000xi32, #tpu.memory_space<vmem>>, vector<16xi32>,
        %get3A_27 = arith.index_cast %mul3A_25 : i32 to index
        %get3A_28 = tpu.vector_load %arg13[%get3A_27] {strides = array<i32>} : memref<2000xi32, #tpu.memory_space<vmem>>, vector<16xi32>,
        %mul3A_29 = arith.constant 3 : i32
        %mul3A_30 = vector.broadcast %mul3A_29 : i32 to vector<16xi32>
        %mul3A_31 = arith.muli %get3A_26, %mul3A_30 : vector<16xi32>
        %mul3A_32 = arith.constant 3 : i32
        %mul3A_33 = vector.broadcast %mul3A_32 : i32 to vector<16xi32>
        %mul3A_34 = arith.muli %get3A_28, %mul3A_33 : vector<16xi32>
        %gather3A = tpu.vector_load_idx %arg10[%mul3A_31] : memref<30000xf32, #tpu.memory_space<vmem>>[vector<16xi32>], vector<16xf32>,
        %add3A_35 = arith.constant 1 : i32
        %add3A_36 = vector.broadcast %add3A_35 : i32 to vector<16xi32>
        %add3A_37 = arith.addi %mul3A_31, %add3A_36 : vector<16xi32>
        %gather3A_38 = tpu.vector_load_idx %arg10[%add3A_37] : memref<30000xf32, #tpu.memory_space<vmem>>[vector<16xi32>], vector<16xf32>,
        %add3A_39 = arith.constant 2 : i32
        %add3A_40 = vector.broadcast %add3A_39 : i32 to vector<16xi32>
        %add3A_41 = arith.addi %mul3A_31, %add3A_40 : vector<16xi32>
        %gather3A_42 = tpu.vector_load_idx %arg10[%add3A_41] : memref<30000xf32, #tpu.memory_space<vmem>>[vector<16xi32>], vector<16xf32>,
        %gather3A_43 = tpu.vector_load_idx %arg10[%mul3A_34] : memref<30000xf32, #tpu.memory_space<vmem>>[vector<16xi32>], vector<16xf32>,
        %add3A_44 = arith.constant 1 : i32
        %add3A_45 = vector.broadcast %add3A_44 : i32 to vector<16xi32>
        %add3A_46 = arith.addi %mul3A_34, %add3A_45 : vector<16xi32>
        %gather3A_47 = tpu.vector_load_idx %arg10[%add3A_46] : memref<30000xf32, #tpu.memory_space<vmem>>[vector<16xi32>], vector<16xf32>,
        %add3A_48 = arith.constant 2 : i32
        %add3A_49 = vector.broadcast %add3A_48 : i32 to vector<16xi32>
        %add3A_50 = arith.addi %mul3A_34, %add3A_49 : vector<16xi32>
        %gather3A_51 = tpu.vector_load_idx %arg10[%add3A_50] : memref<30000xf32, #tpu.memory_space<vmem>>[vector<16xi32>], vector<16xf32>,
        %gather3A_52 = tpu.vector_load_idx %arg11[%get3A_26] : memref<10000xi32, #tpu.memory_space<vmem>>[vector<16xi32>], vector<16xi32>,
        %sub3A = arith.subf %gather3A, %gather3A_43 : vector<16xf32>
        %swap3A = arith.index_cast %mul3A_25 : i32 to index
        %swap3A_53 = tpu.vector_load %arg14[%swap3A] {strides = array<i32>} : memref<2000xf32, #tpu.memory_space<vmem>>, vector<16xf32>,
        tpu.vector_store %arg14[%swap3A], %sub3A {strides = array<i32>} : memref<2000xf32, #tpu.memory_space<vmem>>, vector<16xf32>,
        %sub3A_54 = arith.subf %gather3A_38, %gather3A_47 : vector<16xf32>
        %swap3A_55 = arith.index_cast %mul3A_25 : i32 to index
        %swap3A_56 = tpu.vector_load %arg15[%swap3A_55] {strides = array<i32>} : memref<2000xf32, #tpu.memory_space<vmem>>, vector<16xf32>,
        tpu.vector_store %arg15[%swap3A_55], %sub3A_54 {strides = array<i32>} : memref<2000xf32, #tpu.memory_space<vmem>>, vector<16xf32>,
        %sub3A_57 = arith.subf %gather3A_42, %gather3A_51 : vector<16xf32>
        %swap3A_58 = arith.index_cast %mul3A_25 : i32 to index
        %swap3A_59 = tpu.vector_load %arg16[%swap3A_58] {strides = array<i32>} : memref<2000xf32, #tpu.memory_space<vmem>>, vector<16xf32>,
        tpu.vector_store %arg16[%swap3A_58], %sub3A_57 {strides = array<i32>} : memref<2000xf32, #tpu.memory_space<vmem>>, vector<16xf32>,
        %mul3A_60 = arith.constant 10000 : i32
        %mul3A_61 = vector.broadcast %mul3A_60 : i32 to vector<16xi32>
        %mul3A_62 = arith.muli %gather3A_52, %mul3A_61 : vector<16xi32>
        %add3A_63 = arith.addi %mul3A_62, %get3A_28 : vector<16xi32>
        %swap3A_64 = arith.index_cast %mul3A_25 : i32 to index
        %swap3A_65 = tpu.vector_load %arg17[%swap3A_64] {strides = array<i32>} : memref<2000xi32, #tpu.memory_space<vmem>>, vector<16xi32>,
        tpu.vector_store %arg17[%swap3A_64], %add3A_63 {strides = array<i32>} : memref<2000xi32, #tpu.memory_space<vmem>>, vector<16xi32>,
        %scan3A_66 = arith.constant 0 : i32
        scf.yield %scan3A_66 : i32
      }
      %scan3A_20 = arith.constant 125 : i32
      "tpu.region"() ({
        %run_scoped3A = tpu.sem_alloc : memref<!tpu.dma_semaphore, #tpu.memory_space<semaphore_mem>>
        %dma_start3A = tpu.memref_slice %arg6[%multiple_of3A] : memref<320000xf32, #tpu.memory_space<hbm>> -> memref<2000xf32, #tpu.memory_space<hbm>>
        %dma_start3A_22 = tpu.memref_slice %arg6[%multiple_of3A] : memref<320000xf32, #tpu.memory_space<hbm>> -> memref<2000xf32, #tpu.memory_space<hbm>>
        tpu.enqueue_dma source(%arg14 : memref<2000xf32, #tpu.memory_space<vmem>>) target(%dma_start3A_22 : memref<2000xf32, #tpu.memory_space<hbm>>) target_semaphore(%run_scoped3A : memref<!tpu.dma_semaphore, #tpu.memory_space<semaphore_mem>>)
        %dma_wait3A = tpu.memref_slice %arg6[%multiple_of3A] : memref<320000xf32, #tpu.memory_space<hbm>> -> memref<2000xf32, #tpu.memory_space<hbm>>
        %dma_wait3A_23 = tpu.memref_slice %arg6[%multiple_of3A] : memref<320000xf32, #tpu.memory_space<hbm>> -> memref<2000xf32, #tpu.memory_space<hbm>>
        tpu.wait_dma2 semaphore(%run_scoped3A : memref<!tpu.dma_semaphore, #tpu.memory_space<semaphore_mem>>) src(%arg14 : memref<2000xf32, #tpu.memory_space<vmem>>) dst(%dma_wait3A_23 : memref<2000xf32, #tpu.memory_space<hbm>>)
        tpu.yield
      }) : () -> ()
      "tpu.region"() ({
        %run_scoped3A = tpu.sem_alloc : memref<!tpu.dma_semaphore, #tpu.memory_space<semaphore_mem>>
        %dma_start3A = tpu.memref_slice %arg7[%multiple_of3A] : memref<320000xf32, #tpu.memory_space<hbm>> -> memref<2000xf32, #tpu.memory_space<hbm>>
        %dma_start3A_22 = tpu.memref_slice %arg7[%multiple_of3A] : memref<320000xf32, #tpu.memory_space<hbm>> -> memref<2000xf32, #tpu.memory_space<hbm>>
        tpu.enqueue_dma source(%arg15 : memref<2000xf32, #tpu.memory_space<vmem>>) target(%dma_start3A_22 : memref<2000xf32, #tpu.memory_space<hbm>>) target_semaphore(%run_scoped3A : memref<!tpu.dma_semaphore, #tpu.memory_space<semaphore_mem>>)
        %dma_wait3A = tpu.memref_slice %arg7[%multiple_of3A] : memref<320000xf32, #tpu.memory_space<hbm>> -> memref<2000xf32, #tpu.memory_space<hbm>>
        %dma_wait3A_23 = tpu.memref_slice %arg7[%multiple_of3A] : memref<320000xf32, #tpu.memory_space<hbm>> -> memref<2000xf32, #tpu.memory_space<hbm>>
        tpu.wait_dma2 semaphore(%run_scoped3A : memref<!tpu.dma_semaphore, #tpu.memory_space<semaphore_mem>>) src(%arg15 : memref<2000xf32, #tpu.memory_space<vmem>>) dst(%dma_wait3A_23 : memref<2000xf32, #tpu.memory_space<hbm>>)
        tpu.yield
      }) : () -> ()
      "tpu.region"() ({
        %run_scoped3A = tpu.sem_alloc : memref<!tpu.dma_semaphore, #tpu.memory_space<semaphore_mem>>
        %dma_start3A = tpu.memref_slice %arg8[%multiple_of3A] : memref<320000xf32, #tpu.memory_space<hbm>> -> memref<2000xf32, #tpu.memory_space<hbm>>
        %dma_start3A_22 = tpu.memref_slice %arg8[%multiple_of3A] : memref<320000xf32, #tpu.memory_space<hbm>> -> memref<2000xf32, #tpu.memory_space<hbm>>
        tpu.enqueue_dma source(%arg16 : memref<2000xf32, #tpu.memory_space<vmem>>) target(%dma_start3A_22 : memref<2000xf32, #tpu.memory_space<hbm>>) target_semaphore(%run_scoped3A : memref<!tpu.dma_semaphore, #tpu.memory_space<semaphore_mem>>)
        %dma_wait3A = tpu.memref_slice %arg8[%multiple_of3A] : memref<320000xf32, #tpu.memory_space<hbm>> -> memref<2000xf32, #tpu.memory_space<hbm>>
        %dma_wait3A_23 = tpu.memref_slice %arg8[%multiple_of3A] : memref<320000xf32, #tpu.memory_space<hbm>> -> memref<2000xf32, #tpu.memory_space<hbm>>
        tpu.wait_dma2 semaphore(%run_scoped3A : memref<!tpu.dma_semaphore, #tpu.memory_space<semaphore_mem>>) src(%arg16 : memref<2000xf32, #tpu.memory_space<vmem>>) dst(%dma_wait3A_23 : memref<2000xf32, #tpu.memory_space<hbm>>)
        tpu.yield
      }) : () -> ()
      "tpu.region"() ({
        %run_scoped3A = tpu.sem_alloc : memref<!tpu.dma_semaphore, #tpu.memory_space<semaphore_mem>>
        %dma_start3A = tpu.memref_slice %arg9[%multiple_of3A] : memref<320000xi32, #tpu.memory_space<hbm>> -> memref<2000xi32, #tpu.memory_space<hbm>>
        %dma_start3A_22 = tpu.memref_slice %arg9[%multiple_of3A] : memref<320000xi32, #tpu.memory_space<hbm>> -> memref<2000xi32, #tpu.memory_space<hbm>>
        tpu.enqueue_dma source(%arg17 : memref<2000xi32, #tpu.memory_space<vmem>>) target(%dma_start3A_22 : memref<2000xi32, #tpu.memory_space<hbm>>) target_semaphore(%run_scoped3A : memref<!tpu.dma_semaphore, #tpu.memory_space<semaphore_mem>>)
        %dma_wait3A = tpu.memref_slice %arg9[%multiple_of3A] : memref<320000xi32, #tpu.memory_space<hbm>> -> memref<2000xi32, #tpu.memory_space<hbm>>
        %dma_wait3A_23 = tpu.memref_slice %arg9[%multiple_of3A] : memref<320000xi32, #tpu.memory_space<hbm>> -> memref<2000xi32, #tpu.memory_space<hbm>>
        tpu.wait_dma2 semaphore(%run_scoped3A : memref<!tpu.dma_semaphore, #tpu.memory_space<semaphore_mem>>) src(%arg17 : memref<2000xi32, #tpu.memory_space<vmem>>) dst(%dma_wait3A_23 : memref<2000xi32, #tpu.memory_space<hbm>>)
        tpu.yield
      }) : () -> ()
      %scan3A_21 = arith.constant 0 : i32
      scf.yield %scan3A_21 : i32
    }
    %scan3A_8 = arith.constant 5 : i32
    return
  }
}

#map = affine_map<(d0, d1) -> (0, 0, 0)>
#map1 = affine_map<(d0, d1) -> (0)>
#map2 = affine_map<(d0, d1) -> (0, 0, 0, 0)>
module attributes {stable_mosaic.version = 14 : i64} {
  func.func @k(%arg0: i32, %arg1: i32, %arg2: memref<2500x6x128xf32, #tpu.memory_space<hbm>>, %arg3: memref<2500x16x128xf32, #tpu.memory_space<hbm>>, %arg4: memref<320000xi32, #tpu.memory_space<hbm>>, %arg5: memref<2x2x40064x32xf32, #tpu.memory_space<hbm>>, %arg6: memref<6x128xf32, #tpu.memory_space<vmem>>, %arg7: memref<4x128xf32, #tpu.memory_space<vmem>>, %arg8: memref<128xi32, #tpu.memory_space<vmem>>, %arg9: memref<128x32xf32, #tpu.memory_space<vmem>>, %arg10: memref<128x32xf32, #tpu.memory_space<vmem>>, %arg11: memref<128x32xf32, #tpu.memory_space<vmem>>, %arg12: memref<40064x32xf32, #tpu.memory_space<vmem_shared>>) attributes {dimension_semantics = [#tpu.dimension_semantics<core_parallel>, #tpu.dimension_semantics<subcore_parallel>], iteration_bounds = array<i64: 2, 16>, scalar_prefetch = 0 : i64, scratch_operands = 7 : i64, tpu.core_type = #tpu.core_type<sc_vector_subcore>, window_params = [{transform_indices = #map}, {transform_indices = #map}, {transform_indices = #map1}, {transform_indices = #map2}]} {
    %iota3A = tpu.iota {dimensions = array<i32: 0>} : vector<16xi32>
    %scan3A = arith.constant 0 : i32
    %scan3A_0 = arith.constant 0 : i32
    %scan3A_1 = arith.constant 128 : i32
    %scan3A_2 = arith.addi %scan3A_0, %scan3A_1 : i32
    %scan3A_3 = arith.constant 1 : i32
    %scan3A_4 = scf.for %scan3A_81 = %scan3A_0 to %scan3A_2 step %scan3A_3 iter_args(%scan3A_82 = %scan3A) -> (i32)  : i32 {
      %broadcast_in_dim3A = arith.constant 0.000000e+00 : f32
      %broadcast_in_dim3A_83 = vector.broadcast %broadcast_in_dim3A : f32 to vector<16xf32>
      %swap3A = arith.index_cast %scan3A_81 : i32 to index
      %swap3A_84 = arith.constant 0 : index
      %swap3A_85 = tpu.vector_load %arg10[%swap3A, %swap3A_84] {strides = array<i32>} : memref<128x32xf32, #tpu.memory_space<vmem>>, vector<16xf32>,
      tpu.vector_store %arg10[%swap3A, %swap3A_84], %broadcast_in_dim3A_83 {strides = array<i32>} : memref<128x32xf32, #tpu.memory_space<vmem>>, vector<16xf32>,
      %broadcast_in_dim3A_86 = arith.constant 0.000000e+00 : f32
      %broadcast_in_dim3A_87 = vector.broadcast %broadcast_in_dim3A_86 : f32 to vector<16xf32>
      %swap3A_88 = arith.index_cast %scan3A_81 : i32 to index
      %swap3A_89 = arith.constant 16 : index
      %swap3A_90 = tpu.vector_load %arg10[%swap3A_88, %swap3A_89] {strides = array<i32>} : memref<128x32xf32, #tpu.memory_space<vmem>>, vector<16xf32>,
      tpu.vector_store %arg10[%swap3A_88, %swap3A_89], %broadcast_in_dim3A_87 {strides = array<i32>} : memref<128x32xf32, #tpu.memory_space<vmem>>, vector<16xf32>,
      %scan3A_91 = arith.constant 0 : i32
      scf.yield %scan3A_91 : i32
    }
    %scan3A_5 = arith.constant 128 : i32
    %scan3A_6 = arith.constant 0 : i32
    %scan3A_7 = arith.constant 0 : i32
    %scan3A_8 = arith.constant 128 : i32
    %scan3A_9 = arith.addi %scan3A_7, %scan3A_8 : i32
    %scan3A_10 = arith.constant 1 : i32
    %scan3A_11 = scf.for %scan3A_81 = %scan3A_7 to %scan3A_9 step %scan3A_10 iter_args(%scan3A_82 = %scan3A_6) -> (i32)  : i32 {
      %broadcast_in_dim3A = arith.constant 0.000000e+00 : f32
      %broadcast_in_dim3A_83 = vector.broadcast %broadcast_in_dim3A : f32 to vector<16xf32>
      %swap3A = arith.index_cast %scan3A_81 : i32 to index
      %swap3A_84 = arith.constant 0 : index
      %swap3A_85 = tpu.vector_load %arg9[%swap3A, %swap3A_84] {strides = array<i32>} : memref<128x32xf32, #tpu.memory_space<vmem>>, vector<16xf32>,
      tpu.vector_store %arg9[%swap3A, %swap3A_84], %broadcast_in_dim3A_83 {strides = array<i32>} : memref<128x32xf32, #tpu.memory_space<vmem>>, vector<16xf32>,
      %broadcast_in_dim3A_86 = arith.constant 0.000000e+00 : f32
      %broadcast_in_dim3A_87 = vector.broadcast %broadcast_in_dim3A_86 : f32 to vector<16xf32>
      %swap3A_88 = arith.index_cast %scan3A_81 : i32 to index
      %swap3A_89 = arith.constant 16 : index
      %swap3A_90 = tpu.vector_load %arg9[%swap3A_88, %swap3A_89] {strides = array<i32>} : memref<128x32xf32, #tpu.memory_space<vmem>>, vector<16xf32>,
      tpu.vector_store %arg9[%swap3A_88, %swap3A_89], %broadcast_in_dim3A_87 {strides = array<i32>} : memref<128x32xf32, #tpu.memory_space<vmem>>, vector<16xf32>,
      %scan3A_91 = arith.constant 0 : i32
      scf.yield %scan3A_91 : i32
    }
    %scan3A_12 = arith.constant 128 : i32
    %mul3A = arith.constant 2504 : i32
    %mul3A_13 = arith.muli %arg1, %mul3A : i32
    %lt3A = arith.constant 4 : i32
    %lt3A_14 = arith.cmpi slt, %arg1, %lt3A : i32
    %convert_element_type3A = arith.extui %lt3A_14 : i1 to i32
    %add3A = arith.constant 156 : i32
    %add3A_15 = arith.addi %add3A, %convert_element_type3A : i32
    %scan3A_16 = arith.constant 0 : i32
    %scan3A_17 = arith.constant 0 : i32
    %scan3A_18 = arith.constant 20 : i32
    %scan3A_19 = arith.addi %scan3A_17, %scan3A_18 : i32
    %scan3A_20 = arith.constant 1 : i32
    %scan3A_21 = scf.for %scan3A_81 = %scan3A_17 to %scan3A_19 step %scan3A_20 iter_args(%scan3A_82 = %scan3A_16) -> (i32)  : i32 {
      %mul3A_83 = arith.constant 128 : i32
      %mul3A_84 = arith.muli %scan3A_81, %mul3A_83 : i32
      %min3A = arith.constant 2376 : i32
      %min3A_85 = arith.minsi %mul3A_84, %min3A : i32
      %add3A_86 = arith.addi %mul3A_13, %min3A_85 : i32
      %scan3A_87 = arith.constant 0 : i32
      %scan3A_88 = arith.constant 0 : i32
      %scan3A_89 = arith.constant 8 : i32
      %scan3A_90 = arith.addi %scan3A_88, %scan3A_89 : i32
      %scan3A_91 = arith.constant 1 : i32
      %scan3A_92 = scf.for %scan3A_95 = %scan3A_88 to %scan3A_90 step %scan3A_91 iter_args(%scan3A_96 = %scan3A_87) -> (i32)  : i32 {
        %mul3A_97 = arith.constant 16 : i32
        %mul3A_98 = arith.muli %scan3A_95, %mul3A_97 : i32
        %add3A_99 = arith.addi %add3A_86, %mul3A_98 : i32
        %add3A_100 = vector.broadcast %add3A_99 : i32 to vector<16xi32>
        %add3A_101 = arith.addi %iota3A, %add3A_100 : vector<16xi32>
        %mul3A_102 = arith.constant 16 : i32
        %mul3A_103 = arith.muli %scan3A_95, %mul3A_102 : i32
        %swap3A = arith.index_cast %mul3A_103 : i32 to index
        %swap3A_104 = tpu.vector_load %arg8[%swap3A] {strides = array<i32>} : memref<128xi32, #tpu.memory_space<vmem>>, vector<16xi32>,
        tpu.vector_store %arg8[%swap3A], %add3A_101 {strides = array<i32>} : memref<128xi32, #tpu.memory_space<vmem>>, vector<16xi32>,
        %scan3A_105 = arith.constant 0 : i32
        scf.yield %scan3A_105 : i32
      }
      %scan3A_93 = arith.constant 8 : i32
      "tpu.region"() ({
        %run_scoped3A = tpu.sem_alloc : memref<!tpu.dma_semaphore, #tpu.memory_space<semaphore_mem>>
        %dma_start3A = arith.constant 0 : i32
        %dma_start3A_95 = arith.constant 0 : i32
        %dma_start3A_96 = tpu.memref_slice %arg12[%dma_start3A, %dma_start3A_95] : memref<40064x32xf32, #tpu.memory_space<vmem_shared>> -> memref<40064x32xf32, #tpu.memory_space<vmem_shared>>
        tpu.enqueue_indirect_dma source(%arg10 : memref<128x32xf32, #tpu.memory_space<vmem>>) target(%dma_start3A_96 : memref<40064x32xf32, #tpu.memory_space<vmem_shared>>) offsets(%arg8 : memref<128xi32, #tpu.memory_space<vmem>>) semaphore(%run_scoped3A : memref<!tpu.dma_semaphore, #tpu.memory_space<semaphore_mem>>)
        %dma_wait3A = arith.constant 0 : i32
        %dma_wait3A_97 = arith.constant 0 : i32
        %dma_wait3A_98 = tpu.memref_slice %arg12[%dma_wait3A, %dma_wait3A_97] : memref<40064x32xf32, #tpu.memory_space<vmem_shared>> -> memref<40064x32xf32, #tpu.memory_space<vmem_shared>>
        tpu.wait_indirect_dma semaphore(%run_scoped3A : memref<!tpu.dma_semaphore, #tpu.memory_space<semaphore_mem>>) src(%arg10 : memref<128x32xf32, #tpu.memory_space<vmem>>) dst(%dma_wait3A_98 : memref<40064x32xf32, #tpu.memory_space<vmem_shared>>)
        tpu.yield
      }) : () -> ()
      %scan3A_94 = arith.constant 0 : i32
      scf.yield %scan3A_94 : i32
    }
    %scan3A_22 = arith.constant 20 : i32
    %barrier3A = arith.constant 0 : index
    tpu.barrier barrier_id(%barrier3A)
    %mul3A_23 = arith.constant 8 : i32
    %mul3A_24 = arith.muli %arg0, %mul3A_23 : i32
    %add3A_25 = arith.constant 0 : i32
    %add3A_26 = arith.addi %mul3A_24, %add3A_25 : i32
    %multiple_of3A = tpu.assume_multiple %add3A_26, 4 : i32
    %while3A = arith.constant 0 : i32
    %while3A_27 = arith.constant 0 : i32
    %while3A_28 = arith.subi %add3A_15, %while3A : i32
    %while3A_29 = arith.addi %while3A, %while3A_28 : i32
    %while3A_30 = arith.constant 1 : i32
    %while3A_31 = arith.divsi %while3A_28, %while3A_30 : i32
    %while3A_32 = arith.muli %while3A_31, %while3A_30 : i32
    %while3A_33 = arith.addi %while3A, %while3A_32 : i32
    %while3A_34 = arith.constant 1 : i32
    %while3A_35 = scf.for %while3A_81 = %while3A to %while3A_33 step %while3A_34 iter_args(%while3A_82 = %while3A_27) -> (i32)  : i32 {
      %mul3A_83 = arith.constant 16 : i32
      %mul3A_84 = arith.muli %while3A_81, %mul3A_83 : i32
      %add3A_85 = arith.addi %mul3A_84, %arg1 : i32
      "tpu.region"() ({
        %run_scoped3A = tpu.sem_alloc : memref<!tpu.dma_semaphore, #tpu.memory_space<semaphore_mem>>
        %dma_start3A = arith.constant 0 : i32
        %dma_start3A_97 = arith.constant 0 : i32
        %dma_start3A_98 = tpu.memref_slice %arg2[%add3A_85, %dma_start3A, %dma_start3A_97] : memref<2500x6x128xf32, #tpu.memory_space<hbm>> -> memref<1x6x128xf32, #tpu.memory_space<hbm>>
        %dma_start3A_99 = tpu.memref_squeeze %dma_start3A_98 : memref<1x6x128xf32, #tpu.memory_space<hbm>> -> memref<6x128xf32, #tpu.memory_space<hbm>>
        %dma_start3A_100 = arith.constant 0 : i32
        %dma_start3A_101 = arith.constant 0 : i32
        %dma_start3A_102 = tpu.memref_slice %arg2[%add3A_85, %dma_start3A_100, %dma_start3A_101] : memref<2500x6x128xf32, #tpu.memory_space<hbm>> -> memref<1x6x128xf32, #tpu.memory_space<hbm>>
        %dma_start3A_103 = tpu.memref_squeeze %dma_start3A_102 : memref<1x6x128xf32, #tpu.memory_space<hbm>> -> memref<6x128xf32, #tpu.memory_space<hbm>>
        tpu.enqueue_dma source(%dma_start3A_103 : memref<6x128xf32, #tpu.memory_space<hbm>>) target(%arg6 : memref<6x128xf32, #tpu.memory_space<vmem>>) target_semaphore(%run_scoped3A : memref<!tpu.dma_semaphore, #tpu.memory_space<semaphore_mem>>)
        %dma_wait3A = arith.constant 0 : i32
        %dma_wait3A_104 = arith.constant 0 : i32
        %dma_wait3A_105 = tpu.memref_slice %arg2[%add3A_85, %dma_wait3A, %dma_wait3A_104] : memref<2500x6x128xf32, #tpu.memory_space<hbm>> -> memref<1x6x128xf32, #tpu.memory_space<hbm>>
        %dma_wait3A_106 = tpu.memref_squeeze %dma_wait3A_105 : memref<1x6x128xf32, #tpu.memory_space<hbm>> -> memref<6x128xf32, #tpu.memory_space<hbm>>
        %dma_wait3A_107 = arith.constant 0 : i32
        %dma_wait3A_108 = arith.constant 0 : i32
        %dma_wait3A_109 = tpu.memref_slice %arg2[%add3A_85, %dma_wait3A_107, %dma_wait3A_108] : memref<2500x6x128xf32, #tpu.memory_space<hbm>> -> memref<1x6x128xf32, #tpu.memory_space<hbm>>
        %dma_wait3A_110 = tpu.memref_squeeze %dma_wait3A_109 : memref<1x6x128xf32, #tpu.memory_space<hbm>> -> memref<6x128xf32, #tpu.memory_space<hbm>>
        tpu.wait_dma2 semaphore(%run_scoped3A : memref<!tpu.dma_semaphore, #tpu.memory_space<semaphore_mem>>) src(%dma_wait3A_110 : memref<6x128xf32, #tpu.memory_space<hbm>>) dst(%arg6 : memref<6x128xf32, #tpu.memory_space<vmem>>)
        tpu.yield
      }) : () -> ()
      "tpu.region"() ({
        %run_scoped3A = tpu.sem_alloc : memref<!tpu.dma_semaphore, #tpu.memory_space<semaphore_mem>>
        %dma_start3A = arith.constant 0 : i32
        %dma_start3A_97 = tpu.memref_slice %arg3[%add3A_85, %multiple_of3A, %dma_start3A] : memref<2500x16x128xf32, #tpu.memory_space<hbm>> -> memref<1x4x128xf32, #tpu.memory_space<hbm>>
        %dma_start3A_98 = tpu.memref_squeeze %dma_start3A_97 : memref<1x4x128xf32, #tpu.memory_space<hbm>> -> memref<4x128xf32, #tpu.memory_space<hbm>>
        %dma_start3A_99 = arith.constant 0 : i32
        %dma_start3A_100 = tpu.memref_slice %arg3[%add3A_85, %multiple_of3A, %dma_start3A_99] : memref<2500x16x128xf32, #tpu.memory_space<hbm>> -> memref<1x4x128xf32, #tpu.memory_space<hbm>>
        %dma_start3A_101 = tpu.memref_squeeze %dma_start3A_100 : memref<1x4x128xf32, #tpu.memory_space<hbm>> -> memref<4x128xf32, #tpu.memory_space<hbm>>
        tpu.enqueue_dma source(%dma_start3A_101 : memref<4x128xf32, #tpu.memory_space<hbm>>) target(%arg7 : memref<4x128xf32, #tpu.memory_space<vmem>>) target_semaphore(%run_scoped3A : memref<!tpu.dma_semaphore, #tpu.memory_space<semaphore_mem>>)
        %dma_wait3A = arith.constant 0 : i32
        %dma_wait3A_102 = tpu.memref_slice %arg3[%add3A_85, %multiple_of3A, %dma_wait3A] : memref<2500x16x128xf32, #tpu.memory_space<hbm>> -> memref<1x4x128xf32, #tpu.memory_space<hbm>>
        %dma_wait3A_103 = tpu.memref_squeeze %dma_wait3A_102 : memref<1x4x128xf32, #tpu.memory_space<hbm>> -> memref<4x128xf32, #tpu.memory_space<hbm>>
        %dma_wait3A_104 = arith.constant 0 : i32
        %dma_wait3A_105 = tpu.memref_slice %arg3[%add3A_85, %multiple_of3A, %dma_wait3A_104] : memref<2500x16x128xf32, #tpu.memory_space<hbm>> -> memref<1x4x128xf32, #tpu.memory_space<hbm>>
        %dma_wait3A_106 = tpu.memref_squeeze %dma_wait3A_105 : memref<1x4x128xf32, #tpu.memory_space<hbm>> -> memref<4x128xf32, #tpu.memory_space<hbm>>
        tpu.wait_dma2 semaphore(%run_scoped3A : memref<!tpu.dma_semaphore, #tpu.memory_space<semaphore_mem>>) src(%dma_wait3A_106 : memref<4x128xf32, #tpu.memory_space<hbm>>) dst(%arg7 : memref<4x128xf32, #tpu.memory_space<vmem>>)
        tpu.yield
      }) : () -> ()
      %mul3A_86 = arith.constant 128 : i32
      %mul3A_87 = arith.muli %add3A_85, %mul3A_86 : i32
      %multiple_of3A_88 = tpu.assume_multiple %mul3A_87, 8 : i32
      "tpu.region"() ({
        %run_scoped3A = tpu.sem_alloc : memref<!tpu.dma_semaphore, #tpu.memory_space<semaphore_mem>>
        %dma_start3A = tpu.memref_slice %arg4[%multiple_of3A_88] : memref<320000xi32, #tpu.memory_space<hbm>> -> memref<128xi32, #tpu.memory_space<hbm>>
        %dma_start3A_97 = tpu.memref_slice %arg4[%multiple_of3A_88] : memref<320000xi32, #tpu.memory_space<hbm>> -> memref<128xi32, #tpu.memory_space<hbm>>
        tpu.enqueue_dma source(%dma_start3A_97 : memref<128xi32, #tpu.memory_space<hbm>>) target(%arg8 : memref<128xi32, #tpu.memory_space<vmem>>) target_semaphore(%run_scoped3A : memref<!tpu.dma_semaphore, #tpu.memory_space<semaphore_mem>>)
        %dma_wait3A = tpu.memref_slice %arg4[%multiple_of3A_88] : memref<320000xi32, #tpu.memory_space<hbm>> -> memref<128xi32, #tpu.memory_space<hbm>>
        %dma_wait3A_98 = tpu.memref_slice %arg4[%multiple_of3A_88] : memref<320000xi32, #tpu.memory_space<hbm>> -> memref<128xi32, #tpu.memory_space<hbm>>
        tpu.wait_dma2 semaphore(%run_scoped3A : memref<!tpu.dma_semaphore, #tpu.memory_space<semaphore_mem>>) src(%dma_wait3A_98 : memref<128xi32, #tpu.memory_space<hbm>>) dst(%arg8 : memref<128xi32, #tpu.memory_space<vmem>>)
        tpu.yield
      }) : () -> ()
      %scan3A_89 = arith.constant 0 : i32
      %scan3A_90 = arith.constant 0 : i32
      %scan3A_91 = arith.constant 8 : i32
      %scan3A_92 = arith.addi %scan3A_90, %scan3A_91 : i32
      %scan3A_93 = arith.constant 1 : i32
      %scan3A_94 = scf.for %scan3A_97 = %scan3A_90 to %scan3A_92 step %scan3A_93 iter_args(%scan3A_98 = %scan3A_89) -> (i32)  : i32 {
        %mul3A_99 = arith.constant 16 : i32
        %mul3A_100 = arith.muli %scan3A_97, %mul3A_99 : i32
        %add3A_101 = vector.broadcast %mul3A_100 : i32 to vector<16xi32>
        %add3A_102 = arith.addi %iota3A, %add3A_101 : vector<16xi32>
        %get3A = arith.constant 0 : i32
        %get3A_103 = arith.index_cast %get3A : i32 to index
        %get3A_104 = arith.index_cast %mul3A_100 : i32 to index
        %get3A_105 = tpu.vector_load %arg7[%get3A_103, %get3A_104] {strides = array<i32>} : memref<4x128xf32, #tpu.memory_space<vmem>>, vector<16xf32>,
        %get3A_106 = arith.constant 0 : i32
        %get3A_107 = arith.index_cast %get3A_106 : i32 to index
        %get3A_108 = arith.index_cast %mul3A_100 : i32 to index
        %get3A_109 = tpu.vector_load %arg6[%get3A_107, %get3A_108] {strides = array<i32>} : memref<6x128xf32, #tpu.memory_space<vmem>>, vector<16xf32>,
        %mul3A_110 = arith.constant 0 : i32
        %mul3A_111 = vector.broadcast %mul3A_110 : i32 to vector<16xi32>
        %mul3A_112 = arith.muli %iota3A, %mul3A_111 : vector<16xi32>
        %add3A_113 = arith.constant 0 : i32
        %add3A_114 = vector.broadcast %add3A_113 : i32 to vector<16xi32>
        %add3A_115 = arith.addi %mul3A_112, %add3A_114 : vector<16xi32>
        %mul3A_116 = arith.mulf %get3A_109, %get3A_105 : vector<16xf32>
        tpu.vector_store_idx %arg9[%add3A_102, %add3A_115], %mul3A_116 : memref<128x32xf32, #tpu.memory_space<vmem>>[vector<16xi32>, vector<16xi32>], vector<16xf32>,
        %get3A_117 = arith.constant 1 : i32
        %get3A_118 = arith.index_cast %get3A_117 : i32 to index
        %get3A_119 = arith.index_cast %mul3A_100 : i32 to index
        %get3A_120 = tpu.vector_load %arg6[%get3A_118, %get3A_119] {strides = array<i32>} : memref<6x128xf32, #tpu.memory_space<vmem>>, vector<16xf32>,
        %mul3A_121 = arith.constant 0 : i32
        %mul3A_122 = vector.broadcast %mul3A_121 : i32 to vector<16xi32>
        %mul3A_123 = arith.muli %iota3A, %mul3A_122 : vector<16xi32>
        %add3A_124 = arith.constant 1 : i32
        %add3A_125 = vector.broadcast %add3A_124 : i32 to vector<16xi32>
        %add3A_126 = arith.addi %mul3A_123, %add3A_125 : vector<16xi32>
        %mul3A_127 = arith.mulf %get3A_120, %get3A_105 : vector<16xf32>
        tpu.vector_store_idx %arg9[%add3A_102, %add3A_126], %mul3A_127 : memref<128x32xf32, #tpu.memory_space<vmem>>[vector<16xi32>, vector<16xi32>], vector<16xf32>,
        %get3A_128 = arith.constant 2 : i32
        %get3A_129 = arith.index_cast %get3A_128 : i32 to index
        %get3A_130 = arith.index_cast %mul3A_100 : i32 to index
        %get3A_131 = tpu.vector_load %arg6[%get3A_129, %get3A_130] {strides = array<i32>} : memref<6x128xf32, #tpu.memory_space<vmem>>, vector<16xf32>,
        %mul3A_132 = arith.constant 0 : i32
        %mul3A_133 = vector.broadcast %mul3A_132 : i32 to vector<16xi32>
        %mul3A_134 = arith.muli %iota3A, %mul3A_133 : vector<16xi32>
        %add3A_135 = arith.constant 2 : i32
        %add3A_136 = vector.broadcast %add3A_135 : i32 to vector<16xi32>
        %add3A_137 = arith.addi %mul3A_134, %add3A_136 : vector<16xi32>
        %mul3A_138 = arith.mulf %get3A_131, %get3A_105 : vector<16xf32>
        tpu.vector_store_idx %arg9[%add3A_102, %add3A_137], %mul3A_138 : memref<128x32xf32, #tpu.memory_space<vmem>>[vector<16xi32>, vector<16xi32>], vector<16xf32>,
        %get3A_139 = arith.constant 3 : i32
        %get3A_140 = arith.index_cast %get3A_139 : i32 to index
        %get3A_141 = arith.index_cast %mul3A_100 : i32 to index
        %get3A_142 = tpu.vector_load %arg6[%get3A_140, %get3A_141] {strides = array<i32>} : memref<6x128xf32, #tpu.memory_space<vmem>>, vector<16xf32>,
        %mul3A_143 = arith.constant 0 : i32
        %mul3A_144 = vector.broadcast %mul3A_143 : i32 to vector<16xi32>
        %mul3A_145 = arith.muli %iota3A, %mul3A_144 : vector<16xi32>
        %add3A_146 = arith.constant 3 : i32
        %add3A_147 = vector.broadcast %add3A_146 : i32 to vector<16xi32>
        %add3A_148 = arith.addi %mul3A_145, %add3A_147 : vector<16xi32>
        %mul3A_149 = arith.mulf %get3A_142, %get3A_105 : vector<16xf32>
        tpu.vector_store_idx %arg9[%add3A_102, %add3A_148], %mul3A_149 : memref<128x32xf32, #tpu.memory_space<vmem>>[vector<16xi32>, vector<16xi32>], vector<16xf32>,
        %get3A_150 = arith.constant 4 : i32
        %get3A_151 = arith.index_cast %get3A_150 : i32 to index
        %get3A_152 = arith.index_cast %mul3A_100 : i32 to index
        %get3A_153 = tpu.vector_load %arg6[%get3A_151, %get3A_152] {strides = array<i32>} : memref<6x128xf32, #tpu.memory_space<vmem>>, vector<16xf32>,
        %mul3A_154 = arith.constant 0 : i32
        %mul3A_155 = vector.broadcast %mul3A_154 : i32 to vector<16xi32>
        %mul3A_156 = arith.muli %iota3A, %mul3A_155 : vector<16xi32>
        %add3A_157 = arith.constant 4 : i32
        %add3A_158 = vector.broadcast %add3A_157 : i32 to vector<16xi32>
        %add3A_159 = arith.addi %mul3A_156, %add3A_158 : vector<16xi32>
        %mul3A_160 = arith.mulf %get3A_153, %get3A_105 : vector<16xf32>
        tpu.vector_store_idx %arg9[%add3A_102, %add3A_159], %mul3A_160 : memref<128x32xf32, #tpu.memory_space<vmem>>[vector<16xi32>, vector<16xi32>], vector<16xf32>,
        %get3A_161 = arith.constant 5 : i32
        %get3A_162 = arith.index_cast %get3A_161 : i32 to index
        %get3A_163 = arith.index_cast %mul3A_100 : i32 to index
        %get3A_164 = tpu.vector_load %arg6[%get3A_162, %get3A_163] {strides = array<i32>} : memref<6x128xf32, #tpu.memory_space<vmem>>, vector<16xf32>,
        %mul3A_165 = arith.constant 0 : i32
        %mul3A_166 = vector.broadcast %mul3A_165 : i32 to vector<16xi32>
        %mul3A_167 = arith.muli %iota3A, %mul3A_166 : vector<16xi32>
        %add3A_168 = arith.constant 5 : i32
        %add3A_169 = vector.broadcast %add3A_168 : i32 to vector<16xi32>
        %add3A_170 = arith.addi %mul3A_167, %add3A_169 : vector<16xi32>
        %mul3A_171 = arith.mulf %get3A_164, %get3A_105 : vector<16xf32>
        tpu.vector_store_idx %arg9[%add3A_102, %add3A_170], %mul3A_171 : memref<128x32xf32, #tpu.memory_space<vmem>>[vector<16xi32>, vector<16xi32>], vector<16xf32>,
        %get3A_172 = arith.constant 1 : i32
        %get3A_173 = arith.index_cast %get3A_172 : i32 to index
        %get3A_174 = arith.index_cast %mul3A_100 : i32 to index
        %get3A_175 = tpu.vector_load %arg7[%get3A_173, %get3A_174] {strides = array<i32>} : memref<4x128xf32, #tpu.memory_space<vmem>>, vector<16xf32>,
        %get3A_176 = arith.constant 0 : i32
        %get3A_177 = arith.index_cast %get3A_176 : i32 to index
        %get3A_178 = arith.index_cast %mul3A_100 : i32 to index
        %get3A_179 = tpu.vector_load %arg6[%get3A_177, %get3A_178] {strides = array<i32>} : memref<6x128xf32, #tpu.memory_space<vmem>>, vector<16xf32>,
        %mul3A_180 = arith.constant 0 : i32
        %mul3A_181 = vector.broadcast %mul3A_180 : i32 to vector<16xi32>
        %mul3A_182 = arith.muli %iota3A, %mul3A_181 : vector<16xi32>
        %add3A_183 = arith.constant 8 : i32
        %add3A_184 = vector.broadcast %add3A_183 : i32 to vector<16xi32>
        %add3A_185 = arith.addi %mul3A_182, %add3A_184 : vector<16xi32>
        %mul3A_186 = arith.mulf %get3A_179, %get3A_175 : vector<16xf32>
        tpu.vector_store_idx %arg9[%add3A_102, %add3A_185], %mul3A_186 : memref<128x32xf32, #tpu.memory_space<vmem>>[vector<16xi32>, vector<16xi32>], vector<16xf32>,
        %get3A_187 = arith.constant 1 : i32
        %get3A_188 = arith.index_cast %get3A_187 : i32 to index
        %get3A_189 = arith.index_cast %mul3A_100 : i32 to index
        %get3A_190 = tpu.vector_load %arg6[%get3A_188, %get3A_189] {strides = array<i32>} : memref<6x128xf32, #tpu.memory_space<vmem>>, vector<16xf32>,
        %mul3A_191 = arith.constant 0 : i32
        %mul3A_192 = vector.broadcast %mul3A_191 : i32 to vector<16xi32>
        %mul3A_193 = arith.muli %iota3A, %mul3A_192 : vector<16xi32>
        %add3A_194 = arith.constant 9 : i32
        %add3A_195 = vector.broadcast %add3A_194 : i32 to vector<16xi32>
        %add3A_196 = arith.addi %mul3A_193, %add3A_195 : vector<16xi32>
        %mul3A_197 = arith.mulf %get3A_190, %get3A_175 : vector<16xf32>
        tpu.vector_store_idx %arg9[%add3A_102, %add3A_196], %mul3A_197 : memref<128x32xf32, #tpu.memory_space<vmem>>[vector<16xi32>, vector<16xi32>], vector<16xf32>,
        %get3A_198 = arith.constant 2 : i32
        %get3A_199 = arith.index_cast %get3A_198 : i32 to index
        %get3A_200 = arith.index_cast %mul3A_100 : i32 to index
        %get3A_201 = tpu.vector_load %arg6[%get3A_199, %get3A_200] {strides = array<i32>} : memref<6x128xf32, #tpu.memory_space<vmem>>, vector<16xf32>,
        %mul3A_202 = arith.constant 0 : i32
        %mul3A_203 = vector.broadcast %mul3A_202 : i32 to vector<16xi32>
        %mul3A_204 = arith.muli %iota3A, %mul3A_203 : vector<16xi32>
        %add3A_205 = arith.constant 10 : i32
        %add3A_206 = vector.broadcast %add3A_205 : i32 to vector<16xi32>
        %add3A_207 = arith.addi %mul3A_204, %add3A_206 : vector<16xi32>
        %mul3A_208 = arith.mulf %get3A_201, %get3A_175 : vector<16xf32>
        tpu.vector_store_idx %arg9[%add3A_102, %add3A_207], %mul3A_208 : memref<128x32xf32, #tpu.memory_space<vmem>>[vector<16xi32>, vector<16xi32>], vector<16xf32>,
        %get3A_209 = arith.constant 3 : i32
        %get3A_210 = arith.index_cast %get3A_209 : i32 to index
        %get3A_211 = arith.index_cast %mul3A_100 : i32 to index
        %get3A_212 = tpu.vector_load %arg6[%get3A_210, %get3A_211] {strides = array<i32>} : memref<6x128xf32, #tpu.memory_space<vmem>>, vector<16xf32>,
        %mul3A_213 = arith.constant 0 : i32
        %mul3A_214 = vector.broadcast %mul3A_213 : i32 to vector<16xi32>
        %mul3A_215 = arith.muli %iota3A, %mul3A_214 : vector<16xi32>
        %add3A_216 = arith.constant 11 : i32
        %add3A_217 = vector.broadcast %add3A_216 : i32 to vector<16xi32>
        %add3A_218 = arith.addi %mul3A_215, %add3A_217 : vector<16xi32>
        %mul3A_219 = arith.mulf %get3A_212, %get3A_175 : vector<16xf32>
        tpu.vector_store_idx %arg9[%add3A_102, %add3A_218], %mul3A_219 : memref<128x32xf32, #tpu.memory_space<vmem>>[vector<16xi32>, vector<16xi32>], vector<16xf32>,
        %get3A_220 = arith.constant 4 : i32
        %get3A_221 = arith.index_cast %get3A_220 : i32 to index
        %get3A_222 = arith.index_cast %mul3A_100 : i32 to index
        %get3A_223 = tpu.vector_load %arg6[%get3A_221, %get3A_222] {strides = array<i32>} : memref<6x128xf32, #tpu.memory_space<vmem>>, vector<16xf32>,
        %mul3A_224 = arith.constant 0 : i32
        %mul3A_225 = vector.broadcast %mul3A_224 : i32 to vector<16xi32>
        %mul3A_226 = arith.muli %iota3A, %mul3A_225 : vector<16xi32>
        %add3A_227 = arith.constant 12 : i32
        %add3A_228 = vector.broadcast %add3A_227 : i32 to vector<16xi32>
        %add3A_229 = arith.addi %mul3A_226, %add3A_228 : vector<16xi32>
        %mul3A_230 = arith.mulf %get3A_223, %get3A_175 : vector<16xf32>
        tpu.vector_store_idx %arg9[%add3A_102, %add3A_229], %mul3A_230 : memref<128x32xf32, #tpu.memory_space<vmem>>[vector<16xi32>, vector<16xi32>], vector<16xf32>,
        %get3A_231 = arith.constant 5 : i32
        %get3A_232 = arith.index_cast %get3A_231 : i32 to index
        %get3A_233 = arith.index_cast %mul3A_100 : i32 to index
        %get3A_234 = tpu.vector_load %arg6[%get3A_232, %get3A_233] {strides = array<i32>} : memref<6x128xf32, #tpu.memory_space<vmem>>, vector<16xf32>,
        %mul3A_235 = arith.constant 0 : i32
        %mul3A_236 = vector.broadcast %mul3A_235 : i32 to vector<16xi32>
        %mul3A_237 = arith.muli %iota3A, %mul3A_236 : vector<16xi32>
        %add3A_238 = arith.constant 13 : i32
        %add3A_239 = vector.broadcast %add3A_238 : i32 to vector<16xi32>
        %add3A_240 = arith.addi %mul3A_237, %add3A_239 : vector<16xi32>
        %mul3A_241 = arith.mulf %get3A_234, %get3A_175 : vector<16xf32>
        tpu.vector_store_idx %arg9[%add3A_102, %add3A_240], %mul3A_241 : memref<128x32xf32, #tpu.memory_space<vmem>>[vector<16xi32>, vector<16xi32>], vector<16xf32>,
        %get3A_242 = arith.constant 2 : i32
        %get3A_243 = arith.index_cast %get3A_242 : i32 to index
        %get3A_244 = arith.index_cast %mul3A_100 : i32 to index
        %get3A_245 = tpu.vector_load %arg7[%get3A_243, %get3A_244] {strides = array<i32>} : memref<4x128xf32, #tpu.memory_space<vmem>>, vector<16xf32>,
        %get3A_246 = arith.constant 0 : i32
        %get3A_247 = arith.index_cast %get3A_246 : i32 to index
        %get3A_248 = arith.index_cast %mul3A_100 : i32 to index
        %get3A_249 = tpu.vector_load %arg6[%get3A_247, %get3A_248] {strides = array<i32>} : memref<6x128xf32, #tpu.memory_space<vmem>>, vector<16xf32>,
        %mul3A_250 = arith.constant 0 : i32
        %mul3A_251 = vector.broadcast %mul3A_250 : i32 to vector<16xi32>
        %mul3A_252 = arith.muli %iota3A, %mul3A_251 : vector<16xi32>
        %add3A_253 = arith.constant 16 : i32
        %add3A_254 = vector.broadcast %add3A_253 : i32 to vector<16xi32>
        %add3A_255 = arith.addi %mul3A_252, %add3A_254 : vector<16xi32>
        %mul3A_256 = arith.mulf %get3A_249, %get3A_245 : vector<16xf32>
        tpu.vector_store_idx %arg9[%add3A_102, %add3A_255], %mul3A_256 : memref<128x32xf32, #tpu.memory_space<vmem>>[vector<16xi32>, vector<16xi32>], vector<16xf32>,
        %get3A_257 = arith.constant 1 : i32
        %get3A_258 = arith.index_cast %get3A_257 : i32 to index
        %get3A_259 = arith.index_cast %mul3A_100 : i32 to index
        %get3A_260 = tpu.vector_load %arg6[%get3A_258, %get3A_259] {strides = array<i32>} : memref<6x128xf32, #tpu.memory_space<vmem>>, vector<16xf32>,
        %mul3A_261 = arith.constant 0 : i32
        %mul3A_262 = vector.broadcast %mul3A_261 : i32 to vector<16xi32>
        %mul3A_263 = arith.muli %iota3A, %mul3A_262 : vector<16xi32>
        %add3A_264 = arith.constant 17 : i32
        %add3A_265 = vector.broadcast %add3A_264 : i32 to vector<16xi32>
        %add3A_266 = arith.addi %mul3A_263, %add3A_265 : vector<16xi32>
        %mul3A_267 = arith.mulf %get3A_260, %get3A_245 : vector<16xf32>
        tpu.vector_store_idx %arg9[%add3A_102, %add3A_266], %mul3A_267 : memref<128x32xf32, #tpu.memory_space<vmem>>[vector<16xi32>, vector<16xi32>], vector<16xf32>,
        %get3A_268 = arith.constant 2 : i32
        %get3A_269 = arith.index_cast %get3A_268 : i32 to index
        %get3A_270 = arith.index_cast %mul3A_100 : i32 to index
        %get3A_271 = tpu.vector_load %arg6[%get3A_269, %get3A_270] {strides = array<i32>} : memref<6x128xf32, #tpu.memory_space<vmem>>, vector<16xf32>,
        %mul3A_272 = arith.constant 0 : i32
        %mul3A_273 = vector.broadcast %mul3A_272 : i32 to vector<16xi32>
        %mul3A_274 = arith.muli %iota3A, %mul3A_273 : vector<16xi32>
        %add3A_275 = arith.constant 18 : i32
        %add3A_276 = vector.broadcast %add3A_275 : i32 to vector<16xi32>
        %add3A_277 = arith.addi %mul3A_274, %add3A_276 : vector<16xi32>
        %mul3A_278 = arith.mulf %get3A_271, %get3A_245 : vector<16xf32>
        tpu.vector_store_idx %arg9[%add3A_102, %add3A_277], %mul3A_278 : memref<128x32xf32, #tpu.memory_space<vmem>>[vector<16xi32>, vector<16xi32>], vector<16xf32>,
        %get3A_279 = arith.constant 3 : i32
        %get3A_280 = arith.index_cast %get3A_279 : i32 to index
        %get3A_281 = arith.index_cast %mul3A_100 : i32 to index
        %get3A_282 = tpu.vector_load %arg6[%get3A_280, %get3A_281] {strides = array<i32>} : memref<6x128xf32, #tpu.memory_space<vmem>>, vector<16xf32>,
        %mul3A_283 = arith.constant 0 : i32
        %mul3A_284 = vector.broadcast %mul3A_283 : i32 to vector<16xi32>
        %mul3A_285 = arith.muli %iota3A, %mul3A_284 : vector<16xi32>
        %add3A_286 = arith.constant 19 : i32
        %add3A_287 = vector.broadcast %add3A_286 : i32 to vector<16xi32>
        %add3A_288 = arith.addi %mul3A_285, %add3A_287 : vector<16xi32>
        %mul3A_289 = arith.mulf %get3A_282, %get3A_245 : vector<16xf32>
        tpu.vector_store_idx %arg9[%add3A_102, %add3A_288], %mul3A_289 : memref<128x32xf32, #tpu.memory_space<vmem>>[vector<16xi32>, vector<16xi32>], vector<16xf32>,
        %get3A_290 = arith.constant 4 : i32
        %get3A_291 = arith.index_cast %get3A_290 : i32 to index
        %get3A_292 = arith.index_cast %mul3A_100 : i32 to index
        %get3A_293 = tpu.vector_load %arg6[%get3A_291, %get3A_292] {strides = array<i32>} : memref<6x128xf32, #tpu.memory_space<vmem>>, vector<16xf32>,
        %mul3A_294 = arith.constant 0 : i32
        %mul3A_295 = vector.broadcast %mul3A_294 : i32 to vector<16xi32>
        %mul3A_296 = arith.muli %iota3A, %mul3A_295 : vector<16xi32>
        %add3A_297 = arith.constant 20 : i32
        %add3A_298 = vector.broadcast %add3A_297 : i32 to vector<16xi32>
        %add3A_299 = arith.addi %mul3A_296, %add3A_298 : vector<16xi32>
        %mul3A_300 = arith.mulf %get3A_293, %get3A_245 : vector<16xf32>
        tpu.vector_store_idx %arg9[%add3A_102, %add3A_299], %mul3A_300 : memref<128x32xf32, #tpu.memory_space<vmem>>[vector<16xi32>, vector<16xi32>], vector<16xf32>,
        %get3A_301 = arith.constant 5 : i32
        %get3A_302 = arith.index_cast %get3A_301 : i32 to index
        %get3A_303 = arith.index_cast %mul3A_100 : i32 to index
        %get3A_304 = tpu.vector_load %arg6[%get3A_302, %get3A_303] {strides = array<i32>} : memref<6x128xf32, #tpu.memory_space<vmem>>, vector<16xf32>,
        %mul3A_305 = arith.constant 0 : i32
        %mul3A_306 = vector.broadcast %mul3A_305 : i32 to vector<16xi32>
        %mul3A_307 = arith.muli %iota3A, %mul3A_306 : vector<16xi32>
        %add3A_308 = arith.constant 21 : i32
        %add3A_309 = vector.broadcast %add3A_308 : i32 to vector<16xi32>
        %add3A_310 = arith.addi %mul3A_307, %add3A_309 : vector<16xi32>
        %mul3A_311 = arith.mulf %get3A_304, %get3A_245 : vector<16xf32>
        tpu.vector_store_idx %arg9[%add3A_102, %add3A_310], %mul3A_311 : memref<128x32xf32, #tpu.memory_space<vmem>>[vector<16xi32>, vector<16xi32>], vector<16xf32>,
        %get3A_312 = arith.constant 3 : i32
        %get3A_313 = arith.index_cast %get3A_312 : i32 to index
        %get3A_314 = arith.index_cast %mul3A_100 : i32 to index
        %get3A_315 = tpu.vector_load %arg7[%get3A_313, %get3A_314] {strides = array<i32>} : memref<4x128xf32, #tpu.memory_space<vmem>>, vector<16xf32>,
        %get3A_316 = arith.constant 0 : i32
        %get3A_317 = arith.index_cast %get3A_316 : i32 to index
        %get3A_318 = arith.index_cast %mul3A_100 : i32 to index
        %get3A_319 = tpu.vector_load %arg6[%get3A_317, %get3A_318] {strides = array<i32>} : memref<6x128xf32, #tpu.memory_space<vmem>>, vector<16xf32>,
        %mul3A_320 = arith.constant 0 : i32
        %mul3A_321 = vector.broadcast %mul3A_320 : i32 to vector<16xi32>
        %mul3A_322 = arith.muli %iota3A, %mul3A_321 : vector<16xi32>
        %add3A_323 = arith.constant 24 : i32
        %add3A_324 = vector.broadcast %add3A_323 : i32 to vector<16xi32>
        %add3A_325 = arith.addi %mul3A_322, %add3A_324 : vector<16xi32>
        %mul3A_326 = arith.mulf %get3A_319, %get3A_315 : vector<16xf32>
        tpu.vector_store_idx %arg9[%add3A_102, %add3A_325], %mul3A_326 : memref<128x32xf32, #tpu.memory_space<vmem>>[vector<16xi32>, vector<16xi32>], vector<16xf32>,
        %get3A_327 = arith.constant 1 : i32
        %get3A_328 = arith.index_cast %get3A_327 : i32 to index
        %get3A_329 = arith.index_cast %mul3A_100 : i32 to index
        %get3A_330 = tpu.vector_load %arg6[%get3A_328, %get3A_329] {strides = array<i32>} : memref<6x128xf32, #tpu.memory_space<vmem>>, vector<16xf32>,
        %mul3A_331 = arith.constant 0 : i32
        %mul3A_332 = vector.broadcast %mul3A_331 : i32 to vector<16xi32>
        %mul3A_333 = arith.muli %iota3A, %mul3A_332 : vector<16xi32>
        %add3A_334 = arith.constant 25 : i32
        %add3A_335 = vector.broadcast %add3A_334 : i32 to vector<16xi32>
        %add3A_336 = arith.addi %mul3A_333, %add3A_335 : vector<16xi32>
        %mul3A_337 = arith.mulf %get3A_330, %get3A_315 : vector<16xf32>
        tpu.vector_store_idx %arg9[%add3A_102, %add3A_336], %mul3A_337 : memref<128x32xf32, #tpu.memory_space<vmem>>[vector<16xi32>, vector<16xi32>], vector<16xf32>,
        %get3A_338 = arith.constant 2 : i32
        %get3A_339 = arith.index_cast %get3A_338 : i32 to index
        %get3A_340 = arith.index_cast %mul3A_100 : i32 to index
        %get3A_341 = tpu.vector_load %arg6[%get3A_339, %get3A_340] {strides = array<i32>} : memref<6x128xf32, #tpu.memory_space<vmem>>, vector<16xf32>,
        %mul3A_342 = arith.constant 0 : i32
        %mul3A_343 = vector.broadcast %mul3A_342 : i32 to vector<16xi32>
        %mul3A_344 = arith.muli %iota3A, %mul3A_343 : vector<16xi32>
        %add3A_345 = arith.constant 26 : i32
        %add3A_346 = vector.broadcast %add3A_345 : i32 to vector<16xi32>
        %add3A_347 = arith.addi %mul3A_344, %add3A_346 : vector<16xi32>
        %mul3A_348 = arith.mulf %get3A_341, %get3A_315 : vector<16xf32>
        tpu.vector_store_idx %arg9[%add3A_102, %add3A_347], %mul3A_348 : memref<128x32xf32, #tpu.memory_space<vmem>>[vector<16xi32>, vector<16xi32>], vector<16xf32>,
        %get3A_349 = arith.constant 3 : i32
        %get3A_350 = arith.index_cast %get3A_349 : i32 to index
        %get3A_351 = arith.index_cast %mul3A_100 : i32 to index
        %get3A_352 = tpu.vector_load %arg6[%get3A_350, %get3A_351] {strides = array<i32>} : memref<6x128xf32, #tpu.memory_space<vmem>>, vector<16xf32>,
        %mul3A_353 = arith.constant 0 : i32
        %mul3A_354 = vector.broadcast %mul3A_353 : i32 to vector<16xi32>
        %mul3A_355 = arith.muli %iota3A, %mul3A_354 : vector<16xi32>
        %add3A_356 = arith.constant 27 : i32
        %add3A_357 = vector.broadcast %add3A_356 : i32 to vector<16xi32>
        %add3A_358 = arith.addi %mul3A_355, %add3A_357 : vector<16xi32>
        %mul3A_359 = arith.mulf %get3A_352, %get3A_315 : vector<16xf32>
        tpu.vector_store_idx %arg9[%add3A_102, %add3A_358], %mul3A_359 : memref<128x32xf32, #tpu.memory_space<vmem>>[vector<16xi32>, vector<16xi32>], vector<16xf32>,
        %get3A_360 = arith.constant 4 : i32
        %get3A_361 = arith.index_cast %get3A_360 : i32 to index
        %get3A_362 = arith.index_cast %mul3A_100 : i32 to index
        %get3A_363 = tpu.vector_load %arg6[%get3A_361, %get3A_362] {strides = array<i32>} : memref<6x128xf32, #tpu.memory_space<vmem>>, vector<16xf32>,
        %mul3A_364 = arith.constant 0 : i32
        %mul3A_365 = vector.broadcast %mul3A_364 : i32 to vector<16xi32>
        %mul3A_366 = arith.muli %iota3A, %mul3A_365 : vector<16xi32>
        %add3A_367 = arith.constant 28 : i32
        %add3A_368 = vector.broadcast %add3A_367 : i32 to vector<16xi32>
        %add3A_369 = arith.addi %mul3A_366, %add3A_368 : vector<16xi32>
        %mul3A_370 = arith.mulf %get3A_363, %get3A_315 : vector<16xf32>
        tpu.vector_store_idx %arg9[%add3A_102, %add3A_369], %mul3A_370 : memref<128x32xf32, #tpu.memory_space<vmem>>[vector<16xi32>, vector<16xi32>], vector<16xf32>,
        %get3A_371 = arith.constant 5 : i32
        %get3A_372 = arith.index_cast %get3A_371 : i32 to index
        %get3A_373 = arith.index_cast %mul3A_100 : i32 to index
        %get3A_374 = tpu.vector_load %arg6[%get3A_372, %get3A_373] {strides = array<i32>} : memref<6x128xf32, #tpu.memory_space<vmem>>, vector<16xf32>,
        %mul3A_375 = arith.constant 0 : i32
        %mul3A_376 = vector.broadcast %mul3A_375 : i32 to vector<16xi32>
        %mul3A_377 = arith.muli %iota3A, %mul3A_376 : vector<16xi32>
        %add3A_378 = arith.constant 29 : i32
        %add3A_379 = vector.broadcast %add3A_378 : i32 to vector<16xi32>
        %add3A_380 = arith.addi %mul3A_377, %add3A_379 : vector<16xi32>
        %mul3A_381 = arith.mulf %get3A_374, %get3A_315 : vector<16xf32>
        tpu.vector_store_idx %arg9[%add3A_102, %add3A_380], %mul3A_381 : memref<128x32xf32, #tpu.memory_space<vmem>>[vector<16xi32>, vector<16xi32>], vector<16xf32>,
        %scan3A_382 = arith.constant 0 : i32
        scf.yield %scan3A_382 : i32
      }
      %scan3A_95 = arith.constant 8 : i32
      "tpu.region"() ({
        %run_scoped3A = tpu.sem_alloc : memref<!tpu.dma_semaphore, #tpu.memory_space<semaphore_mem>>
        %dma_start3A = arith.constant 0 : i32
        %dma_start3A_97 = arith.constant 0 : i32
        %dma_start3A_98 = tpu.memref_slice %arg12[%dma_start3A, %dma_start3A_97] : memref<40064x32xf32, #tpu.memory_space<vmem_shared>> -> memref<40064x32xf32, #tpu.memory_space<vmem_shared>>
        tpu.enqueue_indirect_dma source(%arg9 : memref<128x32xf32, #tpu.memory_space<vmem>>) target(%dma_start3A_98 : memref<40064x32xf32, #tpu.memory_space<vmem_shared>>) offsets(%arg8 : memref<128xi32, #tpu.memory_space<vmem>>) semaphore(%run_scoped3A : memref<!tpu.dma_semaphore, #tpu.memory_space<semaphore_mem>>) {add = true}
        %dma_wait3A = arith.constant 0 : i32
        %dma_wait3A_99 = arith.constant 0 : i32
        %dma_wait3A_100 = tpu.memref_slice %arg12[%dma_wait3A, %dma_wait3A_99] : memref<40064x32xf32, #tpu.memory_space<vmem_shared>> -> memref<40064x32xf32, #tpu.memory_space<vmem_shared>>
        tpu.wait_indirect_dma semaphore(%run_scoped3A : memref<!tpu.dma_semaphore, #tpu.memory_space<semaphore_mem>>) src(%arg9 : memref<128x32xf32, #tpu.memory_space<vmem>>) dst(%dma_wait3A_100 : memref<40064x32xf32, #tpu.memory_space<vmem_shared>>)
        tpu.yield
      }) : () -> ()
      %while3A_96 = arith.constant 0 : i32
      scf.yield %while3A_96 : i32
    }
    %while3A_36 = arith.constant 1 : i32
    %while3A_37 = scf.for %while3A_81 = %while3A_33 to %while3A_29 step %while3A_36 iter_args(%while3A_82 = %while3A_35) -> (i32)  : i32 {
      %mul3A_83 = arith.constant 16 : i32
      %mul3A_84 = arith.muli %while3A_81, %mul3A_83 : i32
      %add3A_85 = arith.addi %mul3A_84, %arg1 : i32
      "tpu.region"() ({
        %run_scoped3A = tpu.sem_alloc : memref<!tpu.dma_semaphore, #tpu.memory_space<semaphore_mem>>
        %dma_start3A = arith.constant 0 : i32
        %dma_start3A_97 = arith.constant 0 : i32
        %dma_start3A_98 = tpu.memref_slice %arg2[%add3A_85, %dma_start3A, %dma_start3A_97] : memref<2500x6x128xf32, #tpu.memory_space<hbm>> -> memref<1x6x128xf32, #tpu.memory_space<hbm>>
        %dma_start3A_99 = tpu.memref_squeeze %dma_start3A_98 : memref<1x6x128xf32, #tpu.memory_space<hbm>> -> memref<6x128xf32, #tpu.memory_space<hbm>>
        %dma_start3A_100 = arith.constant 0 : i32
        %dma_start3A_101 = arith.constant 0 : i32
        %dma_start3A_102 = tpu.memref_slice %arg2[%add3A_85, %dma_start3A_100, %dma_start3A_101] : memref<2500x6x128xf32, #tpu.memory_space<hbm>> -> memref<1x6x128xf32, #tpu.memory_space<hbm>>
        %dma_start3A_103 = tpu.memref_squeeze %dma_start3A_102 : memref<1x6x128xf32, #tpu.memory_space<hbm>> -> memref<6x128xf32, #tpu.memory_space<hbm>>
        tpu.enqueue_dma source(%dma_start3A_103 : memref<6x128xf32, #tpu.memory_space<hbm>>) target(%arg6 : memref<6x128xf32, #tpu.memory_space<vmem>>) target_semaphore(%run_scoped3A : memref<!tpu.dma_semaphore, #tpu.memory_space<semaphore_mem>>)
        %dma_wait3A = arith.constant 0 : i32
        %dma_wait3A_104 = arith.constant 0 : i32
        %dma_wait3A_105 = tpu.memref_slice %arg2[%add3A_85, %dma_wait3A, %dma_wait3A_104] : memref<2500x6x128xf32, #tpu.memory_space<hbm>> -> memref<1x6x128xf32, #tpu.memory_space<hbm>>
        %dma_wait3A_106 = tpu.memref_squeeze %dma_wait3A_105 : memref<1x6x128xf32, #tpu.memory_space<hbm>> -> memref<6x128xf32, #tpu.memory_space<hbm>>
        %dma_wait3A_107 = arith.constant 0 : i32
        %dma_wait3A_108 = arith.constant 0 : i32
        %dma_wait3A_109 = tpu.memref_slice %arg2[%add3A_85, %dma_wait3A_107, %dma_wait3A_108] : memref<2500x6x128xf32, #tpu.memory_space<hbm>> -> memref<1x6x128xf32, #tpu.memory_space<hbm>>
        %dma_wait3A_110 = tpu.memref_squeeze %dma_wait3A_109 : memref<1x6x128xf32, #tpu.memory_space<hbm>> -> memref<6x128xf32, #tpu.memory_space<hbm>>
        tpu.wait_dma2 semaphore(%run_scoped3A : memref<!tpu.dma_semaphore, #tpu.memory_space<semaphore_mem>>) src(%dma_wait3A_110 : memref<6x128xf32, #tpu.memory_space<hbm>>) dst(%arg6 : memref<6x128xf32, #tpu.memory_space<vmem>>)
        tpu.yield
      }) : () -> ()
      "tpu.region"() ({
        %run_scoped3A = tpu.sem_alloc : memref<!tpu.dma_semaphore, #tpu.memory_space<semaphore_mem>>
        %dma_start3A = arith.constant 0 : i32
        %dma_start3A_97 = tpu.memref_slice %arg3[%add3A_85, %multiple_of3A, %dma_start3A] : memref<2500x16x128xf32, #tpu.memory_space<hbm>> -> memref<1x4x128xf32, #tpu.memory_space<hbm>>
        %dma_start3A_98 = tpu.memref_squeeze %dma_start3A_97 : memref<1x4x128xf32, #tpu.memory_space<hbm>> -> memref<4x128xf32, #tpu.memory_space<hbm>>
        %dma_start3A_99 = arith.constant 0 : i32
        %dma_start3A_100 = tpu.memref_slice %arg3[%add3A_85, %multiple_of3A, %dma_start3A_99] : memref<2500x16x128xf32, #tpu.memory_space<hbm>> -> memref<1x4x128xf32, #tpu.memory_space<hbm>>
        %dma_start3A_101 = tpu.memref_squeeze %dma_start3A_100 : memref<1x4x128xf32, #tpu.memory_space<hbm>> -> memref<4x128xf32, #tpu.memory_space<hbm>>
        tpu.enqueue_dma source(%dma_start3A_101 : memref<4x128xf32, #tpu.memory_space<hbm>>) target(%arg7 : memref<4x128xf32, #tpu.memory_space<vmem>>) target_semaphore(%run_scoped3A : memref<!tpu.dma_semaphore, #tpu.memory_space<semaphore_mem>>)
        %dma_wait3A = arith.constant 0 : i32
        %dma_wait3A_102 = tpu.memref_slice %arg3[%add3A_85, %multiple_of3A, %dma_wait3A] : memref<2500x16x128xf32, #tpu.memory_space<hbm>> -> memref<1x4x128xf32, #tpu.memory_space<hbm>>
        %dma_wait3A_103 = tpu.memref_squeeze %dma_wait3A_102 : memref<1x4x128xf32, #tpu.memory_space<hbm>> -> memref<4x128xf32, #tpu.memory_space<hbm>>
        %dma_wait3A_104 = arith.constant 0 : i32
        %dma_wait3A_105 = tpu.memref_slice %arg3[%add3A_85, %multiple_of3A, %dma_wait3A_104] : memref<2500x16x128xf32, #tpu.memory_space<hbm>> -> memref<1x4x128xf32, #tpu.memory_space<hbm>>
        %dma_wait3A_106 = tpu.memref_squeeze %dma_wait3A_105 : memref<1x4x128xf32, #tpu.memory_space<hbm>> -> memref<4x128xf32, #tpu.memory_space<hbm>>
        tpu.wait_dma2 semaphore(%run_scoped3A : memref<!tpu.dma_semaphore, #tpu.memory_space<semaphore_mem>>) src(%dma_wait3A_106 : memref<4x128xf32, #tpu.memory_space<hbm>>) dst(%arg7 : memref<4x128xf32, #tpu.memory_space<vmem>>)
        tpu.yield
      }) : () -> ()
      %mul3A_86 = arith.constant 128 : i32
      %mul3A_87 = arith.muli %add3A_85, %mul3A_86 : i32
      %multiple_of3A_88 = tpu.assume_multiple %mul3A_87, 8 : i32
      "tpu.region"() ({
        %run_scoped3A = tpu.sem_alloc : memref<!tpu.dma_semaphore, #tpu.memory_space<semaphore_mem>>
        %dma_start3A = tpu.memref_slice %arg4[%multiple_of3A_88] : memref<320000xi32, #tpu.memory_space<hbm>> -> memref<128xi32, #tpu.memory_space<hbm>>
        %dma_start3A_97 = tpu.memref_slice %arg4[%multiple_of3A_88] : memref<320000xi32, #tpu.memory_space<hbm>> -> memref<128xi32, #tpu.memory_space<hbm>>
        tpu.enqueue_dma source(%dma_start3A_97 : memref<128xi32, #tpu.memory_space<hbm>>) target(%arg8 : memref<128xi32, #tpu.memory_space<vmem>>) target_semaphore(%run_scoped3A : memref<!tpu.dma_semaphore, #tpu.memory_space<semaphore_mem>>)
        %dma_wait3A = tpu.memref_slice %arg4[%multiple_of3A_88] : memref<320000xi32, #tpu.memory_space<hbm>> -> memref<128xi32, #tpu.memory_space<hbm>>
        %dma_wait3A_98 = tpu.memref_slice %arg4[%multiple_of3A_88] : memref<320000xi32, #tpu.memory_space<hbm>> -> memref<128xi32, #tpu.memory_space<hbm>>
        tpu.wait_dma2 semaphore(%run_scoped3A : memref<!tpu.dma_semaphore, #tpu.memory_space<semaphore_mem>>) src(%dma_wait3A_98 : memref<128xi32, #tpu.memory_space<hbm>>) dst(%arg8 : memref<128xi32, #tpu.memory_space<vmem>>)
        tpu.yield
      }) : () -> ()
      %scan3A_89 = arith.constant 0 : i32
      %scan3A_90 = arith.constant 0 : i32
      %scan3A_91 = arith.constant 8 : i32
      %scan3A_92 = arith.addi %scan3A_90, %scan3A_91 : i32
      %scan3A_93 = arith.constant 1 : i32
      %scan3A_94 = scf.for %scan3A_97 = %scan3A_90 to %scan3A_92 step %scan3A_93 iter_args(%scan3A_98 = %scan3A_89) -> (i32)  : i32 {
        %mul3A_99 = arith.constant 16 : i32
        %mul3A_100 = arith.muli %scan3A_97, %mul3A_99 : i32
        %add3A_101 = vector.broadcast %mul3A_100 : i32 to vector<16xi32>
        %add3A_102 = arith.addi %iota3A, %add3A_101 : vector<16xi32>
        %get3A = arith.constant 0 : i32
        %get3A_103 = arith.index_cast %get3A : i32 to index
        %get3A_104 = arith.index_cast %mul3A_100 : i32 to index
        %get3A_105 = tpu.vector_load %arg7[%get3A_103, %get3A_104] {strides = array<i32>} : memref<4x128xf32, #tpu.memory_space<vmem>>, vector<16xf32>,
        %get3A_106 = arith.constant 0 : i32
        %get3A_107 = arith.index_cast %get3A_106 : i32 to index
        %get3A_108 = arith.index_cast %mul3A_100 : i32 to index
        %get3A_109 = tpu.vector_load %arg6[%get3A_107, %get3A_108] {strides = array<i32>} : memref<6x128xf32, #tpu.memory_space<vmem>>, vector<16xf32>,
        %mul3A_110 = arith.constant 0 : i32
        %mul3A_111 = vector.broadcast %mul3A_110 : i32 to vector<16xi32>
        %mul3A_112 = arith.muli %iota3A, %mul3A_111 : vector<16xi32>
        %add3A_113 = arith.constant 0 : i32
        %add3A_114 = vector.broadcast %add3A_113 : i32 to vector<16xi32>
        %add3A_115 = arith.addi %mul3A_112, %add3A_114 : vector<16xi32>
        %mul3A_116 = arith.mulf %get3A_109, %get3A_105 : vector<16xf32>
        tpu.vector_store_idx %arg9[%add3A_102, %add3A_115], %mul3A_116 : memref<128x32xf32, #tpu.memory_space<vmem>>[vector<16xi32>, vector<16xi32>], vector<16xf32>,
        %get3A_117 = arith.constant 1 : i32
        %get3A_118 = arith.index_cast %get3A_117 : i32 to index
        %get3A_119 = arith.index_cast %mul3A_100 : i32 to index
        %get3A_120 = tpu.vector_load %arg6[%get3A_118, %get3A_119] {strides = array<i32>} : memref<6x128xf32, #tpu.memory_space<vmem>>, vector<16xf32>,
        %mul3A_121 = arith.constant 0 : i32
        %mul3A_122 = vector.broadcast %mul3A_121 : i32 to vector<16xi32>
        %mul3A_123 = arith.muli %iota3A, %mul3A_122 : vector<16xi32>
        %add3A_124 = arith.constant 1 : i32
        %add3A_125 = vector.broadcast %add3A_124 : i32 to vector<16xi32>
        %add3A_126 = arith.addi %mul3A_123, %add3A_125 : vector<16xi32>
        %mul3A_127 = arith.mulf %get3A_120, %get3A_105 : vector<16xf32>
        tpu.vector_store_idx %arg9[%add3A_102, %add3A_126], %mul3A_127 : memref<128x32xf32, #tpu.memory_space<vmem>>[vector<16xi32>, vector<16xi32>], vector<16xf32>,
        %get3A_128 = arith.constant 2 : i32
        %get3A_129 = arith.index_cast %get3A_128 : i32 to index
        %get3A_130 = arith.index_cast %mul3A_100 : i32 to index
        %get3A_131 = tpu.vector_load %arg6[%get3A_129, %get3A_130] {strides = array<i32>} : memref<6x128xf32, #tpu.memory_space<vmem>>, vector<16xf32>,
        %mul3A_132 = arith.constant 0 : i32
        %mul3A_133 = vector.broadcast %mul3A_132 : i32 to vector<16xi32>
        %mul3A_134 = arith.muli %iota3A, %mul3A_133 : vector<16xi32>
        %add3A_135 = arith.constant 2 : i32
        %add3A_136 = vector.broadcast %add3A_135 : i32 to vector<16xi32>
        %add3A_137 = arith.addi %mul3A_134, %add3A_136 : vector<16xi32>
        %mul3A_138 = arith.mulf %get3A_131, %get3A_105 : vector<16xf32>
        tpu.vector_store_idx %arg9[%add3A_102, %add3A_137], %mul3A_138 : memref<128x32xf32, #tpu.memory_space<vmem>>[vector<16xi32>, vector<16xi32>], vector<16xf32>,
        %get3A_139 = arith.constant 3 : i32
        %get3A_140 = arith.index_cast %get3A_139 : i32 to index
        %get3A_141 = arith.index_cast %mul3A_100 : i32 to index
        %get3A_142 = tpu.vector_load %arg6[%get3A_140, %get3A_141] {strides = array<i32>} : memref<6x128xf32, #tpu.memory_space<vmem>>, vector<16xf32>,
        %mul3A_143 = arith.constant 0 : i32
        %mul3A_144 = vector.broadcast %mul3A_143 : i32 to vector<16xi32>
        %mul3A_145 = arith.muli %iota3A, %mul3A_144 : vector<16xi32>
        %add3A_146 = arith.constant 3 : i32
        %add3A_147 = vector.broadcast %add3A_146 : i32 to vector<16xi32>
        %add3A_148 = arith.addi %mul3A_145, %add3A_147 : vector<16xi32>
        %mul3A_149 = arith.mulf %get3A_142, %get3A_105 : vector<16xf32>
        tpu.vector_store_idx %arg9[%add3A_102, %add3A_148], %mul3A_149 : memref<128x32xf32, #tpu.memory_space<vmem>>[vector<16xi32>, vector<16xi32>], vector<16xf32>,
        %get3A_150 = arith.constant 4 : i32
        %get3A_151 = arith.index_cast %get3A_150 : i32 to index
        %get3A_152 = arith.index_cast %mul3A_100 : i32 to index
        %get3A_153 = tpu.vector_load %arg6[%get3A_151, %get3A_152] {strides = array<i32>} : memref<6x128xf32, #tpu.memory_space<vmem>>, vector<16xf32>,
        %mul3A_154 = arith.constant 0 : i32
        %mul3A_155 = vector.broadcast %mul3A_154 : i32 to vector<16xi32>
        %mul3A_156 = arith.muli %iota3A, %mul3A_155 : vector<16xi32>
        %add3A_157 = arith.constant 4 : i32
        %add3A_158 = vector.broadcast %add3A_157 : i32 to vector<16xi32>
        %add3A_159 = arith.addi %mul3A_156, %add3A_158 : vector<16xi32>
        %mul3A_160 = arith.mulf %get3A_153, %get3A_105 : vector<16xf32>
        tpu.vector_store_idx %arg9[%add3A_102, %add3A_159], %mul3A_160 : memref<128x32xf32, #tpu.memory_space<vmem>>[vector<16xi32>, vector<16xi32>], vector<16xf32>,
        %get3A_161 = arith.constant 5 : i32
        %get3A_162 = arith.index_cast %get3A_161 : i32 to index
        %get3A_163 = arith.index_cast %mul3A_100 : i32 to index
        %get3A_164 = tpu.vector_load %arg6[%get3A_162, %get3A_163] {strides = array<i32>} : memref<6x128xf32, #tpu.memory_space<vmem>>, vector<16xf32>,
        %mul3A_165 = arith.constant 0 : i32
        %mul3A_166 = vector.broadcast %mul3A_165 : i32 to vector<16xi32>
        %mul3A_167 = arith.muli %iota3A, %mul3A_166 : vector<16xi32>
        %add3A_168 = arith.constant 5 : i32
        %add3A_169 = vector.broadcast %add3A_168 : i32 to vector<16xi32>
        %add3A_170 = arith.addi %mul3A_167, %add3A_169 : vector<16xi32>
        %mul3A_171 = arith.mulf %get3A_164, %get3A_105 : vector<16xf32>
        tpu.vector_store_idx %arg9[%add3A_102, %add3A_170], %mul3A_171 : memref<128x32xf32, #tpu.memory_space<vmem>>[vector<16xi32>, vector<16xi32>], vector<16xf32>,
        %get3A_172 = arith.constant 1 : i32
        %get3A_173 = arith.index_cast %get3A_172 : i32 to index
        %get3A_174 = arith.index_cast %mul3A_100 : i32 to index
        %get3A_175 = tpu.vector_load %arg7[%get3A_173, %get3A_174] {strides = array<i32>} : memref<4x128xf32, #tpu.memory_space<vmem>>, vector<16xf32>,
        %get3A_176 = arith.constant 0 : i32
        %get3A_177 = arith.index_cast %get3A_176 : i32 to index
        %get3A_178 = arith.index_cast %mul3A_100 : i32 to index
        %get3A_179 = tpu.vector_load %arg6[%get3A_177, %get3A_178] {strides = array<i32>} : memref<6x128xf32, #tpu.memory_space<vmem>>, vector<16xf32>,
        %mul3A_180 = arith.constant 0 : i32
        %mul3A_181 = vector.broadcast %mul3A_180 : i32 to vector<16xi32>
        %mul3A_182 = arith.muli %iota3A, %mul3A_181 : vector<16xi32>
        %add3A_183 = arith.constant 8 : i32
        %add3A_184 = vector.broadcast %add3A_183 : i32 to vector<16xi32>
        %add3A_185 = arith.addi %mul3A_182, %add3A_184 : vector<16xi32>
        %mul3A_186 = arith.mulf %get3A_179, %get3A_175 : vector<16xf32>
        tpu.vector_store_idx %arg9[%add3A_102, %add3A_185], %mul3A_186 : memref<128x32xf32, #tpu.memory_space<vmem>>[vector<16xi32>, vector<16xi32>], vector<16xf32>,
        %get3A_187 = arith.constant 1 : i32
        %get3A_188 = arith.index_cast %get3A_187 : i32 to index
        %get3A_189 = arith.index_cast %mul3A_100 : i32 to index
        %get3A_190 = tpu.vector_load %arg6[%get3A_188, %get3A_189] {strides = array<i32>} : memref<6x128xf32, #tpu.memory_space<vmem>>, vector<16xf32>,
        %mul3A_191 = arith.constant 0 : i32
        %mul3A_192 = vector.broadcast %mul3A_191 : i32 to vector<16xi32>
        %mul3A_193 = arith.muli %iota3A, %mul3A_192 : vector<16xi32>
        %add3A_194 = arith.constant 9 : i32
        %add3A_195 = vector.broadcast %add3A_194 : i32 to vector<16xi32>
        %add3A_196 = arith.addi %mul3A_193, %add3A_195 : vector<16xi32>
        %mul3A_197 = arith.mulf %get3A_190, %get3A_175 : vector<16xf32>
        tpu.vector_store_idx %arg9[%add3A_102, %add3A_196], %mul3A_197 : memref<128x32xf32, #tpu.memory_space<vmem>>[vector<16xi32>, vector<16xi32>], vector<16xf32>,
        %get3A_198 = arith.constant 2 : i32
        %get3A_199 = arith.index_cast %get3A_198 : i32 to index
        %get3A_200 = arith.index_cast %mul3A_100 : i32 to index
        %get3A_201 = tpu.vector_load %arg6[%get3A_199, %get3A_200] {strides = array<i32>} : memref<6x128xf32, #tpu.memory_space<vmem>>, vector<16xf32>,
        %mul3A_202 = arith.constant 0 : i32
        %mul3A_203 = vector.broadcast %mul3A_202 : i32 to vector<16xi32>
        %mul3A_204 = arith.muli %iota3A, %mul3A_203 : vector<16xi32>
        %add3A_205 = arith.constant 10 : i32
        %add3A_206 = vector.broadcast %add3A_205 : i32 to vector<16xi32>
        %add3A_207 = arith.addi %mul3A_204, %add3A_206 : vector<16xi32>
        %mul3A_208 = arith.mulf %get3A_201, %get3A_175 : vector<16xf32>
        tpu.vector_store_idx %arg9[%add3A_102, %add3A_207], %mul3A_208 : memref<128x32xf32, #tpu.memory_space<vmem>>[vector<16xi32>, vector<16xi32>], vector<16xf32>,
        %get3A_209 = arith.constant 3 : i32
        %get3A_210 = arith.index_cast %get3A_209 : i32 to index
        %get3A_211 = arith.index_cast %mul3A_100 : i32 to index
        %get3A_212 = tpu.vector_load %arg6[%get3A_210, %get3A_211] {strides = array<i32>} : memref<6x128xf32, #tpu.memory_space<vmem>>, vector<16xf32>,
        %mul3A_213 = arith.constant 0 : i32
        %mul3A_214 = vector.broadcast %mul3A_213 : i32 to vector<16xi32>
        %mul3A_215 = arith.muli %iota3A, %mul3A_214 : vector<16xi32>
        %add3A_216 = arith.constant 11 : i32
        %add3A_217 = vector.broadcast %add3A_216 : i32 to vector<16xi32>
        %add3A_218 = arith.addi %mul3A_215, %add3A_217 : vector<16xi32>
        %mul3A_219 = arith.mulf %get3A_212, %get3A_175 : vector<16xf32>
        tpu.vector_store_idx %arg9[%add3A_102, %add3A_218], %mul3A_219 : memref<128x32xf32, #tpu.memory_space<vmem>>[vector<16xi32>, vector<16xi32>], vector<16xf32>,
        %get3A_220 = arith.constant 4 : i32
        %get3A_221 = arith.index_cast %get3A_220 : i32 to index
        %get3A_222 = arith.index_cast %mul3A_100 : i32 to index
        %get3A_223 = tpu.vector_load %arg6[%get3A_221, %get3A_222] {strides = array<i32>} : memref<6x128xf32, #tpu.memory_space<vmem>>, vector<16xf32>,
        %mul3A_224 = arith.constant 0 : i32
        %mul3A_225 = vector.broadcast %mul3A_224 : i32 to vector<16xi32>
        %mul3A_226 = arith.muli %iota3A, %mul3A_225 : vector<16xi32>
        %add3A_227 = arith.constant 12 : i32
        %add3A_228 = vector.broadcast %add3A_227 : i32 to vector<16xi32>
        %add3A_229 = arith.addi %mul3A_226, %add3A_228 : vector<16xi32>
        %mul3A_230 = arith.mulf %get3A_223, %get3A_175 : vector<16xf32>
        tpu.vector_store_idx %arg9[%add3A_102, %add3A_229], %mul3A_230 : memref<128x32xf32, #tpu.memory_space<vmem>>[vector<16xi32>, vector<16xi32>], vector<16xf32>,
        %get3A_231 = arith.constant 5 : i32
        %get3A_232 = arith.index_cast %get3A_231 : i32 to index
        %get3A_233 = arith.index_cast %mul3A_100 : i32 to index
        %get3A_234 = tpu.vector_load %arg6[%get3A_232, %get3A_233] {strides = array<i32>} : memref<6x128xf32, #tpu.memory_space<vmem>>, vector<16xf32>,
        %mul3A_235 = arith.constant 0 : i32
        %mul3A_236 = vector.broadcast %mul3A_235 : i32 to vector<16xi32>
        %mul3A_237 = arith.muli %iota3A, %mul3A_236 : vector<16xi32>
        %add3A_238 = arith.constant 13 : i32
        %add3A_239 = vector.broadcast %add3A_238 : i32 to vector<16xi32>
        %add3A_240 = arith.addi %mul3A_237, %add3A_239 : vector<16xi32>
        %mul3A_241 = arith.mulf %get3A_234, %get3A_175 : vector<16xf32>
        tpu.vector_store_idx %arg9[%add3A_102, %add3A_240], %mul3A_241 : memref<128x32xf32, #tpu.memory_space<vmem>>[vector<16xi32>, vector<16xi32>], vector<16xf32>,
        %get3A_242 = arith.constant 2 : i32
        %get3A_243 = arith.index_cast %get3A_242 : i32 to index
        %get3A_244 = arith.index_cast %mul3A_100 : i32 to index
        %get3A_245 = tpu.vector_load %arg7[%get3A_243, %get3A_244] {strides = array<i32>} : memref<4x128xf32, #tpu.memory_space<vmem>>, vector<16xf32>,
        %get3A_246 = arith.constant 0 : i32
        %get3A_247 = arith.index_cast %get3A_246 : i32 to index
        %get3A_248 = arith.index_cast %mul3A_100 : i32 to index
        %get3A_249 = tpu.vector_load %arg6[%get3A_247, %get3A_248] {strides = array<i32>} : memref<6x128xf32, #tpu.memory_space<vmem>>, vector<16xf32>,
        %mul3A_250 = arith.constant 0 : i32
        %mul3A_251 = vector.broadcast %mul3A_250 : i32 to vector<16xi32>
        %mul3A_252 = arith.muli %iota3A, %mul3A_251 : vector<16xi32>
        %add3A_253 = arith.constant 16 : i32
        %add3A_254 = vector.broadcast %add3A_253 : i32 to vector<16xi32>
        %add3A_255 = arith.addi %mul3A_252, %add3A_254 : vector<16xi32>
        %mul3A_256 = arith.mulf %get3A_249, %get3A_245 : vector<16xf32>
        tpu.vector_store_idx %arg9[%add3A_102, %add3A_255], %mul3A_256 : memref<128x32xf32, #tpu.memory_space<vmem>>[vector<16xi32>, vector<16xi32>], vector<16xf32>,
        %get3A_257 = arith.constant 1 : i32
        %get3A_258 = arith.index_cast %get3A_257 : i32 to index
        %get3A_259 = arith.index_cast %mul3A_100 : i32 to index
        %get3A_260 = tpu.vector_load %arg6[%get3A_258, %get3A_259] {strides = array<i32>} : memref<6x128xf32, #tpu.memory_space<vmem>>, vector<16xf32>,
        %mul3A_261 = arith.constant 0 : i32
        %mul3A_262 = vector.broadcast %mul3A_261 : i32 to vector<16xi32>
        %mul3A_263 = arith.muli %iota3A, %mul3A_262 : vector<16xi32>
        %add3A_264 = arith.constant 17 : i32
        %add3A_265 = vector.broadcast %add3A_264 : i32 to vector<16xi32>
        %add3A_266 = arith.addi %mul3A_263, %add3A_265 : vector<16xi32>
        %mul3A_267 = arith.mulf %get3A_260, %get3A_245 : vector<16xf32>
        tpu.vector_store_idx %arg9[%add3A_102, %add3A_266], %mul3A_267 : memref<128x32xf32, #tpu.memory_space<vmem>>[vector<16xi32>, vector<16xi32>], vector<16xf32>,
        %get3A_268 = arith.constant 2 : i32
        %get3A_269 = arith.index_cast %get3A_268 : i32 to index
        %get3A_270 = arith.index_cast %mul3A_100 : i32 to index
        %get3A_271 = tpu.vector_load %arg6[%get3A_269, %get3A_270] {strides = array<i32>} : memref<6x128xf32, #tpu.memory_space<vmem>>, vector<16xf32>,
        %mul3A_272 = arith.constant 0 : i32
        %mul3A_273 = vector.broadcast %mul3A_272 : i32 to vector<16xi32>
        %mul3A_274 = arith.muli %iota3A, %mul3A_273 : vector<16xi32>
        %add3A_275 = arith.constant 18 : i32
        %add3A_276 = vector.broadcast %add3A_275 : i32 to vector<16xi32>
        %add3A_277 = arith.addi %mul3A_274, %add3A_276 : vector<16xi32>
        %mul3A_278 = arith.mulf %get3A_271, %get3A_245 : vector<16xf32>
        tpu.vector_store_idx %arg9[%add3A_102, %add3A_277], %mul3A_278 : memref<128x32xf32, #tpu.memory_space<vmem>>[vector<16xi32>, vector<16xi32>], vector<16xf32>,
        %get3A_279 = arith.constant 3 : i32
        %get3A_280 = arith.index_cast %get3A_279 : i32 to index
        %get3A_281 = arith.index_cast %mul3A_100 : i32 to index
        %get3A_282 = tpu.vector_load %arg6[%get3A_280, %get3A_281] {strides = array<i32>} : memref<6x128xf32, #tpu.memory_space<vmem>>, vector<16xf32>,
        %mul3A_283 = arith.constant 0 : i32
        %mul3A_284 = vector.broadcast %mul3A_283 : i32 to vector<16xi32>
        %mul3A_285 = arith.muli %iota3A, %mul3A_284 : vector<16xi32>
        %add3A_286 = arith.constant 19 : i32
        %add3A_287 = vector.broadcast %add3A_286 : i32 to vector<16xi32>
        %add3A_288 = arith.addi %mul3A_285, %add3A_287 : vector<16xi32>
        %mul3A_289 = arith.mulf %get3A_282, %get3A_245 : vector<16xf32>
        tpu.vector_store_idx %arg9[%add3A_102, %add3A_288], %mul3A_289 : memref<128x32xf32, #tpu.memory_space<vmem>>[vector<16xi32>, vector<16xi32>], vector<16xf32>,
        %get3A_290 = arith.constant 4 : i32
        %get3A_291 = arith.index_cast %get3A_290 : i32 to index
        %get3A_292 = arith.index_cast %mul3A_100 : i32 to index
        %get3A_293 = tpu.vector_load %arg6[%get3A_291, %get3A_292] {strides = array<i32>} : memref<6x128xf32, #tpu.memory_space<vmem>>, vector<16xf32>,
        %mul3A_294 = arith.constant 0 : i32
        %mul3A_295 = vector.broadcast %mul3A_294 : i32 to vector<16xi32>
        %mul3A_296 = arith.muli %iota3A, %mul3A_295 : vector<16xi32>
        %add3A_297 = arith.constant 20 : i32
        %add3A_298 = vector.broadcast %add3A_297 : i32 to vector<16xi32>
        %add3A_299 = arith.addi %mul3A_296, %add3A_298 : vector<16xi32>
        %mul3A_300 = arith.mulf %get3A_293, %get3A_245 : vector<16xf32>
        tpu.vector_store_idx %arg9[%add3A_102, %add3A_299], %mul3A_300 : memref<128x32xf32, #tpu.memory_space<vmem>>[vector<16xi32>, vector<16xi32>], vector<16xf32>,
        %get3A_301 = arith.constant 5 : i32
        %get3A_302 = arith.index_cast %get3A_301 : i32 to index
        %get3A_303 = arith.index_cast %mul3A_100 : i32 to index
        %get3A_304 = tpu.vector_load %arg6[%get3A_302, %get3A_303] {strides = array<i32>} : memref<6x128xf32, #tpu.memory_space<vmem>>, vector<16xf32>,
        %mul3A_305 = arith.constant 0 : i32
        %mul3A_306 = vector.broadcast %mul3A_305 : i32 to vector<16xi32>
        %mul3A_307 = arith.muli %iota3A, %mul3A_306 : vector<16xi32>
        %add3A_308 = arith.constant 21 : i32
        %add3A_309 = vector.broadcast %add3A_308 : i32 to vector<16xi32>
        %add3A_310 = arith.addi %mul3A_307, %add3A_309 : vector<16xi32>
        %mul3A_311 = arith.mulf %get3A_304, %get3A_245 : vector<16xf32>
        tpu.vector_store_idx %arg9[%add3A_102, %add3A_310], %mul3A_311 : memref<128x32xf32, #tpu.memory_space<vmem>>[vector<16xi32>, vector<16xi32>], vector<16xf32>,
        %get3A_312 = arith.constant 3 : i32
        %get3A_313 = arith.index_cast %get3A_312 : i32 to index
        %get3A_314 = arith.index_cast %mul3A_100 : i32 to index
        %get3A_315 = tpu.vector_load %arg7[%get3A_313, %get3A_314] {strides = array<i32>} : memref<4x128xf32, #tpu.memory_space<vmem>>, vector<16xf32>,
        %get3A_316 = arith.constant 0 : i32
        %get3A_317 = arith.index_cast %get3A_316 : i32 to index
        %get3A_318 = arith.index_cast %mul3A_100 : i32 to index
        %get3A_319 = tpu.vector_load %arg6[%get3A_317, %get3A_318] {strides = array<i32>} : memref<6x128xf32, #tpu.memory_space<vmem>>, vector<16xf32>,
        %mul3A_320 = arith.constant 0 : i32
        %mul3A_321 = vector.broadcast %mul3A_320 : i32 to vector<16xi32>
        %mul3A_322 = arith.muli %iota3A, %mul3A_321 : vector<16xi32>
        %add3A_323 = arith.constant 24 : i32
        %add3A_324 = vector.broadcast %add3A_323 : i32 to vector<16xi32>
        %add3A_325 = arith.addi %mul3A_322, %add3A_324 : vector<16xi32>
        %mul3A_326 = arith.mulf %get3A_319, %get3A_315 : vector<16xf32>
        tpu.vector_store_idx %arg9[%add3A_102, %add3A_325], %mul3A_326 : memref<128x32xf32, #tpu.memory_space<vmem>>[vector<16xi32>, vector<16xi32>], vector<16xf32>,
        %get3A_327 = arith.constant 1 : i32
        %get3A_328 = arith.index_cast %get3A_327 : i32 to index
        %get3A_329 = arith.index_cast %mul3A_100 : i32 to index
        %get3A_330 = tpu.vector_load %arg6[%get3A_328, %get3A_329] {strides = array<i32>} : memref<6x128xf32, #tpu.memory_space<vmem>>, vector<16xf32>,
        %mul3A_331 = arith.constant 0 : i32
        %mul3A_332 = vector.broadcast %mul3A_331 : i32 to vector<16xi32>
        %mul3A_333 = arith.muli %iota3A, %mul3A_332 : vector<16xi32>
        %add3A_334 = arith.constant 25 : i32
        %add3A_335 = vector.broadcast %add3A_334 : i32 to vector<16xi32>
        %add3A_336 = arith.addi %mul3A_333, %add3A_335 : vector<16xi32>
        %mul3A_337 = arith.mulf %get3A_330, %get3A_315 : vector<16xf32>
        tpu.vector_store_idx %arg9[%add3A_102, %add3A_336], %mul3A_337 : memref<128x32xf32, #tpu.memory_space<vmem>>[vector<16xi32>, vector<16xi32>], vector<16xf32>,
        %get3A_338 = arith.constant 2 : i32
        %get3A_339 = arith.index_cast %get3A_338 : i32 to index
        %get3A_340 = arith.index_cast %mul3A_100 : i32 to index
        %get3A_341 = tpu.vector_load %arg6[%get3A_339, %get3A_340] {strides = array<i32>} : memref<6x128xf32, #tpu.memory_space<vmem>>, vector<16xf32>,
        %mul3A_342 = arith.constant 0 : i32
        %mul3A_343 = vector.broadcast %mul3A_342 : i32 to vector<16xi32>
        %mul3A_344 = arith.muli %iota3A, %mul3A_343 : vector<16xi32>
        %add3A_345 = arith.constant 26 : i32
        %add3A_346 = vector.broadcast %add3A_345 : i32 to vector<16xi32>
        %add3A_347 = arith.addi %mul3A_344, %add3A_346 : vector<16xi32>
        %mul3A_348 = arith.mulf %get3A_341, %get3A_315 : vector<16xf32>
        tpu.vector_store_idx %arg9[%add3A_102, %add3A_347], %mul3A_348 : memref<128x32xf32, #tpu.memory_space<vmem>>[vector<16xi32>, vector<16xi32>], vector<16xf32>,
        %get3A_349 = arith.constant 3 : i32
        %get3A_350 = arith.index_cast %get3A_349 : i32 to index
        %get3A_351 = arith.index_cast %mul3A_100 : i32 to index
        %get3A_352 = tpu.vector_load %arg6[%get3A_350, %get3A_351] {strides = array<i32>} : memref<6x128xf32, #tpu.memory_space<vmem>>, vector<16xf32>,
        %mul3A_353 = arith.constant 0 : i32
        %mul3A_354 = vector.broadcast %mul3A_353 : i32 to vector<16xi32>
        %mul3A_355 = arith.muli %iota3A, %mul3A_354 : vector<16xi32>
        %add3A_356 = arith.constant 27 : i32
        %add3A_357 = vector.broadcast %add3A_356 : i32 to vector<16xi32>
        %add3A_358 = arith.addi %mul3A_355, %add3A_357 : vector<16xi32>
        %mul3A_359 = arith.mulf %get3A_352, %get3A_315 : vector<16xf32>
        tpu.vector_store_idx %arg9[%add3A_102, %add3A_358], %mul3A_359 : memref<128x32xf32, #tpu.memory_space<vmem>>[vector<16xi32>, vector<16xi32>], vector<16xf32>,
        %get3A_360 = arith.constant 4 : i32
        %get3A_361 = arith.index_cast %get3A_360 : i32 to index
        %get3A_362 = arith.index_cast %mul3A_100 : i32 to index
        %get3A_363 = tpu.vector_load %arg6[%get3A_361, %get3A_362] {strides = array<i32>} : memref<6x128xf32, #tpu.memory_space<vmem>>, vector<16xf32>,
        %mul3A_364 = arith.constant 0 : i32
        %mul3A_365 = vector.broadcast %mul3A_364 : i32 to vector<16xi32>
        %mul3A_366 = arith.muli %iota3A, %mul3A_365 : vector<16xi32>
        %add3A_367 = arith.constant 28 : i32
        %add3A_368 = vector.broadcast %add3A_367 : i32 to vector<16xi32>
        %add3A_369 = arith.addi %mul3A_366, %add3A_368 : vector<16xi32>
        %mul3A_370 = arith.mulf %get3A_363, %get3A_315 : vector<16xf32>
        tpu.vector_store_idx %arg9[%add3A_102, %add3A_369], %mul3A_370 : memref<128x32xf32, #tpu.memory_space<vmem>>[vector<16xi32>, vector<16xi32>], vector<16xf32>,
        %get3A_371 = arith.constant 5 : i32
        %get3A_372 = arith.index_cast %get3A_371 : i32 to index
        %get3A_373 = arith.index_cast %mul3A_100 : i32 to index
        %get3A_374 = tpu.vector_load %arg6[%get3A_372, %get3A_373] {strides = array<i32>} : memref<6x128xf32, #tpu.memory_space<vmem>>, vector<16xf32>,
        %mul3A_375 = arith.constant 0 : i32
        %mul3A_376 = vector.broadcast %mul3A_375 : i32 to vector<16xi32>
        %mul3A_377 = arith.muli %iota3A, %mul3A_376 : vector<16xi32>
        %add3A_378 = arith.constant 29 : i32
        %add3A_379 = vector.broadcast %add3A_378 : i32 to vector<16xi32>
        %add3A_380 = arith.addi %mul3A_377, %add3A_379 : vector<16xi32>
        %mul3A_381 = arith.mulf %get3A_374, %get3A_315 : vector<16xf32>
        tpu.vector_store_idx %arg9[%add3A_102, %add3A_380], %mul3A_381 : memref<128x32xf32, #tpu.memory_space<vmem>>[vector<16xi32>, vector<16xi32>], vector<16xf32>,
        %scan3A_382 = arith.constant 0 : i32
        scf.yield %scan3A_382 : i32
      }
      %scan3A_95 = arith.constant 8 : i32
      "tpu.region"() ({
        %run_scoped3A = tpu.sem_alloc : memref<!tpu.dma_semaphore, #tpu.memory_space<semaphore_mem>>
        %dma_start3A = arith.constant 0 : i32
        %dma_start3A_97 = arith.constant 0 : i32
        %dma_start3A_98 = tpu.memref_slice %arg12[%dma_start3A, %dma_start3A_97] : memref<40064x32xf32, #tpu.memory_space<vmem_shared>> -> memref<40064x32xf32, #tpu.memory_space<vmem_shared>>
        tpu.enqueue_indirect_dma source(%arg9 : memref<128x32xf32, #tpu.memory_space<vmem>>) target(%dma_start3A_98 : memref<40064x32xf32, #tpu.memory_space<vmem_shared>>) offsets(%arg8 : memref<128xi32, #tpu.memory_space<vmem>>) semaphore(%run_scoped3A : memref<!tpu.dma_semaphore, #tpu.memory_space<semaphore_mem>>) {add = true}
        %dma_wait3A = arith.constant 0 : i32
        %dma_wait3A_99 = arith.constant 0 : i32
        %dma_wait3A_100 = tpu.memref_slice %arg12[%dma_wait3A, %dma_wait3A_99] : memref<40064x32xf32, #tpu.memory_space<vmem_shared>> -> memref<40064x32xf32, #tpu.memory_space<vmem_shared>>
        tpu.wait_indirect_dma semaphore(%run_scoped3A : memref<!tpu.dma_semaphore, #tpu.memory_space<semaphore_mem>>) src(%arg9 : memref<128x32xf32, #tpu.memory_space<vmem>>) dst(%dma_wait3A_100 : memref<40064x32xf32, #tpu.memory_space<vmem_shared>>)
        tpu.yield
      }) : () -> ()
      %while3A_96 = arith.constant 0 : i32
      scf.yield %while3A_96 : i32
    }
    %barrier3A_38 = arith.constant 0 : index
    tpu.barrier barrier_id(%barrier3A_38)
    %scan3A_39 = arith.constant 0 : i32
    %scan3A_40 = arith.constant 0 : i32
    %scan3A_41 = arith.constant 20 : i32
    %scan3A_42 = arith.addi %scan3A_40, %scan3A_41 : i32
    %scan3A_43 = arith.constant 1 : i32
    %scan3A_44 = scf.for %scan3A_81 = %scan3A_40 to %scan3A_42 step %scan3A_43 iter_args(%scan3A_82 = %scan3A_39) -> (i32)  : i32 {
      %mul3A_83 = arith.constant 128 : i32
      %mul3A_84 = arith.muli %scan3A_81, %mul3A_83 : i32
      %min3A = arith.constant 2376 : i32
      %min3A_85 = arith.minsi %mul3A_84, %min3A : i32
      %add3A_86 = arith.addi %mul3A_13, %min3A_85 : i32
      %scan3A_87 = arith.constant 0 : i32
      %scan3A_88 = arith.constant 0 : i32
      %scan3A_89 = arith.constant 8 : i32
      %scan3A_90 = arith.addi %scan3A_88, %scan3A_89 : i32
      %scan3A_91 = arith.constant 1 : i32
      %scan3A_92 = scf.for %scan3A_97 = %scan3A_88 to %scan3A_90 step %scan3A_91 iter_args(%scan3A_98 = %scan3A_87) -> (i32)  : i32 {
        %mul3A_99 = arith.constant 16 : i32
        %mul3A_100 = arith.muli %scan3A_97, %mul3A_99 : i32
        %add3A_101 = arith.addi %add3A_86, %mul3A_100 : i32
        %add3A_102 = vector.broadcast %add3A_101 : i32 to vector<16xi32>
        %add3A_103 = arith.addi %iota3A, %add3A_102 : vector<16xi32>
        %mul3A_104 = arith.constant 16 : i32
        %mul3A_105 = arith.muli %scan3A_97, %mul3A_104 : i32
        %swap3A = arith.index_cast %mul3A_105 : i32 to index
        %swap3A_106 = tpu.vector_load %arg8[%swap3A] {strides = array<i32>} : memref<128xi32, #tpu.memory_space<vmem>>, vector<16xi32>,
        tpu.vector_store %arg8[%swap3A], %add3A_103 {strides = array<i32>} : memref<128xi32, #tpu.memory_space<vmem>>, vector<16xi32>,
        %scan3A_107 = arith.constant 0 : i32
        scf.yield %scan3A_107 : i32
      }
      %scan3A_93 = arith.constant 8 : i32
      "tpu.region"() ({
        %run_scoped3A_97 = tpu.sem_alloc : memref<!tpu.dma_semaphore, #tpu.memory_space<semaphore_mem>>
        %dma_start3A = arith.constant 0 : i32
        %dma_start3A_98 = arith.constant 0 : i32
        %dma_start3A_99 = tpu.memref_slice %arg12[%dma_start3A, %dma_start3A_98] : memref<40064x32xf32, #tpu.memory_space<vmem_shared>> -> memref<40064x32xf32, #tpu.memory_space<vmem_shared>>
        tpu.enqueue_indirect_dma source(%dma_start3A_99 : memref<40064x32xf32, #tpu.memory_space<vmem_shared>>) target(%arg11 : memref<128x32xf32, #tpu.memory_space<vmem>>) offsets(%arg8 : memref<128xi32, #tpu.memory_space<vmem>>) semaphore(%run_scoped3A_97 : memref<!tpu.dma_semaphore, #tpu.memory_space<semaphore_mem>>)
        %dma_wait3A = arith.constant 0 : i32
        %dma_wait3A_100 = arith.constant 0 : i32
        %dma_wait3A_101 = tpu.memref_slice %arg12[%dma_wait3A, %dma_wait3A_100] : memref<40064x32xf32, #tpu.memory_space<vmem_shared>> -> memref<40064x32xf32, #tpu.memory_space<vmem_shared>>
        tpu.wait_indirect_dma semaphore(%run_scoped3A_97 : memref<!tpu.dma_semaphore, #tpu.memory_space<semaphore_mem>>) src(%dma_wait3A_101 : memref<40064x32xf32, #tpu.memory_space<vmem_shared>>) dst(%arg11 : memref<128x32xf32, #tpu.memory_space<vmem>>)
        tpu.yield
      }) : () -> ()
      %add3A_94 = arith.addi %mul3A_13, %min3A_85 : i32
      %multiple_of3A_95 = tpu.assume_multiple %add3A_94, 8 : i32
      %run_scoped3A = arith.constant 0 : i32
      "tpu.region"() ({
        %run_scoped3A_97 = tpu.sem_alloc : memref<!tpu.dma_semaphore, #tpu.memory_space<semaphore_mem>>
        %dma_start3A = arith.constant 0 : i32
        %dma_start3A_98 = tpu.memref_slice %arg5[%arg0, %run_scoped3A, %multiple_of3A_95, %dma_start3A] : memref<2x2x40064x32xf32, #tpu.memory_space<hbm>> -> memref<1x1x128x32xf32, #tpu.memory_space<hbm>>
        %dma_start3A_99 = tpu.memref_squeeze %dma_start3A_98 : memref<1x1x128x32xf32, #tpu.memory_space<hbm>> -> memref<128x32xf32, #tpu.memory_space<hbm>>
        %dma_start3A_100 = arith.constant 0 : i32
        %dma_start3A_101 = tpu.memref_slice %arg5[%arg0, %run_scoped3A, %multiple_of3A_95, %dma_start3A_100] : memref<2x2x40064x32xf32, #tpu.memory_space<hbm>> -> memref<1x1x128x32xf32, #tpu.memory_space<hbm>>
        %dma_start3A_102 = tpu.memref_squeeze %dma_start3A_101 : memref<1x1x128x32xf32, #tpu.memory_space<hbm>> -> memref<128x32xf32, #tpu.memory_space<hbm>>
        tpu.enqueue_dma source(%arg11 : memref<128x32xf32, #tpu.memory_space<vmem>>) target(%dma_start3A_102 : memref<128x32xf32, #tpu.memory_space<hbm>>) target_semaphore(%run_scoped3A_97 : memref<!tpu.dma_semaphore, #tpu.memory_space<semaphore_mem>>)
        %dma_wait3A = arith.constant 0 : i32
        %dma_wait3A_103 = tpu.memref_slice %arg5[%arg0, %run_scoped3A, %multiple_of3A_95, %dma_wait3A] : memref<2x2x40064x32xf32, #tpu.memory_space<hbm>> -> memref<1x1x128x32xf32, #tpu.memory_space<hbm>>
        %dma_wait3A_104 = tpu.memref_squeeze %dma_wait3A_103 : memref<1x1x128x32xf32, #tpu.memory_space<hbm>> -> memref<128x32xf32, #tpu.memory_space<hbm>>
        %dma_wait3A_105 = arith.constant 0 : i32
        %dma_wait3A_106 = tpu.memref_slice %arg5[%arg0, %run_scoped3A, %multiple_of3A_95, %dma_wait3A_105] : memref<2x2x40064x32xf32, #tpu.memory_space<hbm>> -> memref<1x1x128x32xf32, #tpu.memory_space<hbm>>
        %dma_wait3A_107 = tpu.memref_squeeze %dma_wait3A_106 : memref<1x1x128x32xf32, #tpu.memory_space<hbm>> -> memref<128x32xf32, #tpu.memory_space<hbm>>
        tpu.wait_dma2 semaphore(%run_scoped3A_97 : memref<!tpu.dma_semaphore, #tpu.memory_space<semaphore_mem>>) src(%arg11 : memref<128x32xf32, #tpu.memory_space<vmem>>) dst(%dma_wait3A_107 : memref<128x32xf32, #tpu.memory_space<hbm>>)
        tpu.yield
      }) : () -> ()
      %scan3A_96 = arith.constant 0 : i32
      scf.yield %scan3A_96 : i32
    }
    %scan3A_45 = arith.constant 20 : i32
    %barrier3A_46 = arith.constant 0 : index
    tpu.barrier barrier_id(%barrier3A_46)
    %scan3A_47 = arith.constant 0 : i32
    %scan3A_48 = arith.constant 0 : i32
    %scan3A_49 = arith.constant 20 : i32
    %scan3A_50 = arith.addi %scan3A_48, %scan3A_49 : i32
    %scan3A_51 = arith.constant 1 : i32
    %scan3A_52 = scf.for %scan3A_81 = %scan3A_48 to %scan3A_50 step %scan3A_51 iter_args(%scan3A_82 = %scan3A_47) -> (i32)  : i32 {
      %mul3A_83 = arith.constant 128 : i32
      %mul3A_84 = arith.muli %scan3A_81, %mul3A_83 : i32
      %min3A = arith.constant 2376 : i32
      %min3A_85 = arith.minsi %mul3A_84, %min3A : i32
      %add3A_86 = arith.addi %mul3A_13, %min3A_85 : i32
      %scan3A_87 = arith.constant 0 : i32
      %scan3A_88 = arith.constant 0 : i32
      %scan3A_89 = arith.constant 8 : i32
      %scan3A_90 = arith.addi %scan3A_88, %scan3A_89 : i32
      %scan3A_91 = arith.constant 1 : i32
      %scan3A_92 = scf.for %scan3A_95 = %scan3A_88 to %scan3A_90 step %scan3A_91 iter_args(%scan3A_96 = %scan3A_87) -> (i32)  : i32 {
        %mul3A_97 = arith.constant 16 : i32
        %mul3A_98 = arith.muli %scan3A_95, %mul3A_97 : i32
        %add3A_99 = arith.addi %add3A_86, %mul3A_98 : i32
        %add3A_100 = vector.broadcast %add3A_99 : i32 to vector<16xi32>
        %add3A_101 = arith.addi %iota3A, %add3A_100 : vector<16xi32>
        %mul3A_102 = arith.constant 16 : i32
        %mul3A_103 = arith.muli %scan3A_95, %mul3A_102 : i32
        %swap3A = arith.index_cast %mul3A_103 : i32 to index
        %swap3A_104 = tpu.vector_load %arg8[%swap3A] {strides = array<i32>} : memref<128xi32, #tpu.memory_space<vmem>>, vector<16xi32>,
        tpu.vector_store %arg8[%swap3A], %add3A_101 {strides = array<i32>} : memref<128xi32, #tpu.memory_space<vmem>>, vector<16xi32>,
        %scan3A_105 = arith.constant 0 : i32
        scf.yield %scan3A_105 : i32
      }
      %scan3A_93 = arith.constant 8 : i32
      "tpu.region"() ({
        %run_scoped3A = tpu.sem_alloc : memref<!tpu.dma_semaphore, #tpu.memory_space<semaphore_mem>>
        %dma_start3A = arith.constant 0 : i32
        %dma_start3A_95 = arith.constant 0 : i32
        %dma_start3A_96 = tpu.memref_slice %arg12[%dma_start3A, %dma_start3A_95] : memref<40064x32xf32, #tpu.memory_space<vmem_shared>> -> memref<40064x32xf32, #tpu.memory_space<vmem_shared>>
        tpu.enqueue_indirect_dma source(%arg10 : memref<128x32xf32, #tpu.memory_space<vmem>>) target(%dma_start3A_96 : memref<40064x32xf32, #tpu.memory_space<vmem_shared>>) offsets(%arg8 : memref<128xi32, #tpu.memory_space<vmem>>) semaphore(%run_scoped3A : memref<!tpu.dma_semaphore, #tpu.memory_space<semaphore_mem>>)
        %dma_wait3A = arith.constant 0 : i32
        %dma_wait3A_97 = arith.constant 0 : i32
        %dma_wait3A_98 = tpu.memref_slice %arg12[%dma_wait3A, %dma_wait3A_97] : memref<40064x32xf32, #tpu.memory_space<vmem_shared>> -> memref<40064x32xf32, #tpu.memory_space<vmem_shared>>
        tpu.wait_indirect_dma semaphore(%run_scoped3A : memref<!tpu.dma_semaphore, #tpu.memory_space<semaphore_mem>>) src(%arg10 : memref<128x32xf32, #tpu.memory_space<vmem>>) dst(%dma_wait3A_98 : memref<40064x32xf32, #tpu.memory_space<vmem_shared>>)
        tpu.yield
      }) : () -> ()
      %scan3A_94 = arith.constant 0 : i32
      scf.yield %scan3A_94 : i32
    }
    %scan3A_53 = arith.constant 20 : i32
    %barrier3A_54 = arith.constant 0 : index
    tpu.barrier barrier_id(%barrier3A_54)
    %mul3A_55 = arith.constant 8 : i32
    %mul3A_56 = arith.muli %arg0, %mul3A_55 : i32
    %add3A_57 = arith.constant 4 : i32
    %add3A_58 = arith.addi %mul3A_56, %add3A_57 : i32
    %multiple_of3A_59 = tpu.assume_multiple %add3A_58, 4 : i32
    %while3A_60 = arith.constant 0 : i32
    %while3A_61 = arith.constant 0 : i32
    %while3A_62 = arith.subi %add3A_15, %while3A_60 : i32
    %while3A_63 = arith.addi %while3A_60, %while3A_62 : i32
    %while3A_64 = arith.constant 1 : i32
    %while3A_65 = arith.divsi %while3A_62, %while3A_64 : i32
    %while3A_66 = arith.muli %while3A_65, %while3A_64 : i32
    %while3A_67 = arith.addi %while3A_60, %while3A_66 : i32
    %while3A_68 = arith.constant 1 : i32
    %while3A_69 = scf.for %while3A_81 = %while3A_60 to %while3A_67 step %while3A_68 iter_args(%while3A_82 = %while3A_61) -> (i32)  : i32 {
      %mul3A_83 = arith.constant 16 : i32
      %mul3A_84 = arith.muli %while3A_81, %mul3A_83 : i32
      %add3A_85 = arith.addi %mul3A_84, %arg1 : i32
      "tpu.region"() ({
        %run_scoped3A = tpu.sem_alloc : memref<!tpu.dma_semaphore, #tpu.memory_space<semaphore_mem>>
        %dma_start3A = arith.constant 0 : i32
        %dma_start3A_97 = arith.constant 0 : i32
        %dma_start3A_98 = tpu.memref_slice %arg2[%add3A_85, %dma_start3A, %dma_start3A_97] : memref<2500x6x128xf32, #tpu.memory_space<hbm>> -> memref<1x6x128xf32, #tpu.memory_space<hbm>>
        %dma_start3A_99 = tpu.memref_squeeze %dma_start3A_98 : memref<1x6x128xf32, #tpu.memory_space<hbm>> -> memref<6x128xf32, #tpu.memory_space<hbm>>
        %dma_start3A_100 = arith.constant 0 : i32
        %dma_start3A_101 = arith.constant 0 : i32
        %dma_start3A_102 = tpu.memref_slice %arg2[%add3A_85, %dma_start3A_100, %dma_start3A_101] : memref<2500x6x128xf32, #tpu.memory_space<hbm>> -> memref<1x6x128xf32, #tpu.memory_space<hbm>>
        %dma_start3A_103 = tpu.memref_squeeze %dma_start3A_102 : memref<1x6x128xf32, #tpu.memory_space<hbm>> -> memref<6x128xf32, #tpu.memory_space<hbm>>
        tpu.enqueue_dma source(%dma_start3A_103 : memref<6x128xf32, #tpu.memory_space<hbm>>) target(%arg6 : memref<6x128xf32, #tpu.memory_space<vmem>>) target_semaphore(%run_scoped3A : memref<!tpu.dma_semaphore, #tpu.memory_space<semaphore_mem>>)
        %dma_wait3A = arith.constant 0 : i32
        %dma_wait3A_104 = arith.constant 0 : i32
        %dma_wait3A_105 = tpu.memref_slice %arg2[%add3A_85, %dma_wait3A, %dma_wait3A_104] : memref<2500x6x128xf32, #tpu.memory_space<hbm>> -> memref<1x6x128xf32, #tpu.memory_space<hbm>>
        %dma_wait3A_106 = tpu.memref_squeeze %dma_wait3A_105 : memref<1x6x128xf32, #tpu.memory_space<hbm>> -> memref<6x128xf32, #tpu.memory_space<hbm>>
        %dma_wait3A_107 = arith.constant 0 : i32
        %dma_wait3A_108 = arith.constant 0 : i32
        %dma_wait3A_109 = tpu.memref_slice %arg2[%add3A_85, %dma_wait3A_107, %dma_wait3A_108] : memref<2500x6x128xf32, #tpu.memory_space<hbm>> -> memref<1x6x128xf32, #tpu.memory_space<hbm>>
        %dma_wait3A_110 = tpu.memref_squeeze %dma_wait3A_109 : memref<1x6x128xf32, #tpu.memory_space<hbm>> -> memref<6x128xf32, #tpu.memory_space<hbm>>
        tpu.wait_dma2 semaphore(%run_scoped3A : memref<!tpu.dma_semaphore, #tpu.memory_space<semaphore_mem>>) src(%dma_wait3A_110 : memref<6x128xf32, #tpu.memory_space<hbm>>) dst(%arg6 : memref<6x128xf32, #tpu.memory_space<vmem>>)
        tpu.yield
      }) : () -> ()
      "tpu.region"() ({
        %run_scoped3A = tpu.sem_alloc : memref<!tpu.dma_semaphore, #tpu.memory_space<semaphore_mem>>
        %dma_start3A = arith.constant 0 : i32
        %dma_start3A_97 = tpu.memref_slice %arg3[%add3A_85, %multiple_of3A_59, %dma_start3A] : memref<2500x16x128xf32, #tpu.memory_space<hbm>> -> memref<1x4x128xf32, #tpu.memory_space<hbm>>
        %dma_start3A_98 = tpu.memref_squeeze %dma_start3A_97 : memref<1x4x128xf32, #tpu.memory_space<hbm>> -> memref<4x128xf32, #tpu.memory_space<hbm>>
        %dma_start3A_99 = arith.constant 0 : i32
        %dma_start3A_100 = tpu.memref_slice %arg3[%add3A_85, %multiple_of3A_59, %dma_start3A_99] : memref<2500x16x128xf32, #tpu.memory_space<hbm>> -> memref<1x4x128xf32, #tpu.memory_space<hbm>>
        %dma_start3A_101 = tpu.memref_squeeze %dma_start3A_100 : memref<1x4x128xf32, #tpu.memory_space<hbm>> -> memref<4x128xf32, #tpu.memory_space<hbm>>
        tpu.enqueue_dma source(%dma_start3A_101 : memref<4x128xf32, #tpu.memory_space<hbm>>) target(%arg7 : memref<4x128xf32, #tpu.memory_space<vmem>>) target_semaphore(%run_scoped3A : memref<!tpu.dma_semaphore, #tpu.memory_space<semaphore_mem>>)
        %dma_wait3A = arith.constant 0 : i32
        %dma_wait3A_102 = tpu.memref_slice %arg3[%add3A_85, %multiple_of3A_59, %dma_wait3A] : memref<2500x16x128xf32, #tpu.memory_space<hbm>> -> memref<1x4x128xf32, #tpu.memory_space<hbm>>
        %dma_wait3A_103 = tpu.memref_squeeze %dma_wait3A_102 : memref<1x4x128xf32, #tpu.memory_space<hbm>> -> memref<4x128xf32, #tpu.memory_space<hbm>>
        %dma_wait3A_104 = arith.constant 0 : i32
        %dma_wait3A_105 = tpu.memref_slice %arg3[%add3A_85, %multiple_of3A_59, %dma_wait3A_104] : memref<2500x16x128xf32, #tpu.memory_space<hbm>> -> memref<1x4x128xf32, #tpu.memory_space<hbm>>
        %dma_wait3A_106 = tpu.memref_squeeze %dma_wait3A_105 : memref<1x4x128xf32, #tpu.memory_space<hbm>> -> memref<4x128xf32, #tpu.memory_space<hbm>>
        tpu.wait_dma2 semaphore(%run_scoped3A : memref<!tpu.dma_semaphore, #tpu.memory_space<semaphore_mem>>) src(%dma_wait3A_106 : memref<4x128xf32, #tpu.memory_space<hbm>>) dst(%arg7 : memref<4x128xf32, #tpu.memory_space<vmem>>)
        tpu.yield
      }) : () -> ()
      %mul3A_86 = arith.constant 128 : i32
      %mul3A_87 = arith.muli %add3A_85, %mul3A_86 : i32
      %multiple_of3A_88 = tpu.assume_multiple %mul3A_87, 8 : i32
      "tpu.region"() ({
        %run_scoped3A = tpu.sem_alloc : memref<!tpu.dma_semaphore, #tpu.memory_space<semaphore_mem>>
        %dma_start3A = tpu.memref_slice %arg4[%multiple_of3A_88] : memref<320000xi32, #tpu.memory_space<hbm>> -> memref<128xi32, #tpu.memory_space<hbm>>
        %dma_start3A_97 = tpu.memref_slice %arg4[%multiple_of3A_88] : memref<320000xi32, #tpu.memory_space<hbm>> -> memref<128xi32, #tpu.memory_space<hbm>>
        tpu.enqueue_dma source(%dma_start3A_97 : memref<128xi32, #tpu.memory_space<hbm>>) target(%arg8 : memref<128xi32, #tpu.memory_space<vmem>>) target_semaphore(%run_scoped3A : memref<!tpu.dma_semaphore, #tpu.memory_space<semaphore_mem>>)
        %dma_wait3A = tpu.memref_slice %arg4[%multiple_of3A_88] : memref<320000xi32, #tpu.memory_space<hbm>> -> memref<128xi32, #tpu.memory_space<hbm>>
        %dma_wait3A_98 = tpu.memref_slice %arg4[%multiple_of3A_88] : memref<320000xi32, #tpu.memory_space<hbm>> -> memref<128xi32, #tpu.memory_space<hbm>>
        tpu.wait_dma2 semaphore(%run_scoped3A : memref<!tpu.dma_semaphore, #tpu.memory_space<semaphore_mem>>) src(%dma_wait3A_98 : memref<128xi32, #tpu.memory_space<hbm>>) dst(%arg8 : memref<128xi32, #tpu.memory_space<vmem>>)
        tpu.yield
      }) : () -> ()
      %scan3A_89 = arith.constant 0 : i32
      %scan3A_90 = arith.constant 0 : i32
      %scan3A_91 = arith.constant 8 : i32
      %scan3A_92 = arith.addi %scan3A_90, %scan3A_91 : i32
      %scan3A_93 = arith.constant 1 : i32
      %scan3A_94 = scf.for %scan3A_97 = %scan3A_90 to %scan3A_92 step %scan3A_93 iter_args(%scan3A_98 = %scan3A_89) -> (i32)  : i32 {
        %mul3A_99 = arith.constant 16 : i32
        %mul3A_100 = arith.muli %scan3A_97, %mul3A_99 : i32
        %add3A_101 = vector.broadcast %mul3A_100 : i32 to vector<16xi32>
        %add3A_102 = arith.addi %iota3A, %add3A_101 : vector<16xi32>
        %get3A = arith.constant 0 : i32
        %get3A_103 = arith.index_cast %get3A : i32 to index
        %get3A_104 = arith.index_cast %mul3A_100 : i32 to index
        %get3A_105 = tpu.vector_load %arg7[%get3A_103, %get3A_104] {strides = array<i32>} : memref<4x128xf32, #tpu.memory_space<vmem>>, vector<16xf32>,
        %get3A_106 = arith.constant 0 : i32
        %get3A_107 = arith.index_cast %get3A_106 : i32 to index
        %get3A_108 = arith.index_cast %mul3A_100 : i32 to index
        %get3A_109 = tpu.vector_load %arg6[%get3A_107, %get3A_108] {strides = array<i32>} : memref<6x128xf32, #tpu.memory_space<vmem>>, vector<16xf32>,
        %mul3A_110 = arith.constant 0 : i32
        %mul3A_111 = vector.broadcast %mul3A_110 : i32 to vector<16xi32>
        %mul3A_112 = arith.muli %iota3A, %mul3A_111 : vector<16xi32>
        %add3A_113 = arith.constant 0 : i32
        %add3A_114 = vector.broadcast %add3A_113 : i32 to vector<16xi32>
        %add3A_115 = arith.addi %mul3A_112, %add3A_114 : vector<16xi32>
        %mul3A_116 = arith.mulf %get3A_109, %get3A_105 : vector<16xf32>
        tpu.vector_store_idx %arg9[%add3A_102, %add3A_115], %mul3A_116 : memref<128x32xf32, #tpu.memory_space<vmem>>[vector<16xi32>, vector<16xi32>], vector<16xf32>,
        %get3A_117 = arith.constant 1 : i32
        %get3A_118 = arith.index_cast %get3A_117 : i32 to index
        %get3A_119 = arith.index_cast %mul3A_100 : i32 to index
        %get3A_120 = tpu.vector_load %arg6[%get3A_118, %get3A_119] {strides = array<i32>} : memref<6x128xf32, #tpu.memory_space<vmem>>, vector<16xf32>,
        %mul3A_121 = arith.constant 0 : i32
        %mul3A_122 = vector.broadcast %mul3A_121 : i32 to vector<16xi32>
        %mul3A_123 = arith.muli %iota3A, %mul3A_122 : vector<16xi32>
        %add3A_124 = arith.constant 1 : i32
        %add3A_125 = vector.broadcast %add3A_124 : i32 to vector<16xi32>
        %add3A_126 = arith.addi %mul3A_123, %add3A_125 : vector<16xi32>
        %mul3A_127 = arith.mulf %get3A_120, %get3A_105 : vector<16xf32>
        tpu.vector_store_idx %arg9[%add3A_102, %add3A_126], %mul3A_127 : memref<128x32xf32, #tpu.memory_space<vmem>>[vector<16xi32>, vector<16xi32>], vector<16xf32>,
        %get3A_128 = arith.constant 2 : i32
        %get3A_129 = arith.index_cast %get3A_128 : i32 to index
        %get3A_130 = arith.index_cast %mul3A_100 : i32 to index
        %get3A_131 = tpu.vector_load %arg6[%get3A_129, %get3A_130] {strides = array<i32>} : memref<6x128xf32, #tpu.memory_space<vmem>>, vector<16xf32>,
        %mul3A_132 = arith.constant 0 : i32
        %mul3A_133 = vector.broadcast %mul3A_132 : i32 to vector<16xi32>
        %mul3A_134 = arith.muli %iota3A, %mul3A_133 : vector<16xi32>
        %add3A_135 = arith.constant 2 : i32
        %add3A_136 = vector.broadcast %add3A_135 : i32 to vector<16xi32>
        %add3A_137 = arith.addi %mul3A_134, %add3A_136 : vector<16xi32>
        %mul3A_138 = arith.mulf %get3A_131, %get3A_105 : vector<16xf32>
        tpu.vector_store_idx %arg9[%add3A_102, %add3A_137], %mul3A_138 : memref<128x32xf32, #tpu.memory_space<vmem>>[vector<16xi32>, vector<16xi32>], vector<16xf32>,
        %get3A_139 = arith.constant 3 : i32
        %get3A_140 = arith.index_cast %get3A_139 : i32 to index
        %get3A_141 = arith.index_cast %mul3A_100 : i32 to index
        %get3A_142 = tpu.vector_load %arg6[%get3A_140, %get3A_141] {strides = array<i32>} : memref<6x128xf32, #tpu.memory_space<vmem>>, vector<16xf32>,
        %mul3A_143 = arith.constant 0 : i32
        %mul3A_144 = vector.broadcast %mul3A_143 : i32 to vector<16xi32>
        %mul3A_145 = arith.muli %iota3A, %mul3A_144 : vector<16xi32>
        %add3A_146 = arith.constant 3 : i32
        %add3A_147 = vector.broadcast %add3A_146 : i32 to vector<16xi32>
        %add3A_148 = arith.addi %mul3A_145, %add3A_147 : vector<16xi32>
        %mul3A_149 = arith.mulf %get3A_142, %get3A_105 : vector<16xf32>
        tpu.vector_store_idx %arg9[%add3A_102, %add3A_148], %mul3A_149 : memref<128x32xf32, #tpu.memory_space<vmem>>[vector<16xi32>, vector<16xi32>], vector<16xf32>,
        %get3A_150 = arith.constant 4 : i32
        %get3A_151 = arith.index_cast %get3A_150 : i32 to index
        %get3A_152 = arith.index_cast %mul3A_100 : i32 to index
        %get3A_153 = tpu.vector_load %arg6[%get3A_151, %get3A_152] {strides = array<i32>} : memref<6x128xf32, #tpu.memory_space<vmem>>, vector<16xf32>,
        %mul3A_154 = arith.constant 0 : i32
        %mul3A_155 = vector.broadcast %mul3A_154 : i32 to vector<16xi32>
        %mul3A_156 = arith.muli %iota3A, %mul3A_155 : vector<16xi32>
        %add3A_157 = arith.constant 4 : i32
        %add3A_158 = vector.broadcast %add3A_157 : i32 to vector<16xi32>
        %add3A_159 = arith.addi %mul3A_156, %add3A_158 : vector<16xi32>
        %mul3A_160 = arith.mulf %get3A_153, %get3A_105 : vector<16xf32>
        tpu.vector_store_idx %arg9[%add3A_102, %add3A_159], %mul3A_160 : memref<128x32xf32, #tpu.memory_space<vmem>>[vector<16xi32>, vector<16xi32>], vector<16xf32>,
        %get3A_161 = arith.constant 5 : i32
        %get3A_162 = arith.index_cast %get3A_161 : i32 to index
        %get3A_163 = arith.index_cast %mul3A_100 : i32 to index
        %get3A_164 = tpu.vector_load %arg6[%get3A_162, %get3A_163] {strides = array<i32>} : memref<6x128xf32, #tpu.memory_space<vmem>>, vector<16xf32>,
        %mul3A_165 = arith.constant 0 : i32
        %mul3A_166 = vector.broadcast %mul3A_165 : i32 to vector<16xi32>
        %mul3A_167 = arith.muli %iota3A, %mul3A_166 : vector<16xi32>
        %add3A_168 = arith.constant 5 : i32
        %add3A_169 = vector.broadcast %add3A_168 : i32 to vector<16xi32>
        %add3A_170 = arith.addi %mul3A_167, %add3A_169 : vector<16xi32>
        %mul3A_171 = arith.mulf %get3A_164, %get3A_105 : vector<16xf32>
        tpu.vector_store_idx %arg9[%add3A_102, %add3A_170], %mul3A_171 : memref<128x32xf32, #tpu.memory_space<vmem>>[vector<16xi32>, vector<16xi32>], vector<16xf32>,
        %get3A_172 = arith.constant 1 : i32
        %get3A_173 = arith.index_cast %get3A_172 : i32 to index
        %get3A_174 = arith.index_cast %mul3A_100 : i32 to index
        %get3A_175 = tpu.vector_load %arg7[%get3A_173, %get3A_174] {strides = array<i32>} : memref<4x128xf32, #tpu.memory_space<vmem>>, vector<16xf32>,
        %get3A_176 = arith.constant 0 : i32
        %get3A_177 = arith.index_cast %get3A_176 : i32 to index
        %get3A_178 = arith.index_cast %mul3A_100 : i32 to index
        %get3A_179 = tpu.vector_load %arg6[%get3A_177, %get3A_178] {strides = array<i32>} : memref<6x128xf32, #tpu.memory_space<vmem>>, vector<16xf32>,
        %mul3A_180 = arith.constant 0 : i32
        %mul3A_181 = vector.broadcast %mul3A_180 : i32 to vector<16xi32>
        %mul3A_182 = arith.muli %iota3A, %mul3A_181 : vector<16xi32>
        %add3A_183 = arith.constant 8 : i32
        %add3A_184 = vector.broadcast %add3A_183 : i32 to vector<16xi32>
        %add3A_185 = arith.addi %mul3A_182, %add3A_184 : vector<16xi32>
        %mul3A_186 = arith.mulf %get3A_179, %get3A_175 : vector<16xf32>
        tpu.vector_store_idx %arg9[%add3A_102, %add3A_185], %mul3A_186 : memref<128x32xf32, #tpu.memory_space<vmem>>[vector<16xi32>, vector<16xi32>], vector<16xf32>,
        %get3A_187 = arith.constant 1 : i32
        %get3A_188 = arith.index_cast %get3A_187 : i32 to index
        %get3A_189 = arith.index_cast %mul3A_100 : i32 to index
        %get3A_190 = tpu.vector_load %arg6[%get3A_188, %get3A_189] {strides = array<i32>} : memref<6x128xf32, #tpu.memory_space<vmem>>, vector<16xf32>,
        %mul3A_191 = arith.constant 0 : i32
        %mul3A_192 = vector.broadcast %mul3A_191 : i32 to vector<16xi32>
        %mul3A_193 = arith.muli %iota3A, %mul3A_192 : vector<16xi32>
        %add3A_194 = arith.constant 9 : i32
        %add3A_195 = vector.broadcast %add3A_194 : i32 to vector<16xi32>
        %add3A_196 = arith.addi %mul3A_193, %add3A_195 : vector<16xi32>
        %mul3A_197 = arith.mulf %get3A_190, %get3A_175 : vector<16xf32>
        tpu.vector_store_idx %arg9[%add3A_102, %add3A_196], %mul3A_197 : memref<128x32xf32, #tpu.memory_space<vmem>>[vector<16xi32>, vector<16xi32>], vector<16xf32>,
        %get3A_198 = arith.constant 2 : i32
        %get3A_199 = arith.index_cast %get3A_198 : i32 to index
        %get3A_200 = arith.index_cast %mul3A_100 : i32 to index
        %get3A_201 = tpu.vector_load %arg6[%get3A_199, %get3A_200] {strides = array<i32>} : memref<6x128xf32, #tpu.memory_space<vmem>>, vector<16xf32>,
        %mul3A_202 = arith.constant 0 : i32
        %mul3A_203 = vector.broadcast %mul3A_202 : i32 to vector<16xi32>
        %mul3A_204 = arith.muli %iota3A, %mul3A_203 : vector<16xi32>
        %add3A_205 = arith.constant 10 : i32
        %add3A_206 = vector.broadcast %add3A_205 : i32 to vector<16xi32>
        %add3A_207 = arith.addi %mul3A_204, %add3A_206 : vector<16xi32>
        %mul3A_208 = arith.mulf %get3A_201, %get3A_175 : vector<16xf32>
        tpu.vector_store_idx %arg9[%add3A_102, %add3A_207], %mul3A_208 : memref<128x32xf32, #tpu.memory_space<vmem>>[vector<16xi32>, vector<16xi32>], vector<16xf32>,
        %get3A_209 = arith.constant 3 : i32
        %get3A_210 = arith.index_cast %get3A_209 : i32 to index
        %get3A_211 = arith.index_cast %mul3A_100 : i32 to index
        %get3A_212 = tpu.vector_load %arg6[%get3A_210, %get3A_211] {strides = array<i32>} : memref<6x128xf32, #tpu.memory_space<vmem>>, vector<16xf32>,
        %mul3A_213 = arith.constant 0 : i32
        %mul3A_214 = vector.broadcast %mul3A_213 : i32 to vector<16xi32>
        %mul3A_215 = arith.muli %iota3A, %mul3A_214 : vector<16xi32>
        %add3A_216 = arith.constant 11 : i32
        %add3A_217 = vector.broadcast %add3A_216 : i32 to vector<16xi32>
        %add3A_218 = arith.addi %mul3A_215, %add3A_217 : vector<16xi32>
        %mul3A_219 = arith.mulf %get3A_212, %get3A_175 : vector<16xf32>
        tpu.vector_store_idx %arg9[%add3A_102, %add3A_218], %mul3A_219 : memref<128x32xf32, #tpu.memory_space<vmem>>[vector<16xi32>, vector<16xi32>], vector<16xf32>,
        %get3A_220 = arith.constant 4 : i32
        %get3A_221 = arith.index_cast %get3A_220 : i32 to index
        %get3A_222 = arith.index_cast %mul3A_100 : i32 to index
        %get3A_223 = tpu.vector_load %arg6[%get3A_221, %get3A_222] {strides = array<i32>} : memref<6x128xf32, #tpu.memory_space<vmem>>, vector<16xf32>,
        %mul3A_224 = arith.constant 0 : i32
        %mul3A_225 = vector.broadcast %mul3A_224 : i32 to vector<16xi32>
        %mul3A_226 = arith.muli %iota3A, %mul3A_225 : vector<16xi32>
        %add3A_227 = arith.constant 12 : i32
        %add3A_228 = vector.broadcast %add3A_227 : i32 to vector<16xi32>
        %add3A_229 = arith.addi %mul3A_226, %add3A_228 : vector<16xi32>
        %mul3A_230 = arith.mulf %get3A_223, %get3A_175 : vector<16xf32>
        tpu.vector_store_idx %arg9[%add3A_102, %add3A_229], %mul3A_230 : memref<128x32xf32, #tpu.memory_space<vmem>>[vector<16xi32>, vector<16xi32>], vector<16xf32>,
        %get3A_231 = arith.constant 5 : i32
        %get3A_232 = arith.index_cast %get3A_231 : i32 to index
        %get3A_233 = arith.index_cast %mul3A_100 : i32 to index
        %get3A_234 = tpu.vector_load %arg6[%get3A_232, %get3A_233] {strides = array<i32>} : memref<6x128xf32, #tpu.memory_space<vmem>>, vector<16xf32>,
        %mul3A_235 = arith.constant 0 : i32
        %mul3A_236 = vector.broadcast %mul3A_235 : i32 to vector<16xi32>
        %mul3A_237 = arith.muli %iota3A, %mul3A_236 : vector<16xi32>
        %add3A_238 = arith.constant 13 : i32
        %add3A_239 = vector.broadcast %add3A_238 : i32 to vector<16xi32>
        %add3A_240 = arith.addi %mul3A_237, %add3A_239 : vector<16xi32>
        %mul3A_241 = arith.mulf %get3A_234, %get3A_175 : vector<16xf32>
        tpu.vector_store_idx %arg9[%add3A_102, %add3A_240], %mul3A_241 : memref<128x32xf32, #tpu.memory_space<vmem>>[vector<16xi32>, vector<16xi32>], vector<16xf32>,
        %get3A_242 = arith.constant 2 : i32
        %get3A_243 = arith.index_cast %get3A_242 : i32 to index
        %get3A_244 = arith.index_cast %mul3A_100 : i32 to index
        %get3A_245 = tpu.vector_load %arg7[%get3A_243, %get3A_244] {strides = array<i32>} : memref<4x128xf32, #tpu.memory_space<vmem>>, vector<16xf32>,
        %get3A_246 = arith.constant 0 : i32
        %get3A_247 = arith.index_cast %get3A_246 : i32 to index
        %get3A_248 = arith.index_cast %mul3A_100 : i32 to index
        %get3A_249 = tpu.vector_load %arg6[%get3A_247, %get3A_248] {strides = array<i32>} : memref<6x128xf32, #tpu.memory_space<vmem>>, vector<16xf32>,
        %mul3A_250 = arith.constant 0 : i32
        %mul3A_251 = vector.broadcast %mul3A_250 : i32 to vector<16xi32>
        %mul3A_252 = arith.muli %iota3A, %mul3A_251 : vector<16xi32>
        %add3A_253 = arith.constant 16 : i32
        %add3A_254 = vector.broadcast %add3A_253 : i32 to vector<16xi32>
        %add3A_255 = arith.addi %mul3A_252, %add3A_254 : vector<16xi32>
        %mul3A_256 = arith.mulf %get3A_249, %get3A_245 : vector<16xf32>
        tpu.vector_store_idx %arg9[%add3A_102, %add3A_255], %mul3A_256 : memref<128x32xf32, #tpu.memory_space<vmem>>[vector<16xi32>, vector<16xi32>], vector<16xf32>,
        %get3A_257 = arith.constant 1 : i32
        %get3A_258 = arith.index_cast %get3A_257 : i32 to index
        %get3A_259 = arith.index_cast %mul3A_100 : i32 to index
        %get3A_260 = tpu.vector_load %arg6[%get3A_258, %get3A_259] {strides = array<i32>} : memref<6x128xf32, #tpu.memory_space<vmem>>, vector<16xf32>,
        %mul3A_261 = arith.constant 0 : i32
        %mul3A_262 = vector.broadcast %mul3A_261 : i32 to vector<16xi32>
        %mul3A_263 = arith.muli %iota3A, %mul3A_262 : vector<16xi32>
        %add3A_264 = arith.constant 17 : i32
        %add3A_265 = vector.broadcast %add3A_264 : i32 to vector<16xi32>
        %add3A_266 = arith.addi %mul3A_263, %add3A_265 : vector<16xi32>
        %mul3A_267 = arith.mulf %get3A_260, %get3A_245 : vector<16xf32>
        tpu.vector_store_idx %arg9[%add3A_102, %add3A_266], %mul3A_267 : memref<128x32xf32, #tpu.memory_space<vmem>>[vector<16xi32>, vector<16xi32>], vector<16xf32>,
        %get3A_268 = arith.constant 2 : i32
        %get3A_269 = arith.index_cast %get3A_268 : i32 to index
        %get3A_270 = arith.index_cast %mul3A_100 : i32 to index
        %get3A_271 = tpu.vector_load %arg6[%get3A_269, %get3A_270] {strides = array<i32>} : memref<6x128xf32, #tpu.memory_space<vmem>>, vector<16xf32>,
        %mul3A_272 = arith.constant 0 : i32
        %mul3A_273 = vector.broadcast %mul3A_272 : i32 to vector<16xi32>
        %mul3A_274 = arith.muli %iota3A, %mul3A_273 : vector<16xi32>
        %add3A_275 = arith.constant 18 : i32
        %add3A_276 = vector.broadcast %add3A_275 : i32 to vector<16xi32>
        %add3A_277 = arith.addi %mul3A_274, %add3A_276 : vector<16xi32>
        %mul3A_278 = arith.mulf %get3A_271, %get3A_245 : vector<16xf32>
        tpu.vector_store_idx %arg9[%add3A_102, %add3A_277], %mul3A_278 : memref<128x32xf32, #tpu.memory_space<vmem>>[vector<16xi32>, vector<16xi32>], vector<16xf32>,
        %get3A_279 = arith.constant 3 : i32
        %get3A_280 = arith.index_cast %get3A_279 : i32 to index
        %get3A_281 = arith.index_cast %mul3A_100 : i32 to index
        %get3A_282 = tpu.vector_load %arg6[%get3A_280, %get3A_281] {strides = array<i32>} : memref<6x128xf32, #tpu.memory_space<vmem>>, vector<16xf32>,
        %mul3A_283 = arith.constant 0 : i32
        %mul3A_284 = vector.broadcast %mul3A_283 : i32 to vector<16xi32>
        %mul3A_285 = arith.muli %iota3A, %mul3A_284 : vector<16xi32>
        %add3A_286 = arith.constant 19 : i32
        %add3A_287 = vector.broadcast %add3A_286 : i32 to vector<16xi32>
        %add3A_288 = arith.addi %mul3A_285, %add3A_287 : vector<16xi32>
        %mul3A_289 = arith.mulf %get3A_282, %get3A_245 : vector<16xf32>
        tpu.vector_store_idx %arg9[%add3A_102, %add3A_288], %mul3A_289 : memref<128x32xf32, #tpu.memory_space<vmem>>[vector<16xi32>, vector<16xi32>], vector<16xf32>,
        %get3A_290 = arith.constant 4 : i32
        %get3A_291 = arith.index_cast %get3A_290 : i32 to index
        %get3A_292 = arith.index_cast %mul3A_100 : i32 to index
        %get3A_293 = tpu.vector_load %arg6[%get3A_291, %get3A_292] {strides = array<i32>} : memref<6x128xf32, #tpu.memory_space<vmem>>, vector<16xf32>,
        %mul3A_294 = arith.constant 0 : i32
        %mul3A_295 = vector.broadcast %mul3A_294 : i32 to vector<16xi32>
        %mul3A_296 = arith.muli %iota3A, %mul3A_295 : vector<16xi32>
        %add3A_297 = arith.constant 20 : i32
        %add3A_298 = vector.broadcast %add3A_297 : i32 to vector<16xi32>
        %add3A_299 = arith.addi %mul3A_296, %add3A_298 : vector<16xi32>
        %mul3A_300 = arith.mulf %get3A_293, %get3A_245 : vector<16xf32>
        tpu.vector_store_idx %arg9[%add3A_102, %add3A_299], %mul3A_300 : memref<128x32xf32, #tpu.memory_space<vmem>>[vector<16xi32>, vector<16xi32>], vector<16xf32>,
        %get3A_301 = arith.constant 5 : i32
        %get3A_302 = arith.index_cast %get3A_301 : i32 to index
        %get3A_303 = arith.index_cast %mul3A_100 : i32 to index
        %get3A_304 = tpu.vector_load %arg6[%get3A_302, %get3A_303] {strides = array<i32>} : memref<6x128xf32, #tpu.memory_space<vmem>>, vector<16xf32>,
        %mul3A_305 = arith.constant 0 : i32
        %mul3A_306 = vector.broadcast %mul3A_305 : i32 to vector<16xi32>
        %mul3A_307 = arith.muli %iota3A, %mul3A_306 : vector<16xi32>
        %add3A_308 = arith.constant 21 : i32
        %add3A_309 = vector.broadcast %add3A_308 : i32 to vector<16xi32>
        %add3A_310 = arith.addi %mul3A_307, %add3A_309 : vector<16xi32>
        %mul3A_311 = arith.mulf %get3A_304, %get3A_245 : vector<16xf32>
        tpu.vector_store_idx %arg9[%add3A_102, %add3A_310], %mul3A_311 : memref<128x32xf32, #tpu.memory_space<vmem>>[vector<16xi32>, vector<16xi32>], vector<16xf32>,
        %get3A_312 = arith.constant 3 : i32
        %get3A_313 = arith.index_cast %get3A_312 : i32 to index
        %get3A_314 = arith.index_cast %mul3A_100 : i32 to index
        %get3A_315 = tpu.vector_load %arg7[%get3A_313, %get3A_314] {strides = array<i32>} : memref<4x128xf32, #tpu.memory_space<vmem>>, vector<16xf32>,
        %get3A_316 = arith.constant 0 : i32
        %get3A_317 = arith.index_cast %get3A_316 : i32 to index
        %get3A_318 = arith.index_cast %mul3A_100 : i32 to index
        %get3A_319 = tpu.vector_load %arg6[%get3A_317, %get3A_318] {strides = array<i32>} : memref<6x128xf32, #tpu.memory_space<vmem>>, vector<16xf32>,
        %mul3A_320 = arith.constant 0 : i32
        %mul3A_321 = vector.broadcast %mul3A_320 : i32 to vector<16xi32>
        %mul3A_322 = arith.muli %iota3A, %mul3A_321 : vector<16xi32>
        %add3A_323 = arith.constant 24 : i32
        %add3A_324 = vector.broadcast %add3A_323 : i32 to vector<16xi32>
        %add3A_325 = arith.addi %mul3A_322, %add3A_324 : vector<16xi32>
        %mul3A_326 = arith.mulf %get3A_319, %get3A_315 : vector<16xf32>
        tpu.vector_store_idx %arg9[%add3A_102, %add3A_325], %mul3A_326 : memref<128x32xf32, #tpu.memory_space<vmem>>[vector<16xi32>, vector<16xi32>], vector<16xf32>,
        %get3A_327 = arith.constant 1 : i32
        %get3A_328 = arith.index_cast %get3A_327 : i32 to index
        %get3A_329 = arith.index_cast %mul3A_100 : i32 to index
        %get3A_330 = tpu.vector_load %arg6[%get3A_328, %get3A_329] {strides = array<i32>} : memref<6x128xf32, #tpu.memory_space<vmem>>, vector<16xf32>,
        %mul3A_331 = arith.constant 0 : i32
        %mul3A_332 = vector.broadcast %mul3A_331 : i32 to vector<16xi32>
        %mul3A_333 = arith.muli %iota3A, %mul3A_332 : vector<16xi32>
        %add3A_334 = arith.constant 25 : i32
        %add3A_335 = vector.broadcast %add3A_334 : i32 to vector<16xi32>
        %add3A_336 = arith.addi %mul3A_333, %add3A_335 : vector<16xi32>
        %mul3A_337 = arith.mulf %get3A_330, %get3A_315 : vector<16xf32>
        tpu.vector_store_idx %arg9[%add3A_102, %add3A_336], %mul3A_337 : memref<128x32xf32, #tpu.memory_space<vmem>>[vector<16xi32>, vector<16xi32>], vector<16xf32>,
        %get3A_338 = arith.constant 2 : i32
        %get3A_339 = arith.index_cast %get3A_338 : i32 to index
        %get3A_340 = arith.index_cast %mul3A_100 : i32 to index
        %get3A_341 = tpu.vector_load %arg6[%get3A_339, %get3A_340] {strides = array<i32>} : memref<6x128xf32, #tpu.memory_space<vmem>>, vector<16xf32>,
        %mul3A_342 = arith.constant 0 : i32
        %mul3A_343 = vector.broadcast %mul3A_342 : i32 to vector<16xi32>
        %mul3A_344 = arith.muli %iota3A, %mul3A_343 : vector<16xi32>
        %add3A_345 = arith.constant 26 : i32
        %add3A_346 = vector.broadcast %add3A_345 : i32 to vector<16xi32>
        %add3A_347 = arith.addi %mul3A_344, %add3A_346 : vector<16xi32>
        %mul3A_348 = arith.mulf %get3A_341, %get3A_315 : vector<16xf32>
        tpu.vector_store_idx %arg9[%add3A_102, %add3A_347], %mul3A_348 : memref<128x32xf32, #tpu.memory_space<vmem>>[vector<16xi32>, vector<16xi32>], vector<16xf32>,
        %get3A_349 = arith.constant 3 : i32
        %get3A_350 = arith.index_cast %get3A_349 : i32 to index
        %get3A_351 = arith.index_cast %mul3A_100 : i32 to index
        %get3A_352 = tpu.vector_load %arg6[%get3A_350, %get3A_351] {strides = array<i32>} : memref<6x128xf32, #tpu.memory_space<vmem>>, vector<16xf32>,
        %mul3A_353 = arith.constant 0 : i32
        %mul3A_354 = vector.broadcast %mul3A_353 : i32 to vector<16xi32>
        %mul3A_355 = arith.muli %iota3A, %mul3A_354 : vector<16xi32>
        %add3A_356 = arith.constant 27 : i32
        %add3A_357 = vector.broadcast %add3A_356 : i32 to vector<16xi32>
        %add3A_358 = arith.addi %mul3A_355, %add3A_357 : vector<16xi32>
        %mul3A_359 = arith.mulf %get3A_352, %get3A_315 : vector<16xf32>
        tpu.vector_store_idx %arg9[%add3A_102, %add3A_358], %mul3A_359 : memref<128x32xf32, #tpu.memory_space<vmem>>[vector<16xi32>, vector<16xi32>], vector<16xf32>,
        %get3A_360 = arith.constant 4 : i32
        %get3A_361 = arith.index_cast %get3A_360 : i32 to index
        %get3A_362 = arith.index_cast %mul3A_100 : i32 to index
        %get3A_363 = tpu.vector_load %arg6[%get3A_361, %get3A_362] {strides = array<i32>} : memref<6x128xf32, #tpu.memory_space<vmem>>, vector<16xf32>,
        %mul3A_364 = arith.constant 0 : i32
        %mul3A_365 = vector.broadcast %mul3A_364 : i32 to vector<16xi32>
        %mul3A_366 = arith.muli %iota3A, %mul3A_365 : vector<16xi32>
        %add3A_367 = arith.constant 28 : i32
        %add3A_368 = vector.broadcast %add3A_367 : i32 to vector<16xi32>
        %add3A_369 = arith.addi %mul3A_366, %add3A_368 : vector<16xi32>
        %mul3A_370 = arith.mulf %get3A_363, %get3A_315 : vector<16xf32>
        tpu.vector_store_idx %arg9[%add3A_102, %add3A_369], %mul3A_370 : memref<128x32xf32, #tpu.memory_space<vmem>>[vector<16xi32>, vector<16xi32>], vector<16xf32>,
        %get3A_371 = arith.constant 5 : i32
        %get3A_372 = arith.index_cast %get3A_371 : i32 to index
        %get3A_373 = arith.index_cast %mul3A_100 : i32 to index
        %get3A_374 = tpu.vector_load %arg6[%get3A_372, %get3A_373] {strides = array<i32>} : memref<6x128xf32, #tpu.memory_space<vmem>>, vector<16xf32>,
        %mul3A_375 = arith.constant 0 : i32
        %mul3A_376 = vector.broadcast %mul3A_375 : i32 to vector<16xi32>
        %mul3A_377 = arith.muli %iota3A, %mul3A_376 : vector<16xi32>
        %add3A_378 = arith.constant 29 : i32
        %add3A_379 = vector.broadcast %add3A_378 : i32 to vector<16xi32>
        %add3A_380 = arith.addi %mul3A_377, %add3A_379 : vector<16xi32>
        %mul3A_381 = arith.mulf %get3A_374, %get3A_315 : vector<16xf32>
        tpu.vector_store_idx %arg9[%add3A_102, %add3A_380], %mul3A_381 : memref<128x32xf32, #tpu.memory_space<vmem>>[vector<16xi32>, vector<16xi32>], vector<16xf32>,
        %scan3A_382 = arith.constant 0 : i32
        scf.yield %scan3A_382 : i32
      }
      %scan3A_95 = arith.constant 8 : i32
      "tpu.region"() ({
        %run_scoped3A = tpu.sem_alloc : memref<!tpu.dma_semaphore, #tpu.memory_space<semaphore_mem>>
        %dma_start3A = arith.constant 0 : i32
        %dma_start3A_97 = arith.constant 0 : i32
        %dma_start3A_98 = tpu.memref_slice %arg12[%dma_start3A, %dma_start3A_97] : memref<40064x32xf32, #tpu.memory_space<vmem_shared>> -> memref<40064x32xf32, #tpu.memory_space<vmem_shared>>
        tpu.enqueue_indirect_dma source(%arg9 : memref<128x32xf32, #tpu.memory_space<vmem>>) target(%dma_start3A_98 : memref<40064x32xf32, #tpu.memory_space<vmem_shared>>) offsets(%arg8 : memref<128xi32, #tpu.memory_space<vmem>>) semaphore(%run_scoped3A : memref<!tpu.dma_semaphore, #tpu.memory_space<semaphore_mem>>) {add = true}
        %dma_wait3A = arith.constant 0 : i32
        %dma_wait3A_99 = arith.constant 0 : i32
        %dma_wait3A_100 = tpu.memref_slice %arg12[%dma_wait3A, %dma_wait3A_99] : memref<40064x32xf32, #tpu.memory_space<vmem_shared>> -> memref<40064x32xf32, #tpu.memory_space<vmem_shared>>
        tpu.wait_indirect_dma semaphore(%run_scoped3A : memref<!tpu.dma_semaphore, #tpu.memory_space<semaphore_mem>>) src(%arg9 : memref<128x32xf32, #tpu.memory_space<vmem>>) dst(%dma_wait3A_100 : memref<40064x32xf32, #tpu.memory_space<vmem_shared>>)
        tpu.yield
      }) : () -> ()
      %while3A_96 = arith.constant 0 : i32
      scf.yield %while3A_96 : i32
    }
    %while3A_70 = arith.constant 1 : i32
    %while3A_71 = scf.for %while3A_81 = %while3A_67 to %while3A_63 step %while3A_70 iter_args(%while3A_82 = %while3A_69) -> (i32)  : i32 {
      %mul3A_83 = arith.constant 16 : i32
      %mul3A_84 = arith.muli %while3A_81, %mul3A_83 : i32
      %add3A_85 = arith.addi %mul3A_84, %arg1 : i32
      "tpu.region"() ({
        %run_scoped3A = tpu.sem_alloc : memref<!tpu.dma_semaphore, #tpu.memory_space<semaphore_mem>>
        %dma_start3A = arith.constant 0 : i32
        %dma_start3A_97 = arith.constant 0 : i32
        %dma_start3A_98 = tpu.memref_slice %arg2[%add3A_85, %dma_start3A, %dma_start3A_97] : memref<2500x6x128xf32, #tpu.memory_space<hbm>> -> memref<1x6x128xf32, #tpu.memory_space<hbm>>
        %dma_start3A_99 = tpu.memref_squeeze %dma_start3A_98 : memref<1x6x128xf32, #tpu.memory_space<hbm>> -> memref<6x128xf32, #tpu.memory_space<hbm>>
        %dma_start3A_100 = arith.constant 0 : i32
        %dma_start3A_101 = arith.constant 0 : i32
        %dma_start3A_102 = tpu.memref_slice %arg2[%add3A_85, %dma_start3A_100, %dma_start3A_101] : memref<2500x6x128xf32, #tpu.memory_space<hbm>> -> memref<1x6x128xf32, #tpu.memory_space<hbm>>
        %dma_start3A_103 = tpu.memref_squeeze %dma_start3A_102 : memref<1x6x128xf32, #tpu.memory_space<hbm>> -> memref<6x128xf32, #tpu.memory_space<hbm>>
        tpu.enqueue_dma source(%dma_start3A_103 : memref<6x128xf32, #tpu.memory_space<hbm>>) target(%arg6 : memref<6x128xf32, #tpu.memory_space<vmem>>) target_semaphore(%run_scoped3A : memref<!tpu.dma_semaphore, #tpu.memory_space<semaphore_mem>>)
        %dma_wait3A = arith.constant 0 : i32
        %dma_wait3A_104 = arith.constant 0 : i32
        %dma_wait3A_105 = tpu.memref_slice %arg2[%add3A_85, %dma_wait3A, %dma_wait3A_104] : memref<2500x6x128xf32, #tpu.memory_space<hbm>> -> memref<1x6x128xf32, #tpu.memory_space<hbm>>
        %dma_wait3A_106 = tpu.memref_squeeze %dma_wait3A_105 : memref<1x6x128xf32, #tpu.memory_space<hbm>> -> memref<6x128xf32, #tpu.memory_space<hbm>>
        %dma_wait3A_107 = arith.constant 0 : i32
        %dma_wait3A_108 = arith.constant 0 : i32
        %dma_wait3A_109 = tpu.memref_slice %arg2[%add3A_85, %dma_wait3A_107, %dma_wait3A_108] : memref<2500x6x128xf32, #tpu.memory_space<hbm>> -> memref<1x6x128xf32, #tpu.memory_space<hbm>>
        %dma_wait3A_110 = tpu.memref_squeeze %dma_wait3A_109 : memref<1x6x128xf32, #tpu.memory_space<hbm>> -> memref<6x128xf32, #tpu.memory_space<hbm>>
        tpu.wait_dma2 semaphore(%run_scoped3A : memref<!tpu.dma_semaphore, #tpu.memory_space<semaphore_mem>>) src(%dma_wait3A_110 : memref<6x128xf32, #tpu.memory_space<hbm>>) dst(%arg6 : memref<6x128xf32, #tpu.memory_space<vmem>>)
        tpu.yield
      }) : () -> ()
      "tpu.region"() ({
        %run_scoped3A = tpu.sem_alloc : memref<!tpu.dma_semaphore, #tpu.memory_space<semaphore_mem>>
        %dma_start3A = arith.constant 0 : i32
        %dma_start3A_97 = tpu.memref_slice %arg3[%add3A_85, %multiple_of3A_59, %dma_start3A] : memref<2500x16x128xf32, #tpu.memory_space<hbm>> -> memref<1x4x128xf32, #tpu.memory_space<hbm>>
        %dma_start3A_98 = tpu.memref_squeeze %dma_start3A_97 : memref<1x4x128xf32, #tpu.memory_space<hbm>> -> memref<4x128xf32, #tpu.memory_space<hbm>>
        %dma_start3A_99 = arith.constant 0 : i32
        %dma_start3A_100 = tpu.memref_slice %arg3[%add3A_85, %multiple_of3A_59, %dma_start3A_99] : memref<2500x16x128xf32, #tpu.memory_space<hbm>> -> memref<1x4x128xf32, #tpu.memory_space<hbm>>
        %dma_start3A_101 = tpu.memref_squeeze %dma_start3A_100 : memref<1x4x128xf32, #tpu.memory_space<hbm>> -> memref<4x128xf32, #tpu.memory_space<hbm>>
        tpu.enqueue_dma source(%dma_start3A_101 : memref<4x128xf32, #tpu.memory_space<hbm>>) target(%arg7 : memref<4x128xf32, #tpu.memory_space<vmem>>) target_semaphore(%run_scoped3A : memref<!tpu.dma_semaphore, #tpu.memory_space<semaphore_mem>>)
        %dma_wait3A = arith.constant 0 : i32
        %dma_wait3A_102 = tpu.memref_slice %arg3[%add3A_85, %multiple_of3A_59, %dma_wait3A] : memref<2500x16x128xf32, #tpu.memory_space<hbm>> -> memref<1x4x128xf32, #tpu.memory_space<hbm>>
        %dma_wait3A_103 = tpu.memref_squeeze %dma_wait3A_102 : memref<1x4x128xf32, #tpu.memory_space<hbm>> -> memref<4x128xf32, #tpu.memory_space<hbm>>
        %dma_wait3A_104 = arith.constant 0 : i32
        %dma_wait3A_105 = tpu.memref_slice %arg3[%add3A_85, %multiple_of3A_59, %dma_wait3A_104] : memref<2500x16x128xf32, #tpu.memory_space<hbm>> -> memref<1x4x128xf32, #tpu.memory_space<hbm>>
        %dma_wait3A_106 = tpu.memref_squeeze %dma_wait3A_105 : memref<1x4x128xf32, #tpu.memory_space<hbm>> -> memref<4x128xf32, #tpu.memory_space<hbm>>
        tpu.wait_dma2 semaphore(%run_scoped3A : memref<!tpu.dma_semaphore, #tpu.memory_space<semaphore_mem>>) src(%dma_wait3A_106 : memref<4x128xf32, #tpu.memory_space<hbm>>) dst(%arg7 : memref<4x128xf32, #tpu.memory_space<vmem>>)
        tpu.yield
      }) : () -> ()
      %mul3A_86 = arith.constant 128 : i32
      %mul3A_87 = arith.muli %add3A_85, %mul3A_86 : i32
      %multiple_of3A_88 = tpu.assume_multiple %mul3A_87, 8 : i32
      "tpu.region"() ({
        %run_scoped3A = tpu.sem_alloc : memref<!tpu.dma_semaphore, #tpu.memory_space<semaphore_mem>>
        %dma_start3A = tpu.memref_slice %arg4[%multiple_of3A_88] : memref<320000xi32, #tpu.memory_space<hbm>> -> memref<128xi32, #tpu.memory_space<hbm>>
        %dma_start3A_97 = tpu.memref_slice %arg4[%multiple_of3A_88] : memref<320000xi32, #tpu.memory_space<hbm>> -> memref<128xi32, #tpu.memory_space<hbm>>
        tpu.enqueue_dma source(%dma_start3A_97 : memref<128xi32, #tpu.memory_space<hbm>>) target(%arg8 : memref<128xi32, #tpu.memory_space<vmem>>) target_semaphore(%run_scoped3A : memref<!tpu.dma_semaphore, #tpu.memory_space<semaphore_mem>>)
        %dma_wait3A = tpu.memref_slice %arg4[%multiple_of3A_88] : memref<320000xi32, #tpu.memory_space<hbm>> -> memref<128xi32, #tpu.memory_space<hbm>>
        %dma_wait3A_98 = tpu.memref_slice %arg4[%multiple_of3A_88] : memref<320000xi32, #tpu.memory_space<hbm>> -> memref<128xi32, #tpu.memory_space<hbm>>
        tpu.wait_dma2 semaphore(%run_scoped3A : memref<!tpu.dma_semaphore, #tpu.memory_space<semaphore_mem>>) src(%dma_wait3A_98 : memref<128xi32, #tpu.memory_space<hbm>>) dst(%arg8 : memref<128xi32, #tpu.memory_space<vmem>>)
        tpu.yield
      }) : () -> ()
      %scan3A_89 = arith.constant 0 : i32
      %scan3A_90 = arith.constant 0 : i32
      %scan3A_91 = arith.constant 8 : i32
      %scan3A_92 = arith.addi %scan3A_90, %scan3A_91 : i32
      %scan3A_93 = arith.constant 1 : i32
      %scan3A_94 = scf.for %scan3A_97 = %scan3A_90 to %scan3A_92 step %scan3A_93 iter_args(%scan3A_98 = %scan3A_89) -> (i32)  : i32 {
        %mul3A_99 = arith.constant 16 : i32
        %mul3A_100 = arith.muli %scan3A_97, %mul3A_99 : i32
        %add3A_101 = vector.broadcast %mul3A_100 : i32 to vector<16xi32>
        %add3A_102 = arith.addi %iota3A, %add3A_101 : vector<16xi32>
        %get3A = arith.constant 0 : i32
        %get3A_103 = arith.index_cast %get3A : i32 to index
        %get3A_104 = arith.index_cast %mul3A_100 : i32 to index
        %get3A_105 = tpu.vector_load %arg7[%get3A_103, %get3A_104] {strides = array<i32>} : memref<4x128xf32, #tpu.memory_space<vmem>>, vector<16xf32>,
        %get3A_106 = arith.constant 0 : i32
        %get3A_107 = arith.index_cast %get3A_106 : i32 to index
        %get3A_108 = arith.index_cast %mul3A_100 : i32 to index
        %get3A_109 = tpu.vector_load %arg6[%get3A_107, %get3A_108] {strides = array<i32>} : memref<6x128xf32, #tpu.memory_space<vmem>>, vector<16xf32>,
        %mul3A_110 = arith.constant 0 : i32
        %mul3A_111 = vector.broadcast %mul3A_110 : i32 to vector<16xi32>
        %mul3A_112 = arith.muli %iota3A, %mul3A_111 : vector<16xi32>
        %add3A_113 = arith.constant 0 : i32
        %add3A_114 = vector.broadcast %add3A_113 : i32 to vector<16xi32>
        %add3A_115 = arith.addi %mul3A_112, %add3A_114 : vector<16xi32>
        %mul3A_116 = arith.mulf %get3A_109, %get3A_105 : vector<16xf32>
        tpu.vector_store_idx %arg9[%add3A_102, %add3A_115], %mul3A_116 : memref<128x32xf32, #tpu.memory_space<vmem>>[vector<16xi32>, vector<16xi32>], vector<16xf32>,
        %get3A_117 = arith.constant 1 : i32
        %get3A_118 = arith.index_cast %get3A_117 : i32 to index
        %get3A_119 = arith.index_cast %mul3A_100 : i32 to index
        %get3A_120 = tpu.vector_load %arg6[%get3A_118, %get3A_119] {strides = array<i32>} : memref<6x128xf32, #tpu.memory_space<vmem>>, vector<16xf32>,
        %mul3A_121 = arith.constant 0 : i32
        %mul3A_122 = vector.broadcast %mul3A_121 : i32 to vector<16xi32>
        %mul3A_123 = arith.muli %iota3A, %mul3A_122 : vector<16xi32>
        %add3A_124 = arith.constant 1 : i32
        %add3A_125 = vector.broadcast %add3A_124 : i32 to vector<16xi32>
        %add3A_126 = arith.addi %mul3A_123, %add3A_125 : vector<16xi32>
        %mul3A_127 = arith.mulf %get3A_120, %get3A_105 : vector<16xf32>
        tpu.vector_store_idx %arg9[%add3A_102, %add3A_126], %mul3A_127 : memref<128x32xf32, #tpu.memory_space<vmem>>[vector<16xi32>, vector<16xi32>], vector<16xf32>,
        %get3A_128 = arith.constant 2 : i32
        %get3A_129 = arith.index_cast %get3A_128 : i32 to index
        %get3A_130 = arith.index_cast %mul3A_100 : i32 to index
        %get3A_131 = tpu.vector_load %arg6[%get3A_129, %get3A_130] {strides = array<i32>} : memref<6x128xf32, #tpu.memory_space<vmem>>, vector<16xf32>,
        %mul3A_132 = arith.constant 0 : i32
        %mul3A_133 = vector.broadcast %mul3A_132 : i32 to vector<16xi32>
        %mul3A_134 = arith.muli %iota3A, %mul3A_133 : vector<16xi32>
        %add3A_135 = arith.constant 2 : i32
        %add3A_136 = vector.broadcast %add3A_135 : i32 to vector<16xi32>
        %add3A_137 = arith.addi %mul3A_134, %add3A_136 : vector<16xi32>
        %mul3A_138 = arith.mulf %get3A_131, %get3A_105 : vector<16xf32>
        tpu.vector_store_idx %arg9[%add3A_102, %add3A_137], %mul3A_138 : memref<128x32xf32, #tpu.memory_space<vmem>>[vector<16xi32>, vector<16xi32>], vector<16xf32>,
        %get3A_139 = arith.constant 3 : i32
        %get3A_140 = arith.index_cast %get3A_139 : i32 to index
        %get3A_141 = arith.index_cast %mul3A_100 : i32 to index
        %get3A_142 = tpu.vector_load %arg6[%get3A_140, %get3A_141] {strides = array<i32>} : memref<6x128xf32, #tpu.memory_space<vmem>>, vector<16xf32>,
        %mul3A_143 = arith.constant 0 : i32
        %mul3A_144 = vector.broadcast %mul3A_143 : i32 to vector<16xi32>
        %mul3A_145 = arith.muli %iota3A, %mul3A_144 : vector<16xi32>
        %add3A_146 = arith.constant 3 : i32
        %add3A_147 = vector.broadcast %add3A_146 : i32 to vector<16xi32>
        %add3A_148 = arith.addi %mul3A_145, %add3A_147 : vector<16xi32>
        %mul3A_149 = arith.mulf %get3A_142, %get3A_105 : vector<16xf32>
        tpu.vector_store_idx %arg9[%add3A_102, %add3A_148], %mul3A_149 : memref<128x32xf32, #tpu.memory_space<vmem>>[vector<16xi32>, vector<16xi32>], vector<16xf32>,
        %get3A_150 = arith.constant 4 : i32
        %get3A_151 = arith.index_cast %get3A_150 : i32 to index
        %get3A_152 = arith.index_cast %mul3A_100 : i32 to index
        %get3A_153 = tpu.vector_load %arg6[%get3A_151, %get3A_152] {strides = array<i32>} : memref<6x128xf32, #tpu.memory_space<vmem>>, vector<16xf32>,
        %mul3A_154 = arith.constant 0 : i32
        %mul3A_155 = vector.broadcast %mul3A_154 : i32 to vector<16xi32>
        %mul3A_156 = arith.muli %iota3A, %mul3A_155 : vector<16xi32>
        %add3A_157 = arith.constant 4 : i32
        %add3A_158 = vector.broadcast %add3A_157 : i32 to vector<16xi32>
        %add3A_159 = arith.addi %mul3A_156, %add3A_158 : vector<16xi32>
        %mul3A_160 = arith.mulf %get3A_153, %get3A_105 : vector<16xf32>
        tpu.vector_store_idx %arg9[%add3A_102, %add3A_159], %mul3A_160 : memref<128x32xf32, #tpu.memory_space<vmem>>[vector<16xi32>, vector<16xi32>], vector<16xf32>,
        %get3A_161 = arith.constant 5 : i32
        %get3A_162 = arith.index_cast %get3A_161 : i32 to index
        %get3A_163 = arith.index_cast %mul3A_100 : i32 to index
        %get3A_164 = tpu.vector_load %arg6[%get3A_162, %get3A_163] {strides = array<i32>} : memref<6x128xf32, #tpu.memory_space<vmem>>, vector<16xf32>,
        %mul3A_165 = arith.constant 0 : i32
        %mul3A_166 = vector.broadcast %mul3A_165 : i32 to vector<16xi32>
        %mul3A_167 = arith.muli %iota3A, %mul3A_166 : vector<16xi32>
        %add3A_168 = arith.constant 5 : i32
        %add3A_169 = vector.broadcast %add3A_168 : i32 to vector<16xi32>
        %add3A_170 = arith.addi %mul3A_167, %add3A_169 : vector<16xi32>
        %mul3A_171 = arith.mulf %get3A_164, %get3A_105 : vector<16xf32>
        tpu.vector_store_idx %arg9[%add3A_102, %add3A_170], %mul3A_171 : memref<128x32xf32, #tpu.memory_space<vmem>>[vector<16xi32>, vector<16xi32>], vector<16xf32>,
        %get3A_172 = arith.constant 1 : i32
        %get3A_173 = arith.index_cast %get3A_172 : i32 to index
        %get3A_174 = arith.index_cast %mul3A_100 : i32 to index
        %get3A_175 = tpu.vector_load %arg7[%get3A_173, %get3A_174] {strides = array<i32>} : memref<4x128xf32, #tpu.memory_space<vmem>>, vector<16xf32>,
        %get3A_176 = arith.constant 0 : i32
        %get3A_177 = arith.index_cast %get3A_176 : i32 to index
        %get3A_178 = arith.index_cast %mul3A_100 : i32 to index
        %get3A_179 = tpu.vector_load %arg6[%get3A_177, %get3A_178] {strides = array<i32>} : memref<6x128xf32, #tpu.memory_space<vmem>>, vector<16xf32>,
        %mul3A_180 = arith.constant 0 : i32
        %mul3A_181 = vector.broadcast %mul3A_180 : i32 to vector<16xi32>
        %mul3A_182 = arith.muli %iota3A, %mul3A_181 : vector<16xi32>
        %add3A_183 = arith.constant 8 : i32
        %add3A_184 = vector.broadcast %add3A_183 : i32 to vector<16xi32>
        %add3A_185 = arith.addi %mul3A_182, %add3A_184 : vector<16xi32>
        %mul3A_186 = arith.mulf %get3A_179, %get3A_175 : vector<16xf32>
        tpu.vector_store_idx %arg9[%add3A_102, %add3A_185], %mul3A_186 : memref<128x32xf32, #tpu.memory_space<vmem>>[vector<16xi32>, vector<16xi32>], vector<16xf32>,
        %get3A_187 = arith.constant 1 : i32
        %get3A_188 = arith.index_cast %get3A_187 : i32 to index
        %get3A_189 = arith.index_cast %mul3A_100 : i32 to index
        %get3A_190 = tpu.vector_load %arg6[%get3A_188, %get3A_189] {strides = array<i32>} : memref<6x128xf32, #tpu.memory_space<vmem>>, vector<16xf32>,
        %mul3A_191 = arith.constant 0 : i32
        %mul3A_192 = vector.broadcast %mul3A_191 : i32 to vector<16xi32>
        %mul3A_193 = arith.muli %iota3A, %mul3A_192 : vector<16xi32>
        %add3A_194 = arith.constant 9 : i32
        %add3A_195 = vector.broadcast %add3A_194 : i32 to vector<16xi32>
        %add3A_196 = arith.addi %mul3A_193, %add3A_195 : vector<16xi32>
        %mul3A_197 = arith.mulf %get3A_190, %get3A_175 : vector<16xf32>
        tpu.vector_store_idx %arg9[%add3A_102, %add3A_196], %mul3A_197 : memref<128x32xf32, #tpu.memory_space<vmem>>[vector<16xi32>, vector<16xi32>], vector<16xf32>,
        %get3A_198 = arith.constant 2 : i32
        %get3A_199 = arith.index_cast %get3A_198 : i32 to index
        %get3A_200 = arith.index_cast %mul3A_100 : i32 to index
        %get3A_201 = tpu.vector_load %arg6[%get3A_199, %get3A_200] {strides = array<i32>} : memref<6x128xf32, #tpu.memory_space<vmem>>, vector<16xf32>,
        %mul3A_202 = arith.constant 0 : i32
        %mul3A_203 = vector.broadcast %mul3A_202 : i32 to vector<16xi32>
        %mul3A_204 = arith.muli %iota3A, %mul3A_203 : vector<16xi32>
        %add3A_205 = arith.constant 10 : i32
        %add3A_206 = vector.broadcast %add3A_205 : i32 to vector<16xi32>
        %add3A_207 = arith.addi %mul3A_204, %add3A_206 : vector<16xi32>
        %mul3A_208 = arith.mulf %get3A_201, %get3A_175 : vector<16xf32>
        tpu.vector_store_idx %arg9[%add3A_102, %add3A_207], %mul3A_208 : memref<128x32xf32, #tpu.memory_space<vmem>>[vector<16xi32>, vector<16xi32>], vector<16xf32>,
        %get3A_209 = arith.constant 3 : i32
        %get3A_210 = arith.index_cast %get3A_209 : i32 to index
        %get3A_211 = arith.index_cast %mul3A_100 : i32 to index
        %get3A_212 = tpu.vector_load %arg6[%get3A_210, %get3A_211] {strides = array<i32>} : memref<6x128xf32, #tpu.memory_space<vmem>>, vector<16xf32>,
        %mul3A_213 = arith.constant 0 : i32
        %mul3A_214 = vector.broadcast %mul3A_213 : i32 to vector<16xi32>
        %mul3A_215 = arith.muli %iota3A, %mul3A_214 : vector<16xi32>
        %add3A_216 = arith.constant 11 : i32
        %add3A_217 = vector.broadcast %add3A_216 : i32 to vector<16xi32>
        %add3A_218 = arith.addi %mul3A_215, %add3A_217 : vector<16xi32>
        %mul3A_219 = arith.mulf %get3A_212, %get3A_175 : vector<16xf32>
        tpu.vector_store_idx %arg9[%add3A_102, %add3A_218], %mul3A_219 : memref<128x32xf32, #tpu.memory_space<vmem>>[vector<16xi32>, vector<16xi32>], vector<16xf32>,
        %get3A_220 = arith.constant 4 : i32
        %get3A_221 = arith.index_cast %get3A_220 : i32 to index
        %get3A_222 = arith.index_cast %mul3A_100 : i32 to index
        %get3A_223 = tpu.vector_load %arg6[%get3A_221, %get3A_222] {strides = array<i32>} : memref<6x128xf32, #tpu.memory_space<vmem>>, vector<16xf32>,
        %mul3A_224 = arith.constant 0 : i32
        %mul3A_225 = vector.broadcast %mul3A_224 : i32 to vector<16xi32>
        %mul3A_226 = arith.muli %iota3A, %mul3A_225 : vector<16xi32>
        %add3A_227 = arith.constant 12 : i32
        %add3A_228 = vector.broadcast %add3A_227 : i32 to vector<16xi32>
        %add3A_229 = arith.addi %mul3A_226, %add3A_228 : vector<16xi32>
        %mul3A_230 = arith.mulf %get3A_223, %get3A_175 : vector<16xf32>
        tpu.vector_store_idx %arg9[%add3A_102, %add3A_229], %mul3A_230 : memref<128x32xf32, #tpu.memory_space<vmem>>[vector<16xi32>, vector<16xi32>], vector<16xf32>,
        %get3A_231 = arith.constant 5 : i32
        %get3A_232 = arith.index_cast %get3A_231 : i32 to index
        %get3A_233 = arith.index_cast %mul3A_100 : i32 to index
        %get3A_234 = tpu.vector_load %arg6[%get3A_232, %get3A_233] {strides = array<i32>} : memref<6x128xf32, #tpu.memory_space<vmem>>, vector<16xf32>,
        %mul3A_235 = arith.constant 0 : i32
        %mul3A_236 = vector.broadcast %mul3A_235 : i32 to vector<16xi32>
        %mul3A_237 = arith.muli %iota3A, %mul3A_236 : vector<16xi32>
        %add3A_238 = arith.constant 13 : i32
        %add3A_239 = vector.broadcast %add3A_238 : i32 to vector<16xi32>
        %add3A_240 = arith.addi %mul3A_237, %add3A_239 : vector<16xi32>
        %mul3A_241 = arith.mulf %get3A_234, %get3A_175 : vector<16xf32>
        tpu.vector_store_idx %arg9[%add3A_102, %add3A_240], %mul3A_241 : memref<128x32xf32, #tpu.memory_space<vmem>>[vector<16xi32>, vector<16xi32>], vector<16xf32>,
        %get3A_242 = arith.constant 2 : i32
        %get3A_243 = arith.index_cast %get3A_242 : i32 to index
        %get3A_244 = arith.index_cast %mul3A_100 : i32 to index
        %get3A_245 = tpu.vector_load %arg7[%get3A_243, %get3A_244] {strides = array<i32>} : memref<4x128xf32, #tpu.memory_space<vmem>>, vector<16xf32>,
        %get3A_246 = arith.constant 0 : i32
        %get3A_247 = arith.index_cast %get3A_246 : i32 to index
        %get3A_248 = arith.index_cast %mul3A_100 : i32 to index
        %get3A_249 = tpu.vector_load %arg6[%get3A_247, %get3A_248] {strides = array<i32>} : memref<6x128xf32, #tpu.memory_space<vmem>>, vector<16xf32>,
        %mul3A_250 = arith.constant 0 : i32
        %mul3A_251 = vector.broadcast %mul3A_250 : i32 to vector<16xi32>
        %mul3A_252 = arith.muli %iota3A, %mul3A_251 : vector<16xi32>
        %add3A_253 = arith.constant 16 : i32
        %add3A_254 = vector.broadcast %add3A_253 : i32 to vector<16xi32>
        %add3A_255 = arith.addi %mul3A_252, %add3A_254 : vector<16xi32>
        %mul3A_256 = arith.mulf %get3A_249, %get3A_245 : vector<16xf32>
        tpu.vector_store_idx %arg9[%add3A_102, %add3A_255], %mul3A_256 : memref<128x32xf32, #tpu.memory_space<vmem>>[vector<16xi32>, vector<16xi32>], vector<16xf32>,
        %get3A_257 = arith.constant 1 : i32
        %get3A_258 = arith.index_cast %get3A_257 : i32 to index
        %get3A_259 = arith.index_cast %mul3A_100 : i32 to index
        %get3A_260 = tpu.vector_load %arg6[%get3A_258, %get3A_259] {strides = array<i32>} : memref<6x128xf32, #tpu.memory_space<vmem>>, vector<16xf32>,
        %mul3A_261 = arith.constant 0 : i32
        %mul3A_262 = vector.broadcast %mul3A_261 : i32 to vector<16xi32>
        %mul3A_263 = arith.muli %iota3A, %mul3A_262 : vector<16xi32>
        %add3A_264 = arith.constant 17 : i32
        %add3A_265 = vector.broadcast %add3A_264 : i32 to vector<16xi32>
        %add3A_266 = arith.addi %mul3A_263, %add3A_265 : vector<16xi32>
        %mul3A_267 = arith.mulf %get3A_260, %get3A_245 : vector<16xf32>
        tpu.vector_store_idx %arg9[%add3A_102, %add3A_266], %mul3A_267 : memref<128x32xf32, #tpu.memory_space<vmem>>[vector<16xi32>, vector<16xi32>], vector<16xf32>,
        %get3A_268 = arith.constant 2 : i32
        %get3A_269 = arith.index_cast %get3A_268 : i32 to index
        %get3A_270 = arith.index_cast %mul3A_100 : i32 to index
        %get3A_271 = tpu.vector_load %arg6[%get3A_269, %get3A_270] {strides = array<i32>} : memref<6x128xf32, #tpu.memory_space<vmem>>, vector<16xf32>,
        %mul3A_272 = arith.constant 0 : i32
        %mul3A_273 = vector.broadcast %mul3A_272 : i32 to vector<16xi32>
        %mul3A_274 = arith.muli %iota3A, %mul3A_273 : vector<16xi32>
        %add3A_275 = arith.constant 18 : i32
        %add3A_276 = vector.broadcast %add3A_275 : i32 to vector<16xi32>
        %add3A_277 = arith.addi %mul3A_274, %add3A_276 : vector<16xi32>
        %mul3A_278 = arith.mulf %get3A_271, %get3A_245 : vector<16xf32>
        tpu.vector_store_idx %arg9[%add3A_102, %add3A_277], %mul3A_278 : memref<128x32xf32, #tpu.memory_space<vmem>>[vector<16xi32>, vector<16xi32>], vector<16xf32>,
        %get3A_279 = arith.constant 3 : i32
        %get3A_280 = arith.index_cast %get3A_279 : i32 to index
        %get3A_281 = arith.index_cast %mul3A_100 : i32 to index
        %get3A_282 = tpu.vector_load %arg6[%get3A_280, %get3A_281] {strides = array<i32>} : memref<6x128xf32, #tpu.memory_space<vmem>>, vector<16xf32>,
        %mul3A_283 = arith.constant 0 : i32
        %mul3A_284 = vector.broadcast %mul3A_283 : i32 to vector<16xi32>
        %mul3A_285 = arith.muli %iota3A, %mul3A_284 : vector<16xi32>
        %add3A_286 = arith.constant 19 : i32
        %add3A_287 = vector.broadcast %add3A_286 : i32 to vector<16xi32>
        %add3A_288 = arith.addi %mul3A_285, %add3A_287 : vector<16xi32>
        %mul3A_289 = arith.mulf %get3A_282, %get3A_245 : vector<16xf32>
        tpu.vector_store_idx %arg9[%add3A_102, %add3A_288], %mul3A_289 : memref<128x32xf32, #tpu.memory_space<vmem>>[vector<16xi32>, vector<16xi32>], vector<16xf32>,
        %get3A_290 = arith.constant 4 : i32
        %get3A_291 = arith.index_cast %get3A_290 : i32 to index
        %get3A_292 = arith.index_cast %mul3A_100 : i32 to index
        %get3A_293 = tpu.vector_load %arg6[%get3A_291, %get3A_292] {strides = array<i32>} : memref<6x128xf32, #tpu.memory_space<vmem>>, vector<16xf32>,
        %mul3A_294 = arith.constant 0 : i32
        %mul3A_295 = vector.broadcast %mul3A_294 : i32 to vector<16xi32>
        %mul3A_296 = arith.muli %iota3A, %mul3A_295 : vector<16xi32>
        %add3A_297 = arith.constant 20 : i32
        %add3A_298 = vector.broadcast %add3A_297 : i32 to vector<16xi32>
        %add3A_299 = arith.addi %mul3A_296, %add3A_298 : vector<16xi32>
        %mul3A_300 = arith.mulf %get3A_293, %get3A_245 : vector<16xf32>
        tpu.vector_store_idx %arg9[%add3A_102, %add3A_299], %mul3A_300 : memref<128x32xf32, #tpu.memory_space<vmem>>[vector<16xi32>, vector<16xi32>], vector<16xf32>,
        %get3A_301 = arith.constant 5 : i32
        %get3A_302 = arith.index_cast %get3A_301 : i32 to index
        %get3A_303 = arith.index_cast %mul3A_100 : i32 to index
        %get3A_304 = tpu.vector_load %arg6[%get3A_302, %get3A_303] {strides = array<i32>} : memref<6x128xf32, #tpu.memory_space<vmem>>, vector<16xf32>,
        %mul3A_305 = arith.constant 0 : i32
        %mul3A_306 = vector.broadcast %mul3A_305 : i32 to vector<16xi32>
        %mul3A_307 = arith.muli %iota3A, %mul3A_306 : vector<16xi32>
        %add3A_308 = arith.constant 21 : i32
        %add3A_309 = vector.broadcast %add3A_308 : i32 to vector<16xi32>
        %add3A_310 = arith.addi %mul3A_307, %add3A_309 : vector<16xi32>
        %mul3A_311 = arith.mulf %get3A_304, %get3A_245 : vector<16xf32>
        tpu.vector_store_idx %arg9[%add3A_102, %add3A_310], %mul3A_311 : memref<128x32xf32, #tpu.memory_space<vmem>>[vector<16xi32>, vector<16xi32>], vector<16xf32>,
        %get3A_312 = arith.constant 3 : i32
        %get3A_313 = arith.index_cast %get3A_312 : i32 to index
        %get3A_314 = arith.index_cast %mul3A_100 : i32 to index
        %get3A_315 = tpu.vector_load %arg7[%get3A_313, %get3A_314] {strides = array<i32>} : memref<4x128xf32, #tpu.memory_space<vmem>>, vector<16xf32>,
        %get3A_316 = arith.constant 0 : i32
        %get3A_317 = arith.index_cast %get3A_316 : i32 to index
        %get3A_318 = arith.index_cast %mul3A_100 : i32 to index
        %get3A_319 = tpu.vector_load %arg6[%get3A_317, %get3A_318] {strides = array<i32>} : memref<6x128xf32, #tpu.memory_space<vmem>>, vector<16xf32>,
        %mul3A_320 = arith.constant 0 : i32
        %mul3A_321 = vector.broadcast %mul3A_320 : i32 to vector<16xi32>
        %mul3A_322 = arith.muli %iota3A, %mul3A_321 : vector<16xi32>
        %add3A_323 = arith.constant 24 : i32
        %add3A_324 = vector.broadcast %add3A_323 : i32 to vector<16xi32>
        %add3A_325 = arith.addi %mul3A_322, %add3A_324 : vector<16xi32>
        %mul3A_326 = arith.mulf %get3A_319, %get3A_315 : vector<16xf32>
        tpu.vector_store_idx %arg9[%add3A_102, %add3A_325], %mul3A_326 : memref<128x32xf32, #tpu.memory_space<vmem>>[vector<16xi32>, vector<16xi32>], vector<16xf32>,
        %get3A_327 = arith.constant 1 : i32
        %get3A_328 = arith.index_cast %get3A_327 : i32 to index
        %get3A_329 = arith.index_cast %mul3A_100 : i32 to index
        %get3A_330 = tpu.vector_load %arg6[%get3A_328, %get3A_329] {strides = array<i32>} : memref<6x128xf32, #tpu.memory_space<vmem>>, vector<16xf32>,
        %mul3A_331 = arith.constant 0 : i32
        %mul3A_332 = vector.broadcast %mul3A_331 : i32 to vector<16xi32>
        %mul3A_333 = arith.muli %iota3A, %mul3A_332 : vector<16xi32>
        %add3A_334 = arith.constant 25 : i32
        %add3A_335 = vector.broadcast %add3A_334 : i32 to vector<16xi32>
        %add3A_336 = arith.addi %mul3A_333, %add3A_335 : vector<16xi32>
        %mul3A_337 = arith.mulf %get3A_330, %get3A_315 : vector<16xf32>
        tpu.vector_store_idx %arg9[%add3A_102, %add3A_336], %mul3A_337 : memref<128x32xf32, #tpu.memory_space<vmem>>[vector<16xi32>, vector<16xi32>], vector<16xf32>,
        %get3A_338 = arith.constant 2 : i32
        %get3A_339 = arith.index_cast %get3A_338 : i32 to index
        %get3A_340 = arith.index_cast %mul3A_100 : i32 to index
        %get3A_341 = tpu.vector_load %arg6[%get3A_339, %get3A_340] {strides = array<i32>} : memref<6x128xf32, #tpu.memory_space<vmem>>, vector<16xf32>,
        %mul3A_342 = arith.constant 0 : i32
        %mul3A_343 = vector.broadcast %mul3A_342 : i32 to vector<16xi32>
        %mul3A_344 = arith.muli %iota3A, %mul3A_343 : vector<16xi32>
        %add3A_345 = arith.constant 26 : i32
        %add3A_346 = vector.broadcast %add3A_345 : i32 to vector<16xi32>
        %add3A_347 = arith.addi %mul3A_344, %add3A_346 : vector<16xi32>
        %mul3A_348 = arith.mulf %get3A_341, %get3A_315 : vector<16xf32>
        tpu.vector_store_idx %arg9[%add3A_102, %add3A_347], %mul3A_348 : memref<128x32xf32, #tpu.memory_space<vmem>>[vector<16xi32>, vector<16xi32>], vector<16xf32>,
        %get3A_349 = arith.constant 3 : i32
        %get3A_350 = arith.index_cast %get3A_349 : i32 to index
        %get3A_351 = arith.index_cast %mul3A_100 : i32 to index
        %get3A_352 = tpu.vector_load %arg6[%get3A_350, %get3A_351] {strides = array<i32>} : memref<6x128xf32, #tpu.memory_space<vmem>>, vector<16xf32>,
        %mul3A_353 = arith.constant 0 : i32
        %mul3A_354 = vector.broadcast %mul3A_353 : i32 to vector<16xi32>
        %mul3A_355 = arith.muli %iota3A, %mul3A_354 : vector<16xi32>
        %add3A_356 = arith.constant 27 : i32
        %add3A_357 = vector.broadcast %add3A_356 : i32 to vector<16xi32>
        %add3A_358 = arith.addi %mul3A_355, %add3A_357 : vector<16xi32>
        %mul3A_359 = arith.mulf %get3A_352, %get3A_315 : vector<16xf32>
        tpu.vector_store_idx %arg9[%add3A_102, %add3A_358], %mul3A_359 : memref<128x32xf32, #tpu.memory_space<vmem>>[vector<16xi32>, vector<16xi32>], vector<16xf32>,
        %get3A_360 = arith.constant 4 : i32
        %get3A_361 = arith.index_cast %get3A_360 : i32 to index
        %get3A_362 = arith.index_cast %mul3A_100 : i32 to index
        %get3A_363 = tpu.vector_load %arg6[%get3A_361, %get3A_362] {strides = array<i32>} : memref<6x128xf32, #tpu.memory_space<vmem>>, vector<16xf32>,
        %mul3A_364 = arith.constant 0 : i32
        %mul3A_365 = vector.broadcast %mul3A_364 : i32 to vector<16xi32>
        %mul3A_366 = arith.muli %iota3A, %mul3A_365 : vector<16xi32>
        %add3A_367 = arith.constant 28 : i32
        %add3A_368 = vector.broadcast %add3A_367 : i32 to vector<16xi32>
        %add3A_369 = arith.addi %mul3A_366, %add3A_368 : vector<16xi32>
        %mul3A_370 = arith.mulf %get3A_363, %get3A_315 : vector<16xf32>
        tpu.vector_store_idx %arg9[%add3A_102, %add3A_369], %mul3A_370 : memref<128x32xf32, #tpu.memory_space<vmem>>[vector<16xi32>, vector<16xi32>], vector<16xf32>,
        %get3A_371 = arith.constant 5 : i32
        %get3A_372 = arith.index_cast %get3A_371 : i32 to index
        %get3A_373 = arith.index_cast %mul3A_100 : i32 to index
        %get3A_374 = tpu.vector_load %arg6[%get3A_372, %get3A_373] {strides = array<i32>} : memref<6x128xf32, #tpu.memory_space<vmem>>, vector<16xf32>,
        %mul3A_375 = arith.constant 0 : i32
        %mul3A_376 = vector.broadcast %mul3A_375 : i32 to vector<16xi32>
        %mul3A_377 = arith.muli %iota3A, %mul3A_376 : vector<16xi32>
        %add3A_378 = arith.constant 29 : i32
        %add3A_379 = vector.broadcast %add3A_378 : i32 to vector<16xi32>
        %add3A_380 = arith.addi %mul3A_377, %add3A_379 : vector<16xi32>
        %mul3A_381 = arith.mulf %get3A_374, %get3A_315 : vector<16xf32>
        tpu.vector_store_idx %arg9[%add3A_102, %add3A_380], %mul3A_381 : memref<128x32xf32, #tpu.memory_space<vmem>>[vector<16xi32>, vector<16xi32>], vector<16xf32>,
        %scan3A_382 = arith.constant 0 : i32
        scf.yield %scan3A_382 : i32
      }
      %scan3A_95 = arith.constant 8 : i32
      "tpu.region"() ({
        %run_scoped3A = tpu.sem_alloc : memref<!tpu.dma_semaphore, #tpu.memory_space<semaphore_mem>>
        %dma_start3A = arith.constant 0 : i32
        %dma_start3A_97 = arith.constant 0 : i32
        %dma_start3A_98 = tpu.memref_slice %arg12[%dma_start3A, %dma_start3A_97] : memref<40064x32xf32, #tpu.memory_space<vmem_shared>> -> memref<40064x32xf32, #tpu.memory_space<vmem_shared>>
        tpu.enqueue_indirect_dma source(%arg9 : memref<128x32xf32, #tpu.memory_space<vmem>>) target(%dma_start3A_98 : memref<40064x32xf32, #tpu.memory_space<vmem_shared>>) offsets(%arg8 : memref<128xi32, #tpu.memory_space<vmem>>) semaphore(%run_scoped3A : memref<!tpu.dma_semaphore, #tpu.memory_space<semaphore_mem>>) {add = true}
        %dma_wait3A = arith.constant 0 : i32
        %dma_wait3A_99 = arith.constant 0 : i32
        %dma_wait3A_100 = tpu.memref_slice %arg12[%dma_wait3A, %dma_wait3A_99] : memref<40064x32xf32, #tpu.memory_space<vmem_shared>> -> memref<40064x32xf32, #tpu.memory_space<vmem_shared>>
        tpu.wait_indirect_dma semaphore(%run_scoped3A : memref<!tpu.dma_semaphore, #tpu.memory_space<semaphore_mem>>) src(%arg9 : memref<128x32xf32, #tpu.memory_space<vmem>>) dst(%dma_wait3A_100 : memref<40064x32xf32, #tpu.memory_space<vmem_shared>>)
        tpu.yield
      }) : () -> ()
      %while3A_96 = arith.constant 0 : i32
      scf.yield %while3A_96 : i32
    }
    %barrier3A_72 = arith.constant 0 : index
    tpu.barrier barrier_id(%barrier3A_72)
    %scan3A_73 = arith.constant 0 : i32
    %scan3A_74 = arith.constant 0 : i32
    %scan3A_75 = arith.constant 20 : i32
    %scan3A_76 = arith.addi %scan3A_74, %scan3A_75 : i32
    %scan3A_77 = arith.constant 1 : i32
    %scan3A_78 = scf.for %scan3A_81 = %scan3A_74 to %scan3A_76 step %scan3A_77 iter_args(%scan3A_82 = %scan3A_73) -> (i32)  : i32 {
      %mul3A_83 = arith.constant 128 : i32
      %mul3A_84 = arith.muli %scan3A_81, %mul3A_83 : i32
      %min3A = arith.constant 2376 : i32
      %min3A_85 = arith.minsi %mul3A_84, %min3A : i32
      %add3A_86 = arith.addi %mul3A_13, %min3A_85 : i32
      %scan3A_87 = arith.constant 0 : i32
      %scan3A_88 = arith.constant 0 : i32
      %scan3A_89 = arith.constant 8 : i32
      %scan3A_90 = arith.addi %scan3A_88, %scan3A_89 : i32
      %scan3A_91 = arith.constant 1 : i32
      %scan3A_92 = scf.for %scan3A_97 = %scan3A_88 to %scan3A_90 step %scan3A_91 iter_args(%scan3A_98 = %scan3A_87) -> (i32)  : i32 {
        %mul3A_99 = arith.constant 16 : i32
        %mul3A_100 = arith.muli %scan3A_97, %mul3A_99 : i32
        %add3A_101 = arith.addi %add3A_86, %mul3A_100 : i32
        %add3A_102 = vector.broadcast %add3A_101 : i32 to vector<16xi32>
        %add3A_103 = arith.addi %iota3A, %add3A_102 : vector<16xi32>
        %mul3A_104 = arith.constant 16 : i32
        %mul3A_105 = arith.muli %scan3A_97, %mul3A_104 : i32
        %swap3A = arith.index_cast %mul3A_105 : i32 to index
        %swap3A_106 = tpu.vector_load %arg8[%swap3A] {strides = array<i32>} : memref<128xi32, #tpu.memory_space<vmem>>, vector<16xi32>,
        tpu.vector_store %arg8[%swap3A], %add3A_103 {strides = array<i32>} : memref<128xi32, #tpu.memory_space<vmem>>, vector<16xi32>,
        %scan3A_107 = arith.constant 0 : i32
        scf.yield %scan3A_107 : i32
      }
      %scan3A_93 = arith.constant 8 : i32
      "tpu.region"() ({
        %run_scoped3A_97 = tpu.sem_alloc : memref<!tpu.dma_semaphore, #tpu.memory_space<semaphore_mem>>
        %dma_start3A = arith.constant 0 : i32
        %dma_start3A_98 = arith.constant 0 : i32
        %dma_start3A_99 = tpu.memref_slice %arg12[%dma_start3A, %dma_start3A_98] : memref<40064x32xf32, #tpu.memory_space<vmem_shared>> -> memref<40064x32xf32, #tpu.memory_space<vmem_shared>>
        tpu.enqueue_indirect_dma source(%dma_start3A_99 : memref<40064x32xf32, #tpu.memory_space<vmem_shared>>) target(%arg11 : memref<128x32xf32, #tpu.memory_space<vmem>>) offsets(%arg8 : memref<128xi32, #tpu.memory_space<vmem>>) semaphore(%run_scoped3A_97 : memref<!tpu.dma_semaphore, #tpu.memory_space<semaphore_mem>>)
        %dma_wait3A = arith.constant 0 : i32
        %dma_wait3A_100 = arith.constant 0 : i32
        %dma_wait3A_101 = tpu.memref_slice %arg12[%dma_wait3A, %dma_wait3A_100] : memref<40064x32xf32, #tpu.memory_space<vmem_shared>> -> memref<40064x32xf32, #tpu.memory_space<vmem_shared>>
        tpu.wait_indirect_dma semaphore(%run_scoped3A_97 : memref<!tpu.dma_semaphore, #tpu.memory_space<semaphore_mem>>) src(%dma_wait3A_101 : memref<40064x32xf32, #tpu.memory_space<vmem_shared>>) dst(%arg11 : memref<128x32xf32, #tpu.memory_space<vmem>>)
        tpu.yield
      }) : () -> ()
      %add3A_94 = arith.addi %mul3A_13, %min3A_85 : i32
      %multiple_of3A_95 = tpu.assume_multiple %add3A_94, 8 : i32
      %run_scoped3A = arith.constant 1 : i32
      "tpu.region"() ({
        %run_scoped3A_97 = tpu.sem_alloc : memref<!tpu.dma_semaphore, #tpu.memory_space<semaphore_mem>>
        %dma_start3A = arith.constant 0 : i32
        %dma_start3A_98 = tpu.memref_slice %arg5[%arg0, %run_scoped3A, %multiple_of3A_95, %dma_start3A] : memref<2x2x40064x32xf32, #tpu.memory_space<hbm>> -> memref<1x1x128x32xf32, #tpu.memory_space<hbm>>
        %dma_start3A_99 = tpu.memref_squeeze %dma_start3A_98 : memref<1x1x128x32xf32, #tpu.memory_space<hbm>> -> memref<128x32xf32, #tpu.memory_space<hbm>>
        %dma_start3A_100 = arith.constant 0 : i32
        %dma_start3A_101 = tpu.memref_slice %arg5[%arg0, %run_scoped3A, %multiple_of3A_95, %dma_start3A_100] : memref<2x2x40064x32xf32, #tpu.memory_space<hbm>> -> memref<1x1x128x32xf32, #tpu.memory_space<hbm>>
        %dma_start3A_102 = tpu.memref_squeeze %dma_start3A_101 : memref<1x1x128x32xf32, #tpu.memory_space<hbm>> -> memref<128x32xf32, #tpu.memory_space<hbm>>
        tpu.enqueue_dma source(%arg11 : memref<128x32xf32, #tpu.memory_space<vmem>>) target(%dma_start3A_102 : memref<128x32xf32, #tpu.memory_space<hbm>>) target_semaphore(%run_scoped3A_97 : memref<!tpu.dma_semaphore, #tpu.memory_space<semaphore_mem>>)
        %dma_wait3A = arith.constant 0 : i32
        %dma_wait3A_103 = tpu.memref_slice %arg5[%arg0, %run_scoped3A, %multiple_of3A_95, %dma_wait3A] : memref<2x2x40064x32xf32, #tpu.memory_space<hbm>> -> memref<1x1x128x32xf32, #tpu.memory_space<hbm>>
        %dma_wait3A_104 = tpu.memref_squeeze %dma_wait3A_103 : memref<1x1x128x32xf32, #tpu.memory_space<hbm>> -> memref<128x32xf32, #tpu.memory_space<hbm>>
        %dma_wait3A_105 = arith.constant 0 : i32
        %dma_wait3A_106 = tpu.memref_slice %arg5[%arg0, %run_scoped3A, %multiple_of3A_95, %dma_wait3A_105] : memref<2x2x40064x32xf32, #tpu.memory_space<hbm>> -> memref<1x1x128x32xf32, #tpu.memory_space<hbm>>
        %dma_wait3A_107 = tpu.memref_squeeze %dma_wait3A_106 : memref<1x1x128x32xf32, #tpu.memory_space<hbm>> -> memref<128x32xf32, #tpu.memory_space<hbm>>
        tpu.wait_dma2 semaphore(%run_scoped3A_97 : memref<!tpu.dma_semaphore, #tpu.memory_space<semaphore_mem>>) src(%arg11 : memref<128x32xf32, #tpu.memory_space<vmem>>) dst(%dma_wait3A_107 : memref<128x32xf32, #tpu.memory_space<hbm>>)
        tpu.yield
      }) : () -> ()
      %scan3A_96 = arith.constant 0 : i32
      scf.yield %scan3A_96 : i32
    }
    %scan3A_79 = arith.constant 20 : i32
    %barrier3A_80 = arith.constant 0 : index
    tpu.barrier barrier_id(%barrier3A_80)
    return
  }
}

module attributes {stable_mosaic.version = 14 : i64} {
  func.func @body(%arg0: i32, %arg1: memref<1x125x128xf32, #tpu.memory_space<vmem>>, %arg2: memref<1x125x128xf32, #tpu.memory_space<vmem>>, %arg3: memref<1x125x128xf32, #tpu.memory_space<vmem>>, %arg4: memref<125x6x128xf32, #tpu.memory_space<vmem>>, %arg5: memref<125x16x128xf32, #tpu.memory_space<vmem>>) attributes {dimension_semantics = [#tpu.dimension_semantics<arbitrary>], iteration_bounds = array<i64: 20>, scalar_prefetch = 0 : i64, scratch_operands = 0 : i64, tpu.core_type = #tpu.core_type<tc>, window_params = [{transform_indices = @transform_0, window_bounds = array<i64: 1, 125, 128>}, {transform_indices = @transform_1, window_bounds = array<i64: 1, 125, 128>}, {transform_indices = @transform_2, window_bounds = array<i64: 1, 125, 128>}, {transform_indices = @transform_3, window_bounds = array<i64: 125, 6, 128>}, {transform_indices = @transform_4, window_bounds = array<i64: 125, 16, 128>}]} {
    %get3A = arith.constant 0 : index
    %get3A_0 = arith.constant 0 : index
    %get3A_1 = arith.constant 0 : index
    %get3A_2 = vector.load %arg1[%get3A, %get3A_0, %get3A_1] : memref<1x125x128xf32, #tpu.memory_space<vmem>>, vector<1x125x128xf32>
    %get3A_3 = vector.shape_cast %get3A_2 : vector<1x125x128xf32> to vector<125x128xf32>
    %get3A_4 = arith.constant 0 : index
    %get3A_5 = arith.constant 0 : index
    %get3A_6 = arith.constant 0 : index
    %get3A_7 = vector.load %arg2[%get3A_4, %get3A_5, %get3A_6] : memref<1x125x128xf32, #tpu.memory_space<vmem>>, vector<1x125x128xf32>
    %get3A_8 = vector.shape_cast %get3A_7 : vector<1x125x128xf32> to vector<125x128xf32>
    %get3A_9 = arith.constant 0 : index
    %get3A_10 = arith.constant 0 : index
    %get3A_11 = arith.constant 0 : index
    %get3A_12 = vector.load %arg3[%get3A_9, %get3A_10, %get3A_11] : memref<1x125x128xf32, #tpu.memory_space<vmem>>, vector<1x125x128xf32>
    %get3A_13 = vector.shape_cast %get3A_12 : vector<1x125x128xf32> to vector<125x128xf32>
    %mul3A = arith.mulf %get3A_3, %get3A_3 : vector<125x128xf32>
    %mul3A_14 = arith.mulf %get3A_8, %get3A_8 : vector<125x128xf32>
    %add3A = arith.addf %mul3A, %mul3A_14 : vector<125x128xf32>
    %mul3A_15 = arith.mulf %get3A_13, %get3A_13 : vector<125x128xf32>
    %add3A_16 = arith.addf %add3A, %mul3A_15 : vector<125x128xf32>
    %add3A_17 = arith.constant 9.99999996E-13 : f32
    %add3A_18 = vector.broadcast %add3A_17 : f32 to vector<125x128xf32>
    %add3A_19 = arith.addf %add3A_16, %add3A_18 : vector<125x128xf32>
    %sqrt3A = math.sqrt %add3A_19 : vector<125x128xf32>
    %div3A = arith.constant 1.000000e+00 : f32
    %div3A_20 = vector.broadcast %div3A : f32 to vector<125x128xf32>
    %div3A_21 = arith.divf %div3A_20, %sqrt3A : vector<125x128xf32>
    %mul3A_22 = arith.mulf %get3A_3, %div3A_21 : vector<125x128xf32>
    %mul3A_23 = arith.mulf %get3A_8, %div3A_21 : vector<125x128xf32>
    %mul3A_24 = arith.mulf %get3A_13, %div3A_21 : vector<125x128xf32>
    %min3A = arith.constant 5.000000e+00 : f32
    %min3A_25 = vector.broadcast %min3A : f32 to vector<125x128xf32>
    %min3A_26 = arith.minimumf %sqrt3A, %min3A_25 : vector<125x128xf32>
    %mul3A_27 = arith.constant 0.628318548 : f32
    %mul3A_28 = vector.broadcast %mul3A_27 : f32 to vector<125x128xf32>
    %mul3A_29 = arith.mulf %min3A_26, %mul3A_28 : vector<125x128xf32>
    %cos3A = math.cos %mul3A_29 : vector<125x128xf32>
    %add3A_30 = arith.constant 1.000000e+00 : f32
    %add3A_31 = vector.broadcast %add3A_30 : f32 to vector<125x128xf32>
    %add3A_32 = arith.addf %cos3A, %add3A_31 : vector<125x128xf32>
    %mul3A_33 = arith.constant 5.000000e-01 : f32
    %mul3A_34 = vector.broadcast %mul3A_33 : f32 to vector<125x128xf32>
    %mul3A_35 = arith.mulf %mul3A_34, %add3A_32 : vector<125x128xf32>
    %lt3A = arith.constant 5.000000e+00 : f32
    %lt3A_36 = vector.broadcast %lt3A : f32 to vector<125x128xf32>
    %lt3A_37 = arith.cmpf olt, %sqrt3A, %lt3A_36 : vector<125x128xf32>
    %jit3A = arith.constant 0.000000e+00 : f32
    %broadcast_in_dim3A = vector.broadcast %jit3A : f32 to vector<125x128xf32>
    %select_n3A = arith.select %lt3A_37, %mul3A_35, %broadcast_in_dim3A : vector<125x128xi1>, vector<125x128xf32>
    %mul3A_38 = arith.mulf %select_n3A, %div3A_21 : vector<125x128xf32>
    %mul3A_39 = arith.constant 0.316227764 : f32
    %mul3A_40 = vector.broadcast %mul3A_39 : f32 to vector<125x128xf32>
    %mul3A_41 = arith.mulf %mul3A_38, %mul3A_40 : vector<125x128xf32>
    %mul3A_42 = arith.constant 0.628318548 : f32
    %mul3A_43 = vector.broadcast %mul3A_42 : f32 to vector<125x128xf32>
    %mul3A_44 = arith.mulf %sqrt3A, %mul3A_43 : vector<125x128xf32>
    %sin3A = math.sin %mul3A_44 : vector<125x128xf32>
    %mul3A_45 = arith.mulf %sin3A, %mul3A_41 : vector<125x128xf32>
    %swap3A = arith.constant 0 : index
    %swap3A_46 = arith.constant 0 : index
    %swap3A_47 = arith.constant 0 : index
    %swap3A_48 = vector.load %arg4[%swap3A, %swap3A_46, %swap3A_47] : memref<125x6x128xf32, #tpu.memory_space<vmem>>, vector<125x1x128xf32>
    %swap3A_49 = vector.shape_cast %swap3A_48 : vector<125x1x128xf32> to vector<125x128xf32>
    %swap3A_50 = vector.shape_cast %mul3A_45 : vector<125x128xf32> to vector<125x1x128xf32>
    tpu.vector_store %arg4[%swap3A, %swap3A_46, %swap3A_47], %swap3A_50 {strides = array<i32>} : memref<125x6x128xf32, #tpu.memory_space<vmem>>, vector<125x1x128xf32>,
    %mul3A_51 = arith.constant 1.2566371 : f32
    %mul3A_52 = vector.broadcast %mul3A_51 : f32 to vector<125x128xf32>
    %mul3A_53 = arith.mulf %sqrt3A, %mul3A_52 : vector<125x128xf32>
    %sin3A_54 = math.sin %mul3A_53 : vector<125x128xf32>
    %mul3A_55 = arith.mulf %sin3A_54, %mul3A_41 : vector<125x128xf32>
    %swap3A_56 = arith.constant 0 : index
    %swap3A_57 = arith.constant 1 : index
    %swap3A_58 = arith.constant 0 : index
    %swap3A_59 = vector.load %arg4[%swap3A_56, %swap3A_57, %swap3A_58] : memref<125x6x128xf32, #tpu.memory_space<vmem>>, vector<125x1x128xf32>
    %swap3A_60 = vector.shape_cast %swap3A_59 : vector<125x1x128xf32> to vector<125x128xf32>
    %swap3A_61 = vector.shape_cast %mul3A_55 : vector<125x128xf32> to vector<125x1x128xf32>
    tpu.vector_store %arg4[%swap3A_56, %swap3A_57, %swap3A_58], %swap3A_61 {strides = array<i32>} : memref<125x6x128xf32, #tpu.memory_space<vmem>>, vector<125x1x128xf32>,
    %mul3A_62 = arith.constant 1.88495564 : f32
    %mul3A_63 = vector.broadcast %mul3A_62 : f32 to vector<125x128xf32>
    %mul3A_64 = arith.mulf %sqrt3A, %mul3A_63 : vector<125x128xf32>
    %sin3A_65 = math.sin %mul3A_64 : vector<125x128xf32>
    %mul3A_66 = arith.mulf %sin3A_65, %mul3A_41 : vector<125x128xf32>
    %swap3A_67 = arith.constant 0 : index
    %swap3A_68 = arith.constant 2 : index
    %swap3A_69 = arith.constant 0 : index
    %swap3A_70 = vector.load %arg4[%swap3A_67, %swap3A_68, %swap3A_69] : memref<125x6x128xf32, #tpu.memory_space<vmem>>, vector<125x1x128xf32>
    %swap3A_71 = vector.shape_cast %swap3A_70 : vector<125x1x128xf32> to vector<125x128xf32>
    %swap3A_72 = vector.shape_cast %mul3A_66 : vector<125x128xf32> to vector<125x1x128xf32>
    tpu.vector_store %arg4[%swap3A_67, %swap3A_68, %swap3A_69], %swap3A_72 {strides = array<i32>} : memref<125x6x128xf32, #tpu.memory_space<vmem>>, vector<125x1x128xf32>,
    %mul3A_73 = arith.constant 2.51327419 : f32
    %mul3A_74 = vector.broadcast %mul3A_73 : f32 to vector<125x128xf32>
    %mul3A_75 = arith.mulf %sqrt3A, %mul3A_74 : vector<125x128xf32>
    %sin3A_76 = math.sin %mul3A_75 : vector<125x128xf32>
    %mul3A_77 = arith.mulf %sin3A_76, %mul3A_41 : vector<125x128xf32>
    %swap3A_78 = arith.constant 0 : index
    %swap3A_79 = arith.constant 3 : index
    %swap3A_80 = arith.constant 0 : index
    %swap3A_81 = vector.load %arg4[%swap3A_78, %swap3A_79, %swap3A_80] : memref<125x6x128xf32, #tpu.memory_space<vmem>>, vector<125x1x128xf32>
    %swap3A_82 = vector.shape_cast %swap3A_81 : vector<125x1x128xf32> to vector<125x128xf32>
    %swap3A_83 = vector.shape_cast %mul3A_77 : vector<125x128xf32> to vector<125x1x128xf32>
    tpu.vector_store %arg4[%swap3A_78, %swap3A_79, %swap3A_80], %swap3A_83 {strides = array<i32>} : memref<125x6x128xf32, #tpu.memory_space<vmem>>, vector<125x1x128xf32>,
    %mul3A_84 = arith.constant 3.14159274 : f32
    %mul3A_85 = vector.broadcast %mul3A_84 : f32 to vector<125x128xf32>
    %mul3A_86 = arith.mulf %sqrt3A, %mul3A_85 : vector<125x128xf32>
    %sin3A_87 = math.sin %mul3A_86 : vector<125x128xf32>
    %mul3A_88 = arith.mulf %sin3A_87, %mul3A_41 : vector<125x128xf32>
    %swap3A_89 = arith.constant 0 : index
    %swap3A_90 = arith.constant 4 : index
    %swap3A_91 = arith.constant 0 : index
    %swap3A_92 = vector.load %arg4[%swap3A_89, %swap3A_90, %swap3A_91] : memref<125x6x128xf32, #tpu.memory_space<vmem>>, vector<125x1x128xf32>
    %swap3A_93 = vector.shape_cast %swap3A_92 : vector<125x1x128xf32> to vector<125x128xf32>
    %swap3A_94 = vector.shape_cast %mul3A_88 : vector<125x128xf32> to vector<125x1x128xf32>
    tpu.vector_store %arg4[%swap3A_89, %swap3A_90, %swap3A_91], %swap3A_94 {strides = array<i32>} : memref<125x6x128xf32, #tpu.memory_space<vmem>>, vector<125x1x128xf32>,
    %mul3A_95 = arith.constant 3.76991129 : f32
    %mul3A_96 = vector.broadcast %mul3A_95 : f32 to vector<125x128xf32>
    %mul3A_97 = arith.mulf %sqrt3A, %mul3A_96 : vector<125x128xf32>
    %sin3A_98 = math.sin %mul3A_97 : vector<125x128xf32>
    %mul3A_99 = arith.mulf %sin3A_98, %mul3A_41 : vector<125x128xf32>
    %swap3A_100 = arith.constant 0 : index
    %swap3A_101 = arith.constant 5 : index
    %swap3A_102 = arith.constant 0 : index
    %swap3A_103 = vector.load %arg4[%swap3A_100, %swap3A_101, %swap3A_102] : memref<125x6x128xf32, #tpu.memory_space<vmem>>, vector<125x1x128xf32>
    %swap3A_104 = vector.shape_cast %swap3A_103 : vector<125x1x128xf32> to vector<125x128xf32>
    %swap3A_105 = vector.shape_cast %mul3A_99 : vector<125x128xf32> to vector<125x1x128xf32>
    tpu.vector_store %arg4[%swap3A_100, %swap3A_101, %swap3A_102], %swap3A_105 {strides = array<i32>} : memref<125x6x128xf32, #tpu.memory_space<vmem>>, vector<125x1x128xf32>,
    %mul3A_106 = arith.mulf %mul3A_22, %mul3A_22 : vector<125x128xf32>
    %mul3A_107 = arith.mulf %mul3A_23, %mul3A_23 : vector<125x128xf32>
    %mul3A_108 = arith.mulf %mul3A_24, %mul3A_24 : vector<125x128xf32>
    %broadcast_in_dim3A_109 = arith.constant 1.000000e+00 : f32
    %broadcast_in_dim3A_110 = vector.broadcast %broadcast_in_dim3A_109 : f32 to vector<125x128xf32>
    %mul3A_111 = arith.constant 2.820950e-01 : f32
    %mul3A_112 = vector.broadcast %mul3A_111 : f32 to vector<125x128xf32>
    %mul3A_113 = arith.mulf %mul3A_112, %broadcast_in_dim3A_110 : vector<125x128xf32>
    %mul3A_114 = arith.constant 4.886030e-01 : f32
    %mul3A_115 = vector.broadcast %mul3A_114 : f32 to vector<125x128xf32>
    %mul3A_116 = arith.mulf %mul3A_115, %mul3A_23 : vector<125x128xf32>
    %mul3A_117 = arith.constant 4.886030e-01 : f32
    %mul3A_118 = vector.broadcast %mul3A_117 : f32 to vector<125x128xf32>
    %mul3A_119 = arith.mulf %mul3A_118, %mul3A_24 : vector<125x128xf32>
    %mul3A_120 = arith.constant 4.886030e-01 : f32
    %mul3A_121 = vector.broadcast %mul3A_120 : f32 to vector<125x128xf32>
    %mul3A_122 = arith.mulf %mul3A_121, %mul3A_22 : vector<125x128xf32>
    %mul3A_123 = arith.constant 1.09254801 : f32
    %mul3A_124 = vector.broadcast %mul3A_123 : f32 to vector<125x128xf32>
    %mul3A_125 = arith.mulf %mul3A_124, %mul3A_22 : vector<125x128xf32>
    %mul3A_126 = arith.mulf %mul3A_125, %mul3A_23 : vector<125x128xf32>
    %mul3A_127 = arith.constant 1.09254801 : f32
    %mul3A_128 = vector.broadcast %mul3A_127 : f32 to vector<125x128xf32>
    %mul3A_129 = arith.mulf %mul3A_128, %mul3A_23 : vector<125x128xf32>
    %mul3A_130 = arith.mulf %mul3A_129, %mul3A_24 : vector<125x128xf32>
    %mul3A_131 = arith.constant 3.000000e+00 : f32
    %mul3A_132 = vector.broadcast %mul3A_131 : f32 to vector<125x128xf32>
    %mul3A_133 = arith.mulf %mul3A_132, %mul3A_108 : vector<125x128xf32>
    %sub3A = arith.constant 1.000000e+00 : f32
    %sub3A_134 = vector.broadcast %sub3A : f32 to vector<125x128xf32>
    %sub3A_135 = arith.subf %mul3A_133, %sub3A_134 : vector<125x128xf32>
    %mul3A_136 = arith.constant 3.153920e-01 : f32
    %mul3A_137 = vector.broadcast %mul3A_136 : f32 to vector<125x128xf32>
    %mul3A_138 = arith.mulf %mul3A_137, %sub3A_135 : vector<125x128xf32>
    %mul3A_139 = arith.constant 1.09254801 : f32
    %mul3A_140 = vector.broadcast %mul3A_139 : f32 to vector<125x128xf32>
    %mul3A_141 = arith.mulf %mul3A_140, %mul3A_22 : vector<125x128xf32>
    %mul3A_142 = arith.mulf %mul3A_141, %mul3A_24 : vector<125x128xf32>
    %sub3A_143 = arith.subf %mul3A_106, %mul3A_107 : vector<125x128xf32>
    %mul3A_144 = arith.constant 5.462740e-01 : f32
    %mul3A_145 = vector.broadcast %mul3A_144 : f32 to vector<125x128xf32>
    %mul3A_146 = arith.mulf %mul3A_145, %sub3A_143 : vector<125x128xf32>
    %mul3A_147 = arith.constant 5.900440e-01 : f32
    %mul3A_148 = vector.broadcast %mul3A_147 : f32 to vector<125x128xf32>
    %mul3A_149 = arith.mulf %mul3A_148, %mul3A_23 : vector<125x128xf32>
    %mul3A_150 = arith.constant 3.000000e+00 : f32
    %mul3A_151 = vector.broadcast %mul3A_150 : f32 to vector<125x128xf32>
    %mul3A_152 = arith.mulf %mul3A_151, %mul3A_106 : vector<125x128xf32>
    %sub3A_153 = arith.subf %mul3A_152, %mul3A_107 : vector<125x128xf32>
    %mul3A_154 = arith.mulf %mul3A_149, %sub3A_153 : vector<125x128xf32>
    %mul3A_155 = arith.constant 2.89061093 : f32
    %mul3A_156 = vector.broadcast %mul3A_155 : f32 to vector<125x128xf32>
    %mul3A_157 = arith.mulf %mul3A_156, %mul3A_22 : vector<125x128xf32>
    %mul3A_158 = arith.mulf %mul3A_157, %mul3A_23 : vector<125x128xf32>
    %mul3A_159 = arith.mulf %mul3A_158, %mul3A_24 : vector<125x128xf32>
    %mul3A_160 = arith.constant 4.570460e-01 : f32
    %mul3A_161 = vector.broadcast %mul3A_160 : f32 to vector<125x128xf32>
    %mul3A_162 = arith.mulf %mul3A_161, %mul3A_23 : vector<125x128xf32>
    %mul3A_163 = arith.constant 5.000000e+00 : f32
    %mul3A_164 = vector.broadcast %mul3A_163 : f32 to vector<125x128xf32>
    %mul3A_165 = arith.mulf %mul3A_164, %mul3A_108 : vector<125x128xf32>
    %sub3A_166 = arith.constant 1.000000e+00 : f32
    %sub3A_167 = vector.broadcast %sub3A_166 : f32 to vector<125x128xf32>
    %sub3A_168 = arith.subf %mul3A_165, %sub3A_167 : vector<125x128xf32>
    %mul3A_169 = arith.mulf %mul3A_162, %sub3A_168 : vector<125x128xf32>
    %mul3A_170 = arith.constant 3.731760e-01 : f32
    %mul3A_171 = vector.broadcast %mul3A_170 : f32 to vector<125x128xf32>
    %mul3A_172 = arith.mulf %mul3A_171, %mul3A_24 : vector<125x128xf32>
    %mul3A_173 = arith.constant 5.000000e+00 : f32
    %mul3A_174 = vector.broadcast %mul3A_173 : f32 to vector<125x128xf32>
    %mul3A_175 = arith.mulf %mul3A_174, %mul3A_108 : vector<125x128xf32>
    %sub3A_176 = arith.constant 3.000000e+00 : f32
    %sub3A_177 = vector.broadcast %sub3A_176 : f32 to vector<125x128xf32>
    %sub3A_178 = arith.subf %mul3A_175, %sub3A_177 : vector<125x128xf32>
    %mul3A_179 = arith.mulf %mul3A_172, %sub3A_178 : vector<125x128xf32>
    %mul3A_180 = arith.constant 4.570460e-01 : f32
    %mul3A_181 = vector.broadcast %mul3A_180 : f32 to vector<125x128xf32>
    %mul3A_182 = arith.mulf %mul3A_181, %mul3A_22 : vector<125x128xf32>
    %mul3A_183 = arith.constant 5.000000e+00 : f32
    %mul3A_184 = vector.broadcast %mul3A_183 : f32 to vector<125x128xf32>
    %mul3A_185 = arith.mulf %mul3A_184, %mul3A_108 : vector<125x128xf32>
    %sub3A_186 = arith.constant 1.000000e+00 : f32
    %sub3A_187 = vector.broadcast %sub3A_186 : f32 to vector<125x128xf32>
    %sub3A_188 = arith.subf %mul3A_185, %sub3A_187 : vector<125x128xf32>
    %mul3A_189 = arith.mulf %mul3A_182, %sub3A_188 : vector<125x128xf32>
    %mul3A_190 = arith.constant 1.44530594 : f32
    %mul3A_191 = vector.broadcast %mul3A_190 : f32 to vector<125x128xf32>
    %mul3A_192 = arith.mulf %mul3A_191, %mul3A_24 : vector<125x128xf32>
    %sub3A_193 = arith.subf %mul3A_106, %mul3A_107 : vector<125x128xf32>
    %mul3A_194 = arith.mulf %mul3A_192, %sub3A_193 : vector<125x128xf32>
    %mul3A_195 = arith.constant 5.900440e-01 : f32
    %mul3A_196 = vector.broadcast %mul3A_195 : f32 to vector<125x128xf32>
    %mul3A_197 = arith.mulf %mul3A_196, %mul3A_22 : vector<125x128xf32>
    %mul3A_198 = arith.constant 3.000000e+00 : f32
    %mul3A_199 = vector.broadcast %mul3A_198 : f32 to vector<125x128xf32>
    %mul3A_200 = arith.mulf %mul3A_199, %mul3A_107 : vector<125x128xf32>
    %sub3A_201 = arith.subf %mul3A_106, %mul3A_200 : vector<125x128xf32>
    %mul3A_202 = arith.mulf %mul3A_197, %sub3A_201 : vector<125x128xf32>
    %swap3A_203 = arith.constant 0 : index
    %swap3A_204 = arith.constant 0 : index
    %swap3A_205 = arith.constant 0 : index
    %swap3A_206 = vector.load %arg5[%swap3A_203, %swap3A_204, %swap3A_205] : memref<125x16x128xf32, #tpu.memory_space<vmem>>, vector<125x1x128xf32>
    %swap3A_207 = vector.shape_cast %swap3A_206 : vector<125x1x128xf32> to vector<125x128xf32>
    %swap3A_208 = vector.shape_cast %mul3A_113 : vector<125x128xf32> to vector<125x1x128xf32>
    tpu.vector_store %arg5[%swap3A_203, %swap3A_204, %swap3A_205], %swap3A_208 {strides = array<i32>} : memref<125x16x128xf32, #tpu.memory_space<vmem>>, vector<125x1x128xf32>,
    %swap3A_209 = arith.constant 0 : index
    %swap3A_210 = arith.constant 1 : index
    %swap3A_211 = arith.constant 0 : index
    %swap3A_212 = vector.load %arg5[%swap3A_209, %swap3A_210, %swap3A_211] : memref<125x16x128xf32, #tpu.memory_space<vmem>>, vector<125x1x128xf32>
    %swap3A_213 = vector.shape_cast %swap3A_212 : vector<125x1x128xf32> to vector<125x128xf32>
    %swap3A_214 = vector.shape_cast %mul3A_116 : vector<125x128xf32> to vector<125x1x128xf32>
    tpu.vector_store %arg5[%swap3A_209, %swap3A_210, %swap3A_211], %swap3A_214 {strides = array<i32>} : memref<125x16x128xf32, #tpu.memory_space<vmem>>, vector<125x1x128xf32>,
    %swap3A_215 = arith.constant 0 : index
    %swap3A_216 = arith.constant 2 : index
    %swap3A_217 = arith.constant 0 : index
    %swap3A_218 = vector.load %arg5[%swap3A_215, %swap3A_216, %swap3A_217] : memref<125x16x128xf32, #tpu.memory_space<vmem>>, vector<125x1x128xf32>
    %swap3A_219 = vector.shape_cast %swap3A_218 : vector<125x1x128xf32> to vector<125x128xf32>
    %swap3A_220 = vector.shape_cast %mul3A_119 : vector<125x128xf32> to vector<125x1x128xf32>
    tpu.vector_store %arg5[%swap3A_215, %swap3A_216, %swap3A_217], %swap3A_220 {strides = array<i32>} : memref<125x16x128xf32, #tpu.memory_space<vmem>>, vector<125x1x128xf32>,
    %swap3A_221 = arith.constant 0 : index
    %swap3A_222 = arith.constant 3 : index
    %swap3A_223 = arith.constant 0 : index
    %swap3A_224 = vector.load %arg5[%swap3A_221, %swap3A_222, %swap3A_223] : memref<125x16x128xf32, #tpu.memory_space<vmem>>, vector<125x1x128xf32>
    %swap3A_225 = vector.shape_cast %swap3A_224 : vector<125x1x128xf32> to vector<125x128xf32>
    %swap3A_226 = vector.shape_cast %mul3A_122 : vector<125x128xf32> to vector<125x1x128xf32>
    tpu.vector_store %arg5[%swap3A_221, %swap3A_222, %swap3A_223], %swap3A_226 {strides = array<i32>} : memref<125x16x128xf32, #tpu.memory_space<vmem>>, vector<125x1x128xf32>,
    %swap3A_227 = arith.constant 0 : index
    %swap3A_228 = arith.constant 4 : index
    %swap3A_229 = arith.constant 0 : index
    %swap3A_230 = vector.load %arg5[%swap3A_227, %swap3A_228, %swap3A_229] : memref<125x16x128xf32, #tpu.memory_space<vmem>>, vector<125x1x128xf32>
    %swap3A_231 = vector.shape_cast %swap3A_230 : vector<125x1x128xf32> to vector<125x128xf32>
    %swap3A_232 = vector.shape_cast %mul3A_126 : vector<125x128xf32> to vector<125x1x128xf32>
    tpu.vector_store %arg5[%swap3A_227, %swap3A_228, %swap3A_229], %swap3A_232 {strides = array<i32>} : memref<125x16x128xf32, #tpu.memory_space<vmem>>, vector<125x1x128xf32>,
    %swap3A_233 = arith.constant 0 : index
    %swap3A_234 = arith.constant 5 : index
    %swap3A_235 = arith.constant 0 : index
    %swap3A_236 = vector.load %arg5[%swap3A_233, %swap3A_234, %swap3A_235] : memref<125x16x128xf32, #tpu.memory_space<vmem>>, vector<125x1x128xf32>
    %swap3A_237 = vector.shape_cast %swap3A_236 : vector<125x1x128xf32> to vector<125x128xf32>
    %swap3A_238 = vector.shape_cast %mul3A_130 : vector<125x128xf32> to vector<125x1x128xf32>
    tpu.vector_store %arg5[%swap3A_233, %swap3A_234, %swap3A_235], %swap3A_238 {strides = array<i32>} : memref<125x16x128xf32, #tpu.memory_space<vmem>>, vector<125x1x128xf32>,
    %swap3A_239 = arith.constant 0 : index
    %swap3A_240 = arith.constant 6 : index
    %swap3A_241 = arith.constant 0 : index
    %swap3A_242 = vector.load %arg5[%swap3A_239, %swap3A_240, %swap3A_241] : memref<125x16x128xf32, #tpu.memory_space<vmem>>, vector<125x1x128xf32>
    %swap3A_243 = vector.shape_cast %swap3A_242 : vector<125x1x128xf32> to vector<125x128xf32>
    %swap3A_244 = vector.shape_cast %mul3A_138 : vector<125x128xf32> to vector<125x1x128xf32>
    tpu.vector_store %arg5[%swap3A_239, %swap3A_240, %swap3A_241], %swap3A_244 {strides = array<i32>} : memref<125x16x128xf32, #tpu.memory_space<vmem>>, vector<125x1x128xf32>,
    %swap3A_245 = arith.constant 0 : index
    %swap3A_246 = arith.constant 7 : index
    %swap3A_247 = arith.constant 0 : index
    %swap3A_248 = vector.load %arg5[%swap3A_245, %swap3A_246, %swap3A_247] : memref<125x16x128xf32, #tpu.memory_space<vmem>>, vector<125x1x128xf32>
    %swap3A_249 = vector.shape_cast %swap3A_248 : vector<125x1x128xf32> to vector<125x128xf32>
    %swap3A_250 = vector.shape_cast %mul3A_142 : vector<125x128xf32> to vector<125x1x128xf32>
    tpu.vector_store %arg5[%swap3A_245, %swap3A_246, %swap3A_247], %swap3A_250 {strides = array<i32>} : memref<125x16x128xf32, #tpu.memory_space<vmem>>, vector<125x1x128xf32>,
    %swap3A_251 = arith.constant 0 : index
    %swap3A_252 = arith.constant 8 : index
    %swap3A_253 = arith.constant 0 : index
    %swap3A_254 = vector.load %arg5[%swap3A_251, %swap3A_252, %swap3A_253] : memref<125x16x128xf32, #tpu.memory_space<vmem>>, vector<125x1x128xf32>
    %swap3A_255 = vector.shape_cast %swap3A_254 : vector<125x1x128xf32> to vector<125x128xf32>
    %swap3A_256 = vector.shape_cast %mul3A_146 : vector<125x128xf32> to vector<125x1x128xf32>
    tpu.vector_store %arg5[%swap3A_251, %swap3A_252, %swap3A_253], %swap3A_256 {strides = array<i32>} : memref<125x16x128xf32, #tpu.memory_space<vmem>>, vector<125x1x128xf32>,
    %swap3A_257 = arith.constant 0 : index
    %swap3A_258 = arith.constant 9 : index
    %swap3A_259 = arith.constant 0 : index
    %swap3A_260 = vector.load %arg5[%swap3A_257, %swap3A_258, %swap3A_259] : memref<125x16x128xf32, #tpu.memory_space<vmem>>, vector<125x1x128xf32>
    %swap3A_261 = vector.shape_cast %swap3A_260 : vector<125x1x128xf32> to vector<125x128xf32>
    %swap3A_262 = vector.shape_cast %mul3A_154 : vector<125x128xf32> to vector<125x1x128xf32>
    tpu.vector_store %arg5[%swap3A_257, %swap3A_258, %swap3A_259], %swap3A_262 {strides = array<i32>} : memref<125x16x128xf32, #tpu.memory_space<vmem>>, vector<125x1x128xf32>,
    %swap3A_263 = arith.constant 0 : index
    %swap3A_264 = arith.constant 10 : index
    %swap3A_265 = arith.constant 0 : index
    %swap3A_266 = vector.load %arg5[%swap3A_263, %swap3A_264, %swap3A_265] : memref<125x16x128xf32, #tpu.memory_space<vmem>>, vector<125x1x128xf32>
    %swap3A_267 = vector.shape_cast %swap3A_266 : vector<125x1x128xf32> to vector<125x128xf32>
    %swap3A_268 = vector.shape_cast %mul3A_159 : vector<125x128xf32> to vector<125x1x128xf32>
    tpu.vector_store %arg5[%swap3A_263, %swap3A_264, %swap3A_265], %swap3A_268 {strides = array<i32>} : memref<125x16x128xf32, #tpu.memory_space<vmem>>, vector<125x1x128xf32>,
    %swap3A_269 = arith.constant 0 : index
    %swap3A_270 = arith.constant 11 : index
    %swap3A_271 = arith.constant 0 : index
    %swap3A_272 = vector.load %arg5[%swap3A_269, %swap3A_270, %swap3A_271] : memref<125x16x128xf32, #tpu.memory_space<vmem>>, vector<125x1x128xf32>
    %swap3A_273 = vector.shape_cast %swap3A_272 : vector<125x1x128xf32> to vector<125x128xf32>
    %swap3A_274 = vector.shape_cast %mul3A_169 : vector<125x128xf32> to vector<125x1x128xf32>
    tpu.vector_store %arg5[%swap3A_269, %swap3A_270, %swap3A_271], %swap3A_274 {strides = array<i32>} : memref<125x16x128xf32, #tpu.memory_space<vmem>>, vector<125x1x128xf32>,
    %swap3A_275 = arith.constant 0 : index
    %swap3A_276 = arith.constant 12 : index
    %swap3A_277 = arith.constant 0 : index
    %swap3A_278 = vector.load %arg5[%swap3A_275, %swap3A_276, %swap3A_277] : memref<125x16x128xf32, #tpu.memory_space<vmem>>, vector<125x1x128xf32>
    %swap3A_279 = vector.shape_cast %swap3A_278 : vector<125x1x128xf32> to vector<125x128xf32>
    %swap3A_280 = vector.shape_cast %mul3A_179 : vector<125x128xf32> to vector<125x1x128xf32>
    tpu.vector_store %arg5[%swap3A_275, %swap3A_276, %swap3A_277], %swap3A_280 {strides = array<i32>} : memref<125x16x128xf32, #tpu.memory_space<vmem>>, vector<125x1x128xf32>,
    %swap3A_281 = arith.constant 0 : index
    %swap3A_282 = arith.constant 13 : index
    %swap3A_283 = arith.constant 0 : index
    %swap3A_284 = vector.load %arg5[%swap3A_281, %swap3A_282, %swap3A_283] : memref<125x16x128xf32, #tpu.memory_space<vmem>>, vector<125x1x128xf32>
    %swap3A_285 = vector.shape_cast %swap3A_284 : vector<125x1x128xf32> to vector<125x128xf32>
    %swap3A_286 = vector.shape_cast %mul3A_189 : vector<125x128xf32> to vector<125x1x128xf32>
    tpu.vector_store %arg5[%swap3A_281, %swap3A_282, %swap3A_283], %swap3A_286 {strides = array<i32>} : memref<125x16x128xf32, #tpu.memory_space<vmem>>, vector<125x1x128xf32>,
    %swap3A_287 = arith.constant 0 : index
    %swap3A_288 = arith.constant 14 : index
    %swap3A_289 = arith.constant 0 : index
    %swap3A_290 = vector.load %arg5[%swap3A_287, %swap3A_288, %swap3A_289] : memref<125x16x128xf32, #tpu.memory_space<vmem>>, vector<125x1x128xf32>
    %swap3A_291 = vector.shape_cast %swap3A_290 : vector<125x1x128xf32> to vector<125x128xf32>
    %swap3A_292 = vector.shape_cast %mul3A_194 : vector<125x128xf32> to vector<125x1x128xf32>
    tpu.vector_store %arg5[%swap3A_287, %swap3A_288, %swap3A_289], %swap3A_292 {strides = array<i32>} : memref<125x16x128xf32, #tpu.memory_space<vmem>>, vector<125x1x128xf32>,
    %swap3A_293 = arith.constant 0 : index
    %swap3A_294 = arith.constant 15 : index
    %swap3A_295 = arith.constant 0 : index
    %swap3A_296 = vector.load %arg5[%swap3A_293, %swap3A_294, %swap3A_295] : memref<125x16x128xf32, #tpu.memory_space<vmem>>, vector<125x1x128xf32>
    %swap3A_297 = vector.shape_cast %swap3A_296 : vector<125x1x128xf32> to vector<125x128xf32>
    %swap3A_298 = vector.shape_cast %mul3A_202 : vector<125x128xf32> to vector<125x1x128xf32>
    tpu.vector_store %arg5[%swap3A_293, %swap3A_294, %swap3A_295], %swap3A_298 {strides = array<i32>} : memref<125x16x128xf32, #tpu.memory_space<vmem>>, vector<125x1x128xf32>,
    return
  }
  func.func @transform_0(%arg0: i32) -> (i32, i32, i32) {
    %c0_i32 = arith.constant 0 : i32
    %c0_i32_0 = arith.constant 0 : i32
    %c0_i32_1 = arith.constant 0 : i32
    return %arg0, %c0_i32, %c0_i32_0 : i32, i32, i32
  }
  func.func @transform_1(%arg0: i32) -> (i32, i32, i32) {
    %c0_i32 = arith.constant 0 : i32
    %c0_i32_0 = arith.constant 0 : i32
    %c0_i32_1 = arith.constant 0 : i32
    return %arg0, %c0_i32, %c0_i32_0 : i32, i32, i32
  }
  func.func @transform_2(%arg0: i32) -> (i32, i32, i32) {
    %c0_i32 = arith.constant 0 : i32
    %c0_i32_0 = arith.constant 0 : i32
    %c0_i32_1 = arith.constant 0 : i32
    return %arg0, %c0_i32, %c0_i32_0 : i32, i32, i32
  }
  func.func @transform_3(%arg0: i32) -> (i32, i32, i32) {
    %c0_i32 = arith.constant 0 : i32
    %c0_i32_0 = arith.constant 0 : i32
    %c0_i32_1 = arith.constant 0 : i32
    return %arg0, %c0_i32, %c0_i32_0 : i32, i32, i32
  }
  func.func @transform_4(%arg0: i32) -> (i32, i32, i32) {
    %c0_i32 = arith.constant 0 : i32
    %c0_i32_0 = arith.constant 0 : i32
    %c0_i32_1 = arith.constant 0 : i32
    return %arg0, %c0_i32, %c0_i32_0 : i32, i32, i32
  }
}

module attributes {stable_mosaic.version = 14 : i64} {
  func.func @body(%arg0: i32, %arg1: memref<4x4x1000x32xf32, #tpu.memory_space<vmem>>, %arg2: memref<1x1x1000xi32, #tpu.memory_space<vmem>>, %arg3: memref<1x1x1000xi32, #tpu.memory_space<vmem>>, %arg4: memref<8x8xf32, #tpu.memory_space<vmem>>, %arg5: memref<4x4xf32, #tpu.memory_space<smem>>, %arg6: memref<4x3072x128xf32, #tpu.memory_space<vmem>>, %arg7: memref<4x128x128xf32, #tpu.memory_space<vmem>>, %arg8: memref<4x8x128xf32, #tpu.memory_space<vmem>>, %arg9: memref<100x8xf32, #tpu.memory_space<vmem>>, %arg10: memref<100x8xf32, #tpu.memory_space<vmem>>, %arg11: memref<100x8xf32, #tpu.memory_space<vmem>>) attributes {dimension_semantics = [#tpu.dimension_semantics<arbitrary>], iteration_bounds = array<i64: 10>, scalar_prefetch = 0 : i64, scratch_operands = 2 : i64, tpu.core_type = #tpu.core_type<tc>, window_params = [{transform_indices = @transform_0, window_bounds = array<i64: 4, 4, 1000, 32>}, {transform_indices = @transform_1, window_bounds = array<i64: 1, 1, 1000>}, {transform_indices = @transform_2, window_bounds = array<i64: 1, 1, 1000>}, {pipeline_mode = #tpu.pipeline_mode<synchronous>, transform_indices = @transform_3, window_bounds = array<i64: 8, 8>}, {transform_indices = @transform_4, window_bounds = array<i64: 4, 4>}, {pipeline_mode = #tpu.pipeline_mode<synchronous>, transform_indices = @transform_5, window_bounds = array<i64: 4, 3072, 128>}, {pipeline_mode = #tpu.pipeline_mode<synchronous>, transform_indices = @transform_6, window_bounds = array<i64: 4, 128, 128>}, {pipeline_mode = #tpu.pipeline_mode<synchronous>, transform_indices = @transform_7, window_bounds = array<i64: 4, 8, 128>}, {pipeline_mode = #tpu.pipeline_mode<synchronous>, transform_indices = @transform_8, window_bounds = array<i64: 100, 8>}]} {
    %iota3A = tpu.iota {dimensions = array<i32: 0>} : vector<1000x1000xi32>
    %iota3A_0 = tpu.iota {dimensions = array<i32: 1>} : vector<1000x1000xi32>
    %eq3A = arith.cmpi eq, %iota3A, %iota3A_0 : vector<1000x1000xi32>
    %convert_element_type3A = arith.extui %eq3A : vector<1000x1000xi1> to vector<1000x1000xi32>
    %convert_element_type3A_1 = arith.sitofp %convert_element_type3A : vector<1000x1000xi32> to vector<1000x1000xf32>
    %get3A = arith.constant 0 : index
    %get3A_2 = arith.constant 0 : index
    %get3A_3 = arith.constant 0 : index
    %get3A_4 = arith.constant 0 : index
    %get3A_5 = vector.load %arg1[%get3A, %get3A_2, %get3A_3, %get3A_4] : memref<4x4x1000x32xf32, #tpu.memory_space<vmem>>, vector<1x1x1000x32xf32>
    %get3A_6 = vector.shape_cast %get3A_5 : vector<1x1x1000x32xf32> to vector<1000x32xf32>
    %get3A_7 = arith.constant 0 : index
    %get3A_8 = arith.constant 0 : index
    %get3A_9 = memref.load %arg5[%get3A_7, %get3A_8] : memref<4x4xf32, #tpu.memory_space<smem>>
    %mul3A = vector.broadcast %get3A_9 : f32 to vector<1000x32xf32>
    %mul3A_10 = arith.mulf %get3A_6, %mul3A : vector<1000x32xf32>
    %get3A_11 = arith.constant 0 : index
    %get3A_12 = arith.constant 1 : index
    %get3A_13 = arith.constant 0 : index
    %get3A_14 = arith.constant 0 : index
    %get3A_15 = vector.load %arg1[%get3A_11, %get3A_12, %get3A_13, %get3A_14] : memref<4x4x1000x32xf32, #tpu.memory_space<vmem>>, vector<1x1x1000x32xf32>
    %get3A_16 = vector.shape_cast %get3A_15 : vector<1x1x1000x32xf32> to vector<1000x32xf32>
    %get3A_17 = arith.constant 1 : index
    %get3A_18 = arith.constant 0 : index
    %get3A_19 = memref.load %arg5[%get3A_17, %get3A_18] : memref<4x4xf32, #tpu.memory_space<smem>>
    %mul3A_20 = vector.broadcast %get3A_19 : f32 to vector<1000x32xf32>
    %mul3A_21 = arith.mulf %get3A_16, %mul3A_20 : vector<1000x32xf32>
    %add3A = arith.addf %mul3A_10, %mul3A_21 : vector<1000x32xf32>
    %get3A_22 = arith.constant 0 : index
    %get3A_23 = arith.constant 2 : index
    %get3A_24 = arith.constant 0 : index
    %get3A_25 = arith.constant 0 : index
    %get3A_26 = vector.load %arg1[%get3A_22, %get3A_23, %get3A_24, %get3A_25] : memref<4x4x1000x32xf32, #tpu.memory_space<vmem>>, vector<1x1x1000x32xf32>
    %get3A_27 = vector.shape_cast %get3A_26 : vector<1x1x1000x32xf32> to vector<1000x32xf32>
    %get3A_28 = arith.constant 2 : index
    %get3A_29 = arith.constant 0 : index
    %get3A_30 = memref.load %arg5[%get3A_28, %get3A_29] : memref<4x4xf32, #tpu.memory_space<smem>>
    %mul3A_31 = vector.broadcast %get3A_30 : f32 to vector<1000x32xf32>
    %mul3A_32 = arith.mulf %get3A_27, %mul3A_31 : vector<1000x32xf32>
    %add3A_33 = arith.addf %add3A, %mul3A_32 : vector<1000x32xf32>
    %get3A_34 = arith.constant 0 : index
    %get3A_35 = arith.constant 3 : index
    %get3A_36 = arith.constant 0 : index
    %get3A_37 = arith.constant 0 : index
    %get3A_38 = vector.load %arg1[%get3A_34, %get3A_35, %get3A_36, %get3A_37] : memref<4x4x1000x32xf32, #tpu.memory_space<vmem>>, vector<1x1x1000x32xf32>
    %get3A_39 = vector.shape_cast %get3A_38 : vector<1x1x1000x32xf32> to vector<1000x32xf32>
    %get3A_40 = arith.constant 3 : index
    %get3A_41 = arith.constant 0 : index
    %get3A_42 = memref.load %arg5[%get3A_40, %get3A_41] : memref<4x4xf32, #tpu.memory_space<smem>>
    %mul3A_43 = vector.broadcast %get3A_42 : f32 to vector<1000x32xf32>
    %mul3A_44 = arith.mulf %get3A_39, %mul3A_43 : vector<1000x32xf32>
    %add3A_45 = arith.addf %add3A_33, %mul3A_44 : vector<1000x32xf32>
    %dot_general3A = arith.constant dense<0.000000e+00> : vector<32x1000xf32>
    %dot_general3A_46 = tpu.matmul %add3A_45, %convert_element_type3A_1, %dot_general3A {dimension_numbers = #tpu.dot_dimension_numbers<[0], [0], [1], [1], [0, 1, 1, 1], [], []>, transpose_lhs_hint = false} : vector<1000x32xf32>, vector<1000x1000xf32>, vector<32x1000xf32> -> vector<32x1000xf32>
    %reshape3A = vector.shape_cast %dot_general3A_46 : vector<32x1000xf32> to vector<4x8x1000xf32>
    %get3A_47 = arith.constant 1 : index
    %get3A_48 = arith.constant 0 : index
    %get3A_49 = arith.constant 0 : index
    %get3A_50 = arith.constant 0 : index
    %get3A_51 = vector.load %arg1[%get3A_47, %get3A_48, %get3A_49, %get3A_50] : memref<4x4x1000x32xf32, #tpu.memory_space<vmem>>, vector<1x1x1000x32xf32>
    %get3A_52 = vector.shape_cast %get3A_51 : vector<1x1x1000x32xf32> to vector<1000x32xf32>
    %get3A_53 = arith.constant 0 : index
    %get3A_54 = arith.constant 0 : index
    %get3A_55 = memref.load %arg5[%get3A_53, %get3A_54] : memref<4x4xf32, #tpu.memory_space<smem>>
    %mul3A_56 = vector.broadcast %get3A_55 : f32 to vector<1000x32xf32>
    %mul3A_57 = arith.mulf %get3A_52, %mul3A_56 : vector<1000x32xf32>
    %get3A_58 = arith.constant 1 : index
    %get3A_59 = arith.constant 1 : index
    %get3A_60 = arith.constant 0 : index
    %get3A_61 = arith.constant 0 : index
    %get3A_62 = vector.load %arg1[%get3A_58, %get3A_59, %get3A_60, %get3A_61] : memref<4x4x1000x32xf32, #tpu.memory_space<vmem>>, vector<1x1x1000x32xf32>
    %get3A_63 = vector.shape_cast %get3A_62 : vector<1x1x1000x32xf32> to vector<1000x32xf32>
    %get3A_64 = arith.constant 1 : index
    %get3A_65 = arith.constant 0 : index
    %get3A_66 = memref.load %arg5[%get3A_64, %get3A_65] : memref<4x4xf32, #tpu.memory_space<smem>>
    %mul3A_67 = vector.broadcast %get3A_66 : f32 to vector<1000x32xf32>
    %mul3A_68 = arith.mulf %get3A_63, %mul3A_67 : vector<1000x32xf32>
    %add3A_69 = arith.addf %mul3A_57, %mul3A_68 : vector<1000x32xf32>
    %get3A_70 = arith.constant 1 : index
    %get3A_71 = arith.constant 2 : index
    %get3A_72 = arith.constant 0 : index
    %get3A_73 = arith.constant 0 : index
    %get3A_74 = vector.load %arg1[%get3A_70, %get3A_71, %get3A_72, %get3A_73] : memref<4x4x1000x32xf32, #tpu.memory_space<vmem>>, vector<1x1x1000x32xf32>
    %get3A_75 = vector.shape_cast %get3A_74 : vector<1x1x1000x32xf32> to vector<1000x32xf32>
    %get3A_76 = arith.constant 2 : index
    %get3A_77 = arith.constant 0 : index
    %get3A_78 = memref.load %arg5[%get3A_76, %get3A_77] : memref<4x4xf32, #tpu.memory_space<smem>>
    %mul3A_79 = vector.broadcast %get3A_78 : f32 to vector<1000x32xf32>
    %mul3A_80 = arith.mulf %get3A_75, %mul3A_79 : vector<1000x32xf32>
    %add3A_81 = arith.addf %add3A_69, %mul3A_80 : vector<1000x32xf32>
    %get3A_82 = arith.constant 1 : index
    %get3A_83 = arith.constant 3 : index
    %get3A_84 = arith.constant 0 : index
    %get3A_85 = arith.constant 0 : index
    %get3A_86 = vector.load %arg1[%get3A_82, %get3A_83, %get3A_84, %get3A_85] : memref<4x4x1000x32xf32, #tpu.memory_space<vmem>>, vector<1x1x1000x32xf32>
    %get3A_87 = vector.shape_cast %get3A_86 : vector<1x1x1000x32xf32> to vector<1000x32xf32>
    %get3A_88 = arith.constant 3 : index
    %get3A_89 = arith.constant 0 : index
    %get3A_90 = memref.load %arg5[%get3A_88, %get3A_89] : memref<4x4xf32, #tpu.memory_space<smem>>
    %mul3A_91 = vector.broadcast %get3A_90 : f32 to vector<1000x32xf32>
    %mul3A_92 = arith.mulf %get3A_87, %mul3A_91 : vector<1000x32xf32>
    %add3A_93 = arith.addf %add3A_81, %mul3A_92 : vector<1000x32xf32>
    %dot_general3A_94 = arith.constant dense<0.000000e+00> : vector<32x1000xf32>
    %dot_general3A_95 = tpu.matmul %add3A_93, %convert_element_type3A_1, %dot_general3A_94 {dimension_numbers = #tpu.dot_dimension_numbers<[0], [0], [1], [1], [0, 1, 1, 1], [], []>, transpose_lhs_hint = false} : vector<1000x32xf32>, vector<1000x1000xf32>, vector<32x1000xf32> -> vector<32x1000xf32>
    %reshape3A_96 = vector.shape_cast %dot_general3A_95 : vector<32x1000xf32> to vector<4x8x1000xf32>
    %get3A_97 = arith.constant 2 : index
    %get3A_98 = arith.constant 0 : index
    %get3A_99 = arith.constant 0 : index
    %get3A_100 = arith.constant 0 : index
    %get3A_101 = vector.load %arg1[%get3A_97, %get3A_98, %get3A_99, %get3A_100] : memref<4x4x1000x32xf32, #tpu.memory_space<vmem>>, vector<1x1x1000x32xf32>
    %get3A_102 = vector.shape_cast %get3A_101 : vector<1x1x1000x32xf32> to vector<1000x32xf32>
    %get3A_103 = arith.constant 0 : index
    %get3A_104 = arith.constant 0 : index
    %get3A_105 = memref.load %arg5[%get3A_103, %get3A_104] : memref<4x4xf32, #tpu.memory_space<smem>>
    %mul3A_106 = vector.broadcast %get3A_105 : f32 to vector<1000x32xf32>
    %mul3A_107 = arith.mulf %get3A_102, %mul3A_106 : vector<1000x32xf32>
    %get3A_108 = arith.constant 2 : index
    %get3A_109 = arith.constant 1 : index
    %get3A_110 = arith.constant 0 : index
    %get3A_111 = arith.constant 0 : index
    %get3A_112 = vector.load %arg1[%get3A_108, %get3A_109, %get3A_110, %get3A_111] : memref<4x4x1000x32xf32, #tpu.memory_space<vmem>>, vector<1x1x1000x32xf32>
    %get3A_113 = vector.shape_cast %get3A_112 : vector<1x1x1000x32xf32> to vector<1000x32xf32>
    %get3A_114 = arith.constant 1 : index
    %get3A_115 = arith.constant 0 : index
    %get3A_116 = memref.load %arg5[%get3A_114, %get3A_115] : memref<4x4xf32, #tpu.memory_space<smem>>
    %mul3A_117 = vector.broadcast %get3A_116 : f32 to vector<1000x32xf32>
    %mul3A_118 = arith.mulf %get3A_113, %mul3A_117 : vector<1000x32xf32>
    %add3A_119 = arith.addf %mul3A_107, %mul3A_118 : vector<1000x32xf32>
    %get3A_120 = arith.constant 2 : index
    %get3A_121 = arith.constant 2 : index
    %get3A_122 = arith.constant 0 : index
    %get3A_123 = arith.constant 0 : index
    %get3A_124 = vector.load %arg1[%get3A_120, %get3A_121, %get3A_122, %get3A_123] : memref<4x4x1000x32xf32, #tpu.memory_space<vmem>>, vector<1x1x1000x32xf32>
    %get3A_125 = vector.shape_cast %get3A_124 : vector<1x1x1000x32xf32> to vector<1000x32xf32>
    %get3A_126 = arith.constant 2 : index
    %get3A_127 = arith.constant 0 : index
    %get3A_128 = memref.load %arg5[%get3A_126, %get3A_127] : memref<4x4xf32, #tpu.memory_space<smem>>
    %mul3A_129 = vector.broadcast %get3A_128 : f32 to vector<1000x32xf32>
    %mul3A_130 = arith.mulf %get3A_125, %mul3A_129 : vector<1000x32xf32>
    %add3A_131 = arith.addf %add3A_119, %mul3A_130 : vector<1000x32xf32>
    %get3A_132 = arith.constant 2 : index
    %get3A_133 = arith.constant 3 : index
    %get3A_134 = arith.constant 0 : index
    %get3A_135 = arith.constant 0 : index
    %get3A_136 = vector.load %arg1[%get3A_132, %get3A_133, %get3A_134, %get3A_135] : memref<4x4x1000x32xf32, #tpu.memory_space<vmem>>, vector<1x1x1000x32xf32>
    %get3A_137 = vector.shape_cast %get3A_136 : vector<1x1x1000x32xf32> to vector<1000x32xf32>
    %get3A_138 = arith.constant 3 : index
    %get3A_139 = arith.constant 0 : index
    %get3A_140 = memref.load %arg5[%get3A_138, %get3A_139] : memref<4x4xf32, #tpu.memory_space<smem>>
    %mul3A_141 = vector.broadcast %get3A_140 : f32 to vector<1000x32xf32>
    %mul3A_142 = arith.mulf %get3A_137, %mul3A_141 : vector<1000x32xf32>
    %add3A_143 = arith.addf %add3A_131, %mul3A_142 : vector<1000x32xf32>
    %dot_general3A_144 = arith.constant dense<0.000000e+00> : vector<32x1000xf32>
    %dot_general3A_145 = tpu.matmul %add3A_143, %convert_element_type3A_1, %dot_general3A_144 {dimension_numbers = #tpu.dot_dimension_numbers<[0], [0], [1], [1], [0, 1, 1, 1], [], []>, transpose_lhs_hint = false} : vector<1000x32xf32>, vector<1000x1000xf32>, vector<32x1000xf32> -> vector<32x1000xf32>
    %reshape3A_146 = vector.shape_cast %dot_general3A_145 : vector<32x1000xf32> to vector<4x8x1000xf32>
    %get3A_147 = arith.constant 3 : index
    %get3A_148 = arith.constant 0 : index
    %get3A_149 = arith.constant 0 : index
    %get3A_150 = arith.constant 0 : index
    %get3A_151 = vector.load %arg1[%get3A_147, %get3A_148, %get3A_149, %get3A_150] : memref<4x4x1000x32xf32, #tpu.memory_space<vmem>>, vector<1x1x1000x32xf32>
    %get3A_152 = vector.shape_cast %get3A_151 : vector<1x1x1000x32xf32> to vector<1000x32xf32>
    %get3A_153 = arith.constant 0 : index
    %get3A_154 = arith.constant 0 : index
    %get3A_155 = memref.load %arg5[%get3A_153, %get3A_154] : memref<4x4xf32, #tpu.memory_space<smem>>
    %mul3A_156 = vector.broadcast %get3A_155 : f32 to vector<1000x32xf32>
    %mul3A_157 = arith.mulf %get3A_152, %mul3A_156 : vector<1000x32xf32>
    %get3A_158 = arith.constant 3 : index
    %get3A_159 = arith.constant 1 : index
    %get3A_160 = arith.constant 0 : index
    %get3A_161 = arith.constant 0 : index
    %get3A_162 = vector.load %arg1[%get3A_158, %get3A_159, %get3A_160, %get3A_161] : memref<4x4x1000x32xf32, #tpu.memory_space<vmem>>, vector<1x1x1000x32xf32>
    %get3A_163 = vector.shape_cast %get3A_162 : vector<1x1x1000x32xf32> to vector<1000x32xf32>
    %get3A_164 = arith.constant 1 : index
    %get3A_165 = arith.constant 0 : index
    %get3A_166 = memref.load %arg5[%get3A_164, %get3A_165] : memref<4x4xf32, #tpu.memory_space<smem>>
    %mul3A_167 = vector.broadcast %get3A_166 : f32 to vector<1000x32xf32>
    %mul3A_168 = arith.mulf %get3A_163, %mul3A_167 : vector<1000x32xf32>
    %add3A_169 = arith.addf %mul3A_157, %mul3A_168 : vector<1000x32xf32>
    %get3A_170 = arith.constant 3 : index
    %get3A_171 = arith.constant 2 : index
    %get3A_172 = arith.constant 0 : index
    %get3A_173 = arith.constant 0 : index
    %get3A_174 = vector.load %arg1[%get3A_170, %get3A_171, %get3A_172, %get3A_173] : memref<4x4x1000x32xf32, #tpu.memory_space<vmem>>, vector<1x1x1000x32xf32>
    %get3A_175 = vector.shape_cast %get3A_174 : vector<1x1x1000x32xf32> to vector<1000x32xf32>
    %get3A_176 = arith.constant 2 : index
    %get3A_177 = arith.constant 0 : index
    %get3A_178 = memref.load %arg5[%get3A_176, %get3A_177] : memref<4x4xf32, #tpu.memory_space<smem>>
    %mul3A_179 = vector.broadcast %get3A_178 : f32 to vector<1000x32xf32>
    %mul3A_180 = arith.mulf %get3A_175, %mul3A_179 : vector<1000x32xf32>
    %add3A_181 = arith.addf %add3A_169, %mul3A_180 : vector<1000x32xf32>
    %get3A_182 = arith.constant 3 : index
    %get3A_183 = arith.constant 3 : index
    %get3A_184 = arith.constant 0 : index
    %get3A_185 = arith.constant 0 : index
    %get3A_186 = vector.load %arg1[%get3A_182, %get3A_183, %get3A_184, %get3A_185] : memref<4x4x1000x32xf32, #tpu.memory_space<vmem>>, vector<1x1x1000x32xf32>
    %get3A_187 = vector.shape_cast %get3A_186 : vector<1x1x1000x32xf32> to vector<1000x32xf32>
    %get3A_188 = arith.constant 3 : index
    %get3A_189 = arith.constant 0 : index
    %get3A_190 = memref.load %arg5[%get3A_188, %get3A_189] : memref<4x4xf32, #tpu.memory_space<smem>>
    %mul3A_191 = vector.broadcast %get3A_190 : f32 to vector<1000x32xf32>
    %mul3A_192 = arith.mulf %get3A_187, %mul3A_191 : vector<1000x32xf32>
    %add3A_193 = arith.addf %add3A_181, %mul3A_192 : vector<1000x32xf32>
    %dot_general3A_194 = arith.constant dense<0.000000e+00> : vector<32x1000xf32>
    %dot_general3A_195 = tpu.matmul %add3A_193, %convert_element_type3A_1, %dot_general3A_194 {dimension_numbers = #tpu.dot_dimension_numbers<[0], [0], [1], [1], [0, 1, 1, 1], [], []>, transpose_lhs_hint = false} : vector<1000x32xf32>, vector<1000x1000xf32>, vector<32x1000xf32> -> vector<32x1000xf32>
    %reshape3A_196 = vector.shape_cast %dot_general3A_195 : vector<32x1000xf32> to vector<4x8x1000xf32>
    %concatenate3A = tpu.concatenate %reshape3A, %reshape3A_96, %reshape3A_146, %reshape3A_196 in 0 : vector<4x8x1000xf32>, vector<4x8x1000xf32>, vector<4x8x1000xf32>, vector<4x8x1000xf32> -> vector<16x8x1000xf32>
    %get3A_197 = arith.constant 0 : index
    %get3A_198 = arith.constant 0 : index
    %get3A_199 = arith.constant 0 : index
    %get3A_200 = arith.constant 0 : index
    %get3A_201 = vector.load %arg1[%get3A_197, %get3A_198, %get3A_199, %get3A_200] : memref<4x4x1000x32xf32, #tpu.memory_space<vmem>>, vector<1x1x1000x32xf32>
    %get3A_202 = vector.shape_cast %get3A_201 : vector<1x1x1000x32xf32> to vector<1000x32xf32>
    %get3A_203 = arith.constant 0 : index
    %get3A_204 = arith.constant 1 : index
    %get3A_205 = memref.load %arg5[%get3A_203, %get3A_204] : memref<4x4xf32, #tpu.memory_space<smem>>
    %mul3A_206 = vector.broadcast %get3A_205 : f32 to vector<1000x32xf32>
    %mul3A_207 = arith.mulf %get3A_202, %mul3A_206 : vector<1000x32xf32>
    %get3A_208 = arith.constant 0 : index
    %get3A_209 = arith.constant 1 : index
    %get3A_210 = arith.constant 0 : index
    %get3A_211 = arith.constant 0 : index
    %get3A_212 = vector.load %arg1[%get3A_208, %get3A_209, %get3A_210, %get3A_211] : memref<4x4x1000x32xf32, #tpu.memory_space<vmem>>, vector<1x1x1000x32xf32>
    %get3A_213 = vector.shape_cast %get3A_212 : vector<1x1x1000x32xf32> to vector<1000x32xf32>
    %get3A_214 = arith.constant 1 : index
    %get3A_215 = arith.constant 1 : index
    %get3A_216 = memref.load %arg5[%get3A_214, %get3A_215] : memref<4x4xf32, #tpu.memory_space<smem>>
    %mul3A_217 = vector.broadcast %get3A_216 : f32 to vector<1000x32xf32>
    %mul3A_218 = arith.mulf %get3A_213, %mul3A_217 : vector<1000x32xf32>
    %add3A_219 = arith.addf %mul3A_207, %mul3A_218 : vector<1000x32xf32>
    %get3A_220 = arith.constant 0 : index
    %get3A_221 = arith.constant 2 : index
    %get3A_222 = arith.constant 0 : index
    %get3A_223 = arith.constant 0 : index
    %get3A_224 = vector.load %arg1[%get3A_220, %get3A_221, %get3A_222, %get3A_223] : memref<4x4x1000x32xf32, #tpu.memory_space<vmem>>, vector<1x1x1000x32xf32>
    %get3A_225 = vector.shape_cast %get3A_224 : vector<1x1x1000x32xf32> to vector<1000x32xf32>
    %get3A_226 = arith.constant 2 : index
    %get3A_227 = arith.constant 1 : index
    %get3A_228 = memref.load %arg5[%get3A_226, %get3A_227] : memref<4x4xf32, #tpu.memory_space<smem>>
    %mul3A_229 = vector.broadcast %get3A_228 : f32 to vector<1000x32xf32>
    %mul3A_230 = arith.mulf %get3A_225, %mul3A_229 : vector<1000x32xf32>
    %add3A_231 = arith.addf %add3A_219, %mul3A_230 : vector<1000x32xf32>
    %get3A_232 = arith.constant 0 : index
    %get3A_233 = arith.constant 3 : index
    %get3A_234 = arith.constant 0 : index
    %get3A_235 = arith.constant 0 : index
    %get3A_236 = vector.load %arg1[%get3A_232, %get3A_233, %get3A_234, %get3A_235] : memref<4x4x1000x32xf32, #tpu.memory_space<vmem>>, vector<1x1x1000x32xf32>
    %get3A_237 = vector.shape_cast %get3A_236 : vector<1x1x1000x32xf32> to vector<1000x32xf32>
    %get3A_238 = arith.constant 3 : index
    %get3A_239 = arith.constant 1 : index
    %get3A_240 = memref.load %arg5[%get3A_238, %get3A_239] : memref<4x4xf32, #tpu.memory_space<smem>>
    %mul3A_241 = vector.broadcast %get3A_240 : f32 to vector<1000x32xf32>
    %mul3A_242 = arith.mulf %get3A_237, %mul3A_241 : vector<1000x32xf32>
    %add3A_243 = arith.addf %add3A_231, %mul3A_242 : vector<1000x32xf32>
    %dot_general3A_244 = arith.constant dense<0.000000e+00> : vector<32x1000xf32>
    %dot_general3A_245 = tpu.matmul %add3A_243, %convert_element_type3A_1, %dot_general3A_244 {dimension_numbers = #tpu.dot_dimension_numbers<[0], [0], [1], [1], [0, 1, 1, 1], [], []>, transpose_lhs_hint = false} : vector<1000x32xf32>, vector<1000x1000xf32>, vector<32x1000xf32> -> vector<32x1000xf32>
    %reshape3A_246 = vector.shape_cast %dot_general3A_245 : vector<32x1000xf32> to vector<4x8x1000xf32>
    %get3A_247 = arith.constant 1 : index
    %get3A_248 = arith.constant 0 : index
    %get3A_249 = arith.constant 0 : index
    %get3A_250 = arith.constant 0 : index
    %get3A_251 = vector.load %arg1[%get3A_247, %get3A_248, %get3A_249, %get3A_250] : memref<4x4x1000x32xf32, #tpu.memory_space<vmem>>, vector<1x1x1000x32xf32>
    %get3A_252 = vector.shape_cast %get3A_251 : vector<1x1x1000x32xf32> to vector<1000x32xf32>
    %get3A_253 = arith.constant 0 : index
    %get3A_254 = arith.constant 1 : index
    %get3A_255 = memref.load %arg5[%get3A_253, %get3A_254] : memref<4x4xf32, #tpu.memory_space<smem>>
    %mul3A_256 = vector.broadcast %get3A_255 : f32 to vector<1000x32xf32>
    %mul3A_257 = arith.mulf %get3A_252, %mul3A_256 : vector<1000x32xf32>
    %get3A_258 = arith.constant 1 : index
    %get3A_259 = arith.constant 1 : index
    %get3A_260 = arith.constant 0 : index
    %get3A_261 = arith.constant 0 : index
    %get3A_262 = vector.load %arg1[%get3A_258, %get3A_259, %get3A_260, %get3A_261] : memref<4x4x1000x32xf32, #tpu.memory_space<vmem>>, vector<1x1x1000x32xf32>
    %get3A_263 = vector.shape_cast %get3A_262 : vector<1x1x1000x32xf32> to vector<1000x32xf32>
    %get3A_264 = arith.constant 1 : index
    %get3A_265 = arith.constant 1 : index
    %get3A_266 = memref.load %arg5[%get3A_264, %get3A_265] : memref<4x4xf32, #tpu.memory_space<smem>>
    %mul3A_267 = vector.broadcast %get3A_266 : f32 to vector<1000x32xf32>
    %mul3A_268 = arith.mulf %get3A_263, %mul3A_267 : vector<1000x32xf32>
    %add3A_269 = arith.addf %mul3A_257, %mul3A_268 : vector<1000x32xf32>
    %get3A_270 = arith.constant 1 : index
    %get3A_271 = arith.constant 2 : index
    %get3A_272 = arith.constant 0 : index
    %get3A_273 = arith.constant 0 : index
    %get3A_274 = vector.load %arg1[%get3A_270, %get3A_271, %get3A_272, %get3A_273] : memref<4x4x1000x32xf32, #tpu.memory_space<vmem>>, vector<1x1x1000x32xf32>
    %get3A_275 = vector.shape_cast %get3A_274 : vector<1x1x1000x32xf32> to vector<1000x32xf32>
    %get3A_276 = arith.constant 2 : index
    %get3A_277 = arith.constant 1 : index
    %get3A_278 = memref.load %arg5[%get3A_276, %get3A_277] : memref<4x4xf32, #tpu.memory_space<smem>>
    %mul3A_279 = vector.broadcast %get3A_278 : f32 to vector<1000x32xf32>
    %mul3A_280 = arith.mulf %get3A_275, %mul3A_279 : vector<1000x32xf32>
    %add3A_281 = arith.addf %add3A_269, %mul3A_280 : vector<1000x32xf32>
    %get3A_282 = arith.constant 1 : index
    %get3A_283 = arith.constant 3 : index
    %get3A_284 = arith.constant 0 : index
    %get3A_285 = arith.constant 0 : index
    %get3A_286 = vector.load %arg1[%get3A_282, %get3A_283, %get3A_284, %get3A_285] : memref<4x4x1000x32xf32, #tpu.memory_space<vmem>>, vector<1x1x1000x32xf32>
    %get3A_287 = vector.shape_cast %get3A_286 : vector<1x1x1000x32xf32> to vector<1000x32xf32>
    %get3A_288 = arith.constant 3 : index
    %get3A_289 = arith.constant 1 : index
    %get3A_290 = memref.load %arg5[%get3A_288, %get3A_289] : memref<4x4xf32, #tpu.memory_space<smem>>
    %mul3A_291 = vector.broadcast %get3A_290 : f32 to vector<1000x32xf32>
    %mul3A_292 = arith.mulf %get3A_287, %mul3A_291 : vector<1000x32xf32>
    %add3A_293 = arith.addf %add3A_281, %mul3A_292 : vector<1000x32xf32>
    %dot_general3A_294 = arith.constant dense<0.000000e+00> : vector<32x1000xf32>
    %dot_general3A_295 = tpu.matmul %add3A_293, %convert_element_type3A_1, %dot_general3A_294 {dimension_numbers = #tpu.dot_dimension_numbers<[0], [0], [1], [1], [0, 1, 1, 1], [], []>, transpose_lhs_hint = false} : vector<1000x32xf32>, vector<1000x1000xf32>, vector<32x1000xf32> -> vector<32x1000xf32>
    %reshape3A_296 = vector.shape_cast %dot_general3A_295 : vector<32x1000xf32> to vector<4x8x1000xf32>
    %get3A_297 = arith.constant 2 : index
    %get3A_298 = arith.constant 0 : index
    %get3A_299 = arith.constant 0 : index
    %get3A_300 = arith.constant 0 : index
    %get3A_301 = vector.load %arg1[%get3A_297, %get3A_298, %get3A_299, %get3A_300] : memref<4x4x1000x32xf32, #tpu.memory_space<vmem>>, vector<1x1x1000x32xf32>
    %get3A_302 = vector.shape_cast %get3A_301 : vector<1x1x1000x32xf32> to vector<1000x32xf32>
    %get3A_303 = arith.constant 0 : index
    %get3A_304 = arith.constant 1 : index
    %get3A_305 = memref.load %arg5[%get3A_303, %get3A_304] : memref<4x4xf32, #tpu.memory_space<smem>>
    %mul3A_306 = vector.broadcast %get3A_305 : f32 to vector<1000x32xf32>
    %mul3A_307 = arith.mulf %get3A_302, %mul3A_306 : vector<1000x32xf32>
    %get3A_308 = arith.constant 2 : index
    %get3A_309 = arith.constant 1 : index
    %get3A_310 = arith.constant 0 : index
    %get3A_311 = arith.constant 0 : index
    %get3A_312 = vector.load %arg1[%get3A_308, %get3A_309, %get3A_310, %get3A_311] : memref<4x4x1000x32xf32, #tpu.memory_space<vmem>>, vector<1x1x1000x32xf32>
    %get3A_313 = vector.shape_cast %get3A_312 : vector<1x1x1000x32xf32> to vector<1000x32xf32>
    %get3A_314 = arith.constant 1 : index
    %get3A_315 = arith.constant 1 : index
    %get3A_316 = memref.load %arg5[%get3A_314, %get3A_315] : memref<4x4xf32, #tpu.memory_space<smem>>
    %mul3A_317 = vector.broadcast %get3A_316 : f32 to vector<1000x32xf32>
    %mul3A_318 = arith.mulf %get3A_313, %mul3A_317 : vector<1000x32xf32>
    %add3A_319 = arith.addf %mul3A_307, %mul3A_318 : vector<1000x32xf32>
    %get3A_320 = arith.constant 2 : index
    %get3A_321 = arith.constant 2 : index
    %get3A_322 = arith.constant 0 : index
    %get3A_323 = arith.constant 0 : index
    %get3A_324 = vector.load %arg1[%get3A_320, %get3A_321, %get3A_322, %get3A_323] : memref<4x4x1000x32xf32, #tpu.memory_space<vmem>>, vector<1x1x1000x32xf32>
    %get3A_325 = vector.shape_cast %get3A_324 : vector<1x1x1000x32xf32> to vector<1000x32xf32>
    %get3A_326 = arith.constant 2 : index
    %get3A_327 = arith.constant 1 : index
    %get3A_328 = memref.load %arg5[%get3A_326, %get3A_327] : memref<4x4xf32, #tpu.memory_space<smem>>
    %mul3A_329 = vector.broadcast %get3A_328 : f32 to vector<1000x32xf32>
    %mul3A_330 = arith.mulf %get3A_325, %mul3A_329 : vector<1000x32xf32>
    %add3A_331 = arith.addf %add3A_319, %mul3A_330 : vector<1000x32xf32>
    %get3A_332 = arith.constant 2 : index
    %get3A_333 = arith.constant 3 : index
    %get3A_334 = arith.constant 0 : index
    %get3A_335 = arith.constant 0 : index
    %get3A_336 = vector.load %arg1[%get3A_332, %get3A_333, %get3A_334, %get3A_335] : memref<4x4x1000x32xf32, #tpu.memory_space<vmem>>, vector<1x1x1000x32xf32>
    %get3A_337 = vector.shape_cast %get3A_336 : vector<1x1x1000x32xf32> to vector<1000x32xf32>
    %get3A_338 = arith.constant 3 : index
    %get3A_339 = arith.constant 1 : index
    %get3A_340 = memref.load %arg5[%get3A_338, %get3A_339] : memref<4x4xf32, #tpu.memory_space<smem>>
    %mul3A_341 = vector.broadcast %get3A_340 : f32 to vector<1000x32xf32>
    %mul3A_342 = arith.mulf %get3A_337, %mul3A_341 : vector<1000x32xf32>
    %add3A_343 = arith.addf %add3A_331, %mul3A_342 : vector<1000x32xf32>
    %dot_general3A_344 = arith.constant dense<0.000000e+00> : vector<32x1000xf32>
    %dot_general3A_345 = tpu.matmul %add3A_343, %convert_element_type3A_1, %dot_general3A_344 {dimension_numbers = #tpu.dot_dimension_numbers<[0], [0], [1], [1], [0, 1, 1, 1], [], []>, transpose_lhs_hint = false} : vector<1000x32xf32>, vector<1000x1000xf32>, vector<32x1000xf32> -> vector<32x1000xf32>
    %reshape3A_346 = vector.shape_cast %dot_general3A_345 : vector<32x1000xf32> to vector<4x8x1000xf32>
    %get3A_347 = arith.constant 3 : index
    %get3A_348 = arith.constant 0 : index
    %get3A_349 = arith.constant 0 : index
    %get3A_350 = arith.constant 0 : index
    %get3A_351 = vector.load %arg1[%get3A_347, %get3A_348, %get3A_349, %get3A_350] : memref<4x4x1000x32xf32, #tpu.memory_space<vmem>>, vector<1x1x1000x32xf32>
    %get3A_352 = vector.shape_cast %get3A_351 : vector<1x1x1000x32xf32> to vector<1000x32xf32>
    %get3A_353 = arith.constant 0 : index
    %get3A_354 = arith.constant 1 : index
    %get3A_355 = memref.load %arg5[%get3A_353, %get3A_354] : memref<4x4xf32, #tpu.memory_space<smem>>
    %mul3A_356 = vector.broadcast %get3A_355 : f32 to vector<1000x32xf32>
    %mul3A_357 = arith.mulf %get3A_352, %mul3A_356 : vector<1000x32xf32>
    %get3A_358 = arith.constant 3 : index
    %get3A_359 = arith.constant 1 : index
    %get3A_360 = arith.constant 0 : index
    %get3A_361 = arith.constant 0 : index
    %get3A_362 = vector.load %arg1[%get3A_358, %get3A_359, %get3A_360, %get3A_361] : memref<4x4x1000x32xf32, #tpu.memory_space<vmem>>, vector<1x1x1000x32xf32>
    %get3A_363 = vector.shape_cast %get3A_362 : vector<1x1x1000x32xf32> to vector<1000x32xf32>
    %get3A_364 = arith.constant 1 : index
    %get3A_365 = arith.constant 1 : index
    %get3A_366 = memref.load %arg5[%get3A_364, %get3A_365] : memref<4x4xf32, #tpu.memory_space<smem>>
    %mul3A_367 = vector.broadcast %get3A_366 : f32 to vector<1000x32xf32>
    %mul3A_368 = arith.mulf %get3A_363, %mul3A_367 : vector<1000x32xf32>
    %add3A_369 = arith.addf %mul3A_357, %mul3A_368 : vector<1000x32xf32>
    %get3A_370 = arith.constant 3 : index
    %get3A_371 = arith.constant 2 : index
    %get3A_372 = arith.constant 0 : index
    %get3A_373 = arith.constant 0 : index
    %get3A_374 = vector.load %arg1[%get3A_370, %get3A_371, %get3A_372, %get3A_373] : memref<4x4x1000x32xf32, #tpu.memory_space<vmem>>, vector<1x1x1000x32xf32>
    %get3A_375 = vector.shape_cast %get3A_374 : vector<1x1x1000x32xf32> to vector<1000x32xf32>
    %get3A_376 = arith.constant 2 : index
    %get3A_377 = arith.constant 1 : index
    %get3A_378 = memref.load %arg5[%get3A_376, %get3A_377] : memref<4x4xf32, #tpu.memory_space<smem>>
    %mul3A_379 = vector.broadcast %get3A_378 : f32 to vector<1000x32xf32>
    %mul3A_380 = arith.mulf %get3A_375, %mul3A_379 : vector<1000x32xf32>
    %add3A_381 = arith.addf %add3A_369, %mul3A_380 : vector<1000x32xf32>
    %get3A_382 = arith.constant 3 : index
    %get3A_383 = arith.constant 3 : index
    %get3A_384 = arith.constant 0 : index
    %get3A_385 = arith.constant 0 : index
    %get3A_386 = vector.load %arg1[%get3A_382, %get3A_383, %get3A_384, %get3A_385] : memref<4x4x1000x32xf32, #tpu.memory_space<vmem>>, vector<1x1x1000x32xf32>
    %get3A_387 = vector.shape_cast %get3A_386 : vector<1x1x1000x32xf32> to vector<1000x32xf32>
    %get3A_388 = arith.constant 3 : index
    %get3A_389 = arith.constant 1 : index
    %get3A_390 = memref.load %arg5[%get3A_388, %get3A_389] : memref<4x4xf32, #tpu.memory_space<smem>>
    %mul3A_391 = vector.broadcast %get3A_390 : f32 to vector<1000x32xf32>
    %mul3A_392 = arith.mulf %get3A_387, %mul3A_391 : vector<1000x32xf32>
    %add3A_393 = arith.addf %add3A_381, %mul3A_392 : vector<1000x32xf32>
    %dot_general3A_394 = arith.constant dense<0.000000e+00> : vector<32x1000xf32>
    %dot_general3A_395 = tpu.matmul %add3A_393, %convert_element_type3A_1, %dot_general3A_394 {dimension_numbers = #tpu.dot_dimension_numbers<[0], [0], [1], [1], [0, 1, 1, 1], [], []>, transpose_lhs_hint = false} : vector<1000x32xf32>, vector<1000x1000xf32>, vector<32x1000xf32> -> vector<32x1000xf32>
    %reshape3A_396 = vector.shape_cast %dot_general3A_395 : vector<32x1000xf32> to vector<4x8x1000xf32>
    %concatenate3A_397 = tpu.concatenate %reshape3A_246, %reshape3A_296, %reshape3A_346, %reshape3A_396 in 0 : vector<4x8x1000xf32>, vector<4x8x1000xf32>, vector<4x8x1000xf32>, vector<4x8x1000xf32> -> vector<16x8x1000xf32>
    %get3A_398 = arith.constant 0 : index
    %get3A_399 = arith.constant 0 : index
    %get3A_400 = arith.constant 0 : index
    %get3A_401 = arith.constant 0 : index
    %get3A_402 = vector.load %arg1[%get3A_398, %get3A_399, %get3A_400, %get3A_401] : memref<4x4x1000x32xf32, #tpu.memory_space<vmem>>, vector<1x1x1000x32xf32>
    %get3A_403 = vector.shape_cast %get3A_402 : vector<1x1x1000x32xf32> to vector<1000x32xf32>
    %get3A_404 = arith.constant 0 : index
    %get3A_405 = arith.constant 2 : index
    %get3A_406 = memref.load %arg5[%get3A_404, %get3A_405] : memref<4x4xf32, #tpu.memory_space<smem>>
    %mul3A_407 = vector.broadcast %get3A_406 : f32 to vector<1000x32xf32>
    %mul3A_408 = arith.mulf %get3A_403, %mul3A_407 : vector<1000x32xf32>
    %get3A_409 = arith.constant 0 : index
    %get3A_410 = arith.constant 1 : index
    %get3A_411 = arith.constant 0 : index
    %get3A_412 = arith.constant 0 : index
    %get3A_413 = vector.load %arg1[%get3A_409, %get3A_410, %get3A_411, %get3A_412] : memref<4x4x1000x32xf32, #tpu.memory_space<vmem>>, vector<1x1x1000x32xf32>
    %get3A_414 = vector.shape_cast %get3A_413 : vector<1x1x1000x32xf32> to vector<1000x32xf32>
    %get3A_415 = arith.constant 1 : index
    %get3A_416 = arith.constant 2 : index
    %get3A_417 = memref.load %arg5[%get3A_415, %get3A_416] : memref<4x4xf32, #tpu.memory_space<smem>>
    %mul3A_418 = vector.broadcast %get3A_417 : f32 to vector<1000x32xf32>
    %mul3A_419 = arith.mulf %get3A_414, %mul3A_418 : vector<1000x32xf32>
    %add3A_420 = arith.addf %mul3A_408, %mul3A_419 : vector<1000x32xf32>
    %get3A_421 = arith.constant 0 : index
    %get3A_422 = arith.constant 2 : index
    %get3A_423 = arith.constant 0 : index
    %get3A_424 = arith.constant 0 : index
    %get3A_425 = vector.load %arg1[%get3A_421, %get3A_422, %get3A_423, %get3A_424] : memref<4x4x1000x32xf32, #tpu.memory_space<vmem>>, vector<1x1x1000x32xf32>
    %get3A_426 = vector.shape_cast %get3A_425 : vector<1x1x1000x32xf32> to vector<1000x32xf32>
    %get3A_427 = arith.constant 2 : index
    %get3A_428 = arith.constant 2 : index
    %get3A_429 = memref.load %arg5[%get3A_427, %get3A_428] : memref<4x4xf32, #tpu.memory_space<smem>>
    %mul3A_430 = vector.broadcast %get3A_429 : f32 to vector<1000x32xf32>
    %mul3A_431 = arith.mulf %get3A_426, %mul3A_430 : vector<1000x32xf32>
    %add3A_432 = arith.addf %add3A_420, %mul3A_431 : vector<1000x32xf32>
    %get3A_433 = arith.constant 0 : index
    %get3A_434 = arith.constant 3 : index
    %get3A_435 = arith.constant 0 : index
    %get3A_436 = arith.constant 0 : index
    %get3A_437 = vector.load %arg1[%get3A_433, %get3A_434, %get3A_435, %get3A_436] : memref<4x4x1000x32xf32, #tpu.memory_space<vmem>>, vector<1x1x1000x32xf32>
    %get3A_438 = vector.shape_cast %get3A_437 : vector<1x1x1000x32xf32> to vector<1000x32xf32>
    %get3A_439 = arith.constant 3 : index
    %get3A_440 = arith.constant 2 : index
    %get3A_441 = memref.load %arg5[%get3A_439, %get3A_440] : memref<4x4xf32, #tpu.memory_space<smem>>
    %mul3A_442 = vector.broadcast %get3A_441 : f32 to vector<1000x32xf32>
    %mul3A_443 = arith.mulf %get3A_438, %mul3A_442 : vector<1000x32xf32>
    %add3A_444 = arith.addf %add3A_432, %mul3A_443 : vector<1000x32xf32>
    %dot_general3A_445 = arith.constant dense<0.000000e+00> : vector<32x1000xf32>
    %dot_general3A_446 = tpu.matmul %add3A_444, %convert_element_type3A_1, %dot_general3A_445 {dimension_numbers = #tpu.dot_dimension_numbers<[0], [0], [1], [1], [0, 1, 1, 1], [], []>, transpose_lhs_hint = false} : vector<1000x32xf32>, vector<1000x1000xf32>, vector<32x1000xf32> -> vector<32x1000xf32>
    %reshape3A_447 = vector.shape_cast %dot_general3A_446 : vector<32x1000xf32> to vector<4x8x1000xf32>
    %get3A_448 = arith.constant 1 : index
    %get3A_449 = arith.constant 0 : index
    %get3A_450 = arith.constant 0 : index
    %get3A_451 = arith.constant 0 : index
    %get3A_452 = vector.load %arg1[%get3A_448, %get3A_449, %get3A_450, %get3A_451] : memref<4x4x1000x32xf32, #tpu.memory_space<vmem>>, vector<1x1x1000x32xf32>
    %get3A_453 = vector.shape_cast %get3A_452 : vector<1x1x1000x32xf32> to vector<1000x32xf32>
    %get3A_454 = arith.constant 0 : index
    %get3A_455 = arith.constant 2 : index
    %get3A_456 = memref.load %arg5[%get3A_454, %get3A_455] : memref<4x4xf32, #tpu.memory_space<smem>>
    %mul3A_457 = vector.broadcast %get3A_456 : f32 to vector<1000x32xf32>
    %mul3A_458 = arith.mulf %get3A_453, %mul3A_457 : vector<1000x32xf32>
    %get3A_459 = arith.constant 1 : index
    %get3A_460 = arith.constant 1 : index
    %get3A_461 = arith.constant 0 : index
    %get3A_462 = arith.constant 0 : index
    %get3A_463 = vector.load %arg1[%get3A_459, %get3A_460, %get3A_461, %get3A_462] : memref<4x4x1000x32xf32, #tpu.memory_space<vmem>>, vector<1x1x1000x32xf32>
    %get3A_464 = vector.shape_cast %get3A_463 : vector<1x1x1000x32xf32> to vector<1000x32xf32>
    %get3A_465 = arith.constant 1 : index
    %get3A_466 = arith.constant 2 : index
    %get3A_467 = memref.load %arg5[%get3A_465, %get3A_466] : memref<4x4xf32, #tpu.memory_space<smem>>
    %mul3A_468 = vector.broadcast %get3A_467 : f32 to vector<1000x32xf32>
    %mul3A_469 = arith.mulf %get3A_464, %mul3A_468 : vector<1000x32xf32>
    %add3A_470 = arith.addf %mul3A_458, %mul3A_469 : vector<1000x32xf32>
    %get3A_471 = arith.constant 1 : index
    %get3A_472 = arith.constant 2 : index
    %get3A_473 = arith.constant 0 : index
    %get3A_474 = arith.constant 0 : index
    %get3A_475 = vector.load %arg1[%get3A_471, %get3A_472, %get3A_473, %get3A_474] : memref<4x4x1000x32xf32, #tpu.memory_space<vmem>>, vector<1x1x1000x32xf32>
    %get3A_476 = vector.shape_cast %get3A_475 : vector<1x1x1000x32xf32> to vector<1000x32xf32>
    %get3A_477 = arith.constant 2 : index
    %get3A_478 = arith.constant 2 : index
    %get3A_479 = memref.load %arg5[%get3A_477, %get3A_478] : memref<4x4xf32, #tpu.memory_space<smem>>
    %mul3A_480 = vector.broadcast %get3A_479 : f32 to vector<1000x32xf32>
    %mul3A_481 = arith.mulf %get3A_476, %mul3A_480 : vector<1000x32xf32>
    %add3A_482 = arith.addf %add3A_470, %mul3A_481 : vector<1000x32xf32>
    %get3A_483 = arith.constant 1 : index
    %get3A_484 = arith.constant 3 : index
    %get3A_485 = arith.constant 0 : index
    %get3A_486 = arith.constant 0 : index
    %get3A_487 = vector.load %arg1[%get3A_483, %get3A_484, %get3A_485, %get3A_486] : memref<4x4x1000x32xf32, #tpu.memory_space<vmem>>, vector<1x1x1000x32xf32>
    %get3A_488 = vector.shape_cast %get3A_487 : vector<1x1x1000x32xf32> to vector<1000x32xf32>
    %get3A_489 = arith.constant 3 : index
    %get3A_490 = arith.constant 2 : index
    %get3A_491 = memref.load %arg5[%get3A_489, %get3A_490] : memref<4x4xf32, #tpu.memory_space<smem>>
    %mul3A_492 = vector.broadcast %get3A_491 : f32 to vector<1000x32xf32>
    %mul3A_493 = arith.mulf %get3A_488, %mul3A_492 : vector<1000x32xf32>
    %add3A_494 = arith.addf %add3A_482, %mul3A_493 : vector<1000x32xf32>
    %dot_general3A_495 = arith.constant dense<0.000000e+00> : vector<32x1000xf32>
    %dot_general3A_496 = tpu.matmul %add3A_494, %convert_element_type3A_1, %dot_general3A_495 {dimension_numbers = #tpu.dot_dimension_numbers<[0], [0], [1], [1], [0, 1, 1, 1], [], []>, transpose_lhs_hint = false} : vector<1000x32xf32>, vector<1000x1000xf32>, vector<32x1000xf32> -> vector<32x1000xf32>
    %reshape3A_497 = vector.shape_cast %dot_general3A_496 : vector<32x1000xf32> to vector<4x8x1000xf32>
    %get3A_498 = arith.constant 2 : index
    %get3A_499 = arith.constant 0 : index
    %get3A_500 = arith.constant 0 : index
    %get3A_501 = arith.constant 0 : index
    %get3A_502 = vector.load %arg1[%get3A_498, %get3A_499, %get3A_500, %get3A_501] : memref<4x4x1000x32xf32, #tpu.memory_space<vmem>>, vector<1x1x1000x32xf32>
    %get3A_503 = vector.shape_cast %get3A_502 : vector<1x1x1000x32xf32> to vector<1000x32xf32>
    %get3A_504 = arith.constant 0 : index
    %get3A_505 = arith.constant 2 : index
    %get3A_506 = memref.load %arg5[%get3A_504, %get3A_505] : memref<4x4xf32, #tpu.memory_space<smem>>
    %mul3A_507 = vector.broadcast %get3A_506 : f32 to vector<1000x32xf32>
    %mul3A_508 = arith.mulf %get3A_503, %mul3A_507 : vector<1000x32xf32>
    %get3A_509 = arith.constant 2 : index
    %get3A_510 = arith.constant 1 : index
    %get3A_511 = arith.constant 0 : index
    %get3A_512 = arith.constant 0 : index
    %get3A_513 = vector.load %arg1[%get3A_509, %get3A_510, %get3A_511, %get3A_512] : memref<4x4x1000x32xf32, #tpu.memory_space<vmem>>, vector<1x1x1000x32xf32>
    %get3A_514 = vector.shape_cast %get3A_513 : vector<1x1x1000x32xf32> to vector<1000x32xf32>
    %get3A_515 = arith.constant 1 : index
    %get3A_516 = arith.constant 2 : index
    %get3A_517 = memref.load %arg5[%get3A_515, %get3A_516] : memref<4x4xf32, #tpu.memory_space<smem>>
    %mul3A_518 = vector.broadcast %get3A_517 : f32 to vector<1000x32xf32>
    %mul3A_519 = arith.mulf %get3A_514, %mul3A_518 : vector<1000x32xf32>
    %add3A_520 = arith.addf %mul3A_508, %mul3A_519 : vector<1000x32xf32>
    %get3A_521 = arith.constant 2 : index
    %get3A_522 = arith.constant 2 : index
    %get3A_523 = arith.constant 0 : index
    %get3A_524 = arith.constant 0 : index
    %get3A_525 = vector.load %arg1[%get3A_521, %get3A_522, %get3A_523, %get3A_524] : memref<4x4x1000x32xf32, #tpu.memory_space<vmem>>, vector<1x1x1000x32xf32>
    %get3A_526 = vector.shape_cast %get3A_525 : vector<1x1x1000x32xf32> to vector<1000x32xf32>
    %get3A_527 = arith.constant 2 : index
    %get3A_528 = arith.constant 2 : index
    %get3A_529 = memref.load %arg5[%get3A_527, %get3A_528] : memref<4x4xf32, #tpu.memory_space<smem>>
    %mul3A_530 = vector.broadcast %get3A_529 : f32 to vector<1000x32xf32>
    %mul3A_531 = arith.mulf %get3A_526, %mul3A_530 : vector<1000x32xf32>
    %add3A_532 = arith.addf %add3A_520, %mul3A_531 : vector<1000x32xf32>
    %get3A_533 = arith.constant 2 : index
    %get3A_534 = arith.constant 3 : index
    %get3A_535 = arith.constant 0 : index
    %get3A_536 = arith.constant 0 : index
    %get3A_537 = vector.load %arg1[%get3A_533, %get3A_534, %get3A_535, %get3A_536] : memref<4x4x1000x32xf32, #tpu.memory_space<vmem>>, vector<1x1x1000x32xf32>
    %get3A_538 = vector.shape_cast %get3A_537 : vector<1x1x1000x32xf32> to vector<1000x32xf32>
    %get3A_539 = arith.constant 3 : index
    %get3A_540 = arith.constant 2 : index
    %get3A_541 = memref.load %arg5[%get3A_539, %get3A_540] : memref<4x4xf32, #tpu.memory_space<smem>>
    %mul3A_542 = vector.broadcast %get3A_541 : f32 to vector<1000x32xf32>
    %mul3A_543 = arith.mulf %get3A_538, %mul3A_542 : vector<1000x32xf32>
    %add3A_544 = arith.addf %add3A_532, %mul3A_543 : vector<1000x32xf32>
    %dot_general3A_545 = arith.constant dense<0.000000e+00> : vector<32x1000xf32>
    %dot_general3A_546 = tpu.matmul %add3A_544, %convert_element_type3A_1, %dot_general3A_545 {dimension_numbers = #tpu.dot_dimension_numbers<[0], [0], [1], [1], [0, 1, 1, 1], [], []>, transpose_lhs_hint = false} : vector<1000x32xf32>, vector<1000x1000xf32>, vector<32x1000xf32> -> vector<32x1000xf32>
    %reshape3A_547 = vector.shape_cast %dot_general3A_546 : vector<32x1000xf32> to vector<4x8x1000xf32>
    %get3A_548 = arith.constant 3 : index
    %get3A_549 = arith.constant 0 : index
    %get3A_550 = arith.constant 0 : index
    %get3A_551 = arith.constant 0 : index
    %get3A_552 = vector.load %arg1[%get3A_548, %get3A_549, %get3A_550, %get3A_551] : memref<4x4x1000x32xf32, #tpu.memory_space<vmem>>, vector<1x1x1000x32xf32>
    %get3A_553 = vector.shape_cast %get3A_552 : vector<1x1x1000x32xf32> to vector<1000x32xf32>
    %get3A_554 = arith.constant 0 : index
    %get3A_555 = arith.constant 2 : index
    %get3A_556 = memref.load %arg5[%get3A_554, %get3A_555] : memref<4x4xf32, #tpu.memory_space<smem>>
    %mul3A_557 = vector.broadcast %get3A_556 : f32 to vector<1000x32xf32>
    %mul3A_558 = arith.mulf %get3A_553, %mul3A_557 : vector<1000x32xf32>
    %get3A_559 = arith.constant 3 : index
    %get3A_560 = arith.constant 1 : index
    %get3A_561 = arith.constant 0 : index
    %get3A_562 = arith.constant 0 : index
    %get3A_563 = vector.load %arg1[%get3A_559, %get3A_560, %get3A_561, %get3A_562] : memref<4x4x1000x32xf32, #tpu.memory_space<vmem>>, vector<1x1x1000x32xf32>
    %get3A_564 = vector.shape_cast %get3A_563 : vector<1x1x1000x32xf32> to vector<1000x32xf32>
    %get3A_565 = arith.constant 1 : index
    %get3A_566 = arith.constant 2 : index
    %get3A_567 = memref.load %arg5[%get3A_565, %get3A_566] : memref<4x4xf32, #tpu.memory_space<smem>>
    %mul3A_568 = vector.broadcast %get3A_567 : f32 to vector<1000x32xf32>
    %mul3A_569 = arith.mulf %get3A_564, %mul3A_568 : vector<1000x32xf32>
    %add3A_570 = arith.addf %mul3A_558, %mul3A_569 : vector<1000x32xf32>
    %get3A_571 = arith.constant 3 : index
    %get3A_572 = arith.constant 2 : index
    %get3A_573 = arith.constant 0 : index
    %get3A_574 = arith.constant 0 : index
    %get3A_575 = vector.load %arg1[%get3A_571, %get3A_572, %get3A_573, %get3A_574] : memref<4x4x1000x32xf32, #tpu.memory_space<vmem>>, vector<1x1x1000x32xf32>
    %get3A_576 = vector.shape_cast %get3A_575 : vector<1x1x1000x32xf32> to vector<1000x32xf32>
    %get3A_577 = arith.constant 2 : index
    %get3A_578 = arith.constant 2 : index
    %get3A_579 = memref.load %arg5[%get3A_577, %get3A_578] : memref<4x4xf32, #tpu.memory_space<smem>>
    %mul3A_580 = vector.broadcast %get3A_579 : f32 to vector<1000x32xf32>
    %mul3A_581 = arith.mulf %get3A_576, %mul3A_580 : vector<1000x32xf32>
    %add3A_582 = arith.addf %add3A_570, %mul3A_581 : vector<1000x32xf32>
    %get3A_583 = arith.constant 3 : index
    %get3A_584 = arith.constant 3 : index
    %get3A_585 = arith.constant 0 : index
    %get3A_586 = arith.constant 0 : index
    %get3A_587 = vector.load %arg1[%get3A_583, %get3A_584, %get3A_585, %get3A_586] : memref<4x4x1000x32xf32, #tpu.memory_space<vmem>>, vector<1x1x1000x32xf32>
    %get3A_588 = vector.shape_cast %get3A_587 : vector<1x1x1000x32xf32> to vector<1000x32xf32>
    %get3A_589 = arith.constant 3 : index
    %get3A_590 = arith.constant 2 : index
    %get3A_591 = memref.load %arg5[%get3A_589, %get3A_590] : memref<4x4xf32, #tpu.memory_space<smem>>
    %mul3A_592 = vector.broadcast %get3A_591 : f32 to vector<1000x32xf32>
    %mul3A_593 = arith.mulf %get3A_588, %mul3A_592 : vector<1000x32xf32>
    %add3A_594 = arith.addf %add3A_582, %mul3A_593 : vector<1000x32xf32>
    %dot_general3A_595 = arith.constant dense<0.000000e+00> : vector<32x1000xf32>
    %dot_general3A_596 = tpu.matmul %add3A_594, %convert_element_type3A_1, %dot_general3A_595 {dimension_numbers = #tpu.dot_dimension_numbers<[0], [0], [1], [1], [0, 1, 1, 1], [], []>, transpose_lhs_hint = false} : vector<1000x32xf32>, vector<1000x1000xf32>, vector<32x1000xf32> -> vector<32x1000xf32>
    %reshape3A_597 = vector.shape_cast %dot_general3A_596 : vector<32x1000xf32> to vector<4x8x1000xf32>
    %concatenate3A_598 = tpu.concatenate %reshape3A_447, %reshape3A_497, %reshape3A_547, %reshape3A_597 in 0 : vector<4x8x1000xf32>, vector<4x8x1000xf32>, vector<4x8x1000xf32>, vector<4x8x1000xf32> -> vector<16x8x1000xf32>
    %get3A_599 = arith.constant 0 : index
    %get3A_600 = arith.constant 0 : index
    %get3A_601 = arith.constant 0 : index
    %get3A_602 = arith.constant 0 : index
    %get3A_603 = vector.load %arg1[%get3A_599, %get3A_600, %get3A_601, %get3A_602] : memref<4x4x1000x32xf32, #tpu.memory_space<vmem>>, vector<1x1x1000x32xf32>
    %get3A_604 = vector.shape_cast %get3A_603 : vector<1x1x1000x32xf32> to vector<1000x32xf32>
    %get3A_605 = arith.constant 0 : index
    %get3A_606 = arith.constant 3 : index
    %get3A_607 = memref.load %arg5[%get3A_605, %get3A_606] : memref<4x4xf32, #tpu.memory_space<smem>>
    %mul3A_608 = vector.broadcast %get3A_607 : f32 to vector<1000x32xf32>
    %mul3A_609 = arith.mulf %get3A_604, %mul3A_608 : vector<1000x32xf32>
    %get3A_610 = arith.constant 0 : index
    %get3A_611 = arith.constant 1 : index
    %get3A_612 = arith.constant 0 : index
    %get3A_613 = arith.constant 0 : index
    %get3A_614 = vector.load %arg1[%get3A_610, %get3A_611, %get3A_612, %get3A_613] : memref<4x4x1000x32xf32, #tpu.memory_space<vmem>>, vector<1x1x1000x32xf32>
    %get3A_615 = vector.shape_cast %get3A_614 : vector<1x1x1000x32xf32> to vector<1000x32xf32>
    %get3A_616 = arith.constant 1 : index
    %get3A_617 = arith.constant 3 : index
    %get3A_618 = memref.load %arg5[%get3A_616, %get3A_617] : memref<4x4xf32, #tpu.memory_space<smem>>
    %mul3A_619 = vector.broadcast %get3A_618 : f32 to vector<1000x32xf32>
    %mul3A_620 = arith.mulf %get3A_615, %mul3A_619 : vector<1000x32xf32>
    %add3A_621 = arith.addf %mul3A_609, %mul3A_620 : vector<1000x32xf32>
    %get3A_622 = arith.constant 0 : index
    %get3A_623 = arith.constant 2 : index
    %get3A_624 = arith.constant 0 : index
    %get3A_625 = arith.constant 0 : index
    %get3A_626 = vector.load %arg1[%get3A_622, %get3A_623, %get3A_624, %get3A_625] : memref<4x4x1000x32xf32, #tpu.memory_space<vmem>>, vector<1x1x1000x32xf32>
    %get3A_627 = vector.shape_cast %get3A_626 : vector<1x1x1000x32xf32> to vector<1000x32xf32>
    %get3A_628 = arith.constant 2 : index
    %get3A_629 = arith.constant 3 : index
    %get3A_630 = memref.load %arg5[%get3A_628, %get3A_629] : memref<4x4xf32, #tpu.memory_space<smem>>
    %mul3A_631 = vector.broadcast %get3A_630 : f32 to vector<1000x32xf32>
    %mul3A_632 = arith.mulf %get3A_627, %mul3A_631 : vector<1000x32xf32>
    %add3A_633 = arith.addf %add3A_621, %mul3A_632 : vector<1000x32xf32>
    %get3A_634 = arith.constant 0 : index
    %get3A_635 = arith.constant 3 : index
    %get3A_636 = arith.constant 0 : index
    %get3A_637 = arith.constant 0 : index
    %get3A_638 = vector.load %arg1[%get3A_634, %get3A_635, %get3A_636, %get3A_637] : memref<4x4x1000x32xf32, #tpu.memory_space<vmem>>, vector<1x1x1000x32xf32>
    %get3A_639 = vector.shape_cast %get3A_638 : vector<1x1x1000x32xf32> to vector<1000x32xf32>
    %get3A_640 = arith.constant 3 : index
    %get3A_641 = arith.constant 3 : index
    %get3A_642 = memref.load %arg5[%get3A_640, %get3A_641] : memref<4x4xf32, #tpu.memory_space<smem>>
    %mul3A_643 = vector.broadcast %get3A_642 : f32 to vector<1000x32xf32>
    %mul3A_644 = arith.mulf %get3A_639, %mul3A_643 : vector<1000x32xf32>
    %add3A_645 = arith.addf %add3A_633, %mul3A_644 : vector<1000x32xf32>
    %dot_general3A_646 = arith.constant dense<0.000000e+00> : vector<32x1000xf32>
    %dot_general3A_647 = tpu.matmul %add3A_645, %convert_element_type3A_1, %dot_general3A_646 {dimension_numbers = #tpu.dot_dimension_numbers<[0], [0], [1], [1], [0, 1, 1, 1], [], []>, transpose_lhs_hint = false} : vector<1000x32xf32>, vector<1000x1000xf32>, vector<32x1000xf32> -> vector<32x1000xf32>
    %reshape3A_648 = vector.shape_cast %dot_general3A_647 : vector<32x1000xf32> to vector<4x8x1000xf32>
    %get3A_649 = arith.constant 1 : index
    %get3A_650 = arith.constant 0 : index
    %get3A_651 = arith.constant 0 : index
    %get3A_652 = arith.constant 0 : index
    %get3A_653 = vector.load %arg1[%get3A_649, %get3A_650, %get3A_651, %get3A_652] : memref<4x4x1000x32xf32, #tpu.memory_space<vmem>>, vector<1x1x1000x32xf32>
    %get3A_654 = vector.shape_cast %get3A_653 : vector<1x1x1000x32xf32> to vector<1000x32xf32>
    %get3A_655 = arith.constant 0 : index
    %get3A_656 = arith.constant 3 : index
    %get3A_657 = memref.load %arg5[%get3A_655, %get3A_656] : memref<4x4xf32, #tpu.memory_space<smem>>
    %mul3A_658 = vector.broadcast %get3A_657 : f32 to vector<1000x32xf32>
    %mul3A_659 = arith.mulf %get3A_654, %mul3A_658 : vector<1000x32xf32>
    %get3A_660 = arith.constant 1 : index
    %get3A_661 = arith.constant 1 : index
    %get3A_662 = arith.constant 0 : index
    %get3A_663 = arith.constant 0 : index
    %get3A_664 = vector.load %arg1[%get3A_660, %get3A_661, %get3A_662, %get3A_663] : memref<4x4x1000x32xf32, #tpu.memory_space<vmem>>, vector<1x1x1000x32xf32>
    %get3A_665 = vector.shape_cast %get3A_664 : vector<1x1x1000x32xf32> to vector<1000x32xf32>
    %get3A_666 = arith.constant 1 : index
    %get3A_667 = arith.constant 3 : index
    %get3A_668 = memref.load %arg5[%get3A_666, %get3A_667] : memref<4x4xf32, #tpu.memory_space<smem>>
    %mul3A_669 = vector.broadcast %get3A_668 : f32 to vector<1000x32xf32>
    %mul3A_670 = arith.mulf %get3A_665, %mul3A_669 : vector<1000x32xf32>
    %add3A_671 = arith.addf %mul3A_659, %mul3A_670 : vector<1000x32xf32>
    %get3A_672 = arith.constant 1 : index
    %get3A_673 = arith.constant 2 : index
    %get3A_674 = arith.constant 0 : index
    %get3A_675 = arith.constant 0 : index
    %get3A_676 = vector.load %arg1[%get3A_672, %get3A_673, %get3A_674, %get3A_675] : memref<4x4x1000x32xf32, #tpu.memory_space<vmem>>, vector<1x1x1000x32xf32>
    %get3A_677 = vector.shape_cast %get3A_676 : vector<1x1x1000x32xf32> to vector<1000x32xf32>
    %get3A_678 = arith.constant 2 : index
    %get3A_679 = arith.constant 3 : index
    %get3A_680 = memref.load %arg5[%get3A_678, %get3A_679] : memref<4x4xf32, #tpu.memory_space<smem>>
    %mul3A_681 = vector.broadcast %get3A_680 : f32 to vector<1000x32xf32>
    %mul3A_682 = arith.mulf %get3A_677, %mul3A_681 : vector<1000x32xf32>
    %add3A_683 = arith.addf %add3A_671, %mul3A_682 : vector<1000x32xf32>
    %get3A_684 = arith.constant 1 : index
    %get3A_685 = arith.constant 3 : index
    %get3A_686 = arith.constant 0 : index
    %get3A_687 = arith.constant 0 : index
    %get3A_688 = vector.load %arg1[%get3A_684, %get3A_685, %get3A_686, %get3A_687] : memref<4x4x1000x32xf32, #tpu.memory_space<vmem>>, vector<1x1x1000x32xf32>
    %get3A_689 = vector.shape_cast %get3A_688 : vector<1x1x1000x32xf32> to vector<1000x32xf32>
    %get3A_690 = arith.constant 3 : index
    %get3A_691 = arith.constant 3 : index
    %get3A_692 = memref.load %arg5[%get3A_690, %get3A_691] : memref<4x4xf32, #tpu.memory_space<smem>>
    %mul3A_693 = vector.broadcast %get3A_692 : f32 to vector<1000x32xf32>
    %mul3A_694 = arith.mulf %get3A_689, %mul3A_693 : vector<1000x32xf32>
    %add3A_695 = arith.addf %add3A_683, %mul3A_694 : vector<1000x32xf32>
    %dot_general3A_696 = arith.constant dense<0.000000e+00> : vector<32x1000xf32>
    %dot_general3A_697 = tpu.matmul %add3A_695, %convert_element_type3A_1, %dot_general3A_696 {dimension_numbers = #tpu.dot_dimension_numbers<[0], [0], [1], [1], [0, 1, 1, 1], [], []>, transpose_lhs_hint = false} : vector<1000x32xf32>, vector<1000x1000xf32>, vector<32x1000xf32> -> vector<32x1000xf32>
    %reshape3A_698 = vector.shape_cast %dot_general3A_697 : vector<32x1000xf32> to vector<4x8x1000xf32>
    %get3A_699 = arith.constant 2 : index
    %get3A_700 = arith.constant 0 : index
    %get3A_701 = arith.constant 0 : index
    %get3A_702 = arith.constant 0 : index
    %get3A_703 = vector.load %arg1[%get3A_699, %get3A_700, %get3A_701, %get3A_702] : memref<4x4x1000x32xf32, #tpu.memory_space<vmem>>, vector<1x1x1000x32xf32>
    %get3A_704 = vector.shape_cast %get3A_703 : vector<1x1x1000x32xf32> to vector<1000x32xf32>
    %get3A_705 = arith.constant 0 : index
    %get3A_706 = arith.constant 3 : index
    %get3A_707 = memref.load %arg5[%get3A_705, %get3A_706] : memref<4x4xf32, #tpu.memory_space<smem>>
    %mul3A_708 = vector.broadcast %get3A_707 : f32 to vector<1000x32xf32>
    %mul3A_709 = arith.mulf %get3A_704, %mul3A_708 : vector<1000x32xf32>
    %get3A_710 = arith.constant 2 : index
    %get3A_711 = arith.constant 1 : index
    %get3A_712 = arith.constant 0 : index
    %get3A_713 = arith.constant 0 : index
    %get3A_714 = vector.load %arg1[%get3A_710, %get3A_711, %get3A_712, %get3A_713] : memref<4x4x1000x32xf32, #tpu.memory_space<vmem>>, vector<1x1x1000x32xf32>
    %get3A_715 = vector.shape_cast %get3A_714 : vector<1x1x1000x32xf32> to vector<1000x32xf32>
    %get3A_716 = arith.constant 1 : index
    %get3A_717 = arith.constant 3 : index
    %get3A_718 = memref.load %arg5[%get3A_716, %get3A_717] : memref<4x4xf32, #tpu.memory_space<smem>>
    %mul3A_719 = vector.broadcast %get3A_718 : f32 to vector<1000x32xf32>
    %mul3A_720 = arith.mulf %get3A_715, %mul3A_719 : vector<1000x32xf32>
    %add3A_721 = arith.addf %mul3A_709, %mul3A_720 : vector<1000x32xf32>
    %get3A_722 = arith.constant 2 : index
    %get3A_723 = arith.constant 2 : index
    %get3A_724 = arith.constant 0 : index
    %get3A_725 = arith.constant 0 : index
    %get3A_726 = vector.load %arg1[%get3A_722, %get3A_723, %get3A_724, %get3A_725] : memref<4x4x1000x32xf32, #tpu.memory_space<vmem>>, vector<1x1x1000x32xf32>
    %get3A_727 = vector.shape_cast %get3A_726 : vector<1x1x1000x32xf32> to vector<1000x32xf32>
    %get3A_728 = arith.constant 2 : index
    %get3A_729 = arith.constant 3 : index
    %get3A_730 = memref.load %arg5[%get3A_728, %get3A_729] : memref<4x4xf32, #tpu.memory_space<smem>>
    %mul3A_731 = vector.broadcast %get3A_730 : f32 to vector<1000x32xf32>
    %mul3A_732 = arith.mulf %get3A_727, %mul3A_731 : vector<1000x32xf32>
    %add3A_733 = arith.addf %add3A_721, %mul3A_732 : vector<1000x32xf32>
    %get3A_734 = arith.constant 2 : index
    %get3A_735 = arith.constant 3 : index
    %get3A_736 = arith.constant 0 : index
    %get3A_737 = arith.constant 0 : index
    %get3A_738 = vector.load %arg1[%get3A_734, %get3A_735, %get3A_736, %get3A_737] : memref<4x4x1000x32xf32, #tpu.memory_space<vmem>>, vector<1x1x1000x32xf32>
    %get3A_739 = vector.shape_cast %get3A_738 : vector<1x1x1000x32xf32> to vector<1000x32xf32>
    %get3A_740 = arith.constant 3 : index
    %get3A_741 = arith.constant 3 : index
    %get3A_742 = memref.load %arg5[%get3A_740, %get3A_741] : memref<4x4xf32, #tpu.memory_space<smem>>
    %mul3A_743 = vector.broadcast %get3A_742 : f32 to vector<1000x32xf32>
    %mul3A_744 = arith.mulf %get3A_739, %mul3A_743 : vector<1000x32xf32>
    %add3A_745 = arith.addf %add3A_733, %mul3A_744 : vector<1000x32xf32>
    %dot_general3A_746 = arith.constant dense<0.000000e+00> : vector<32x1000xf32>
    %dot_general3A_747 = tpu.matmul %add3A_745, %convert_element_type3A_1, %dot_general3A_746 {dimension_numbers = #tpu.dot_dimension_numbers<[0], [0], [1], [1], [0, 1, 1, 1], [], []>, transpose_lhs_hint = false} : vector<1000x32xf32>, vector<1000x1000xf32>, vector<32x1000xf32> -> vector<32x1000xf32>
    %reshape3A_748 = vector.shape_cast %dot_general3A_747 : vector<32x1000xf32> to vector<4x8x1000xf32>
    %get3A_749 = arith.constant 3 : index
    %get3A_750 = arith.constant 0 : index
    %get3A_751 = arith.constant 0 : index
    %get3A_752 = arith.constant 0 : index
    %get3A_753 = vector.load %arg1[%get3A_749, %get3A_750, %get3A_751, %get3A_752] : memref<4x4x1000x32xf32, #tpu.memory_space<vmem>>, vector<1x1x1000x32xf32>
    %get3A_754 = vector.shape_cast %get3A_753 : vector<1x1x1000x32xf32> to vector<1000x32xf32>
    %get3A_755 = arith.constant 0 : index
    %get3A_756 = arith.constant 3 : index
    %get3A_757 = memref.load %arg5[%get3A_755, %get3A_756] : memref<4x4xf32, #tpu.memory_space<smem>>
    %mul3A_758 = vector.broadcast %get3A_757 : f32 to vector<1000x32xf32>
    %mul3A_759 = arith.mulf %get3A_754, %mul3A_758 : vector<1000x32xf32>
    %get3A_760 = arith.constant 3 : index
    %get3A_761 = arith.constant 1 : index
    %get3A_762 = arith.constant 0 : index
    %get3A_763 = arith.constant 0 : index
    %get3A_764 = vector.load %arg1[%get3A_760, %get3A_761, %get3A_762, %get3A_763] : memref<4x4x1000x32xf32, #tpu.memory_space<vmem>>, vector<1x1x1000x32xf32>
    %get3A_765 = vector.shape_cast %get3A_764 : vector<1x1x1000x32xf32> to vector<1000x32xf32>
    %get3A_766 = arith.constant 1 : index
    %get3A_767 = arith.constant 3 : index
    %get3A_768 = memref.load %arg5[%get3A_766, %get3A_767] : memref<4x4xf32, #tpu.memory_space<smem>>
    %mul3A_769 = vector.broadcast %get3A_768 : f32 to vector<1000x32xf32>
    %mul3A_770 = arith.mulf %get3A_765, %mul3A_769 : vector<1000x32xf32>
    %add3A_771 = arith.addf %mul3A_759, %mul3A_770 : vector<1000x32xf32>
    %get3A_772 = arith.constant 3 : index
    %get3A_773 = arith.constant 2 : index
    %get3A_774 = arith.constant 0 : index
    %get3A_775 = arith.constant 0 : index
    %get3A_776 = vector.load %arg1[%get3A_772, %get3A_773, %get3A_774, %get3A_775] : memref<4x4x1000x32xf32, #tpu.memory_space<vmem>>, vector<1x1x1000x32xf32>
    %get3A_777 = vector.shape_cast %get3A_776 : vector<1x1x1000x32xf32> to vector<1000x32xf32>
    %get3A_778 = arith.constant 2 : index
    %get3A_779 = arith.constant 3 : index
    %get3A_780 = memref.load %arg5[%get3A_778, %get3A_779] : memref<4x4xf32, #tpu.memory_space<smem>>
    %mul3A_781 = vector.broadcast %get3A_780 : f32 to vector<1000x32xf32>
    %mul3A_782 = arith.mulf %get3A_777, %mul3A_781 : vector<1000x32xf32>
    %add3A_783 = arith.addf %add3A_771, %mul3A_782 : vector<1000x32xf32>
    %get3A_784 = arith.constant 3 : index
    %get3A_785 = arith.constant 3 : index
    %get3A_786 = arith.constant 0 : index
    %get3A_787 = arith.constant 0 : index
    %get3A_788 = vector.load %arg1[%get3A_784, %get3A_785, %get3A_786, %get3A_787] : memref<4x4x1000x32xf32, #tpu.memory_space<vmem>>, vector<1x1x1000x32xf32>
    %get3A_789 = vector.shape_cast %get3A_788 : vector<1x1x1000x32xf32> to vector<1000x32xf32>
    %get3A_790 = arith.constant 3 : index
    %get3A_791 = arith.constant 3 : index
    %get3A_792 = memref.load %arg5[%get3A_790, %get3A_791] : memref<4x4xf32, #tpu.memory_space<smem>>
    %mul3A_793 = vector.broadcast %get3A_792 : f32 to vector<1000x32xf32>
    %mul3A_794 = arith.mulf %get3A_789, %mul3A_793 : vector<1000x32xf32>
    %add3A_795 = arith.addf %add3A_783, %mul3A_794 : vector<1000x32xf32>
    %dot_general3A_796 = arith.constant dense<0.000000e+00> : vector<32x1000xf32>
    %dot_general3A_797 = tpu.matmul %add3A_795, %convert_element_type3A_1, %dot_general3A_796 {dimension_numbers = #tpu.dot_dimension_numbers<[0], [0], [1], [1], [0, 1, 1, 1], [], []>, transpose_lhs_hint = false} : vector<1000x32xf32>, vector<1000x1000xf32>, vector<32x1000xf32> -> vector<32x1000xf32>
    %reshape3A_798 = vector.shape_cast %dot_general3A_797 : vector<32x1000xf32> to vector<4x8x1000xf32>
    %concatenate3A_799 = tpu.concatenate %reshape3A_648, %reshape3A_698, %reshape3A_748, %reshape3A_798 in 0 : vector<4x8x1000xf32>, vector<4x8x1000xf32>, vector<4x8x1000xf32>, vector<4x8x1000xf32> -> vector<16x8x1000xf32>
    %stack3A = vector.shape_cast %concatenate3A : vector<16x8x1000xf32> to vector<1x16x8x1000xf32>
    %stack3A_800 = vector.shape_cast %concatenate3A_397 : vector<16x8x1000xf32> to vector<1x16x8x1000xf32>
    %stack3A_801 = vector.shape_cast %concatenate3A_598 : vector<16x8x1000xf32> to vector<1x16x8x1000xf32>
    %stack3A_802 = vector.shape_cast %concatenate3A_799 : vector<16x8x1000xf32> to vector<1x16x8x1000xf32>
    %stack3A_803 = tpu.concatenate %stack3A, %stack3A_800, %stack3A_801, %stack3A_802 in 0 : vector<1x16x8x1000xf32>, vector<1x16x8x1000xf32>, vector<1x16x8x1000xf32>, vector<1x16x8x1000xf32> -> vector<4x16x8x1000xf32>
    %slice3A = vector.extract_strided_slice %stack3A_803 {offsets = [0, 0, 0, 0], sizes = [4, 1, 8, 1000], strides = [1, 1, 1, 1]} : vector<4x16x8x1000xf32> to vector<4x1x8x1000xf32>
    %slice3A_804 = vector.extract_strided_slice %slice3A {offsets = [0, 0, 0, 0], sizes = [4, 1, 1, 1000], strides = [1, 1, 1, 1]} : vector<4x1x8x1000xf32> to vector<4x1x1x1000xf32>
    %broadcast_in_dim3A = vector.shape_cast %slice3A_804 : vector<4x1x1x1000xf32> to vector<4x1x1x1x1000xf32>
    %broadcast_in_dim3A_805 = vector.shape_cast %slice3A : vector<4x1x8x1000xf32> to vector<1x4x1x8x1000xf32>
    %mul3A_806 = vector.broadcast %broadcast_in_dim3A : vector<4x1x1x1x1000xf32> to vector<4x4x1x8x1000xf32>
    %mul3A_807 = vector.broadcast %broadcast_in_dim3A_805 : vector<1x4x1x8x1000xf32> to vector<4x4x1x8x1000xf32>
    %mul3A_808 = arith.mulf %mul3A_806, %mul3A_807 : vector<4x4x1x8x1000xf32>
    %reduce_sum3A = arith.constant dense<0.000000e+00> : vector<4x4x8x1000xf32>
    %reduce_sum3A_809 = vector.multi_reduction <add>, %mul3A_808, %reduce_sum3A [2] : vector<4x4x1x8x1000xf32> to vector<4x4x8x1000xf32>
    %mul3A_810 = arith.constant 1.000000e+00 : f32
    %mul3A_811 = vector.broadcast %mul3A_810 : f32 to vector<4x4x8x1000xf32>
    %mul3A_812 = arith.mulf %reduce_sum3A_809, %mul3A_811 : vector<4x4x8x1000xf32>
    %reshape3A_813 = vector.shape_cast %mul3A_812 : vector<4x4x8x1000xf32> to vector<128x1000xf32>
    %slice3A_814 = vector.extract_strided_slice %slice3A {offsets = [0, 0, 1, 0], sizes = [4, 1, 1, 1000], strides = [1, 1, 1, 1]} : vector<4x1x8x1000xf32> to vector<4x1x1x1000xf32>
    %broadcast_in_dim3A_815 = vector.shape_cast %slice3A_814 : vector<4x1x1x1000xf32> to vector<4x1x1x1x1000xf32>
    %broadcast_in_dim3A_816 = vector.shape_cast %slice3A : vector<4x1x8x1000xf32> to vector<1x4x1x8x1000xf32>
    %mul3A_817 = vector.broadcast %broadcast_in_dim3A_815 : vector<4x1x1x1x1000xf32> to vector<4x4x1x8x1000xf32>
    %mul3A_818 = vector.broadcast %broadcast_in_dim3A_816 : vector<1x4x1x8x1000xf32> to vector<4x4x1x8x1000xf32>
    %mul3A_819 = arith.mulf %mul3A_817, %mul3A_818 : vector<4x4x1x8x1000xf32>
    %reduce_sum3A_820 = arith.constant dense<0.000000e+00> : vector<4x4x8x1000xf32>
    %reduce_sum3A_821 = vector.multi_reduction <add>, %mul3A_819, %reduce_sum3A_820 [2] : vector<4x4x1x8x1000xf32> to vector<4x4x8x1000xf32>
    %mul3A_822 = arith.constant 1.000000e+00 : f32
    %mul3A_823 = vector.broadcast %mul3A_822 : f32 to vector<4x4x8x1000xf32>
    %mul3A_824 = arith.mulf %reduce_sum3A_821, %mul3A_823 : vector<4x4x8x1000xf32>
    %reshape3A_825 = vector.shape_cast %mul3A_824 : vector<4x4x8x1000xf32> to vector<128x1000xf32>
    %slice3A_826 = vector.extract_strided_slice %slice3A {offsets = [0, 0, 2, 0], sizes = [4, 1, 1, 1000], strides = [1, 1, 1, 1]} : vector<4x1x8x1000xf32> to vector<4x1x1x1000xf32>
    %broadcast_in_dim3A_827 = vector.shape_cast %slice3A_826 : vector<4x1x1x1000xf32> to vector<4x1x1x1x1000xf32>
    %broadcast_in_dim3A_828 = vector.shape_cast %slice3A : vector<4x1x8x1000xf32> to vector<1x4x1x8x1000xf32>
    %mul3A_829 = vector.broadcast %broadcast_in_dim3A_827 : vector<4x1x1x1x1000xf32> to vector<4x4x1x8x1000xf32>
    %mul3A_830 = vector.broadcast %broadcast_in_dim3A_828 : vector<1x4x1x8x1000xf32> to vector<4x4x1x8x1000xf32>
    %mul3A_831 = arith.mulf %mul3A_829, %mul3A_830 : vector<4x4x1x8x1000xf32>
    %reduce_sum3A_832 = arith.constant dense<0.000000e+00> : vector<4x4x8x1000xf32>
    %reduce_sum3A_833 = vector.multi_reduction <add>, %mul3A_831, %reduce_sum3A_832 [2] : vector<4x4x1x8x1000xf32> to vector<4x4x8x1000xf32>
    %mul3A_834 = arith.constant 1.000000e+00 : f32
    %mul3A_835 = vector.broadcast %mul3A_834 : f32 to vector<4x4x8x1000xf32>
    %mul3A_836 = arith.mulf %reduce_sum3A_833, %mul3A_835 : vector<4x4x8x1000xf32>
    %reshape3A_837 = vector.shape_cast %mul3A_836 : vector<4x4x8x1000xf32> to vector<128x1000xf32>
    %slice3A_838 = vector.extract_strided_slice %slice3A {offsets = [0, 0, 3, 0], sizes = [4, 1, 1, 1000], strides = [1, 1, 1, 1]} : vector<4x1x8x1000xf32> to vector<4x1x1x1000xf32>
    %broadcast_in_dim3A_839 = vector.shape_cast %slice3A_838 : vector<4x1x1x1000xf32> to vector<4x1x1x1x1000xf32>
    %broadcast_in_dim3A_840 = vector.shape_cast %slice3A : vector<4x1x8x1000xf32> to vector<1x4x1x8x1000xf32>
    %mul3A_841 = vector.broadcast %broadcast_in_dim3A_839 : vector<4x1x1x1x1000xf32> to vector<4x4x1x8x1000xf32>
    %mul3A_842 = vector.broadcast %broadcast_in_dim3A_840 : vector<1x4x1x8x1000xf32> to vector<4x4x1x8x1000xf32>
    %mul3A_843 = arith.mulf %mul3A_841, %mul3A_842 : vector<4x4x1x8x1000xf32>
    %reduce_sum3A_844 = arith.constant dense<0.000000e+00> : vector<4x4x8x1000xf32>
    %reduce_sum3A_845 = vector.multi_reduction <add>, %mul3A_843, %reduce_sum3A_844 [2] : vector<4x4x1x8x1000xf32> to vector<4x4x8x1000xf32>
    %mul3A_846 = arith.constant 1.000000e+00 : f32
    %mul3A_847 = vector.broadcast %mul3A_846 : f32 to vector<4x4x8x1000xf32>
    %mul3A_848 = arith.mulf %reduce_sum3A_845, %mul3A_847 : vector<4x4x8x1000xf32>
    %reshape3A_849 = vector.shape_cast %mul3A_848 : vector<4x4x8x1000xf32> to vector<128x1000xf32>
    %slice3A_850 = vector.extract_strided_slice %slice3A {offsets = [0, 0, 4, 0], sizes = [4, 1, 1, 1000], strides = [1, 1, 1, 1]} : vector<4x1x8x1000xf32> to vector<4x1x1x1000xf32>
    %broadcast_in_dim3A_851 = vector.shape_cast %slice3A_850 : vector<4x1x1x1000xf32> to vector<4x1x1x1x1000xf32>
    %broadcast_in_dim3A_852 = vector.shape_cast %slice3A : vector<4x1x8x1000xf32> to vector<1x4x1x8x1000xf32>
    %mul3A_853 = vector.broadcast %broadcast_in_dim3A_851 : vector<4x1x1x1x1000xf32> to vector<4x4x1x8x1000xf32>
    %mul3A_854 = vector.broadcast %broadcast_in_dim3A_852 : vector<1x4x1x8x1000xf32> to vector<4x4x1x8x1000xf32>
    %mul3A_855 = arith.mulf %mul3A_853, %mul3A_854 : vector<4x4x1x8x1000xf32>
    %reduce_sum3A_856 = arith.constant dense<0.000000e+00> : vector<4x4x8x1000xf32>
    %reduce_sum3A_857 = vector.multi_reduction <add>, %mul3A_855, %reduce_sum3A_856 [2] : vector<4x4x1x8x1000xf32> to vector<4x4x8x1000xf32>
    %mul3A_858 = arith.constant 1.000000e+00 : f32
    %mul3A_859 = vector.broadcast %mul3A_858 : f32 to vector<4x4x8x1000xf32>
    %mul3A_860 = arith.mulf %reduce_sum3A_857, %mul3A_859 : vector<4x4x8x1000xf32>
    %reshape3A_861 = vector.shape_cast %mul3A_860 : vector<4x4x8x1000xf32> to vector<128x1000xf32>
    %slice3A_862 = vector.extract_strided_slice %slice3A {offsets = [0, 0, 5, 0], sizes = [4, 1, 1, 1000], strides = [1, 1, 1, 1]} : vector<4x1x8x1000xf32> to vector<4x1x1x1000xf32>
    %broadcast_in_dim3A_863 = vector.shape_cast %slice3A_862 : vector<4x1x1x1000xf32> to vector<4x1x1x1x1000xf32>
    %broadcast_in_dim3A_864 = vector.shape_cast %slice3A : vector<4x1x8x1000xf32> to vector<1x4x1x8x1000xf32>
    %mul3A_865 = vector.broadcast %broadcast_in_dim3A_863 : vector<4x1x1x1x1000xf32> to vector<4x4x1x8x1000xf32>
    %mul3A_866 = vector.broadcast %broadcast_in_dim3A_864 : vector<1x4x1x8x1000xf32> to vector<4x4x1x8x1000xf32>
    %mul3A_867 = arith.mulf %mul3A_865, %mul3A_866 : vector<4x4x1x8x1000xf32>
    %reduce_sum3A_868 = arith.constant dense<0.000000e+00> : vector<4x4x8x1000xf32>
    %reduce_sum3A_869 = vector.multi_reduction <add>, %mul3A_867, %reduce_sum3A_868 [2] : vector<4x4x1x8x1000xf32> to vector<4x4x8x1000xf32>
    %mul3A_870 = arith.constant 1.000000e+00 : f32
    %mul3A_871 = vector.broadcast %mul3A_870 : f32 to vector<4x4x8x1000xf32>
    %mul3A_872 = arith.mulf %reduce_sum3A_869, %mul3A_871 : vector<4x4x8x1000xf32>
    %reshape3A_873 = vector.shape_cast %mul3A_872 : vector<4x4x8x1000xf32> to vector<128x1000xf32>
    %slice3A_874 = vector.extract_strided_slice %stack3A_803 {offsets = [0, 1, 0, 0], sizes = [4, 3, 8, 1000], strides = [1, 1, 1, 1]} : vector<4x16x8x1000xf32> to vector<4x3x8x1000xf32>
    %slice3A_875 = vector.extract_strided_slice %slice3A_874 {offsets = [0, 0, 0, 0], sizes = [4, 3, 1, 1000], strides = [1, 1, 1, 1]} : vector<4x3x8x1000xf32> to vector<4x3x1x1000xf32>
    %broadcast_in_dim3A_876 = vector.shape_cast %slice3A_875 : vector<4x3x1x1000xf32> to vector<4x1x3x1x1000xf32>
    %broadcast_in_dim3A_877 = vector.shape_cast %slice3A_874 : vector<4x3x8x1000xf32> to vector<1x4x3x8x1000xf32>
    %mul3A_878 = vector.broadcast %broadcast_in_dim3A_876 : vector<4x1x3x1x1000xf32> to vector<4x4x3x8x1000xf32>
    %mul3A_879 = vector.broadcast %broadcast_in_dim3A_877 : vector<1x4x3x8x1000xf32> to vector<4x4x3x8x1000xf32>
    %mul3A_880 = arith.mulf %mul3A_878, %mul3A_879 : vector<4x4x3x8x1000xf32>
    %reduce_sum3A_881 = arith.constant dense<0.000000e+00> : vector<4x4x8x1000xf32>
    %reduce_sum3A_882 = vector.multi_reduction <add>, %mul3A_880, %reduce_sum3A_881 [2] : vector<4x4x3x8x1000xf32> to vector<4x4x8x1000xf32>
    %mul3A_883 = arith.constant 0.577350259 : f32
    %mul3A_884 = vector.broadcast %mul3A_883 : f32 to vector<4x4x8x1000xf32>
    %mul3A_885 = arith.mulf %reduce_sum3A_882, %mul3A_884 : vector<4x4x8x1000xf32>
    %reshape3A_886 = vector.shape_cast %mul3A_885 : vector<4x4x8x1000xf32> to vector<128x1000xf32>
    %slice3A_887 = vector.extract_strided_slice %slice3A_874 {offsets = [0, 0, 1, 0], sizes = [4, 3, 1, 1000], strides = [1, 1, 1, 1]} : vector<4x3x8x1000xf32> to vector<4x3x1x1000xf32>
    %broadcast_in_dim3A_888 = vector.shape_cast %slice3A_887 : vector<4x3x1x1000xf32> to vector<4x1x3x1x1000xf32>
    %broadcast_in_dim3A_889 = vector.shape_cast %slice3A_874 : vector<4x3x8x1000xf32> to vector<1x4x3x8x1000xf32>
    %mul3A_890 = vector.broadcast %broadcast_in_dim3A_888 : vector<4x1x3x1x1000xf32> to vector<4x4x3x8x1000xf32>
    %mul3A_891 = vector.broadcast %broadcast_in_dim3A_889 : vector<1x4x3x8x1000xf32> to vector<4x4x3x8x1000xf32>
    %mul3A_892 = arith.mulf %mul3A_890, %mul3A_891 : vector<4x4x3x8x1000xf32>
    %reduce_sum3A_893 = arith.constant dense<0.000000e+00> : vector<4x4x8x1000xf32>
    %reduce_sum3A_894 = vector.multi_reduction <add>, %mul3A_892, %reduce_sum3A_893 [2] : vector<4x4x3x8x1000xf32> to vector<4x4x8x1000xf32>
    %mul3A_895 = arith.constant 0.577350259 : f32
    %mul3A_896 = vector.broadcast %mul3A_895 : f32 to vector<4x4x8x1000xf32>
    %mul3A_897 = arith.mulf %reduce_sum3A_894, %mul3A_896 : vector<4x4x8x1000xf32>
    %reshape3A_898 = vector.shape_cast %mul3A_897 : vector<4x4x8x1000xf32> to vector<128x1000xf32>
    %slice3A_899 = vector.extract_strided_slice %slice3A_874 {offsets = [0, 0, 2, 0], sizes = [4, 3, 1, 1000], strides = [1, 1, 1, 1]} : vector<4x3x8x1000xf32> to vector<4x3x1x1000xf32>
    %broadcast_in_dim3A_900 = vector.shape_cast %slice3A_899 : vector<4x3x1x1000xf32> to vector<4x1x3x1x1000xf32>
    %broadcast_in_dim3A_901 = vector.shape_cast %slice3A_874 : vector<4x3x8x1000xf32> to vector<1x4x3x8x1000xf32>
    %mul3A_902 = vector.broadcast %broadcast_in_dim3A_900 : vector<4x1x3x1x1000xf32> to vector<4x4x3x8x1000xf32>
    %mul3A_903 = vector.broadcast %broadcast_in_dim3A_901 : vector<1x4x3x8x1000xf32> to vector<4x4x3x8x1000xf32>
    %mul3A_904 = arith.mulf %mul3A_902, %mul3A_903 : vector<4x4x3x8x1000xf32>
    %reduce_sum3A_905 = arith.constant dense<0.000000e+00> : vector<4x4x8x1000xf32>
    %reduce_sum3A_906 = vector.multi_reduction <add>, %mul3A_904, %reduce_sum3A_905 [2] : vector<4x4x3x8x1000xf32> to vector<4x4x8x1000xf32>
    %mul3A_907 = arith.constant 0.577350259 : f32
    %mul3A_908 = vector.broadcast %mul3A_907 : f32 to vector<4x4x8x1000xf32>
    %mul3A_909 = arith.mulf %reduce_sum3A_906, %mul3A_908 : vector<4x4x8x1000xf32>
    %reshape3A_910 = vector.shape_cast %mul3A_909 : vector<4x4x8x1000xf32> to vector<128x1000xf32>
    %slice3A_911 = vector.extract_strided_slice %slice3A_874 {offsets = [0, 0, 3, 0], sizes = [4, 3, 1, 1000], strides = [1, 1, 1, 1]} : vector<4x3x8x1000xf32> to vector<4x3x1x1000xf32>
    %broadcast_in_dim3A_912 = vector.shape_cast %slice3A_911 : vector<4x3x1x1000xf32> to vector<4x1x3x1x1000xf32>
    %broadcast_in_dim3A_913 = vector.shape_cast %slice3A_874 : vector<4x3x8x1000xf32> to vector<1x4x3x8x1000xf32>
    %mul3A_914 = vector.broadcast %broadcast_in_dim3A_912 : vector<4x1x3x1x1000xf32> to vector<4x4x3x8x1000xf32>
    %mul3A_915 = vector.broadcast %broadcast_in_dim3A_913 : vector<1x4x3x8x1000xf32> to vector<4x4x3x8x1000xf32>
    %mul3A_916 = arith.mulf %mul3A_914, %mul3A_915 : vector<4x4x3x8x1000xf32>
    %reduce_sum3A_917 = arith.constant dense<0.000000e+00> : vector<4x4x8x1000xf32>
    %reduce_sum3A_918 = vector.multi_reduction <add>, %mul3A_916, %reduce_sum3A_917 [2] : vector<4x4x3x8x1000xf32> to vector<4x4x8x1000xf32>
    %mul3A_919 = arith.constant 0.577350259 : f32
    %mul3A_920 = vector.broadcast %mul3A_919 : f32 to vector<4x4x8x1000xf32>
    %mul3A_921 = arith.mulf %reduce_sum3A_918, %mul3A_920 : vector<4x4x8x1000xf32>
    %reshape3A_922 = vector.shape_cast %mul3A_921 : vector<4x4x8x1000xf32> to vector<128x1000xf32>
    %slice3A_923 = vector.extract_strided_slice %slice3A_874 {offsets = [0, 0, 4, 0], sizes = [4, 3, 1, 1000], strides = [1, 1, 1, 1]} : vector<4x3x8x1000xf32> to vector<4x3x1x1000xf32>
    %broadcast_in_dim3A_924 = vector.shape_cast %slice3A_923 : vector<4x3x1x1000xf32> to vector<4x1x3x1x1000xf32>
    %broadcast_in_dim3A_925 = vector.shape_cast %slice3A_874 : vector<4x3x8x1000xf32> to vector<1x4x3x8x1000xf32>
    %mul3A_926 = vector.broadcast %broadcast_in_dim3A_924 : vector<4x1x3x1x1000xf32> to vector<4x4x3x8x1000xf32>
    %mul3A_927 = vector.broadcast %broadcast_in_dim3A_925 : vector<1x4x3x8x1000xf32> to vector<4x4x3x8x1000xf32>
    %mul3A_928 = arith.mulf %mul3A_926, %mul3A_927 : vector<4x4x3x8x1000xf32>
    %reduce_sum3A_929 = arith.constant dense<0.000000e+00> : vector<4x4x8x1000xf32>
    %reduce_sum3A_930 = vector.multi_reduction <add>, %mul3A_928, %reduce_sum3A_929 [2] : vector<4x4x3x8x1000xf32> to vector<4x4x8x1000xf32>
    %mul3A_931 = arith.constant 0.577350259 : f32
    %mul3A_932 = vector.broadcast %mul3A_931 : f32 to vector<4x4x8x1000xf32>
    %mul3A_933 = arith.mulf %reduce_sum3A_930, %mul3A_932 : vector<4x4x8x1000xf32>
    %reshape3A_934 = vector.shape_cast %mul3A_933 : vector<4x4x8x1000xf32> to vector<128x1000xf32>
    %slice3A_935 = vector.extract_strided_slice %slice3A_874 {offsets = [0, 0, 5, 0], sizes = [4, 3, 1, 1000], strides = [1, 1, 1, 1]} : vector<4x3x8x1000xf32> to vector<4x3x1x1000xf32>
    %broadcast_in_dim3A_936 = vector.shape_cast %slice3A_935 : vector<4x3x1x1000xf32> to vector<4x1x3x1x1000xf32>
    %broadcast_in_dim3A_937 = vector.shape_cast %slice3A_874 : vector<4x3x8x1000xf32> to vector<1x4x3x8x1000xf32>
    %mul3A_938 = vector.broadcast %broadcast_in_dim3A_936 : vector<4x1x3x1x1000xf32> to vector<4x4x3x8x1000xf32>
    %mul3A_939 = vector.broadcast %broadcast_in_dim3A_937 : vector<1x4x3x8x1000xf32> to vector<4x4x3x8x1000xf32>
    %mul3A_940 = arith.mulf %mul3A_938, %mul3A_939 : vector<4x4x3x8x1000xf32>
    %reduce_sum3A_941 = arith.constant dense<0.000000e+00> : vector<4x4x8x1000xf32>
    %reduce_sum3A_942 = vector.multi_reduction <add>, %mul3A_940, %reduce_sum3A_941 [2] : vector<4x4x3x8x1000xf32> to vector<4x4x8x1000xf32>
    %mul3A_943 = arith.constant 0.577350259 : f32
    %mul3A_944 = vector.broadcast %mul3A_943 : f32 to vector<4x4x8x1000xf32>
    %mul3A_945 = arith.mulf %reduce_sum3A_942, %mul3A_944 : vector<4x4x8x1000xf32>
    %reshape3A_946 = vector.shape_cast %mul3A_945 : vector<4x4x8x1000xf32> to vector<128x1000xf32>
    %slice3A_947 = vector.extract_strided_slice %stack3A_803 {offsets = [0, 4, 0, 0], sizes = [4, 5, 8, 1000], strides = [1, 1, 1, 1]} : vector<4x16x8x1000xf32> to vector<4x5x8x1000xf32>
    %slice3A_948 = vector.extract_strided_slice %slice3A_947 {offsets = [0, 0, 0, 0], sizes = [4, 5, 1, 1000], strides = [1, 1, 1, 1]} : vector<4x5x8x1000xf32> to vector<4x5x1x1000xf32>
    %broadcast_in_dim3A_949 = vector.shape_cast %slice3A_948 : vector<4x5x1x1000xf32> to vector<4x1x5x1x1000xf32>
    %broadcast_in_dim3A_950 = vector.shape_cast %slice3A_947 : vector<4x5x8x1000xf32> to vector<1x4x5x8x1000xf32>
    %mul3A_951 = vector.broadcast %broadcast_in_dim3A_949 : vector<4x1x5x1x1000xf32> to vector<4x4x5x8x1000xf32>
    %mul3A_952 = vector.broadcast %broadcast_in_dim3A_950 : vector<1x4x5x8x1000xf32> to vector<4x4x5x8x1000xf32>
    %mul3A_953 = arith.mulf %mul3A_951, %mul3A_952 : vector<4x4x5x8x1000xf32>
    %reduce_sum3A_954 = arith.constant dense<0.000000e+00> : vector<4x4x8x1000xf32>
    %reduce_sum3A_955 = vector.multi_reduction <add>, %mul3A_953, %reduce_sum3A_954 [2] : vector<4x4x5x8x1000xf32> to vector<4x4x8x1000xf32>
    %mul3A_956 = arith.constant 0.44721359 : f32
    %mul3A_957 = vector.broadcast %mul3A_956 : f32 to vector<4x4x8x1000xf32>
    %mul3A_958 = arith.mulf %reduce_sum3A_955, %mul3A_957 : vector<4x4x8x1000xf32>
    %reshape3A_959 = vector.shape_cast %mul3A_958 : vector<4x4x8x1000xf32> to vector<128x1000xf32>
    %slice3A_960 = vector.extract_strided_slice %slice3A_947 {offsets = [0, 0, 1, 0], sizes = [4, 5, 1, 1000], strides = [1, 1, 1, 1]} : vector<4x5x8x1000xf32> to vector<4x5x1x1000xf32>
    %broadcast_in_dim3A_961 = vector.shape_cast %slice3A_960 : vector<4x5x1x1000xf32> to vector<4x1x5x1x1000xf32>
    %broadcast_in_dim3A_962 = vector.shape_cast %slice3A_947 : vector<4x5x8x1000xf32> to vector<1x4x5x8x1000xf32>
    %mul3A_963 = vector.broadcast %broadcast_in_dim3A_961 : vector<4x1x5x1x1000xf32> to vector<4x4x5x8x1000xf32>
    %mul3A_964 = vector.broadcast %broadcast_in_dim3A_962 : vector<1x4x5x8x1000xf32> to vector<4x4x5x8x1000xf32>
    %mul3A_965 = arith.mulf %mul3A_963, %mul3A_964 : vector<4x4x5x8x1000xf32>
    %reduce_sum3A_966 = arith.constant dense<0.000000e+00> : vector<4x4x8x1000xf32>
    %reduce_sum3A_967 = vector.multi_reduction <add>, %mul3A_965, %reduce_sum3A_966 [2] : vector<4x4x5x8x1000xf32> to vector<4x4x8x1000xf32>
    %mul3A_968 = arith.constant 0.44721359 : f32
    %mul3A_969 = vector.broadcast %mul3A_968 : f32 to vector<4x4x8x1000xf32>
    %mul3A_970 = arith.mulf %reduce_sum3A_967, %mul3A_969 : vector<4x4x8x1000xf32>
    %reshape3A_971 = vector.shape_cast %mul3A_970 : vector<4x4x8x1000xf32> to vector<128x1000xf32>
    %slice3A_972 = vector.extract_strided_slice %slice3A_947 {offsets = [0, 0, 2, 0], sizes = [4, 5, 1, 1000], strides = [1, 1, 1, 1]} : vector<4x5x8x1000xf32> to vector<4x5x1x1000xf32>
    %broadcast_in_dim3A_973 = vector.shape_cast %slice3A_972 : vector<4x5x1x1000xf32> to vector<4x1x5x1x1000xf32>
    %broadcast_in_dim3A_974 = vector.shape_cast %slice3A_947 : vector<4x5x8x1000xf32> to vector<1x4x5x8x1000xf32>
    %mul3A_975 = vector.broadcast %broadcast_in_dim3A_973 : vector<4x1x5x1x1000xf32> to vector<4x4x5x8x1000xf32>
    %mul3A_976 = vector.broadcast %broadcast_in_dim3A_974 : vector<1x4x5x8x1000xf32> to vector<4x4x5x8x1000xf32>
    %mul3A_977 = arith.mulf %mul3A_975, %mul3A_976 : vector<4x4x5x8x1000xf32>
    %reduce_sum3A_978 = arith.constant dense<0.000000e+00> : vector<4x4x8x1000xf32>
    %reduce_sum3A_979 = vector.multi_reduction <add>, %mul3A_977, %reduce_sum3A_978 [2] : vector<4x4x5x8x1000xf32> to vector<4x4x8x1000xf32>
    %mul3A_980 = arith.constant 0.44721359 : f32
    %mul3A_981 = vector.broadcast %mul3A_980 : f32 to vector<4x4x8x1000xf32>
    %mul3A_982 = arith.mulf %reduce_sum3A_979, %mul3A_981 : vector<4x4x8x1000xf32>
    %reshape3A_983 = vector.shape_cast %mul3A_982 : vector<4x4x8x1000xf32> to vector<128x1000xf32>
    %slice3A_984 = vector.extract_strided_slice %slice3A_947 {offsets = [0, 0, 3, 0], sizes = [4, 5, 1, 1000], strides = [1, 1, 1, 1]} : vector<4x5x8x1000xf32> to vector<4x5x1x1000xf32>
    %broadcast_in_dim3A_985 = vector.shape_cast %slice3A_984 : vector<4x5x1x1000xf32> to vector<4x1x5x1x1000xf32>
    %broadcast_in_dim3A_986 = vector.shape_cast %slice3A_947 : vector<4x5x8x1000xf32> to vector<1x4x5x8x1000xf32>
    %mul3A_987 = vector.broadcast %broadcast_in_dim3A_985 : vector<4x1x5x1x1000xf32> to vector<4x4x5x8x1000xf32>
    %mul3A_988 = vector.broadcast %broadcast_in_dim3A_986 : vector<1x4x5x8x1000xf32> to vector<4x4x5x8x1000xf32>
    %mul3A_989 = arith.mulf %mul3A_987, %mul3A_988 : vector<4x4x5x8x1000xf32>
    %reduce_sum3A_990 = arith.constant dense<0.000000e+00> : vector<4x4x8x1000xf32>
    %reduce_sum3A_991 = vector.multi_reduction <add>, %mul3A_989, %reduce_sum3A_990 [2] : vector<4x4x5x8x1000xf32> to vector<4x4x8x1000xf32>
    %mul3A_992 = arith.constant 0.44721359 : f32
    %mul3A_993 = vector.broadcast %mul3A_992 : f32 to vector<4x4x8x1000xf32>
    %mul3A_994 = arith.mulf %reduce_sum3A_991, %mul3A_993 : vector<4x4x8x1000xf32>
    %reshape3A_995 = vector.shape_cast %mul3A_994 : vector<4x4x8x1000xf32> to vector<128x1000xf32>
    %slice3A_996 = vector.extract_strided_slice %slice3A_947 {offsets = [0, 0, 4, 0], sizes = [4, 5, 1, 1000], strides = [1, 1, 1, 1]} : vector<4x5x8x1000xf32> to vector<4x5x1x1000xf32>
    %broadcast_in_dim3A_997 = vector.shape_cast %slice3A_996 : vector<4x5x1x1000xf32> to vector<4x1x5x1x1000xf32>
    %broadcast_in_dim3A_998 = vector.shape_cast %slice3A_947 : vector<4x5x8x1000xf32> to vector<1x4x5x8x1000xf32>
    %mul3A_999 = vector.broadcast %broadcast_in_dim3A_997 : vector<4x1x5x1x1000xf32> to vector<4x4x5x8x1000xf32>
    %mul3A_1000 = vector.broadcast %broadcast_in_dim3A_998 : vector<1x4x5x8x1000xf32> to vector<4x4x5x8x1000xf32>
    %mul3A_1001 = arith.mulf %mul3A_999, %mul3A_1000 : vector<4x4x5x8x1000xf32>
    %reduce_sum3A_1002 = arith.constant dense<0.000000e+00> : vector<4x4x8x1000xf32>
    %reduce_sum3A_1003 = vector.multi_reduction <add>, %mul3A_1001, %reduce_sum3A_1002 [2] : vector<4x4x5x8x1000xf32> to vector<4x4x8x1000xf32>
    %mul3A_1004 = arith.constant 0.44721359 : f32
    %mul3A_1005 = vector.broadcast %mul3A_1004 : f32 to vector<4x4x8x1000xf32>
    %mul3A_1006 = arith.mulf %reduce_sum3A_1003, %mul3A_1005 : vector<4x4x8x1000xf32>
    %reshape3A_1007 = vector.shape_cast %mul3A_1006 : vector<4x4x8x1000xf32> to vector<128x1000xf32>
    %slice3A_1008 = vector.extract_strided_slice %slice3A_947 {offsets = [0, 0, 5, 0], sizes = [4, 5, 1, 1000], strides = [1, 1, 1, 1]} : vector<4x5x8x1000xf32> to vector<4x5x1x1000xf32>
    %broadcast_in_dim3A_1009 = vector.shape_cast %slice3A_1008 : vector<4x5x1x1000xf32> to vector<4x1x5x1x1000xf32>
    %broadcast_in_dim3A_1010 = vector.shape_cast %slice3A_947 : vector<4x5x8x1000xf32> to vector<1x4x5x8x1000xf32>
    %mul3A_1011 = vector.broadcast %broadcast_in_dim3A_1009 : vector<4x1x5x1x1000xf32> to vector<4x4x5x8x1000xf32>
    %mul3A_1012 = vector.broadcast %broadcast_in_dim3A_1010 : vector<1x4x5x8x1000xf32> to vector<4x4x5x8x1000xf32>
    %mul3A_1013 = arith.mulf %mul3A_1011, %mul3A_1012 : vector<4x4x5x8x1000xf32>
    %reduce_sum3A_1014 = arith.constant dense<0.000000e+00> : vector<4x4x8x1000xf32>
    %reduce_sum3A_1015 = vector.multi_reduction <add>, %mul3A_1013, %reduce_sum3A_1014 [2] : vector<4x4x5x8x1000xf32> to vector<4x4x8x1000xf32>
    %mul3A_1016 = arith.constant 0.44721359 : f32
    %mul3A_1017 = vector.broadcast %mul3A_1016 : f32 to vector<4x4x8x1000xf32>
    %mul3A_1018 = arith.mulf %reduce_sum3A_1015, %mul3A_1017 : vector<4x4x8x1000xf32>
    %reshape3A_1019 = vector.shape_cast %mul3A_1018 : vector<4x4x8x1000xf32> to vector<128x1000xf32>
    %slice3A_1020 = vector.extract_strided_slice %stack3A_803 {offsets = [0, 9, 0, 0], sizes = [4, 7, 8, 1000], strides = [1, 1, 1, 1]} : vector<4x16x8x1000xf32> to vector<4x7x8x1000xf32>
    %slice3A_1021 = vector.extract_strided_slice %slice3A_1020 {offsets = [0, 0, 0, 0], sizes = [4, 7, 1, 1000], strides = [1, 1, 1, 1]} : vector<4x7x8x1000xf32> to vector<4x7x1x1000xf32>
    %broadcast_in_dim3A_1022 = vector.shape_cast %slice3A_1021 : vector<4x7x1x1000xf32> to vector<4x1x7x1x1000xf32>
    %broadcast_in_dim3A_1023 = vector.shape_cast %slice3A_1020 : vector<4x7x8x1000xf32> to vector<1x4x7x8x1000xf32>
    %mul3A_1024 = vector.broadcast %broadcast_in_dim3A_1022 : vector<4x1x7x1x1000xf32> to vector<4x4x7x8x1000xf32>
    %mul3A_1025 = vector.broadcast %broadcast_in_dim3A_1023 : vector<1x4x7x8x1000xf32> to vector<4x4x7x8x1000xf32>
    %mul3A_1026 = arith.mulf %mul3A_1024, %mul3A_1025 : vector<4x4x7x8x1000xf32>
    %reduce_sum3A_1027 = arith.constant dense<0.000000e+00> : vector<4x4x8x1000xf32>
    %reduce_sum3A_1028 = vector.multi_reduction <add>, %mul3A_1026, %reduce_sum3A_1027 [2] : vector<4x4x7x8x1000xf32> to vector<4x4x8x1000xf32>
    %mul3A_1029 = arith.constant 0.377964467 : f32
    %mul3A_1030 = vector.broadcast %mul3A_1029 : f32 to vector<4x4x8x1000xf32>
    %mul3A_1031 = arith.mulf %reduce_sum3A_1028, %mul3A_1030 : vector<4x4x8x1000xf32>
    %reshape3A_1032 = vector.shape_cast %mul3A_1031 : vector<4x4x8x1000xf32> to vector<128x1000xf32>
    %slice3A_1033 = vector.extract_strided_slice %slice3A_1020 {offsets = [0, 0, 1, 0], sizes = [4, 7, 1, 1000], strides = [1, 1, 1, 1]} : vector<4x7x8x1000xf32> to vector<4x7x1x1000xf32>
    %broadcast_in_dim3A_1034 = vector.shape_cast %slice3A_1033 : vector<4x7x1x1000xf32> to vector<4x1x7x1x1000xf32>
    %broadcast_in_dim3A_1035 = vector.shape_cast %slice3A_1020 : vector<4x7x8x1000xf32> to vector<1x4x7x8x1000xf32>
    %mul3A_1036 = vector.broadcast %broadcast_in_dim3A_1034 : vector<4x1x7x1x1000xf32> to vector<4x4x7x8x1000xf32>
    %mul3A_1037 = vector.broadcast %broadcast_in_dim3A_1035 : vector<1x4x7x8x1000xf32> to vector<4x4x7x8x1000xf32>
    %mul3A_1038 = arith.mulf %mul3A_1036, %mul3A_1037 : vector<4x4x7x8x1000xf32>
    %reduce_sum3A_1039 = arith.constant dense<0.000000e+00> : vector<4x4x8x1000xf32>
    %reduce_sum3A_1040 = vector.multi_reduction <add>, %mul3A_1038, %reduce_sum3A_1039 [2] : vector<4x4x7x8x1000xf32> to vector<4x4x8x1000xf32>
    %mul3A_1041 = arith.constant 0.377964467 : f32
    %mul3A_1042 = vector.broadcast %mul3A_1041 : f32 to vector<4x4x8x1000xf32>
    %mul3A_1043 = arith.mulf %reduce_sum3A_1040, %mul3A_1042 : vector<4x4x8x1000xf32>
    %reshape3A_1044 = vector.shape_cast %mul3A_1043 : vector<4x4x8x1000xf32> to vector<128x1000xf32>
    %slice3A_1045 = vector.extract_strided_slice %slice3A_1020 {offsets = [0, 0, 2, 0], sizes = [4, 7, 1, 1000], strides = [1, 1, 1, 1]} : vector<4x7x8x1000xf32> to vector<4x7x1x1000xf32>
    %broadcast_in_dim3A_1046 = vector.shape_cast %slice3A_1045 : vector<4x7x1x1000xf32> to vector<4x1x7x1x1000xf32>
    %broadcast_in_dim3A_1047 = vector.shape_cast %slice3A_1020 : vector<4x7x8x1000xf32> to vector<1x4x7x8x1000xf32>
    %mul3A_1048 = vector.broadcast %broadcast_in_dim3A_1046 : vector<4x1x7x1x1000xf32> to vector<4x4x7x8x1000xf32>
    %mul3A_1049 = vector.broadcast %broadcast_in_dim3A_1047 : vector<1x4x7x8x1000xf32> to vector<4x4x7x8x1000xf32>
    %mul3A_1050 = arith.mulf %mul3A_1048, %mul3A_1049 : vector<4x4x7x8x1000xf32>
    %reduce_sum3A_1051 = arith.constant dense<0.000000e+00> : vector<4x4x8x1000xf32>
    %reduce_sum3A_1052 = vector.multi_reduction <add>, %mul3A_1050, %reduce_sum3A_1051 [2] : vector<4x4x7x8x1000xf32> to vector<4x4x8x1000xf32>
    %mul3A_1053 = arith.constant 0.377964467 : f32
    %mul3A_1054 = vector.broadcast %mul3A_1053 : f32 to vector<4x4x8x1000xf32>
    %mul3A_1055 = arith.mulf %reduce_sum3A_1052, %mul3A_1054 : vector<4x4x8x1000xf32>
    %reshape3A_1056 = vector.shape_cast %mul3A_1055 : vector<4x4x8x1000xf32> to vector<128x1000xf32>
    %slice3A_1057 = vector.extract_strided_slice %slice3A_1020 {offsets = [0, 0, 3, 0], sizes = [4, 7, 1, 1000], strides = [1, 1, 1, 1]} : vector<4x7x8x1000xf32> to vector<4x7x1x1000xf32>
    %broadcast_in_dim3A_1058 = vector.shape_cast %slice3A_1057 : vector<4x7x1x1000xf32> to vector<4x1x7x1x1000xf32>
    %broadcast_in_dim3A_1059 = vector.shape_cast %slice3A_1020 : vector<4x7x8x1000xf32> to vector<1x4x7x8x1000xf32>
    %mul3A_1060 = vector.broadcast %broadcast_in_dim3A_1058 : vector<4x1x7x1x1000xf32> to vector<4x4x7x8x1000xf32>
    %mul3A_1061 = vector.broadcast %broadcast_in_dim3A_1059 : vector<1x4x7x8x1000xf32> to vector<4x4x7x8x1000xf32>
    %mul3A_1062 = arith.mulf %mul3A_1060, %mul3A_1061 : vector<4x4x7x8x1000xf32>
    %reduce_sum3A_1063 = arith.constant dense<0.000000e+00> : vector<4x4x8x1000xf32>
    %reduce_sum3A_1064 = vector.multi_reduction <add>, %mul3A_1062, %reduce_sum3A_1063 [2] : vector<4x4x7x8x1000xf32> to vector<4x4x8x1000xf32>
    %mul3A_1065 = arith.constant 0.377964467 : f32
    %mul3A_1066 = vector.broadcast %mul3A_1065 : f32 to vector<4x4x8x1000xf32>
    %mul3A_1067 = arith.mulf %reduce_sum3A_1064, %mul3A_1066 : vector<4x4x8x1000xf32>
    %reshape3A_1068 = vector.shape_cast %mul3A_1067 : vector<4x4x8x1000xf32> to vector<128x1000xf32>
    %slice3A_1069 = vector.extract_strided_slice %slice3A_1020 {offsets = [0, 0, 4, 0], sizes = [4, 7, 1, 1000], strides = [1, 1, 1, 1]} : vector<4x7x8x1000xf32> to vector<4x7x1x1000xf32>
    %broadcast_in_dim3A_1070 = vector.shape_cast %slice3A_1069 : vector<4x7x1x1000xf32> to vector<4x1x7x1x1000xf32>
    %broadcast_in_dim3A_1071 = vector.shape_cast %slice3A_1020 : vector<4x7x8x1000xf32> to vector<1x4x7x8x1000xf32>
    %mul3A_1072 = vector.broadcast %broadcast_in_dim3A_1070 : vector<4x1x7x1x1000xf32> to vector<4x4x7x8x1000xf32>
    %mul3A_1073 = vector.broadcast %broadcast_in_dim3A_1071 : vector<1x4x7x8x1000xf32> to vector<4x4x7x8x1000xf32>
    %mul3A_1074 = arith.mulf %mul3A_1072, %mul3A_1073 : vector<4x4x7x8x1000xf32>
    %reduce_sum3A_1075 = arith.constant dense<0.000000e+00> : vector<4x4x8x1000xf32>
    %reduce_sum3A_1076 = vector.multi_reduction <add>, %mul3A_1074, %reduce_sum3A_1075 [2] : vector<4x4x7x8x1000xf32> to vector<4x4x8x1000xf32>
    %mul3A_1077 = arith.constant 0.377964467 : f32
    %mul3A_1078 = vector.broadcast %mul3A_1077 : f32 to vector<4x4x8x1000xf32>
    %mul3A_1079 = arith.mulf %reduce_sum3A_1076, %mul3A_1078 : vector<4x4x8x1000xf32>
    %reshape3A_1080 = vector.shape_cast %mul3A_1079 : vector<4x4x8x1000xf32> to vector<128x1000xf32>
    %slice3A_1081 = vector.extract_strided_slice %slice3A_1020 {offsets = [0, 0, 5, 0], sizes = [4, 7, 1, 1000], strides = [1, 1, 1, 1]} : vector<4x7x8x1000xf32> to vector<4x7x1x1000xf32>
    %broadcast_in_dim3A_1082 = vector.shape_cast %slice3A_1081 : vector<4x7x1x1000xf32> to vector<4x1x7x1x1000xf32>
    %broadcast_in_dim3A_1083 = vector.shape_cast %slice3A_1020 : vector<4x7x8x1000xf32> to vector<1x4x7x8x1000xf32>
    %mul3A_1084 = vector.broadcast %broadcast_in_dim3A_1082 : vector<4x1x7x1x1000xf32> to vector<4x4x7x8x1000xf32>
    %mul3A_1085 = vector.broadcast %broadcast_in_dim3A_1083 : vector<1x4x7x8x1000xf32> to vector<4x4x7x8x1000xf32>
    %mul3A_1086 = arith.mulf %mul3A_1084, %mul3A_1085 : vector<4x4x7x8x1000xf32>
    %reduce_sum3A_1087 = arith.constant dense<0.000000e+00> : vector<4x4x8x1000xf32>
    %reduce_sum3A_1088 = vector.multi_reduction <add>, %mul3A_1086, %reduce_sum3A_1087 [2] : vector<4x4x7x8x1000xf32> to vector<4x4x8x1000xf32>
    %mul3A_1089 = arith.constant 0.377964467 : f32
    %mul3A_1090 = vector.broadcast %mul3A_1089 : f32 to vector<4x4x8x1000xf32>
    %mul3A_1091 = arith.mulf %reduce_sum3A_1088, %mul3A_1090 : vector<4x4x8x1000xf32>
    %reshape3A_1092 = vector.shape_cast %mul3A_1091 : vector<4x4x8x1000xf32> to vector<128x1000xf32>
    %concatenate3A_1093 = tpu.concatenate %reshape3A_813, %reshape3A_825, %reshape3A_837, %reshape3A_849, %reshape3A_861, %reshape3A_873, %reshape3A_886, %reshape3A_898, %reshape3A_910, %reshape3A_922, %reshape3A_934, %reshape3A_946, %reshape3A_959, %reshape3A_971, %reshape3A_983, %reshape3A_995, %reshape3A_1007, %reshape3A_1019, %reshape3A_1032, %reshape3A_1044, %reshape3A_1056, %reshape3A_1068, %reshape3A_1080, %reshape3A_1092 in 0 : vector<128x1000xf32>, vector<128x1000xf32>, vector<128x1000xf32>, vector<128x1000xf32>, vector<128x1000xf32>, vector<128x1000xf32>, vector<128x1000xf32>, vector<128x1000xf32>, vector<128x1000xf32>, vector<128x1000xf32>, vector<128x1000xf32>, vector<128x1000xf32>, vector<128x1000xf32>, vector<128x1000xf32>, vector<128x1000xf32>, vector<128x1000xf32>, vector<128x1000xf32>, vector<128x1000xf32>, vector<128x1000xf32>, vector<128x1000xf32>, vector<128x1000xf32>, vector<128x1000xf32>, vector<128x1000xf32>, vector<128x1000xf32> -> vector<3072x1000xf32>
    %get3A_1094 = arith.constant 0 : index
    %get3A_1095 = arith.constant 0 : index
    %get3A_1096 = arith.constant 0 : index
    %get3A_1097 = vector.load %arg2[%get3A_1094, %get3A_1095, %get3A_1096] : memref<1x1x1000xi32, #tpu.memory_space<vmem>>, vector<1x1x1000xi32>
    %get3A_1098 = vector.shape_cast %get3A_1097 : vector<1x1x1000xi32> to vector<1x1000xi32>
    %eq3A_1099 = arith.constant 0 : i32
    %eq3A_1100 = vector.broadcast %eq3A_1099 : i32 to vector<1x1000xi32>
    %eq3A_1101 = arith.cmpi eq, %get3A_1098, %eq3A_1100 : vector<1x1000xi32>
    %convert_element_type3A_1102 = arith.extui %eq3A_1101 : vector<1x1000xi1> to vector<1x1000xi32>
    %convert_element_type3A_1103 = arith.sitofp %convert_element_type3A_1102 : vector<1x1000xi32> to vector<1x1000xf32>
    %eq3A_1104 = arith.constant 1 : i32
    %eq3A_1105 = vector.broadcast %eq3A_1104 : i32 to vector<1x1000xi32>
    %eq3A_1106 = arith.cmpi eq, %get3A_1098, %eq3A_1105 : vector<1x1000xi32>
    %convert_element_type3A_1107 = arith.extui %eq3A_1106 : vector<1x1000xi1> to vector<1x1000xi32>
    %convert_element_type3A_1108 = arith.sitofp %convert_element_type3A_1107 : vector<1x1000xi32> to vector<1x1000xf32>
    %eq3A_1109 = arith.constant 2 : i32
    %eq3A_1110 = vector.broadcast %eq3A_1109 : i32 to vector<1x1000xi32>
    %eq3A_1111 = arith.cmpi eq, %get3A_1098, %eq3A_1110 : vector<1x1000xi32>
    %convert_element_type3A_1112 = arith.extui %eq3A_1111 : vector<1x1000xi1> to vector<1x1000xi32>
    %convert_element_type3A_1113 = arith.sitofp %convert_element_type3A_1112 : vector<1x1000xi32> to vector<1x1000xf32>
    %eq3A_1114 = arith.constant 3 : i32
    %eq3A_1115 = vector.broadcast %eq3A_1114 : i32 to vector<1x1000xi32>
    %eq3A_1116 = arith.cmpi eq, %get3A_1098, %eq3A_1115 : vector<1x1000xi32>
    %convert_element_type3A_1117 = arith.extui %eq3A_1116 : vector<1x1000xi1> to vector<1x1000xi32>
    %convert_element_type3A_1118 = arith.sitofp %convert_element_type3A_1117 : vector<1x1000xi32> to vector<1x1000xf32>
    %get3A_1119 = arith.constant 0 : index
    %get3A_1120 = arith.constant 0 : index
    %get3A_1121 = arith.constant 0 : index
    %get3A_1122 = vector.load %arg6[%get3A_1119, %get3A_1120, %get3A_1121] : memref<4x3072x128xf32, #tpu.memory_space<vmem>>, vector<1x3072x128xf32>
    %get3A_1123 = vector.shape_cast %get3A_1122 : vector<1x3072x128xf32> to vector<3072x128xf32>
    %dot_general3A_1124 = arith.constant dense<0.000000e+00> : vector<128x1000xf32>
    %dot_general3A_1125 = tpu.matmul %get3A_1123, %concatenate3A_1093, %dot_general3A_1124 {dimension_numbers = #tpu.dot_dimension_numbers<[0], [0], [1], [1], [0, 1, 1, 1], [], []>, transpose_lhs_hint = false} : vector<3072x128xf32>, vector<3072x1000xf32>, vector<128x1000xf32> -> vector<128x1000xf32>
    %mul3A_1126 = vector.broadcast %convert_element_type3A_1103 : vector<1x1000xf32> to vector<128x1000xf32>
    %mul3A_1127 = arith.mulf %dot_general3A_1125, %mul3A_1126 : vector<128x1000xf32>
    %get3A_1128 = arith.constant 1 : index
    %get3A_1129 = arith.constant 0 : index
    %get3A_1130 = arith.constant 0 : index
    %get3A_1131 = vector.load %arg6[%get3A_1128, %get3A_1129, %get3A_1130] : memref<4x3072x128xf32, #tpu.memory_space<vmem>>, vector<1x3072x128xf32>
    %get3A_1132 = vector.shape_cast %get3A_1131 : vector<1x3072x128xf32> to vector<3072x128xf32>
    %dot_general3A_1133 = arith.constant dense<0.000000e+00> : vector<128x1000xf32>
    %dot_general3A_1134 = tpu.matmul %get3A_1132, %concatenate3A_1093, %dot_general3A_1133 {dimension_numbers = #tpu.dot_dimension_numbers<[0], [0], [1], [1], [0, 1, 1, 1], [], []>, transpose_lhs_hint = false} : vector<3072x128xf32>, vector<3072x1000xf32>, vector<128x1000xf32> -> vector<128x1000xf32>
    %mul3A_1135 = vector.broadcast %convert_element_type3A_1108 : vector<1x1000xf32> to vector<128x1000xf32>
    %mul3A_1136 = arith.mulf %dot_general3A_1134, %mul3A_1135 : vector<128x1000xf32>
    %add3A_1137 = arith.addf %mul3A_1127, %mul3A_1136 : vector<128x1000xf32>
    %get3A_1138 = arith.constant 2 : index
    %get3A_1139 = arith.constant 0 : index
    %get3A_1140 = arith.constant 0 : index
    %get3A_1141 = vector.load %arg6[%get3A_1138, %get3A_1139, %get3A_1140] : memref<4x3072x128xf32, #tpu.memory_space<vmem>>, vector<1x3072x128xf32>
    %get3A_1142 = vector.shape_cast %get3A_1141 : vector<1x3072x128xf32> to vector<3072x128xf32>
    %dot_general3A_1143 = arith.constant dense<0.000000e+00> : vector<128x1000xf32>
    %dot_general3A_1144 = tpu.matmul %get3A_1142, %concatenate3A_1093, %dot_general3A_1143 {dimension_numbers = #tpu.dot_dimension_numbers<[0], [0], [1], [1], [0, 1, 1, 1], [], []>, transpose_lhs_hint = false} : vector<3072x128xf32>, vector<3072x1000xf32>, vector<128x1000xf32> -> vector<128x1000xf32>
    %mul3A_1145 = vector.broadcast %convert_element_type3A_1113 : vector<1x1000xf32> to vector<128x1000xf32>
    %mul3A_1146 = arith.mulf %dot_general3A_1144, %mul3A_1145 : vector<128x1000xf32>
    %add3A_1147 = arith.addf %add3A_1137, %mul3A_1146 : vector<128x1000xf32>
    %get3A_1148 = arith.constant 3 : index
    %get3A_1149 = arith.constant 0 : index
    %get3A_1150 = arith.constant 0 : index
    %get3A_1151 = vector.load %arg6[%get3A_1148, %get3A_1149, %get3A_1150] : memref<4x3072x128xf32, #tpu.memory_space<vmem>>, vector<1x3072x128xf32>
    %get3A_1152 = vector.shape_cast %get3A_1151 : vector<1x3072x128xf32> to vector<3072x128xf32>
    %dot_general3A_1153 = arith.constant dense<0.000000e+00> : vector<128x1000xf32>
    %dot_general3A_1154 = tpu.matmul %get3A_1152, %concatenate3A_1093, %dot_general3A_1153 {dimension_numbers = #tpu.dot_dimension_numbers<[0], [0], [1], [1], [0, 1, 1, 1], [], []>, transpose_lhs_hint = false} : vector<3072x128xf32>, vector<3072x1000xf32>, vector<128x1000xf32> -> vector<128x1000xf32>
    %mul3A_1155 = vector.broadcast %convert_element_type3A_1118 : vector<1x1000xf32> to vector<128x1000xf32>
    %mul3A_1156 = arith.mulf %dot_general3A_1154, %mul3A_1155 : vector<128x1000xf32>
    %add3A_1157 = arith.addf %add3A_1147, %mul3A_1156 : vector<128x1000xf32>
    %logistic3A = arith.negf %add3A_1157 : vector<128x1000xf32>
    %logistic3A_1158 = math.exp %logistic3A : vector<128x1000xf32>
    %logistic3A_1159 = arith.constant 1.000000e+00 : f32
    %logistic3A_1160 = vector.broadcast %logistic3A_1159 : f32 to vector<128x1000xf32>
    %logistic3A_1161 = arith.addf %logistic3A_1160, %logistic3A_1158 : vector<128x1000xf32>
    %logistic3A_1162 = arith.divf %logistic3A_1160, %logistic3A_1161 : vector<128x1000xf32>
    %mul3A_1163 = arith.mulf %add3A_1157, %logistic3A_1162 : vector<128x1000xf32>
    %get3A_1164 = arith.constant 0 : index
    %get3A_1165 = arith.constant 0 : index
    %get3A_1166 = arith.constant 0 : index
    %get3A_1167 = vector.load %arg7[%get3A_1164, %get3A_1165, %get3A_1166] : memref<4x128x128xf32, #tpu.memory_space<vmem>>, vector<1x128x128xf32>
    %get3A_1168 = vector.shape_cast %get3A_1167 : vector<1x128x128xf32> to vector<128x128xf32>
    %dot_general3A_1169 = arith.constant dense<0.000000e+00> : vector<128x1000xf32>
    %dot_general3A_1170 = tpu.matmul %get3A_1168, %mul3A_1163, %dot_general3A_1169 {dimension_numbers = #tpu.dot_dimension_numbers<[0], [0], [1], [1], [0, 1, 1, 1], [], []>, transpose_lhs_hint = false} : vector<128x128xf32>, vector<128x1000xf32>, vector<128x1000xf32> -> vector<128x1000xf32>
    %mul3A_1171 = vector.broadcast %convert_element_type3A_1103 : vector<1x1000xf32> to vector<128x1000xf32>
    %mul3A_1172 = arith.mulf %dot_general3A_1170, %mul3A_1171 : vector<128x1000xf32>
    %get3A_1173 = arith.constant 1 : index
    %get3A_1174 = arith.constant 0 : index
    %get3A_1175 = arith.constant 0 : index
    %get3A_1176 = vector.load %arg7[%get3A_1173, %get3A_1174, %get3A_1175] : memref<4x128x128xf32, #tpu.memory_space<vmem>>, vector<1x128x128xf32>
    %get3A_1177 = vector.shape_cast %get3A_1176 : vector<1x128x128xf32> to vector<128x128xf32>
    %dot_general3A_1178 = arith.constant dense<0.000000e+00> : vector<128x1000xf32>
    %dot_general3A_1179 = tpu.matmul %get3A_1177, %mul3A_1163, %dot_general3A_1178 {dimension_numbers = #tpu.dot_dimension_numbers<[0], [0], [1], [1], [0, 1, 1, 1], [], []>, transpose_lhs_hint = false} : vector<128x128xf32>, vector<128x1000xf32>, vector<128x1000xf32> -> vector<128x1000xf32>
    %mul3A_1180 = vector.broadcast %convert_element_type3A_1108 : vector<1x1000xf32> to vector<128x1000xf32>
    %mul3A_1181 = arith.mulf %dot_general3A_1179, %mul3A_1180 : vector<128x1000xf32>
    %add3A_1182 = arith.addf %mul3A_1172, %mul3A_1181 : vector<128x1000xf32>
    %get3A_1183 = arith.constant 2 : index
    %get3A_1184 = arith.constant 0 : index
    %get3A_1185 = arith.constant 0 : index
    %get3A_1186 = vector.load %arg7[%get3A_1183, %get3A_1184, %get3A_1185] : memref<4x128x128xf32, #tpu.memory_space<vmem>>, vector<1x128x128xf32>
    %get3A_1187 = vector.shape_cast %get3A_1186 : vector<1x128x128xf32> to vector<128x128xf32>
    %dot_general3A_1188 = arith.constant dense<0.000000e+00> : vector<128x1000xf32>
    %dot_general3A_1189 = tpu.matmul %get3A_1187, %mul3A_1163, %dot_general3A_1188 {dimension_numbers = #tpu.dot_dimension_numbers<[0], [0], [1], [1], [0, 1, 1, 1], [], []>, transpose_lhs_hint = false} : vector<128x128xf32>, vector<128x1000xf32>, vector<128x1000xf32> -> vector<128x1000xf32>
    %mul3A_1190 = vector.broadcast %convert_element_type3A_1113 : vector<1x1000xf32> to vector<128x1000xf32>
    %mul3A_1191 = arith.mulf %dot_general3A_1189, %mul3A_1190 : vector<128x1000xf32>
    %add3A_1192 = arith.addf %add3A_1182, %mul3A_1191 : vector<128x1000xf32>
    %get3A_1193 = arith.constant 3 : index
    %get3A_1194 = arith.constant 0 : index
    %get3A_1195 = arith.constant 0 : index
    %get3A_1196 = vector.load %arg7[%get3A_1193, %get3A_1194, %get3A_1195] : memref<4x128x128xf32, #tpu.memory_space<vmem>>, vector<1x128x128xf32>
    %get3A_1197 = vector.shape_cast %get3A_1196 : vector<1x128x128xf32> to vector<128x128xf32>
    %dot_general3A_1198 = arith.constant dense<0.000000e+00> : vector<128x1000xf32>
    %dot_general3A_1199 = tpu.matmul %get3A_1197, %mul3A_1163, %dot_general3A_1198 {dimension_numbers = #tpu.dot_dimension_numbers<[0], [0], [1], [1], [0, 1, 1, 1], [], []>, transpose_lhs_hint = false} : vector<128x128xf32>, vector<128x1000xf32>, vector<128x1000xf32> -> vector<128x1000xf32>
    %mul3A_1200 = vector.broadcast %convert_element_type3A_1118 : vector<1x1000xf32> to vector<128x1000xf32>
    %mul3A_1201 = arith.mulf %dot_general3A_1199, %mul3A_1200 : vector<128x1000xf32>
    %add3A_1202 = arith.addf %add3A_1192, %mul3A_1201 : vector<128x1000xf32>
    %logistic3A_1203 = arith.negf %add3A_1202 : vector<128x1000xf32>
    %logistic3A_1204 = math.exp %logistic3A_1203 : vector<128x1000xf32>
    %logistic3A_1205 = arith.constant 1.000000e+00 : f32
    %logistic3A_1206 = vector.broadcast %logistic3A_1205 : f32 to vector<128x1000xf32>
    %logistic3A_1207 = arith.addf %logistic3A_1206, %logistic3A_1204 : vector<128x1000xf32>
    %logistic3A_1208 = arith.divf %logistic3A_1206, %logistic3A_1207 : vector<128x1000xf32>
    %mul3A_1209 = arith.mulf %add3A_1202, %logistic3A_1208 : vector<128x1000xf32>
    %get3A_1210 = arith.constant 0 : index
    %get3A_1211 = arith.constant 0 : index
    %get3A_1212 = arith.constant 0 : index
    %get3A_1213 = vector.load %arg8[%get3A_1210, %get3A_1211, %get3A_1212] : memref<4x8x128xf32, #tpu.memory_space<vmem>>, vector<1x8x128xf32>
    %get3A_1214 = vector.shape_cast %get3A_1213 : vector<1x8x128xf32> to vector<8x128xf32>
    %dot_general3A_1215 = arith.constant dense<0.000000e+00> : vector<8x1000xf32>
    %dot_general3A_1216 = tpu.matmul %get3A_1214, %mul3A_1209, %dot_general3A_1215 {dimension_numbers = #tpu.dot_dimension_numbers<[1], [0], [0], [1], [0, 0, 1, 1], [], []>, transpose_lhs_hint = false} : vector<8x128xf32>, vector<128x1000xf32>, vector<8x1000xf32> -> vector<8x1000xf32>
    %mul3A_1217 = vector.broadcast %convert_element_type3A_1103 : vector<1x1000xf32> to vector<8x1000xf32>
    %mul3A_1218 = arith.mulf %dot_general3A_1216, %mul3A_1217 : vector<8x1000xf32>
    %get3A_1219 = arith.constant 1 : index
    %get3A_1220 = arith.constant 0 : index
    %get3A_1221 = arith.constant 0 : index
    %get3A_1222 = vector.load %arg8[%get3A_1219, %get3A_1220, %get3A_1221] : memref<4x8x128xf32, #tpu.memory_space<vmem>>, vector<1x8x128xf32>
    %get3A_1223 = vector.shape_cast %get3A_1222 : vector<1x8x128xf32> to vector<8x128xf32>
    %dot_general3A_1224 = arith.constant dense<0.000000e+00> : vector<8x1000xf32>
    %dot_general3A_1225 = tpu.matmul %get3A_1223, %mul3A_1209, %dot_general3A_1224 {dimension_numbers = #tpu.dot_dimension_numbers<[1], [0], [0], [1], [0, 0, 1, 1], [], []>, transpose_lhs_hint = false} : vector<8x128xf32>, vector<128x1000xf32>, vector<8x1000xf32> -> vector<8x1000xf32>
    %mul3A_1226 = vector.broadcast %convert_element_type3A_1108 : vector<1x1000xf32> to vector<8x1000xf32>
    %mul3A_1227 = arith.mulf %dot_general3A_1225, %mul3A_1226 : vector<8x1000xf32>
    %add3A_1228 = arith.addf %mul3A_1218, %mul3A_1227 : vector<8x1000xf32>
    %get3A_1229 = arith.constant 2 : index
    %get3A_1230 = arith.constant 0 : index
    %get3A_1231 = arith.constant 0 : index
    %get3A_1232 = vector.load %arg8[%get3A_1229, %get3A_1230, %get3A_1231] : memref<4x8x128xf32, #tpu.memory_space<vmem>>, vector<1x8x128xf32>
    %get3A_1233 = vector.shape_cast %get3A_1232 : vector<1x8x128xf32> to vector<8x128xf32>
    %dot_general3A_1234 = arith.constant dense<0.000000e+00> : vector<8x1000xf32>
    %dot_general3A_1235 = tpu.matmul %get3A_1233, %mul3A_1209, %dot_general3A_1234 {dimension_numbers = #tpu.dot_dimension_numbers<[1], [0], [0], [1], [0, 0, 1, 1], [], []>, transpose_lhs_hint = false} : vector<8x128xf32>, vector<128x1000xf32>, vector<8x1000xf32> -> vector<8x1000xf32>
    %mul3A_1236 = vector.broadcast %convert_element_type3A_1113 : vector<1x1000xf32> to vector<8x1000xf32>
    %mul3A_1237 = arith.mulf %dot_general3A_1235, %mul3A_1236 : vector<8x1000xf32>
    %add3A_1238 = arith.addf %add3A_1228, %mul3A_1237 : vector<8x1000xf32>
    %get3A_1239 = arith.constant 3 : index
    %get3A_1240 = arith.constant 0 : index
    %get3A_1241 = arith.constant 0 : index
    %get3A_1242 = vector.load %arg8[%get3A_1239, %get3A_1240, %get3A_1241] : memref<4x8x128xf32, #tpu.memory_space<vmem>>, vector<1x8x128xf32>
    %get3A_1243 = vector.shape_cast %get3A_1242 : vector<1x8x128xf32> to vector<8x128xf32>
    %dot_general3A_1244 = arith.constant dense<0.000000e+00> : vector<8x1000xf32>
    %dot_general3A_1245 = tpu.matmul %get3A_1243, %mul3A_1209, %dot_general3A_1244 {dimension_numbers = #tpu.dot_dimension_numbers<[1], [0], [0], [1], [0, 0, 1, 1], [], []>, transpose_lhs_hint = false} : vector<8x128xf32>, vector<128x1000xf32>, vector<8x1000xf32> -> vector<8x1000xf32>
    %mul3A_1246 = vector.broadcast %convert_element_type3A_1118 : vector<1x1000xf32> to vector<8x1000xf32>
    %mul3A_1247 = arith.mulf %dot_general3A_1245, %mul3A_1246 : vector<8x1000xf32>
    %add3A_1248 = arith.addf %add3A_1238, %mul3A_1247 : vector<8x1000xf32>
    %get3A_1249 = arith.constant 0 : index
    %get3A_1250 = arith.constant 0 : index
    %get3A_1251 = arith.constant 0 : index
    %get3A_1252 = vector.load %arg3[%get3A_1249, %get3A_1250, %get3A_1251] : memref<1x1x1000xi32, #tpu.memory_space<vmem>>, vector<1x1x1000xi32>
    %get3A_1253 = vector.shape_cast %get3A_1252 : vector<1x1x1000xi32> to vector<1x1000xi32>
    %iota3A_1254 = tpu.iota {dimensions = array<i32: 0>} : vector<100x1000xi32>
    %broadcast_in_dim3A_1255 = vector.shape_cast %get3A_1253 : vector<1x1000xi32> to vector<1x1000xi32>
    %broadcast_in_dim3A_1256 = vector.broadcast %broadcast_in_dim3A_1255 : vector<1x1000xi32> to vector<100x1000xi32>
    %eq3A_1257 = arith.cmpi eq, %iota3A_1254, %broadcast_in_dim3A_1256 : vector<100x1000xi32>
    %convert_element_type3A_1258 = arith.extui %eq3A_1257 : vector<100x1000xi1> to vector<100x1000xi32>
    %convert_element_type3A_1259 = arith.sitofp %convert_element_type3A_1258 : vector<100x1000xi32> to vector<100x1000xf32>
    %iota3A_1260 = tpu.iota {dimensions = array<i32: 0>} : vector<8x1000xi32>
    %broadcast_in_dim3A_1261 = vector.shape_cast %get3A_1098 : vector<1x1000xi32> to vector<1x1000xi32>
    %broadcast_in_dim3A_1262 = vector.broadcast %broadcast_in_dim3A_1261 : vector<1x1000xi32> to vector<8x1000xi32>
    %eq3A_1263 = arith.cmpi eq, %iota3A_1260, %broadcast_in_dim3A_1262 : vector<8x1000xi32>
    %convert_element_type3A_1264 = arith.extui %eq3A_1263 : vector<8x1000xi1> to vector<8x1000xi32>
    %convert_element_type3A_1265 = arith.sitofp %convert_element_type3A_1264 : vector<8x1000xi32> to vector<8x1000xf32>
    %eq3A_1266 = arith.constant 0 : i32
    %eq3A_1267 = arith.cmpi eq, %arg0, %eq3A_1266 : i32
    %convert_element_type3A_1268 = arith.extui %eq3A_1267 : i1 to i32
    %cond3A = arith.constant 0 : i32
    %cond3A_1269 = arith.cmpi ne, %convert_element_type3A_1268, %cond3A : i32
    scf.if %cond3A_1269 {
      %broadcast_in_dim3A_1292 = arith.constant 0.000000e+00 : f32
      %broadcast_in_dim3A_1293 = vector.broadcast %broadcast_in_dim3A_1292 : f32 to vector<100x8xf32>
      %swap3A_1294 = arith.constant 0 : index
      %swap3A_1295 = arith.constant 0 : index
      %swap3A_1296 = vector.load %arg10[%swap3A_1294, %swap3A_1295] : memref<100x8xf32, #tpu.memory_space<vmem>>, vector<100x8xf32>
      tpu.vector_store %arg10[%swap3A_1294, %swap3A_1295], %broadcast_in_dim3A_1293 {strides = array<i32>} : memref<100x8xf32, #tpu.memory_space<vmem>>, vector<100x8xf32>,
      %broadcast_in_dim3A_1297 = arith.constant 0.000000e+00 : f32
      %broadcast_in_dim3A_1298 = vector.broadcast %broadcast_in_dim3A_1297 : f32 to vector<100x8xf32>
      %swap3A_1299 = arith.constant 0 : index
      %swap3A_1300 = arith.constant 0 : index
      %swap3A_1301 = vector.load %arg11[%swap3A_1299, %swap3A_1300] : memref<100x8xf32, #tpu.memory_space<vmem>>, vector<100x8xf32>
      tpu.vector_store %arg11[%swap3A_1299, %swap3A_1300], %broadcast_in_dim3A_1298 {strides = array<i32>} : memref<100x8xf32, #tpu.memory_space<vmem>>, vector<100x8xf32>,
    } else {
    }
    %get3A_1270 = arith.constant 0 : index
    %get3A_1271 = arith.constant 0 : index
    %get3A_1272 = vector.load %arg10[%get3A_1270, %get3A_1271] : memref<100x8xf32, #tpu.memory_space<vmem>>, vector<100x8xf32>
    %dot_general3A_1273 = arith.constant dense<0.000000e+00> : vector<100x8xf32>
    %dot_general3A_1274 = tpu.matmul %convert_element_type3A_1259, %add3A_1248, %dot_general3A_1273 {dimension_numbers = #tpu.dot_dimension_numbers<[1], [1], [0], [0], [0, 0, 1, 0], [], []>, transpose_lhs_hint = false} : vector<100x1000xf32>, vector<8x1000xf32>, vector<100x8xf32> -> vector<100x8xf32>
    %add3A_1275 = arith.addf %get3A_1272, %dot_general3A_1274 : vector<100x8xf32>
    %swap3A = arith.constant 0 : index
    %swap3A_1276 = arith.constant 0 : index
    %swap3A_1277 = vector.load %arg10[%swap3A, %swap3A_1276] : memref<100x8xf32, #tpu.memory_space<vmem>>, vector<100x8xf32>
    tpu.vector_store %arg10[%swap3A, %swap3A_1276], %add3A_1275 {strides = array<i32>} : memref<100x8xf32, #tpu.memory_space<vmem>>, vector<100x8xf32>,
    %get3A_1278 = arith.constant 0 : index
    %get3A_1279 = arith.constant 0 : index
    %get3A_1280 = vector.load %arg11[%get3A_1278, %get3A_1279] : memref<100x8xf32, #tpu.memory_space<vmem>>, vector<100x8xf32>
    %dot_general3A_1281 = arith.constant dense<0.000000e+00> : vector<100x8xf32>
    %dot_general3A_1282 = tpu.matmul %convert_element_type3A_1259, %convert_element_type3A_1265, %dot_general3A_1281 {dimension_numbers = #tpu.dot_dimension_numbers<[1], [1], [0], [0], [0, 0, 1, 0], [], []>, transpose_lhs_hint = false} : vector<100x1000xf32>, vector<8x1000xf32>, vector<100x8xf32> -> vector<100x8xf32>
    %add3A_1283 = arith.addf %get3A_1280, %dot_general3A_1282 : vector<100x8xf32>
    %swap3A_1284 = arith.constant 0 : index
    %swap3A_1285 = arith.constant 0 : index
    %swap3A_1286 = vector.load %arg11[%swap3A_1284, %swap3A_1285] : memref<100x8xf32, #tpu.memory_space<vmem>>, vector<100x8xf32>
    tpu.vector_store %arg11[%swap3A_1284, %swap3A_1285], %add3A_1283 {strides = array<i32>} : memref<100x8xf32, #tpu.memory_space<vmem>>, vector<100x8xf32>,
    %eq3A_1287 = arith.constant 9 : i32
    %eq3A_1288 = arith.cmpi eq, %arg0, %eq3A_1287 : i32
    %convert_element_type3A_1289 = arith.extui %eq3A_1288 : i1 to i32
    %cond3A_1290 = arith.constant 0 : i32
    %cond3A_1291 = arith.cmpi ne, %convert_element_type3A_1289, %cond3A_1290 : i32
    scf.if %cond3A_1291 {
      %get3A_1292 = arith.constant 0 : index
      %get3A_1293 = arith.constant 0 : index
      %get3A_1294 = vector.load %arg11[%get3A_1292, %get3A_1293] : memref<100x8xf32, #tpu.memory_space<vmem>>, vector<100x8xf32>
      %get3A_1295 = arith.constant 0 : index
      %get3A_1296 = arith.constant 0 : index
      %get3A_1297 = vector.load %arg4[%get3A_1295, %get3A_1296] : memref<8x8xf32, #tpu.memory_space<vmem>>, vector<8x8xf32>
      %dot_general3A_1298 = arith.constant dense<0.000000e+00> : vector<100x8xf32>
      %dot_general3A_1299 = tpu.matmul %get3A_1294, %get3A_1297, %dot_general3A_1298 {dimension_numbers = #tpu.dot_dimension_numbers<[1], [0], [0], [1], [0, 0, 1, 1], [], []>, transpose_lhs_hint = false} : vector<100x8xf32>, vector<8x8xf32>, vector<100x8xf32> -> vector<100x8xf32>
      %get3A_1300 = arith.constant 0 : index
      %get3A_1301 = arith.constant 0 : index
      %get3A_1302 = vector.load %arg10[%get3A_1300, %get3A_1301] : memref<100x8xf32, #tpu.memory_space<vmem>>, vector<100x8xf32>
      %mul3A_1303 = arith.constant 1.000000e+00 : f32
      %mul3A_1304 = vector.broadcast %mul3A_1303 : f32 to vector<100x8xf32>
      %mul3A_1305 = arith.mulf %mul3A_1304, %get3A_1302 : vector<100x8xf32>
      %add3A_1306 = arith.addf %dot_general3A_1299, %mul3A_1305 : vector<100x8xf32>
      %swap3A_1307 = arith.constant 0 : index
      %swap3A_1308 = arith.constant 0 : index
      %swap3A_1309 = vector.load %arg9[%swap3A_1307, %swap3A_1308] : memref<100x8xf32, #tpu.memory_space<vmem>>, vector<100x8xf32>
      tpu.vector_store %arg9[%swap3A_1307, %swap3A_1308], %add3A_1306 {strides = array<i32>} : memref<100x8xf32, #tpu.memory_space<vmem>>, vector<100x8xf32>,
    } else {
    }
    return
  }
  func.func @transform_0(%arg0: i32) -> (i32, i32, i32, i32) {
    %c0_i32 = arith.constant 0 : i32
    %c0_i32_0 = arith.constant 0 : i32
    %c0_i32_1 = arith.constant 0 : i32
    %c0_i32_2 = arith.constant 0 : i32
    return %c0_i32, %c0_i32_0, %arg0, %c0_i32_1 : i32, i32, i32, i32
  }
  func.func @transform_1(%arg0: i32) -> (i32, i32, i32) {
    %c0_i32 = arith.constant 0 : i32
    %c0_i32_0 = arith.constant 0 : i32
    %c0_i32_1 = arith.constant 0 : i32
    return %arg0, %c0_i32, %c0_i32_0 : i32, i32, i32
  }
  func.func @transform_2(%arg0: i32) -> (i32, i32, i32) {
    %c0_i32 = arith.constant 0 : i32
    %c0_i32_0 = arith.constant 0 : i32
    %c0_i32_1 = arith.constant 0 : i32
    return %arg0, %c0_i32, %c0_i32_0 : i32, i32, i32
  }
  func.func @transform_3(%arg0: i32) -> (i32, i32) {
    %c0_i32 = arith.constant 0 : i32
    %c0_i32_0 = arith.constant 0 : i32
    %c0_i32_1 = arith.constant 0 : i32
    return %c0_i32, %c0_i32_0 : i32, i32
  }
  func.func @transform_4(%arg0: i32) -> (i32, i32) {
    %c0_i32 = arith.constant 0 : i32
    %c0_i32_0 = arith.constant 0 : i32
    %c0_i32_1 = arith.constant 0 : i32
    return %c0_i32, %c0_i32_0 : i32, i32
  }
  func.func @transform_5(%arg0: i32) -> (i32, i32, i32) {
    %c0_i32 = arith.constant 0 : i32
    %c0_i32_0 = arith.constant 0 : i32
    %c0_i32_1 = arith.constant 0 : i32
    %c0_i32_2 = arith.constant 0 : i32
    return %c0_i32, %c0_i32_0, %c0_i32_1 : i32, i32, i32
  }
  func.func @transform_6(%arg0: i32) -> (i32, i32, i32) {
    %c0_i32 = arith.constant 0 : i32
    %c0_i32_0 = arith.constant 0 : i32
    %c0_i32_1 = arith.constant 0 : i32
    %c0_i32_2 = arith.constant 0 : i32
    return %c0_i32, %c0_i32_0, %c0_i32_1 : i32, i32, i32
  }
  func.func @transform_7(%arg0: i32) -> (i32, i32, i32) {
    %c0_i32 = arith.constant 0 : i32
    %c0_i32_0 = arith.constant 0 : i32
    %c0_i32_1 = arith.constant 0 : i32
    %c0_i32_2 = arith.constant 0 : i32
    return %c0_i32, %c0_i32_0, %c0_i32_1 : i32, i32, i32
  }
  func.func @transform_8(%arg0: i32) -> (i32, i32) {
    %c0_i32 = arith.constant 0 : i32
    %c0_i32_0 = arith.constant 0 : i32
    %c0_i32_1 = arith.constant 0 : i32
    return %c0_i32, %c0_i32_0 : i32, i32
  }
}

</mosaic_0001>

<sc_bundles>
// kernel: kernel.6.cloned.1.call-start
scs
__scs_entry_jumppad:
0x0: {  	(pc) =	sbr.rel $0x88, $3  }
0x1: {  	(tag) =	ssettag $0x0;
	lr =	simm.s32 $0x1  }
0x2: {  	[smem:$0x3F98] =	sst lr;
	_ =	strace $0xD0000000  }
0x3: {  	_ = 	snop  }
0x4: {  	_ = 	snop  }
0x5: {  	_ = 	snop  }
0x6: {  	_ = 	snop  }
0x7: {  	_ = 	snop  }
__scs_overlays_trampoline_lowered:
0x8: {  	[smem:$0x3FA7] =	sst s0  }
0x9: {  	[smem:$0x3FA8] =	sst s1  }
0xa: {  	[smem:$0x3FA9] =	sst s2  }
0xb: {  	[smem:$0x3FAA] =	sst s3  }
0xc: {  	[smem:$0x3FAB] =	sst s4  }
0xd: {  	[smem:$0x3FAC] =	sst s5  }
0xe: {  	[smem:$0x3FAD] =	sst s6  }
0xf: {  	[smem:$0x3FAE] =	sst s7  }
0x10: {  	[smem:$0x3FAF] =	sst s8  }
0x11: {  	[smem:$0x3FB0] =	sst s9;
	s0 =	simm.s32 @!p0 $0x0  }
0x12: {  	s1 =	sld [smem:$0x3F96];
	s0 =	simm.s32 @p0 $0x1  }
0x13: {  	[smem:$0x3FB1] =	sst s0;
	s0 =	simm.s32 @!p1 $0x0  }
0x14: {  	s2 =	sld [smem:$0x3F95];
	s0 =	simm.s32 @p1 $0x1  }
0x15: {  	[smem:$0x3FB2] =	sst s0;
	s0 =	simm.s32 @!p2 $0x0  }
0x16: {  	s3 =	sld [smem:$0x3FDB];
	s0 =	simm.s32 @p2 $0x1  }
0x17: {  	s4 =	simm.s32 $0x1BF5;
	[smem:$0x3FB4] =	sst s0  }
0x18: {  	s0 =	sld [smem:$0x3F97];
	_ =	swait.ge [sflag:s4], $0x0  }
0x19: {  	s7 =	sld [smem:$0x3F98]  }
0x1a: {  	s8 =	sadd.s32 $0xFFFFE003, lr  }
0x1b: {  	s9 =	sadd.s32 $0xFFFFFEF7, lr;
	s5 =	simm.s32 $0xFFFFFFFF;
	p2 =	slt.u32 s8, $0xFFFFF086  }
0x1c: {  	p1 =	slt.u32 s9, $0xF7A;
	s5 =	simm.s32 @!p2 $0x0  }
0x1d: {  	s5 =	simm.s32 @p1 $0x1;
	p0 =	seq.s32 s7, s2  }
0x1e: {  	s7 =	smul.u32 @!p0 $0xF7A, s2;
	p2 =	seq.s32 @!p0 s5, $0x0  }
0x1f: {  	s9 =	smul.u32 $0xF7A, s1;
	s8 =	simm.s32 @!p0 $0x1BF5;
	p2 =	por !p2, p0  }
0x20: {  	[sflag:s8] =	ssyncset.s32 @!p0 $0xFFFFF086;
	s6 =	sadd.s32 @!p0 s3, s7;
	s7 =	simm.s32 @!p0 $0x108  }
0x21: {  	s3 =	sadd.s32 s3, s9;
	s6 =	sadd.s32 @!p0 $0x88, s6;
	s7 =	simm.s32 @p2 $0x1082  }
0x22: {  	[simem:s7], [sflag:s8] =	dma.local @!p0 [hbm:s6], $0xF7A  }
0x23: {  	s9 =	sor.u32 $0xD0000000, s2;
	s6 =	simm.s32 $0x108;
	_ =	swait.ge @!p0 [sflag:s8], $0x0  }
0x24: {  	s3 =	sadd.s32 $0x88, s3;
	s6 =	simm.s32 @!p1 $0x1082;
	[sflag:s4] =	ssyncset.s32 $0xFFFFF086  }
0x25: {  	[simem:s6], [sflag:s4] =	dma.local [hbm:s3], $0xF7A  }
0x26: {  	[smem:$0x3F98] =	sst s1;
	(tag) =	ssettag s2;
	_ =	strace s9  }
0x27: {  	s1 =	sld [smem:$0x3FA8]  }
0x28: {  	s2 =	sld [smem:$0x3FA9]  }
0x29: {  	s4 =	sld [smem:$0x3FAB]  }
0x2a: {  	p0 =	seq.s32 s5, $0x0;
	s5 =	sld [smem:$0x3FAC]  }
0x2b: {  	s6 =	sld [smem:$0x3FAD]  }
0x2c: {  	s7 =	sld [smem:$0x3FAE]  }
0x2d: {  	s3 =	simm.s32 $0x108;
	s8 =	sld [smem:$0x3FAF]  }
0x2e: {  	s3 =	simm.s32 @!p0 $0x1082;
	s9 =	sld [smem:$0x3FB0]  }
0x2f: {  	lr =	sadd.s32 s0, s3;
	s0 =	sld [smem:$0x3FA7]  }
0x30: {  	s3 =	sld [smem:$0x3FAA]  }
0x31: {  	[smem:$0x3FB3] =	sst s10  }
0x32: {  	s10 =	sld [smem:$0x3FB1];
	_ =	sdelay $0x3  }
0x33: {  	p0 =	seq.s32 s10, $0x1;
	s10 =	sld [smem:$0x3FB3];
	_ =	sdelay $0x3  }
0x34: {  	[smem:$0x3FB3] =	sst s10  }
0x35: {  	s10 =	sld [smem:$0x3FB2];
	_ =	sdelay $0x3  }
0x36: {  	p1 =	seq.s32 s10, $0x1;
	s10 =	sld [smem:$0x3FB3];
	_ =	sdelay $0x3  }
0x37: {  	[smem:$0x3FB3] =	sst s10  }
0x38: {  	s10 =	sld [smem:$0x3FB4]  }
0x39: {  	_ = 	snop;
	(pc) =	sbr.ind lr, $3  }
0x3a: {  	_ = 	snop  }
0x3b: {  	_ = 	snop  }
0x3c: {  	p2 =	seq.s32 s10, $0x1;
	s10 =	sld [smem:$0x3FB3]  }
0x3d: {  	_ =	shalt  }
0x3e: {  	_ =	shalt  }
0x3f: {  	_ =	shalt  }
0x40: {  	_ =	shalt  }
0x41: {  	_ =	shalt  }
0x42: {  	_ =	shalt  }
0x43: {  	_ =	shalt  }
0x44: {  	_ =	shalt  }
0x45: {  	_ =	shalt  }
0x46: {  	_ =	shalt  }
0x47: {  	_ =	shalt  }
0x48: {  	_ =	shalt  }
0x49: {  	_ =	shalt  }
0x4a: {  	_ =	shalt  }
0x4b: {  	_ =	shalt  }
0x4c: {  	_ =	shalt  }
0x4d: {  	_ =	shalt  }
0x4e: {  	_ =	shalt  }
0x4f: {  	_ =	shalt  }
0x50: {  	_ =	shalt  }
0x51: {  	_ =	shalt  }
0x52: {  	_ =	shalt  }
0x53: {  	_ =	shalt  }
0x54: {  	_ =	shalt  }
0x55: {  	_ =	shalt  }
0x56: {  	_ =	shalt  }
0x57: {  	_ =	shalt  }
0x58: {  	_ =	shalt  }
0x59: {  	_ =	shalt  }
0x5a: {  	_ =	shalt  }
0x5b: {  	_ =	shalt  }
0x5c: {  	_ =	shalt  }
0x5d: {  	_ =	shalt  }
0x5e: {  	_ =	shalt  }
0x5f: {  	_ =	shalt  }
0x60: {  	_ =	shalt  }
0x61: {  	_ =	shalt  }
0x62: {  	_ =	shalt  }
0x63: {  	_ =	shalt  }
0x64: {  	_ =	shalt  }
0x65: {  	_ =	shalt  }
0x66: {  	_ =	shalt  }
0x67: {  	_ =	shalt  }
0x68: {  	_ =	shalt  }
0x69: {  	_ =	shalt  }
0x6a: {  	_ =	shalt  }
0x6b: {  	_ =	shalt  }
0x6c: {  	_ =	shalt  }
0x6d: {  	_ =	shalt  }
0x6e: {  	_ =	shalt  }
0x6f: {  	_ =	shalt  }
0x70: {  	_ =	shalt  }
0x71: {  	_ =	shalt  }
0x72: {  	_ =	shalt  }
0x73: {  	_ =	shalt  }
0x74: {  	_ =	shalt  }
0x75: {  	_ =	shalt  }
0x76: {  	_ =	shalt  }
0x77: {  	_ =	shalt  }
0x78: {  	_ =	shalt  }
0x79: {  	_ =	shalt  }
0x7a: {  	_ =	shalt  }
0x7b: {  	_ =	shalt  }
0x7c: {  	_ =	shalt  }
0x7d: {  	_ =	shalt  }
0x7e: {  	_ =	shalt  }
0x7f: {  	_ =	shalt  }
0x80: {  	_ =	shalt  }
0x81: {  	_ =	shalt  }
0x82: {  	_ =	shalt  }
0x83: {  	_ =	shalt  }
0x84: {  	_ =	shalt  }
0x85: {  	_ =	shalt  }
0x86: {  	_ =	shalt  }
0x87: {  	_ =	shalt  }
.Lfunc_end0:
.L_simem_size_0:
called_computation_lowered:
.L_overlay_start_0:
0x88: {  	s2 =	sld [smem:$0x3FD9]  }
0x89: {  	s3 =	sld [smem:$0x3FFE];
	_ =	sdelay $0x1  }
0x8a: {  	s1 =	srdreg.scid  }
0x8b: {  	s0 =	sand.u32 $0x1, s1  }
0x8c: {  	s17 =	sshll.u32 s0, $0xA;
	s2 =	sadd.s32 s3, s2  }
0x8d: {  	s2 =	sadd.s32 s2, s17  }
0x8e: {  	[smem:$0x3FBF] =	sst s2  }
0x8f: {  	_ = 	snop  }
0x90: {  	s2 =	sld [smem:$0x3FC8];
	(tm) =	ssettm $0x1  }
0x91: {  	s18 =	sld [smem:$0x3FFB];
	_ =	sdelay $0x3  }
0x92: {  	_ =	strace s18  }
0x93: {  	s3 =	sld [smem:$0x3FFC];
	_ =	sdelay $0x3  }
0x94: {  	_ =	strace s3  }
0x95: {  	s3 =	sld [smem:$0x3FFD];
	_ =	sdelay $0x3  }
0x96: {  	_ =	strace s3  }
0x97: {  	_ =	strace $0x8FFFFFFF  }
0x98: {  	s19 =	sld [smem:$0x3FDB];
	_ =	sdelay $0x1  }
0x99: {  	s4 =	simm.s32 $_scs_section_size  }
0x9a: {  	s5 =	simm.s32 $_size__tile_overlayer_lowered;
	s6 =	simm.s32 $_tile_overlayer_lowered  }
0x9b: {  	s22 =	simm.s32 $0x1BFF;
	s21 =	sshll.u32 s6, $0x1;
	s3 =	sadd.s32 s4, s19  }
0x9c: {  	s7 =	simm.s32 $0x0;
	s20 =	sshll.u32 s5, $0x1;
	s5 =	sadd.s32 s21, s3  }
0x9d: {  	[timem:s7], [sflag:s22] =	dma.local [hbm:s5], s20  }
0x9e: {  	_ =	swait.ge [sflag:s22], s20  }
0x9f: {  	s4 =	ssub.s32 $0x0, s20;
	[sflag:s22] =	ssyncset.done $0x0  }
0xa0: {  	[sflag:s22] =	ssyncadd.s32 s4;
	_ =	sdelay $0x1  }
0xa1: {  	s23 =	simm.s32 $0x1B8B  }
0xa2: {  	_ =	swait.ge [sflag:s23], $0x1  }
0xa3: {  	[sflag:s23] =	ssyncset.done $0x0  }
0xa4: {  	s25 =	simm.s32 $0x1B8E;
	s24 =	sld [smem:$0x3FFE];
	[sflag:s23] =	ssyncadd.s32 $0xFFFFFFFF  }
0xa5: {  	s26 =	simm.s32 $execute0_lowered;
	[smem:$0x3FD2] =	sst s25  }
0xa6: {  	s5 =	sshll.u32 s26, $0x1;
	_ =	strace $0x80000046;
	[dreg:$0x1] =	wrdreg $0xFFFFFFFF  }
0xa7: {  	s28 =	simm.s32 $_size_execute0_lowered;
	s3 =	sadd.s32 s3, s5;
	[dreg:$0x0] =	wrdreg $0x0  }
0xa8: {  	s5 =	sshll.u32 s28, $0x1;
	[dreg:$0x2] =	wrdreg s3  }
0xa9: {  	[dreg:$0x3] =	wrdreg s5  }
0xaa: {  	[dreg:$0x4] =	wrdreg $0xC0  }
0xab: {  	_ =	task [dreg:s7], $0x5FFFF  }
0xac: {  	[dreg:$0x1] =	wrdreg $0xFFFFFFFF  }
0xad: {  	[dreg:$0x0] =	wrdreg $0x60  }
0xae: {  	[dreg:$0x2] =	wrdreg s24  }
0xaf: {  	[dreg:$0x3] =	wrdreg s2  }
0xb0: {  	[dreg:$0x4] =	wrdreg $0x9  }
0xb1: {  	_ =	task.clear_ibuf [dreg:s7], $0x5FFFF;
	_ =	strace $0x90000046  }
0xb2: {  	s29 =	simm.s32 $0x9;
	_ =	strace $0x80000048  }
0xb3: {  	_ =	swait.ge [sflag:s29], $0x1  }
0xb4: {  	[sflag:s29] =	ssyncadd.s32 $0xFFFFFFFF  }
0xb5: {  	_ =	strace $0x90000048  }
0xb6: {  	_ =	sfence  }
0xb7: {  	s30 =	sld [smem:$0x0];
	_ =	sdelay $0x2  }
0xb8: {  	s31 =	sshll.u32 s1, $0xD;
	s1 =	sshrl.u32 s1, $0x2  }
0xb9: {  	s3 =	sand.u32 $0x4000, s31;
	s1 =	sadd.s32 s1, s30  }
0xba: {  	s0 =	sor.u32 s3, s0;
	s1 =	sshll.u32 s1, $0x11  }
0xbb: {  	s0 =	sor.u32 s1, s0  }
0xbc: {  	s0 =	sadd.s32 $0x8F2B, s0  }
0xbd: {  	[sflag:s0] =	ssyncadd.remote.s32 $0x1  }
0xbe: {  	_ =	sfence.sel $0xFFFF  }
0xbf: {  	[dreg:$0x0] =	wrdreg $0xFFFFFFFF;
	(pc) =	sbr.abs _section_cstart, $3  }
0xc0: {  	[dreg:$0x1] =	wrdreg $0xFFFFFFFF  }
0xc1: {  	_ =	task.clear_ibuf [dreg:s7], $0x2FFFF;
	_ =	strace $0x9FFFFFFF  }
0xc2: {  	(tm) =	ssettm $0x7FFFFFFF  }
0xc3: {  	_ =	shalt  }
tec
execute0_lowered:
.L_overlay_start_1:
0x0: {  	(tag) =	ssettag $0x1  }
0x1: {  	s10 =	rddreg [dreg:$0x0]  }
0x2: {  	s1 =	rddreg [dreg:$0x1]  }
0x3: {  	s0 =	rddreg [dreg:$0x2];
	s2 =	simm.s32 $0x0;
	s4 =	srdreg.scid  }
0x4: {  	s15 =	simm.s32 $0x9D00;
	s16 =	simm.s32 $0xA500;
	s17 =	simm.s32 $0xAD00  }
0x5: {  	s18 =	simm.s32 $0xB500;
	s19 =	simm.s32 $0xBD00;
	s20 =	simm.s32 $0xC500  }
0x6: {  	s21 =	simm.s32 $0x0;
	[smem:$0x7FF] =	sst s2;
	s3 =	sadd.s32 $0x15A00, s10  }
0x7: {  	s5 =	sadd.s32 $0xBC00, s10;
	s6 =	sadd.s32 $0x1E00, s10;
	s11 =	sand.u32 $0x1, s4  }
0x8: {  	s7 =	sadd.s32 $0x20800, s10;
	s4 =	stileid.u32;
	s8 =	sadd.s32 $0x2A600, s10  }
0x9: {  	s9 =	sadd.s32 $0x16A00, s10;
	s10 =	sadd.s32 $0x34400, s10;
	s12 =	ssub.s32 $0x2, s11  }
0xa: {  	_ =	strace $0x80000047;
	s14 =	sshll.u32 s4, $0x1;
	s13 =	sshrl.u32 s12, $0x1  }
0xb: {  	s11 =	sor.u32 s11, s14;
	s14 =	simm.s32 $0x7580;
	s12 =	ssub.s32 s12, s13  }
0xc: {  	s11 =	smul.u32 $0x2710, s11;
	s13 =	simm.s32 $0x1;
	s12 =	smax.u32 s12, $0x1  }
.LBB2_1:
0xd: {  	[tilespmem:s2], [sflag:$0x1] =	stream.linear.gather [hbm4b:s3+s2], $0x7580, $0x38;
	[tilespmem:$0xCD00] =	vst v63  }
0xe: {  	_ =	swait.ge [sflag:s13], $0x7580  }
0xf: {  	[sflag:s13] =	ssyncset.done $0x0  }
0x10: {  	[sflag:s13] =	ssyncadd.s32 $0xFFFF8A80  }
0x11: {  	[tilespmem:s14], [sflag:$0x1] =	stream.linear.gather [hbm4b:s1+s2], $0x2780, $0x38;
	[tilespmem:$0xCD00] =	vst v63  }
0x12: {  	_ =	swait.ge [sflag:s13], $0x2780  }
0x13: {  	[sflag:s13] =	ssyncset.done $0x0  }
0x14: {  	s22 =	simm.s32 $0x0;
	[sflag:s13] =	ssyncadd.s32 $0xFFFFD880  }
.LBB2_2:
0x15: {  	s23 =	smul.u32 $0x7D0, s22;
	_ =	sdelay $0x1  }
0x16: {  	s23 =	sadd.s32 s11, s23  }
0x17: {  	s23 =	sshrl.u32 s23, $0x3  }
0x18: {  	s25 =	simm.s32 $0x0;
	s24 =	sadd.s32 s5, s23  }
0x19: {  	[tilespmem:s15], [sflag:$0x1] =	stream.linear.gather [hbm4b:s24+s25], $0x7D0, $0x38;
	[tilespmem:$0xCD00] =	vst v63  }
0x1a: {  	_ =	swait.ge [sflag:s13], $0x7D0  }
0x1b: {  	[sflag:s13] =	ssyncset.done $0x0  }
0x1c: {  	s31 =	sadd.s32 s6, s23;
	[sflag:s13] =	ssyncadd.s32 $0xFFFFF830  }
0x1d: {  	[tilespmem:s16], [sflag:$0x1] =	stream.linear.gather [hbm4b:s31+s25], $0x7D0, $0x38;
	[tilespmem:$0xCD00] =	vst v63  }
0x1e: {  	_ =	swait.ge [sflag:s13], $0x7D0  }
0x1f: {  	[sflag:s13] =	ssyncset.done $0x0  }
0x20: {  	s25 =	simm.s32 $0x0;
	[sflag:s13] =	ssyncadd.s32 $0xFFFFF830  }
0x21: {  	v0 =	vld [tilespmem:s25+$0xA500];
	_ =	sdelay $0x1  }
0x22: {  	v3 =	vld [tilespmem:s25+$0x9D00];
	_ =	sdelay $0x2  }
0x23: {  	v2 =	vmul.u32 $0x3, v0;
	_ =	sdelay $0x1  }
0x24: {  	v4 =	vadd.s32 $0x2, v2  }
0x25: {  	s24 =	simm.s32 $0x10;
	v5 =	vmul.u32 $0x3, v3;
	v9 =	vadd.s32 $0x1, v2  }
0x26: {  	v1 =	vld [tilespmem:s24+$0xA500]  }
0x27: {  	v8 =	vadd.s32 $0x2, v5;
	v7 =	vld.idx.msk [tilespmem:v3+s14+$0x0], $0xffff  }
0x28: {  	v6 =	vadd.s32 $0x1, v5;
	v2 =	vld.idx.msk [tilespmem:v2+s2+$0x0], $0xffff  }
0x29: {  	v4 =	vld.idx.msk [tilespmem:v4+s2+$0x0], $0xffff  }
0x2a: {  	s26 =	simm.s32 $0x80;
	v3 =	vld.idx.msk [tilespmem:v9+s2+$0x0], $0xffff  }
.LBB2_3:
0x2b: {  	p0 =	sne.s32 s26, $0x1F00;
	v5 =	vld.idx.msk [tilespmem:v5+s2+$0x0], $0xffff;
	s28 =	smov.u32 s26;
	s26 =	sadd.s32 $0x40, s26  }
0x2c: {  	v8 =	vld.idx.msk [tilespmem:v8+s2+$0x0], $0xffff  }
0x2d: {  	v6 =	vld.idx.msk [tilespmem:v6+s2+$0x0], $0xffff  }
0x2e: {  	v7 =	vmul.u32 $0x2710, v7;
	v9 =	vld [tilespmem:s24+$0x9D00]  }
0x2f: {  	v10 =	vmul.u32 $0x3, v1  }
0x30: {  	v7 =	vadd.s32 v0, v7;
	v0 =	vmov v1  }
0x31: {  	v1 =	vsub.f32 v5, v2;
	[tilespmem:s25+$0xC500] =	vst v7  }
0x32: {  	v11 =	vadd.s32 $0x2, v10;
	v2 =	vsub.f32 v8, v4  }
0x33: {  	v3 =	vsub.f32 v6, v3;
	v5 =	vmul.u32 $0x3, v9;
	[tilespmem:s25+$0xAD00] =	vst v1  }
0x34: {  	s28 =	sshra.s32 s28, $0x2;
	v12 =	vadd.s32 $0x1, v10;
	[tilespmem:s25+$0xBD00] =	vst v2  }
.Ltmp0:
0x35: {  	v1 =	vld [tilespmem:s28+$0xA500];
	v6 =	vadd.s32 $0x1, v5;
	v8 =	vadd.s32 $0x2, v5;
	[tilespmem:s25+$0xB500] =	vst v3;
	s25 =	smov.u32 s24;
	s24 =	smov.u32 s28;
	(pc) =	sbr.rel @p0 .LBB2_3-.Ltmp0, $4  }
0x36: {  	v2 =	vld.idx.msk [tilespmem:v10+s2+$0x0], $0xffff  }
0x37: {  	v7 =	vld.idx.msk [tilespmem:v9+s14+$0x0], $0xffff  }
0x38: {  	v4 =	vld.idx.msk [tilespmem:v11+s2+$0x0], $0xffff  }
0x39: {  	v3 =	vld.idx.msk [tilespmem:v12+s2+$0x0], $0xffff  }
0x3a: {  	_ =	sdelay $0x3  }
0x3b: {  	v5 =	vld.idx.msk [tilespmem:v5+s2+$0x0], $0xffff  }
0x3c: {  	v8 =	vld.idx.msk [tilespmem:v8+s2+$0x0], $0xffff  }
0x3d: {  	v6 =	vld.idx.msk [tilespmem:v6+s2+$0x0], $0xffff  }
0x3e: {  	v9 =	vld [tilespmem:s24+$0x9D00];
	v7 =	vmul.u32 $0x2710, v7  }
0x3f: {  	v10 =	vmul.u32 $0x3, v1  }
0x40: {  	v0 =	vadd.s32 v0, v7;
	v2 =	vsub.f32 v5, v2  }
0x41: {  	[tilespmem:s25+$0xC500] =	vst v0;
	v54 =	vsub.f32 v8, v4  }
0x42: {  	v55 =	vadd.s32 $0x2, v10;
	v56 =	vsub.f32 v6, v3;
	[tilespmem:s25+$0xAD00] =	vst v2  }
0x43: {  	v58 =	vadd.s32 $0x1, v10;
	v57 =	vmul.u32 $0x3, v9;
	[tilespmem:s25+$0xBD00] =	vst v54  }
0x44: {  	[tilespmem:s25+$0xB500] =	vst v56  }
0x45: {  	v59 =	vadd.s32 $0x2, v57;
	v2 =	vld.idx.msk [tilespmem:v10+s2+$0x0], $0xffff  }
0x46: {  	v60 =	vadd.s32 $0x1, v57;
	v61 =	vld.idx.msk [tilespmem:v9+s14+$0x0], $0xffff  }
0x47: {  	v4 =	vld.idx.msk [tilespmem:v55+s2+$0x0], $0xffff  }
0x48: {  	v5 =	vld.idx.msk [tilespmem:v58+s2+$0x0], $0xffff  }
0x49: {  	v3 =	vld.idx.msk [tilespmem:v57+s2+$0x0], $0xffff  }
0x4a: {  	v0 =	vld.idx.msk [tilespmem:v59+s2+$0x0], $0xffff  }
0x4b: {  	v6 =	vld.idx.msk [tilespmem:v60+s2+$0x0], $0xffff  }
0x4c: {  	v7 =	vmul.u32 $0x2710, v61;
	_ =	sdelay $0x1  }
0x4d: {  	v62 =	vadd.s32 v1, v7;
	v2 =	vsub.f32 v3, v2  }
0x4e: {  	[tilespmem:s24+$0xC500] =	vst v62;
	v0 =	vsub.f32 v0, v4  }
0x4f: {  	v63 =	vsub.f32 v6, v5;
	[tilespmem:s24+$0xAD00] =	vst v2  }
0x50: {  	[tilespmem:s24+$0xBD00] =	vst v0  }
0x51: {  	s28 =	sadd.s32 s7, s23;
	[tilespmem:s24+$0xB500] =	vst v63  }
0x52: {  	[hbm4b:s28+s2] =	stream.linear.scatter [tilespmem:s17], [sflag:$0x1], $0x7D0, $0x38;
	[tilespmem:$0xCD00] =	vst v63  }
0x53: {  	_ =	swait.ge [sflag:s13], $0x7D0  }
0x54: {  	[sflag:s13] =	ssyncset.done $0x0  }
0x55: {  	s29 =	sadd.s32 s8, s23;
	[sflag:s13] =	ssyncadd.s32 $0xFFFFF830  }
0x56: {  	[hbm4b:s29+s2] =	stream.linear.scatter [tilespmem:s18], [sflag:$0x1], $0x7D0, $0x38;
	[tilespmem:$0xCD00] =	vst v63  }
0x57: {  	_ =	swait.ge [sflag:s13], $0x7D0  }
0x58: {  	[sflag:s13] =	ssyncset.done $0x0  }
0x59: {  	s30 =	sadd.s32 s9, s23;
	[sflag:s13] =	ssyncadd.s32 $0xFFFFF830  }
0x5a: {  	[hbm4b:s30+s2] =	stream.linear.scatter [tilespmem:s19], [sflag:$0x1], $0x7D0, $0x38;
	[tilespmem:$0xCD00] =	vst v63  }
0x5b: {  	s22 =	sadd.s32 $0x1, s22;
	_ =	swait.ge [sflag:s13], $0x7D0  }
0x5c: {  	p0 =	sne.s32 s22, $0x5;
	[sflag:s13] =	ssyncset.done $0x0  }
.Ltmp1:
0x5d: {  	s31 =	sadd.s32 s10, s23;
	[sflag:s13] =	ssyncadd.s32 $0xFFFFF830;
	(pc) =	sbr.rel @p0 .LBB2_2-.Ltmp1, $4  }
0x5e: {  	[hbm4b:s31+s2] =	stream.linear.scatter [tilespmem:s20], [sflag:$0x1], $0x7D0, $0x38;
	[tilespmem:$0xCD00] =	vst v63  }
0x5f: {  	_ =	swait.ge [sflag:s13], $0x7D0  }
0x60: {  	[sflag:s13] =	ssyncset.done $0x0  }
0x61: {  	[sflag:s13] =	ssyncadd.s32 $0xFFFFF830  }
0x62: {  	s21 =	sadd.s32 $0x1, s21  }
0x63: {  	p0 =	sne.s32 s21, s12  }
.Ltmp2:
0x64: {  	_ = 	snop;
	(pc) =	sbr.rel @p0 .LBB2_1-.Ltmp2, $1  }
0x65: {  	_ =	sdelay $0x3  }
0x66: {  	_ =	sfence.sel $0x180000  }
0x67: {  	[bflag:$0x0] =	sbarrier.arrive $0xFFFF  }
0x68: {  	p0 =	sne.s32 s4, $0x0;
	_ =	strace $0x90000047  }
0x69: {  	s0 =	sadd.s32 @!p0 $0x100000, s0;
	[bflag:$0x2] =	sbarrier.arrive $0xFFFF  }
0x6a: {  	[sflag:s0] =	ssyncadd.tile.s32 @!p0 $0x1;
	_ =	shalt  }
.Lfunc_end2:
_tile_overlayer_lowered:
.L_overlay_start_2:
0x6b: {  	(tag) =	ssettag $0x2  }
0x6c: {  	s0 =	rddreg [dreg:$0x0];
	s2 =	stileid.u32  }
0x6d: {  	s1 =	rddreg [dreg:$0x1];
	p0 =	sne.s32 s2, $0x0  }
0x6e: {  	s3 =	rddreg [dreg:$0x2];
	[bflag:$0x3] =	sbarrier.arrive $0xFFFF;
	s2 =	simm.s32 @!p0 $0x1C01  }
0x6f: {  	[timem:s3], [sflag:s2] =	dma.local @!p0 [hbm:s0], s1  }
0x70: {  	s0 =	simm.s32 @!p0 $0x1  }
0x71: {  	_ =	swait.ge @!p0 [sflag:s0], s1  }
0x72: {  	s1 =	ssub.s32 @!p0 $0x0, s1;
	[sflag:s0] =	ssyncset.done @!p0 $0x0  }
0x73: {  	[sflag:s0] =	ssyncadd.s32 @!p0 s1  }
0x74: {  	[bflag:$0x3] =	sbarrier.arrive $0xFFFF  }
0x75: {  	_ =	shalt  }

// kernel: kernel.9.cloned.1.call-start
scs
__scs_entry_jumppad:
0x0: {  	(pc) =	sbr.rel $0x88, $3  }
0x1: {  	(tag) =	ssettag $0x0;
	lr =	simm.s32 $0x1  }
0x2: {  	[smem:$0x3F98] =	sst lr;
	_ =	strace $0xD0000000  }
0x3: {  	_ = 	snop  }
0x4: {  	_ = 	snop  }
0x5: {  	_ = 	snop  }
0x6: {  	_ = 	snop  }
0x7: {  	_ = 	snop  }
__scs_overlays_trampoline_lowered:
0x8: {  	[smem:$0x3FA7] =	sst s0  }
0x9: {  	[smem:$0x3FA8] =	sst s1  }
0xa: {  	[smem:$0x3FA9] =	sst s2  }
0xb: {  	[smem:$0x3FAA] =	sst s3  }
0xc: {  	[smem:$0x3FAB] =	sst s4  }
0xd: {  	[smem:$0x3FAC] =	sst s5  }
0xe: {  	[smem:$0x3FAD] =	sst s6  }
0xf: {  	[smem:$0x3FAE] =	sst s7  }
0x10: {  	[smem:$0x3FAF] =	sst s8  }
0x11: {  	[smem:$0x3FB0] =	sst s9;
	s0 =	simm.s32 @!p0 $0x0  }
0x12: {  	s1 =	sld [smem:$0x3F96];
	s0 =	simm.s32 @p0 $0x1  }
0x13: {  	[smem:$0x3FB1] =	sst s0;
	s0 =	simm.s32 @!p1 $0x0  }
0x14: {  	s2 =	sld [smem:$0x3F95];
	s0 =	simm.s32 @p1 $0x1  }
0x15: {  	[smem:$0x3FB2] =	sst s0;
	s0 =	simm.s32 @!p2 $0x0  }
0x16: {  	s3 =	sld [smem:$0x3FDB];
	s0 =	simm.s32 @p2 $0x1  }
0x17: {  	s4 =	simm.s32 $0x1BF5;
	[smem:$0x3FB4] =	sst s0  }
0x18: {  	s0 =	sld [smem:$0x3F97];
	_ =	swait.ge [sflag:s4], $0x0  }
0x19: {  	s7 =	sld [smem:$0x3F98]  }
0x1a: {  	s8 =	sadd.s32 $0xFFFFE003, lr  }
0x1b: {  	s9 =	sadd.s32 $0xFFFFFEF7, lr;
	s5 =	simm.s32 $0xFFFFFFFF;
	p2 =	slt.u32 s8, $0xFFFFF086  }
0x1c: {  	p1 =	slt.u32 s9, $0xF7A;
	s5 =	simm.s32 @!p2 $0x0  }
0x1d: {  	s5 =	simm.s32 @p1 $0x1;
	p0 =	seq.s32 s7, s2  }
0x1e: {  	s7 =	smul.u32 @!p0 $0xF7A, s2;
	p2 =	seq.s32 @!p0 s5, $0x0  }
0x1f: {  	s9 =	smul.u32 $0xF7A, s1;
	s8 =	simm.s32 @!p0 $0x1BF5;
	p2 =	por !p2, p0  }
0x20: {  	[sflag:s8] =	ssyncset.s32 @!p0 $0xFFFFF086;
	s6 =	sadd.s32 @!p0 s3, s7;
	s7 =	simm.s32 @!p0 $0x108  }
0x21: {  	s3 =	sadd.s32 s3, s9;
	s6 =	sadd.s32 @!p0 $0x88, s6;
	s7 =	simm.s32 @p2 $0x1082  }
0x22: {  	[simem:s7], [sflag:s8] =	dma.local @!p0 [hbm:s6], $0xF7A  }
0x23: {  	s9 =	sor.u32 $0xD0000000, s2;
	s6 =	simm.s32 $0x108;
	_ =	swait.ge @!p0 [sflag:s8], $0x0  }
0x24: {  	s3 =	sadd.s32 $0x88, s3;
	s6 =	simm.s32 @!p1 $0x1082;
	[sflag:s4] =	ssyncset.s32 $0xFFFFF086  }
0x25: {  	[simem:s6], [sflag:s4] =	dma.local [hbm:s3], $0xF7A  }
0x26: {  	[smem:$0x3F98] =	sst s1;
	(tag) =	ssettag s2;
	_ =	strace s9  }
0x27: {  	s1 =	sld [smem:$0x3FA8]  }
0x28: {  	s2 =	sld [smem:$0x3FA9]  }
0x29: {  	s4 =	sld [smem:$0x3FAB]  }
0x2a: {  	p0 =	seq.s32 s5, $0x0;
	s5 =	sld [smem:$0x3FAC]  }
0x2b: {  	s6 =	sld [smem:$0x3FAD]  }
0x2c: {  	s7 =	sld [smem:$0x3FAE]  }
0x2d: {  	s3 =	simm.s32 $0x108;
	s8 =	sld [smem:$0x3FAF]  }
0x2e: {  	s3 =	simm.s32 @!p0 $0x1082;
	s9 =	sld [smem:$0x3FB0]  }
0x2f: {  	lr =	sadd.s32 s0, s3;
	s0 =	sld [smem:$0x3FA7]  }
0x30: {  	s3 =	sld [smem:$0x3FAA]  }
0x31: {  	[smem:$0x3FB3] =	sst s10  }
0x32: {  	s10 =	sld [smem:$0x3FB1];
	_ =	sdelay $0x3  }
0x33: {  	p0 =	seq.s32 s10, $0x1;
	s10 =	sld [smem:$0x3FB3];
	_ =	sdelay $0x3  }
0x34: {  	[smem:$0x3FB3] =	sst s10  }
0x35: {  	s10 =	sld [smem:$0x3FB2];
	_ =	sdelay $0x3  }
0x36: {  	p1 =	seq.s32 s10, $0x1;
	s10 =	sld [smem:$0x3FB3];
	_ =	sdelay $0x3  }
0x37: {  	[smem:$0x3FB3] =	sst s10  }
0x38: {  	s10 =	sld [smem:$0x3FB4]  }
0x39: {  	_ = 	snop;
	(pc) =	sbr.ind lr, $3  }
0x3a: {  	_ = 	snop  }
0x3b: {  	_ = 	snop  }
0x3c: {  	p2 =	seq.s32 s10, $0x1;
	s10 =	sld [smem:$0x3FB3]  }
0x3d: {  	_ =	shalt  }
0x3e: {  	_ =	shalt  }
0x3f: {  	_ =	shalt  }
0x40: {  	_ =	shalt  }
0x41: {  	_ =	shalt  }
0x42: {  	_ =	shalt  }
0x43: {  	_ =	shalt  }
0x44: {  	_ =	shalt  }
0x45: {  	_ =	shalt  }
0x46: {  	_ =	shalt  }
0x47: {  	_ =	shalt  }
0x48: {  	_ =	shalt  }
0x49: {  	_ =	shalt  }
0x4a: {  	_ =	shalt  }
0x4b: {  	_ =	shalt  }
0x4c: {  	_ =	shalt  }
0x4d: {  	_ =	shalt  }
0x4e: {  	_ =	shalt  }
0x4f: {  	_ =	shalt  }
0x50: {  	_ =	shalt  }
0x51: {  	_ =	shalt  }
0x52: {  	_ =	shalt  }
0x53: {  	_ =	shalt  }
0x54: {  	_ =	shalt  }
0x55: {  	_ =	shalt  }
0x56: {  	_ =	shalt  }
0x57: {  	_ =	shalt  }
0x58: {  	_ =	shalt  }
0x59: {  	_ =	shalt  }
0x5a: {  	_ =	shalt  }
0x5b: {  	_ =	shalt  }
0x5c: {  	_ =	shalt  }
0x5d: {  	_ =	shalt  }
0x5e: {  	_ =	shalt  }
0x5f: {  	_ =	shalt  }
0x60: {  	_ =	shalt  }
0x61: {  	_ =	shalt  }
0x62: {  	_ =	shalt  }
0x63: {  	_ =	shalt  }
0x64: {  	_ =	shalt  }
0x65: {  	_ =	shalt  }
0x66: {  	_ =	shalt  }
0x67: {  	_ =	shalt  }
0x68: {  	_ =	shalt  }
0x69: {  	_ =	shalt  }
0x6a: {  	_ =	shalt  }
0x6b: {  	_ =	shalt  }
0x6c: {  	_ =	shalt  }
0x6d: {  	_ =	shalt  }
0x6e: {  	_ =	shalt  }
0x6f: {  	_ =	shalt  }
0x70: {  	_ =	shalt  }
0x71: {  	_ =	shalt  }
0x72: {  	_ =	shalt  }
0x73: {  	_ =	shalt  }
0x74: {  	_ =	shalt  }
0x75: {  	_ =	shalt  }
0x76: {  	_ =	shalt  }
0x77: {  	_ =	shalt  }
0x78: {  	_ =	shalt  }
0x79: {  	_ =	shalt  }
0x7a: {  	_ =	shalt  }
0x7b: {  	_ =	shalt  }
0x7c: {  	_ =	shalt  }
0x7d: {  	_ =	shalt  }
0x7e: {  	_ =	shalt  }
0x7f: {  	_ =	shalt  }
0x80: {  	_ =	shalt  }
0x81: {  	_ =	shalt  }
0x82: {  	_ =	shalt  }
0x83: {  	_ =	shalt  }
0x84: {  	_ =	shalt  }
0x85: {  	_ =	shalt  }
0x86: {  	_ =	shalt  }
0x87: {  	_ =	shalt  }
.Lfunc_end0:
.L_simem_size_0:
called_computation.1_lowered:
.L_overlay_start_0:
0x88: {  	s2 =	sld [smem:$0x3FD9]  }
0x89: {  	s3 =	sld [smem:$0x3FFE];
	_ =	sdelay $0x1  }
0x8a: {  	s1 =	srdreg.scid  }
0x8b: {  	s0 =	sand.u32 $0x1, s1  }
0x8c: {  	s16 =	sshll.u32 s0, $0xA;
	s2 =	sadd.s32 s3, s2  }
0x8d: {  	s2 =	sadd.s32 s2, s16  }
0x8e: {  	[smem:$0x3FBF] =	sst s2  }
0x8f: {  	_ = 	snop  }
0x90: {  	(tm) =	ssettm $0x1  }
0x91: {  	s17 =	sld [smem:$0x3FFB];
	_ =	sdelay $0x3  }
0x92: {  	_ =	strace s17  }
0x93: {  	s2 =	sld [smem:$0x3FFC];
	_ =	sdelay $0x3  }
0x94: {  	_ =	strace s2  }
0x95: {  	s2 =	sld [smem:$0x3FFD];
	_ =	sdelay $0x3  }
0x96: {  	_ =	strace s2  }
0x97: {  	_ =	strace $0x8FFFFFFF  }
0x98: {  	s18 =	sld [smem:$0x3FDB];
	_ =	sdelay $0x1  }
0x99: {  	s19 =	simm.s32 $_scs_section_size  }
0x9a: {  	s4 =	simm.s32 $_size__tile_overlayer_lowered;
	s5 =	simm.s32 $_tile_overlayer_lowered  }
0x9b: {  	s22 =	simm.s32 $0x1BFF;
	s21 =	sshll.u32 s5, $0x1;
	s2 =	sadd.s32 s19, s18  }
0x9c: {  	s6 =	simm.s32 $0x0;
	s20 =	sshll.u32 s4, $0x1;
	s4 =	sadd.s32 s21, s2  }
0x9d: {  	[timem:s6], [sflag:s22] =	dma.local [hbm:s4], s20  }
0x9e: {  	_ =	swait.ge [sflag:s22], s20  }
0x9f: {  	s3 =	ssub.s32 $0x0, s20;
	[sflag:s22] =	ssyncset.done $0x0  }
0xa0: {  	[sflag:s22] =	ssyncadd.s32 s3;
	_ =	sdelay $0x1  }
0xa1: {  	s23 =	simm.s32 $0x1B8B  }
0xa2: {  	_ =	swait.ge [sflag:s23], $0x1  }
0xa3: {  	[sflag:s23] =	ssyncset.done $0x0  }
0xa4: {  	s25 =	simm.s32 $0x1B8E;
	s24 =	sld [smem:$0x3FFE];
	[sflag:s23] =	ssyncadd.s32 $0xFFFFFFFF  }
0xa5: {  	s26 =	simm.s32 $execute0_lowered;
	[smem:$0x3FD2] =	sst s25  }
0xa6: {  	s4 =	sshll.u32 s26, $0x1;
	_ =	strace $0x80000049;
	[dreg:$0x1] =	wrdreg $0xFFFFFFFF  }
0xa7: {  	s28 =	simm.s32 $_size_execute0_lowered;
	s2 =	sadd.s32 s2, s4;
	[dreg:$0x0] =	wrdreg $0x0  }
0xa8: {  	s4 =	sshll.u32 s28, $0x1;
	[dreg:$0x2] =	wrdreg s2  }
0xa9: {  	[dreg:$0x3] =	wrdreg s4  }
0xaa: {  	[dreg:$0x4] =	wrdreg $0xC0  }
0xab: {  	_ =	task [dreg:s6], $0x5FFFF  }
0xac: {  	[dreg:$0x1] =	wrdreg $0xFFFFFFFF  }
0xad: {  	[dreg:$0x0] =	wrdreg $0x60  }
0xae: {  	[dreg:$0x2] =	wrdreg s24  }
0xaf: {  	[dreg:$0x3] =	wrdreg $0x35800  }
0xb0: {  	[dreg:$0x4] =	wrdreg $0x9  }
0xb1: {  	_ =	task.clear_ibuf [dreg:s6], $0x5FFFF;
	_ =	strace $0x90000049  }
0xb2: {  	s29 =	simm.s32 $0x9;
	_ =	strace $0x8000004B  }
0xb3: {  	_ =	swait.ge [sflag:s29], $0x1  }
0xb4: {  	[sflag:s29] =	ssyncadd.s32 $0xFFFFFFFF  }
0xb5: {  	_ =	strace $0x9000004B  }
0xb6: {  	_ =	sfence  }
0xb7: {  	s30 =	sld [smem:$0x0];
	_ =	sdelay $0x2  }
0xb8: {  	s31 =	sshll.u32 s1, $0xD;
	s1 =	sshrl.u32 s1, $0x2  }
0xb9: {  	s3 =	sand.u32 $0x4000, s31;
	s1 =	sadd.s32 s1, s30  }
0xba: {  	s0 =	sor.u32 s3, s0;
	s1 =	sshll.u32 s1, $0x11  }
0xbb: {  	s0 =	sor.u32 s1, s0  }
0xbc: {  	s0 =	sadd.s32 $0x8F2B, s0  }
0xbd: {  	[sflag:s0] =	ssyncadd.remote.s32 $0x1  }
0xbe: {  	_ =	sfence.sel $0xFFFF  }
0xbf: {  	[dreg:$0x0] =	wrdreg $0xFFFFFFFF;
	(pc) =	sbr.abs _section_cstart, $3  }
0xc0: {  	[dreg:$0x1] =	wrdreg $0xFFFFFFFF  }
0xc1: {  	_ =	task.clear_ibuf [dreg:s6], $0x2FFFF;
	_ =	strace $0x9FFFFFFF  }
0xc2: {  	(tm) =	ssettm $0x7FFFFFFF  }
0xc3: {  	_ =	shalt  }
tec
execute0_lowered:
.L_overlay_start_1:
0x0: {  	(tag) =	ssettag $0x1  }
0x1: {  	s8 =	rddreg [dreg:$0x0]  }
0x2: {  	s1 =	rddreg [dreg:$0x1]  }
0x3: {  	s0 =	rddreg [dreg:$0x2]  }
0x4: {  	s2 =	simm.s32 $0x0;
	s3 =	srdreg.scid;
	s15 =	simm.s32 $0x80  }
0x5: {  	s16 =	simm.s32 $0x500;
	s17 =	simm.s32 $0x1580;
	s18 =	simm.s32 $0x1  }
0x6: {  	s19 =	simm.s32 $0x300;
	s20 =	simm.s32 $0x580;
	s21 =	simm.s32 $0x2580  }
0x7: {  	s22 =	simm.s32 $0x0;
	[smem:$0x7FF] =	sst s2;
	s4 =	sadd.s32 $0xDA600, s8  }
0x8: {  	s11 =	sand.u32 $0x1, s3;
	s5 =	sadd.s32 $0x3E200, s8;
	s3 =	stileid.u32  }
0x9: {  	s6 =	sadd.s32 $0x34400, s8;
	s8 =	sadd.s32 $0x115000, s8;
	s9 =	ssub.s32 $0x2, s11  }
0xa: {  	_ =	strace $0x8000004A;
	p0 =	slt.u32 s3, $0x4;
	s10 =	sshrl.u32 s9, $0x1  }
0xb: {  	s14 =	ssub.s32 s9, s10;
	s9 =	smul.u32 $0x272000, s11;
	s10 =	simm.s32 $0x9D  }
0xc: {  	v0 =	vlaneseq.u32;
	s7 =	smul.u32 $0x9C8, s3;
	s11 =	sshll.u32 s11, $0xA;
	s10 =	simm.s32 @!p0 $0x9C  }
0xd: {  	v1 =	vimm.f32 $0.0e+00;
	v2 =	vmul.u32 $0x20, v0;
	s12 =	sor.u32 $0x200, s11;
	s14 =	smax.u32 s14, $0x1;
	s13 =	sadd.s32 $0x139000, s9  }
.LBB2_1:
0xe: {  	s23 =	simm.s32 $0x80;
	s24 =	simm.s32 $0x0  }
.LBB2_2:
0xf: {  	p0 =	sne.s32 s23, $0x3F80;
	[tilespmem:s24+$0x1580] =	vst v1;
	s25 =	smov.u32 s23;
	s23 =	sadd.s32 $0x80, s23  }
.Ltmp0:
0x10: {  	[tilespmem:s24+$0x1590] =	vst v1;
	(pc) =	sbr.rel @p0 .LBB2_2-.Ltmp0, $2  }
0x11: {  	_ =	sdelay $0x2  }
0x12: {  	s24 =	sshra.s32 s25, $0x2  }
0x13: {  	[tilespmem:s24+$0x1580] =	vst v1  }
0x14: {  	s23 =	simm.s32 $0x0;
	[tilespmem:s24+$0x1590] =	vst v1;
	s24 =	simm.s32 $0x80;
	s25 =	simm.s32 $0x0  }
.LBB2_4:
0x15: {  	p0 =	sne.s32 s24, $0x3F80;
	[tilespmem:s25+$0x580] =	vst v1;
	s26 =	smov.u32 s24;
	s24 =	sadd.s32 $0x80, s24  }
.Ltmp1:
0x16: {  	[tilespmem:s25+$0x590] =	vst v1;
	(pc) =	sbr.rel @p0 .LBB2_4-.Ltmp1, $2  }
0x17: {  	_ =	sdelay $0x2  }
0x18: {  	s25 =	sshra.s32 s26, $0x2  }
0x19: {  	s23 =	smin.u32 s23, $0x948  }
0x1a: {  	[tilespmem:s25+$0x580] =	vst v1;
	s23 =	sadd.s32 s7, s23  }
0x1b: {  	[tilespmem:s25+$0x590] =	vst v1;
	v3 =	vadd.s32 s23, v0;
	s24 =	sadd.s32 $0x70, s23  }
0x1c: {  	s28 =	sadd.s32 $0x60, s23;
	[tilespmem:$0x500] =	vst v3;
	v3 =	vadd.s32 s24, v0  }
0x1d: {  	s29 =	sadd.s32 $0x50, s23;
	v4 =	vadd.s32 s28, v0;
	[tilespmem:$0x570] =	vst v3  }
0x1e: {  	s30 =	sadd.s32 $0x40, s23;
	v3 =	vadd.s32 s29, v0;
	[tilespmem:$0x560] =	vst v4  }
0x1f: {  	s31 =	sadd.s32 $0x30, s23;
	v4 =	vadd.s32 s30, v0;
	[tilespmem:$0x550] =	vst v3  }
0x20: {  	s25 =	sadd.s32 $0x20, s23;
	s24 =	simm.s32 $0x80;
	v3 =	vadd.s32 s31, v0;
	[tilespmem:$0x540] =	vst v4  }
.LBB2_6:
0x21: {  	p0 =	sne.s32 s24, $0x980;
	s23 =	sadd.s32 $0x10, s23;
	v4 =	vadd.s32 s25, v0;
	[tilespmem:$0x530] =	vst v3  }
0x22: {  	v3 =	vadd.s32 s23, v0;
	[tilespmem:$0x520] =	vst v4  }
0x23: {  	[tilespmem:$0x510] =	vst v3;
	[spmem:s1] =	stream.indirect.scatter [tilespmem:s17], [sflag:$0x1], $0x20, s16, s15, $0xb8  }
0x24: {  	s23 =	smin.u32 s24, $0x948;
	_ =	swait.ge [sflag:s18], $0x1000  }
0x25: {  	s23 =	sadd.s32 s7, s23;
	[sflag:s18] =	ssyncset.done $0x0  }
0x26: {  	v3 =	vadd.s32 s23, v0;
	s25 =	sadd.s32 $0x70, s23;
	[sflag:s18] =	ssyncadd.s32 $0xFFFFF000  }
.Ltmp2:
0x27: {  	s26 =	sadd.s32 $0x60, s23;
	[tilespmem:$0x500] =	vst v3;
	v3 =	vadd.s32 s25, v0;
	(pc) =	sbr.rel @p0 .LBB2_6-.Ltmp2, $4  }
0x28: {  	v4 =	vadd.s32 s26, v0;
	s25 =	sadd.s32 $0x50, s23;
	[tilespmem:$0x570] =	vst v3  }
0x29: {  	s26 =	sadd.s32 $0x40, s23;
	v3 =	vadd.s32 s25, v0;
	[tilespmem:$0x560] =	vst v4  }
0x2a: {  	s28 =	sadd.s32 $0x30, s23;
	v4 =	vadd.s32 s26, v0;
	[tilespmem:$0x550] =	vst v3  }
0x2b: {  	s24 =	sadd.s32 $0x80, s24;
	s25 =	sadd.s32 $0x20, s23;
	v3 =	vadd.s32 s28, v0;
	[tilespmem:$0x540] =	vst v4  }
0x2c: {  	s23 =	sadd.s32 $0x10, s23;
	v4 =	vadd.s32 s25, v0;
	[tilespmem:$0x530] =	vst v3  }
0x2d: {  	v3 =	vadd.s32 s23, v0;
	[tilespmem:$0x520] =	vst v4  }
0x2e: {  	[tilespmem:$0x510] =	vst v3  }
0x2f: {  	[spmem:s1] =	stream.indirect.scatter [tilespmem:s17], [sflag:$0x1], $0x20, s16, s15, $0xb8;
	[tilespmem:$0x16E80] =	vst v63  }
0x30: {  	_ =	swait.ge [sflag:s18], $0x1000  }
0x31: {  	[sflag:s18] =	ssyncset.done $0x0  }
0x32: {  	[sflag:s18] =	ssyncadd.s32 $0xFFFFF000  }
0x33: {  	s24 =	simm.s32 $0x0;
	s23 =	simm.s32 $0x0;
	[bflag:$0x0] =	sbarrier.arrive $0xFFFF  }
.LBB2_8:
0x34: {  	s25 =	sshll.u32 s24, $0x4  }
0x35: {  	s25 =	sor.u32 s3, s25  }
0x36: {  	s26 =	smul.u32 $0x60, s25;
	_ =	sdelay $0x1  }
0x37: {  	s31 =	sshll.u32 s25, $0xB;
	s26 =	sadd.s32 s4, s26  }
0x38: {  	[tilespmem:s23], [sflag:$0x1] =	stream.linear.gather [hbm4b:s26+s23], $0x300, $0x38;
	[tilespmem:$0x16E80] =	vst v63  }
0x39: {  	s26 =	sor.u32 s11, s31;
	_ =	swait.ge [sflag:s18], $0x300  }
0x3a: {  	s26 =	sshrl.u32 s26, $0x3;
	[sflag:s18] =	ssyncset.done $0x0  }
0x3b: {  	s26 =	sadd.s32 s5, s26;
	[sflag:s18] =	ssyncadd.s32 $0xFFFFFD00  }
0x3c: {  	[tilespmem:s19], [sflag:$0x1] =	stream.linear.gather [hbm4b:s26+s23], $0x200, $0x38;
	[tilespmem:$0x16E80] =	vst v63  }
0x3d: {  	_ =	swait.ge [sflag:s18], $0x200  }
0x3e: {  	s25 =	sshll.u32 s25, $0x4;
	[sflag:s18] =	ssyncset.done $0x0  }
0x3f: {  	s25 =	sadd.s32 s6, s25;
	[sflag:s18] =	ssyncadd.s32 $0xFFFFFE00  }
0x40: {  	[tilespmem:s16], [sflag:$0x1] =	stream.linear.gather [hbm4b:s25+s23], $0x80, $0x38;
	[tilespmem:$0x16E80] =	vst v63  }
0x41: {  	_ =	swait.ge [sflag:s18], $0x80  }
0x42: {  	[sflag:s18] =	ssyncset.done $0x0  }
0x43: {  	s25 =	simm.s32 $0x180;
	[sflag:s18] =	ssyncadd.s32 $0xFFFFFF80  }
0x44: {  	s26 =	simm.s32 $0x400;
	v3 =	vld [tilespmem:s25+$0xFFFFFE80]  }
0x45: {  	v4 =	vmov s23;
	v5 =	vld [tilespmem:s26+$0xFFFFFF00]  }
0x46: {  	v4 =	vshll.u32 v4, $0x5  }
0x47: {  	v6 =	vor.u32 v2, v4;
	_ =	sdelay $0x2  }
0x48: {  	v3 =	vmul.f32 v3, v5;
	_ =	sdelay $0x1  }
0x49: {  	[tilespmem:v6+s20+$0x0] =	vst.idx.msk $0xffff, v3  }
0x4a: {  	v3 =	vld [tilespmem:s25+$0xFFFFFF00];
	_ =	sdelay $0x1  }
0x4b: {  	v4 =	vor.u32 $0x1, v6;
	_ =	sdelay $0x2  }
0x4c: {  	v3 =	vmul.f32 v3, v5;
	_ =	sdelay $0x1  }
0x4d: {  	[tilespmem:v4+s20+$0x0] =	vst.idx.msk $0xffff, v3  }
0x4e: {  	v3 =	vld [tilespmem:s25+$0xFFFFFF80];
	_ =	sdelay $0x1  }
0x4f: {  	v4 =	vor.u32 $0x2, v6;
	_ =	sdelay $0x2  }
0x50: {  	v3 =	vmul.f32 v3, v5;
	_ =	sdelay $0x1  }
0x51: {  	[tilespmem:v4+s20+$0x0] =	vst.idx.msk $0xffff, v3  }
0x52: {  	v3 =	vld [tilespmem:s25+$0x0];
	_ =	sdelay $0x1  }
0x53: {  	v4 =	vor.u32 $0x3, v6;
	_ =	sdelay $0x2  }
0x54: {  	v3 =	vmul.f32 v3, v5;
	_ =	sdelay $0x1  }
0x55: {  	[tilespmem:v4+s20+$0x0] =	vst.idx.msk $0xffff, v3  }
0x56: {  	v3 =	vld [tilespmem:s25+$0x80];
	_ =	sdelay $0x1  }
0x57: {  	v4 =	vor.u32 $0x4, v6;
	_ =	sdelay $0x2  }
0x58: {  	v3 =	vmul.f32 v3, v5;
	_ =	sdelay $0x1  }
0x59: {  	[tilespmem:v4+s20+$0x0] =	vst.idx.msk $0xffff, v3  }
0x5a: {  	v3 =	vld [tilespmem:s25+$0x100];
	_ =	sdelay $0x1  }
0x5b: {  	v4 =	vor.u32 $0x5, v6;
	_ =	sdelay $0x2  }
0x5c: {  	v3 =	vmul.f32 v3, v5;
	_ =	sdelay $0x1  }
0x5d: {  	[tilespmem:v4+s20+$0x0] =	vst.idx.msk $0xffff, v3  }
0x5e: {  	v3 =	vld [tilespmem:s26+$0xFFFFFF80]  }
0x5f: {  	v4 =	vld [tilespmem:s25+$0xFFFFFE80];
	_ =	sdelay $0x1  }
0x60: {  	v5 =	vor.u32 $0x8, v6;
	_ =	sdelay $0x2  }
0x61: {  	v4 =	vmul.f32 v4, v3;
	_ =	sdelay $0x1  }
0x62: {  	[tilespmem:v5+s20+$0x0] =	vst.idx.msk $0xffff, v4  }
0x63: {  	v4 =	vld [tilespmem:s25+$0xFFFFFF00];
	_ =	sdelay $0x1  }
0x64: {  	v5 =	vor.u32 $0x9, v6;
	_ =	sdelay $0x2  }
0x65: {  	v4 =	vmul.f32 v4, v3;
	_ =	sdelay $0x1  }
0x66: {  	[tilespmem:v5+s20+$0x0] =	vst.idx.msk $0xffff, v4  }
0x67: {  	v4 =	vld [tilespmem:s25+$0xFFFFFF80];
	_ =	sdelay $0x1  }
0x68: {  	v5 =	vor.u32 $0xA, v6;
	_ =	sdelay $0x2  }
0x69: {  	v4 =	vmul.f32 v4, v3;
	_ =	sdelay $0x1  }
0x6a: {  	[tilespmem:v5+s20+$0x0] =	vst.idx.msk $0xffff, v4  }
0x6b: {  	v4 =	vld [tilespmem:s25+$0x0];
	_ =	sdelay $0x1  }
0x6c: {  	v5 =	vor.u32 $0xB, v6;
	_ =	sdelay $0x2  }
0x6d: {  	v4 =	vmul.f32 v4, v3;
	_ =	sdelay $0x1  }
0x6e: {  	[tilespmem:v5+s20+$0x0] =	vst.idx.msk $0xffff, v4  }
0x6f: {  	v4 =	vld [tilespmem:s25+$0x80];
	_ =	sdelay $0x1  }
0x70: {  	v5 =	vor.u32 $0xC, v6;
	_ =	sdelay $0x2  }
0x71: {  	v4 =	vmul.f32 v4, v3;
	_ =	sdelay $0x1  }
0x72: {  	[tilespmem:v5+s20+$0x0] =	vst.idx.msk $0xffff, v4  }
0x73: {  	v4 =	vld [tilespmem:s25+$0x100];
	_ =	sdelay $0x1  }
0x74: {  	v5 =	vor.u32 $0xD, v6;
	_ =	sdelay $0x2  }
0x75: {  	v3 =	vmul.f32 v4, v3;
	_ =	sdelay $0x1  }
0x76: {  	[tilespmem:v5+s20+$0x0] =	vst.idx.msk $0xffff, v3  }
0x77: {  	v3 =	vld [tilespmem:s26+$0x0]  }
0x78: {  	v4 =	vld [tilespmem:s25+$0xFFFFFE80];
	_ =	sdelay $0x1  }
0x79: {  	v5 =	vor.u32 $0x10, v6;
	_ =	sdelay $0x2  }
0x7a: {  	v4 =	vmul.f32 v4, v3;
	_ =	sdelay $0x1  }
0x7b: {  	[tilespmem:v5+s20+$0x0] =	vst.idx.msk $0xffff, v4  }
0x7c: {  	v4 =	vld [tilespmem:s25+$0xFFFFFF00];
	_ =	sdelay $0x1  }
0x7d: {  	v5 =	vor.u32 $0x11, v6;
	_ =	sdelay $0x2  }
0x7e: {  	v4 =	vmul.f32 v4, v3;
	_ =	sdelay $0x1  }
0x7f: {  	[tilespmem:v5+s20+$0x0] =	vst.idx.msk $0xffff, v4  }
0x80: {  	v4 =	vld [tilespmem:s25+$0xFFFFFF80];
	_ =	sdelay $0x1  }
0x81: {  	v5 =	vor.u32 $0x12, v6;
	_ =	sdelay $0x2  }
0x82: {  	v4 =	vmul.f32 v4, v3;
	_ =	sdelay $0x1  }
0x83: {  	[tilespmem:v5+s20+$0x0] =	vst.idx.msk $0xffff, v4  }
0x84: {  	v4 =	vld [tilespmem:s25+$0x0];
	_ =	sdelay $0x1  }
0x85: {  	v5 =	vor.u32 $0x13, v6;
	_ =	sdelay $0x2  }
0x86: {  	v4 =	vmul.f32 v4, v3;
	_ =	sdelay $0x1  }
0x87: {  	[tilespmem:v5+s20+$0x0] =	vst.idx.msk $0xffff, v4  }
0x88: {  	v4 =	vld [tilespmem:s25+$0x80];
	_ =	sdelay $0x1  }
0x89: {  	v5 =	vor.u32 $0x14, v6;
	_ =	sdelay $0x2  }
0x8a: {  	v4 =	vmul.f32 v4, v3;
	_ =	sdelay $0x1  }
0x8b: {  	[tilespmem:v5+s20+$0x0] =	vst.idx.msk $0xffff, v4  }
0x8c: {  	v4 =	vld [tilespmem:s25+$0x100];
	_ =	sdelay $0x1  }
0x8d: {  	v5 =	vor.u32 $0x15, v6;
	_ =	sdelay $0x2  }
0x8e: {  	v3 =	vmul.f32 v4, v3;
	_ =	sdelay $0x1  }
0x8f: {  	[tilespmem:v5+s20+$0x0] =	vst.idx.msk $0xffff, v3  }
0x90: {  	v4 =	vld [tilespmem:s26+$0x80]  }
0x91: {  	v3 =	vld [tilespmem:s25+$0xFFFFFE80];
	_ =	sdelay $0x1  }
0x92: {  	v5 =	vor.u32 $0x18, v6;
	_ =	sdelay $0x2  }
0x93: {  	v3 =	vmul.f32 v3, v4;
	_ =	sdelay $0x1  }
0x94: {  	[tilespmem:v5+s20+$0x0] =	vst.idx.msk $0xffff, v3  }
0x95: {  	v3 =	vld [tilespmem:s25+$0xFFFFFF00];
	_ =	sdelay $0x1  }
0x96: {  	v5 =	vor.u32 $0x19, v6;
	_ =	sdelay $0x2  }
0x97: {  	v3 =	vmul.f32 v3, v4;
	_ =	sdelay $0x1  }
0x98: {  	[tilespmem:v5+s20+$0x0] =	vst.idx.msk $0xffff, v3  }
0x99: {  	v3 =	vld [tilespmem:s25+$0xFFFFFF80];
	_ =	sdelay $0x1  }
0x9a: {  	v5 =	vor.u32 $0x1A, v6;
	_ =	sdelay $0x2  }
0x9b: {  	v3 =	vmul.f32 v3, v4;
	_ =	sdelay $0x1  }
0x9c: {  	[tilespmem:v5+s20+$0x0] =	vst.idx.msk $0xffff, v3  }
0x9d: {  	v3 =	vld [tilespmem:s25+$0x0];
	_ =	sdelay $0x1  }
0x9e: {  	v5 =	vor.u32 $0x1B, v6;
	_ =	sdelay $0x2  }
0x9f: {  	v3 =	vmul.f32 v3, v4;
	_ =	sdelay $0x1  }
0xa0: {  	[tilespmem:v5+s20+$0x0] =	vst.idx.msk $0xffff, v3  }
0xa1: {  	v3 =	vld [tilespmem:s25+$0x80];
	_ =	sdelay $0x1  }
0xa2: {  	v5 =	vor.u32 $0x1C, v6;
	_ =	sdelay $0x2  }
0xa3: {  	v3 =	vmul.f32 v3, v4;
	_ =	sdelay $0x1  }
0xa4: {  	[tilespmem:v5+s20+$0x0] =	vst.idx.msk $0xffff, v3  }
0xa5: {  	s28 =	simm.s32 $0x10;
	v3 =	vor.u32 $0x1D, v6;
	v5 =	vld [tilespmem:s25+$0x100]  }
.LBB2_9:
0xa6: {  	_ =	sdelay $0x2  }
0xa7: {  	p0 =	sne.s32 s28, $0x70;
	s25 =	sadd.s32 $0x10, s25;
	s26 =	sadd.s32 $0x10, s26  }
0xa8: {  	s29 =	smov.u32 s28;
	s28 =	sadd.s32 $0x10, s28;
	v4 =	vmul.f32 v5, v4;
	_ =	sdelay $0x1  }
0xa9: {  	[tilespmem:v3+s20+$0x0] =	vst.idx.msk $0xffff, v4  }
0xaa: {  	v4 =	vld [tilespmem:s25+$0xFFFFFE80]  }
0xab: {  	v3 =	vmov s29;
	v5 =	vld [tilespmem:s26+$0xFFFFFF00]  }
0xac: {  	v3 =	vshll.u32 v3, $0x5  }
0xad: {  	v3 =	vor.u32 v2, v3;
	_ =	sdelay $0x2  }
0xae: {  	v4 =	vmul.f32 v4, v5;
	_ =	sdelay $0x1  }
0xaf: {  	[tilespmem:v3+s20+$0x0] =	vst.idx.msk $0xffff, v4  }
0xb0: {  	v4 =	vld [tilespmem:s25+$0xFFFFFF00];
	_ =	sdelay $0x1  }
0xb1: {  	v6 =	vor.u32 $0x1, v3;
	_ =	sdelay $0x2  }
0xb2: {  	v4 =	vmul.f32 v4, v5;
	_ =	sdelay $0x1  }
0xb3: {  	[tilespmem:v6+s20+$0x0] =	vst.idx.msk $0xffff, v4  }
0xb4: {  	v4 =	vld [tilespmem:s25+$0xFFFFFF80];
	_ =	sdelay $0x1  }
0xb5: {  	v6 =	vor.u32 $0x2, v3;
	_ =	sdelay $0x2  }
0xb6: {  	v4 =	vmul.f32 v4, v5;
	_ =	sdelay $0x1  }
0xb7: {  	[tilespmem:v6+s20+$0x0] =	vst.idx.msk $0xffff, v4  }
0xb8: {  	v4 =	vld [tilespmem:s25+$0x0];
	_ =	sdelay $0x1  }
0xb9: {  	v6 =	vor.u32 $0x3, v3;
	_ =	sdelay $0x2  }
0xba: {  	v4 =	vmul.f32 v4, v5;
	_ =	sdelay $0x1  }
0xbb: {  	[tilespmem:v6+s20+$0x0] =	vst.idx.msk $0xffff, v4  }
0xbc: {  	v4 =	vld [tilespmem:s25+$0x80];
	_ =	sdelay $0x1  }
0xbd: {  	v6 =	vor.u32 $0x4, v3;
	_ =	sdelay $0x2  }
0xbe: {  	v4 =	vmul.f32 v4, v5;
	_ =	sdelay $0x1  }
0xbf: {  	[tilespmem:v6+s20+$0x0] =	vst.idx.msk $0xffff, v4  }
0xc0: {  	v4 =	vld [tilespmem:s25+$0x100];
	_ =	sdelay $0x1  }
0xc1: {  	v6 =	vor.u32 $0x5, v3;
	_ =	sdelay $0x2  }
0xc2: {  	v4 =	vmul.f32 v4, v5;
	_ =	sdelay $0x1  }
0xc3: {  	[tilespmem:v6+s20+$0x0] =	vst.idx.msk $0xffff, v4  }
0xc4: {  	v4 =	vld [tilespmem:s26+$0xFFFFFF80]  }
0xc5: {  	v5 =	vld [tilespmem:s25+$0xFFFFFE80]  }
0xc6: {  	v6 =	vor.u32 $0x8, v3;
	_ =	sdelay $0x3  }
0xc7: {  	v5 =	vmul.f32 v5, v4;
	_ =	sdelay $0x1  }
0xc8: {  	[tilespmem:v6+s20+$0x0] =	vst.idx.msk $0xffff, v5  }
0xc9: {  	v5 =	vld [tilespmem:s25+$0xFFFFFF00]  }
0xca: {  	v6 =	vor.u32 $0x9, v3;
	_ =	sdelay $0x3  }
0xcb: {  	v5 =	vmul.f32 v5, v4;
	_ =	sdelay $0x1  }
0xcc: {  	[tilespmem:v6+s20+$0x0] =	vst.idx.msk $0xffff, v5  }
0xcd: {  	v5 =	vld [tilespmem:s25+$0xFFFFFF80]  }
0xce: {  	v6 =	vor.u32 $0xA, v3;
	_ =	sdelay $0x3  }
0xcf: {  	v5 =	vmul.f32 v5, v4;
	_ =	sdelay $0x1  }
0xd0: {  	[tilespmem:v6+s20+$0x0] =	vst.idx.msk $0xffff, v5  }
0xd1: {  	v5 =	vld [tilespmem:s25+$0x0]  }
0xd2: {  	v6 =	vor.u32 $0xB, v3;
	_ =	sdelay $0x3  }
0xd3: {  	v5 =	vmul.f32 v5, v4;
	_ =	sdelay $0x1  }
0xd4: {  	[tilespmem:v6+s20+$0x0] =	vst.idx.msk $0xffff, v5  }
0xd5: {  	v5 =	vld [tilespmem:s25+$0x80]  }
0xd6: {  	v6 =	vor.u32 $0xC, v3;
	_ =	sdelay $0x3  }
0xd7: {  	v5 =	vmul.f32 v5, v4;
	_ =	sdelay $0x1  }
0xd8: {  	[tilespmem:v6+s20+$0x0] =	vst.idx.msk $0xffff, v5  }
0xd9: {  	v5 =	vld [tilespmem:s25+$0x100]  }
0xda: {  	v6 =	vor.u32 $0xD, v3;
	_ =	sdelay $0x3  }
0xdb: {  	v4 =	vmul.f32 v5, v4;
	_ =	sdelay $0x1  }
0xdc: {  	[tilespmem:v6+s20+$0x0] =	vst.idx.msk $0xffff, v4  }
0xdd: {  	v4 =	vld [tilespmem:s26+$0x0]  }
0xde: {  	v6 =	vor.u32 $0x10, v3;
	v5 =	vld [tilespmem:s25+$0xFFFFFE80];
	_ =	sdelay $0x4  }
0xdf: {  	v5 =	vmul.f32 v5, v4;
	_ =	sdelay $0x1  }
0xe0: {  	[tilespmem:v6+s20+$0x0] =	vst.idx.msk $0xffff, v5  }
0xe1: {  	v6 =	vor.u32 $0x11, v3;
	v5 =	vld [tilespmem:s25+$0xFFFFFF00];
	_ =	sdelay $0x4  }
0xe2: {  	v5 =	vmul.f32 v5, v4;
	_ =	sdelay $0x1  }
0xe3: {  	[tilespmem:v6+s20+$0x0] =	vst.idx.msk $0xffff, v5  }
0xe4: {  	v6 =	vor.u32 $0x12, v3;
	v5 =	vld [tilespmem:s25+$0xFFFFFF80];
	_ =	sdelay $0x4  }
0xe5: {  	v5 =	vmul.f32 v5, v4;
	_ =	sdelay $0x1  }
0xe6: {  	[tilespmem:v6+s20+$0x0] =	vst.idx.msk $0xffff, v5  }
0xe7: {  	v6 =	vor.u32 $0x13, v3;
	v5 =	vld [tilespmem:s25+$0x0];
	_ =	sdelay $0x4  }
0xe8: {  	v5 =	vmul.f32 v5, v4;
	_ =	sdelay $0x1  }
0xe9: {  	[tilespmem:v6+s20+$0x0] =	vst.idx.msk $0xffff, v5  }
0xea: {  	v6 =	vor.u32 $0x14, v3;
	v5 =	vld [tilespmem:s25+$0x80];
	_ =	sdelay $0x4  }
0xeb: {  	v5 =	vmul.f32 v5, v4;
	_ =	sdelay $0x1  }
0xec: {  	[tilespmem:v6+s20+$0x0] =	vst.idx.msk $0xffff, v5  }
0xed: {  	v6 =	vor.u32 $0x15, v3;
	v5 =	vld [tilespmem:s25+$0x100];
	_ =	sdelay $0x4  }
0xee: {  	v4 =	vmul.f32 v5, v4;
	_ =	sdelay $0x1  }
0xef: {  	[tilespmem:v6+s20+$0x0] =	vst.idx.msk $0xffff, v4  }
0xf0: {  	v5 =	vor.u32 $0x18, v3;
	v4 =	vld [tilespmem:s26+$0x80]  }
0xf1: {  	v6 =	vld [tilespmem:s25+$0xFFFFFE80];
	_ =	sdelay $0x4  }
0xf2: {  	v6 =	vmul.f32 v6, v4;
	_ =	sdelay $0x1  }
0xf3: {  	[tilespmem:v5+s20+$0x0] =	vst.idx.msk $0xffff, v6;
	v5 =	vor.u32 $0x19, v3  }
0xf4: {  	v6 =	vld [tilespmem:s25+$0xFFFFFF00];
	_ =	sdelay $0x4  }
0xf5: {  	v6 =	vmul.f32 v6, v4;
	_ =	sdelay $0x1  }
0xf6: {  	[tilespmem:v5+s20+$0x0] =	vst.idx.msk $0xffff, v6;
	v5 =	vor.u32 $0x1A, v3  }
0xf7: {  	v6 =	vld [tilespmem:s25+$0xFFFFFF80];
	_ =	sdelay $0x4  }
0xf8: {  	v6 =	vmul.f32 v6, v4;
	_ =	sdelay $0x1  }
0xf9: {  	[tilespmem:v5+s20+$0x0] =	vst.idx.msk $0xffff, v6;
	v5 =	vor.u32 $0x1B, v3  }
0xfa: {  	v6 =	vld [tilespmem:s25+$0x0];
	_ =	sdelay $0x4  }
0xfb: {  	v6 =	vmul.f32 v6, v4;
	_ =	sdelay $0x1  }
0xfc: {  	[tilespmem:v5+s20+$0x0] =	vst.idx.msk $0xffff, v6;
	v5 =	vor.u32 $0x1C, v3  }
0xfd: {  	v6 =	vld [tilespmem:s25+$0x80];
	_ =	sdelay $0x3  }
.Ltmp3:
0xfe: {  	(pc) =	sbr.rel @p0 .LBB2_9-.Ltmp3, $3  }
0xff: {  	v6 =	vmul.f32 v6, v4;
	_ =	sdelay $0x1  }
0x100: {  	v3 =	vor.u32 $0x1D, v3;
	[tilespmem:v5+s20+$0x0] =	vst.idx.msk $0xffff, v6  }
0x101: {  	v5 =	vld [tilespmem:s25+$0x100]  }
0x102: {  	_ =	sdelay $0x3  }
0x103: {  	s24 =	sadd.s32 $0x1, s24;
	v4 =	vmul.f32 v5, v4  }
0x104: {  	p0 =	sne.s32 s24, s10  }
.Ltmp4:
0x105: {  	[tilespmem:v3+s20+$0x0] =	vst.idx.msk $0xffff, v4;
	(pc) =	sbr.rel @p0 .LBB2_8-.Ltmp4, $4  }
0x106: {  	[spmem:s1] =	stream.indirect.scatter.add.f32 [tilespmem:s20], [sflag:$0x1], $0x20, s16, s15, $0xb8;
	[tilespmem:$0x16E80] =	vst v63  }
0x107: {  	_ =	swait.ge [sflag:s18], $0x1000  }
0x108: {  	[sflag:s18] =	ssyncset.done $0x0  }
0x109: {  	[sflag:s18] =	ssyncadd.s32 $0xFFFFF000  }
0x10a: {  	s23 =	simm.s32 $0x0  }
0x10b: {  	s23 =	smin.u32 s23, $0x948  }
0x10c: {  	s23 =	sadd.s32 s7, s23  }
0x10d: {  	[bflag:$0x0] =	sbarrier.arrive $0xFFFF;
	v3 =	vadd.s32 s23, v0;
	s24 =	sadd.s32 $0x10, s23  }
0x10e: {  	s25 =	sadd.s32 $0x20, s23;
	[tilespmem:$0x500] =	vst v3;
	v3 =	vadd.s32 s24, v0  }
0x10f: {  	s28 =	sadd.s32 $0x40, s23;
	v4 =	vadd.s32 s25, v0;
	[tilespmem:$0x510] =	vst v3  }
0x110: {  	s30 =	sadd.s32 $0x60, s23;
	v62 =	vadd.s32 s28, v0;
	[tilespmem:$0x520] =	vst v4  }
0x111: {  	s31 =	sadd.s32 $0x70, s23;
	v63 =	vadd.s32 s30, v0;
	[tilespmem:$0x540] =	vst v62  }
0x112: {  	s26 =	sadd.s32 $0x50, s23;
	v3 =	vadd.s32 s31, v0;
	[tilespmem:$0x560] =	vst v63  }
0x113: {  	s29 =	sadd.s32 $0x30, s23;
	s23 =	sshll.u32 s23, $0x5;
	[tilespmem:$0x570] =	vst v3;
	v3 =	vadd.s32 s26, v0  }
0x114: {  	s31 =	sadd.s32 s9, s23;
	[tilespmem:$0x550] =	vst v3;
	v3 =	vadd.s32 s29, v0  }
0x115: {  	s23 =	simm.s32 $0x80;
	s24 =	sshrl.u32 s31, $0x3;
	[tilespmem:$0x530] =	vst v3  }
0x116: {  	[tilespmem:s21], [sflag:$0x1] =	stream.indirect.gather [spmem:s1], $0x20, s16, s15, $0xb8;
	[tilespmem:$0x16E80] =	vst v63  }
.LBB2_12:
0x117: {  	p0 =	sne.s32 s23, $0x980  }
0x118: {  	_ =	swait.ge [sflag:s18], $0x1000;
	s25 =	smov.u32 s23;
	s23 =	sadd.s32 $0x80, s23  }
0x119: {  	[sflag:s18] =	ssyncset.done $0x0  }
0x11a: {  	s24 =	sadd.s32 s8, s24;
	[sflag:s18] =	ssyncadd.s32 $0xFFFFF000  }
0x11b: {  	[hbm4b:s24+s2] =	stream.linear.scatter [tilespmem:s21], [sflag:$0x1], $0x1000, $0x38;
	[tilespmem:$0x16E80] =	vst v63  }
0x11c: {  	s24 =	smin.u32 s25, $0x948;
	_ =	swait.ge [sflag:s18], $0x1000  }
0x11d: {  	s24 =	sadd.s32 s7, s24;
	[sflag:s18] =	ssyncset.done $0x0  }
0x11e: {  	v3 =	vadd.s32 s24, v0;
	s25 =	sadd.s32 $0x10, s24;
	s26 =	sadd.s32 $0x20, s24;
	[sflag:s18] =	ssyncadd.s32 $0xFFFFF000  }
0x11f: {  	s28 =	sadd.s32 $0x70, s24;
	v4 =	vadd.s32 s26, v0;
	s26 =	sadd.s32 $0x50, s24;
	[tilespmem:$0x500] =	vst v3;
	v3 =	vadd.s32 s25, v0;
	s25 =	sadd.s32 $0x40, s24  }
0x120: {  	s29 =	sadd.s32 $0x30, s24;
	v6 =	vadd.s32 s28, v0;
	v5 =	vadd.s32 s26, v0;
	[tilespmem:$0x510] =	vst v3;
	v3 =	vadd.s32 s25, v0;
	s25 =	sadd.s32 $0x60, s24;
	s24 =	sshll.u32 s24, $0x5  }
0x121: {  	v7 =	vadd.s32 s29, v0;
	v8 =	vadd.s32 s25, v0;
	[tilespmem:$0x570] =	vst v6;
	s24 =	sadd.s32 s9, s24  }
0x122: {  	[tilespmem:$0x520] =	vst v4;
	s24 =	sshrl.u32 s24, $0x3  }
.Ltmp5:
0x123: {  	[tilespmem:$0x550] =	vst v5;
	(pc) =	sbr.rel @p0 .LBB2_12-.Ltmp5, $4  }
0x124: {  	[tilespmem:$0x540] =	vst v3  }
0x125: {  	[tilespmem:$0x530] =	vst v7  }
0x126: {  	[tilespmem:$0x560] =	vst v8  }
0x127: {  	[tilespmem:s21], [sflag:$0x1] =	stream.indirect.gather [spmem:s1], $0x20, s16, s15, $0xb8;
	[tilespmem:$0x16E80] =	vst v63  }
0x128: {  	_ =	swait.ge [sflag:s18], $0x1000  }
0x129: {  	[sflag:s18] =	ssyncset.done $0x0  }
0x12a: {  	s23 =	sadd.s32 s8, s24;
	[sflag:s18] =	ssyncadd.s32 $0xFFFFF000  }
0x12b: {  	[hbm4b:s23+s2] =	stream.linear.scatter [tilespmem:s21], [sflag:$0x1], $0x1000, $0x38;
	[tilespmem:$0x16E80] =	vst v63  }
0x12c: {  	s26 =	simm.s32 $0x0;
	_ =	swait.ge [sflag:s18], $0x1000  }
0x12d: {  	s23 =	smin.u32 s26, $0x948;
	[sflag:s18] =	ssyncset.done $0x0  }
0x12e: {  	s23 =	sadd.s32 s7, s23;
	[sflag:s18] =	ssyncadd.s32 $0xFFFFF000  }
0x12f: {  	v3 =	vadd.s32 s23, v0;
	s25 =	sadd.s32 $0x60, s23;
	[bflag:$0x0] =	sbarrier.arrive $0xFFFF  }
0x130: {  	s28 =	sadd.s32 $0x70, s23;
	v4 =	vadd.s32 s25, v0;
	[tilespmem:$0x500] =	vst v3  }
0x131: {  	s30 =	sadd.s32 $0x40, s23;
	v3 =	vadd.s32 s28, v0;
	[tilespmem:$0x560] =	vst v4  }
0x132: {  	s29 =	sadd.s32 $0x50, s23;
	v4 =	vadd.s32 s30, v0;
	[tilespmem:$0x570] =	vst v3  }
0x133: {  	s31 =	sadd.s32 $0x30, s23;
	v3 =	vadd.s32 s29, v0;
	[tilespmem:$0x540] =	vst v4  }
0x134: {  	s24 =	simm.s32 $0x80;
	s25 =	sadd.s32 $0x20, s23;
	[tilespmem:$0x550] =	vst v3;
	v3 =	vadd.s32 s31, v0  }
.LBB2_14:
0x135: {  	p0 =	sne.s32 s24, $0x980;
	s23 =	sadd.s32 $0x10, s23;
	v4 =	vadd.s32 s25, v0;
	[tilespmem:$0x530] =	vst v3  }
0x136: {  	v3 =	vadd.s32 s23, v0;
	[tilespmem:$0x520] =	vst v4  }
0x137: {  	[tilespmem:$0x510] =	vst v3;
	[spmem:s1] =	stream.indirect.scatter [tilespmem:s17], [sflag:$0x1], $0x20, s16, s15, $0xb8  }
0x138: {  	s23 =	smin.u32 s24, $0x948;
	_ =	swait.ge [sflag:s18], $0x1000  }
0x139: {  	s23 =	sadd.s32 s7, s23;
	[sflag:s18] =	ssyncset.done $0x0  }
0x13a: {  	v3 =	vadd.s32 s23, v0;
	s25 =	sadd.s32 $0x70, s23;
	[sflag:s18] =	ssyncadd.s32 $0xFFFFF000  }
.Ltmp6:
0x13b: {  	s26 =	sadd.s32 $0x60, s23;
	[tilespmem:$0x500] =	vst v3;
	v3 =	vadd.s32 s25, v0;
	(pc) =	sbr.rel @p0 .LBB2_14-.Ltmp6, $4  }
0x13c: {  	v4 =	vadd.s32 s26, v0;
	s25 =	sadd.s32 $0x50, s23;
	[tilespmem:$0x570] =	vst v3  }
0x13d: {  	s26 =	sadd.s32 $0x40, s23;
	v3 =	vadd.s32 s25, v0;
	[tilespmem:$0x560] =	vst v4  }
0x13e: {  	s28 =	sadd.s32 $0x30, s23;
	v4 =	vadd.s32 s26, v0;
	[tilespmem:$0x550] =	vst v3  }
0x13f: {  	s24 =	sadd.s32 $0x80, s24;
	s25 =	sadd.s32 $0x20, s23;
	v3 =	vadd.s32 s28, v0;
	[tilespmem:$0x540] =	vst v4  }
0x140: {  	s23 =	sadd.s32 $0x10, s23;
	v4 =	vadd.s32 s25, v0;
	[tilespmem:$0x530] =	vst v3  }
0x141: {  	v3 =	vadd.s32 s23, v0;
	[tilespmem:$0x520] =	vst v4  }
0x142: {  	[tilespmem:$0x510] =	vst v3  }
0x143: {  	[spmem:s1] =	stream.indirect.scatter [tilespmem:s17], [sflag:$0x1], $0x20, s16, s15, $0xb8;
	[tilespmem:$0x16E80] =	vst v63  }
0x144: {  	_ =	swait.ge [sflag:s18], $0x1000  }
0x145: {  	[sflag:s18] =	ssyncset.done $0x0  }
0x146: {  	[sflag:s18] =	ssyncadd.s32 $0xFFFFF000  }
0x147: {  	s24 =	simm.s32 $0x0;
	s23 =	simm.s32 $0x0;
	[bflag:$0x0] =	sbarrier.arrive $0xFFFF  }
.LBB2_16:
0x148: {  	s25 =	sshll.u32 s24, $0x4  }
0x149: {  	s25 =	sor.u32 s3, s25  }
0x14a: {  	s26 =	smul.u32 $0x60, s25;
	_ =	sdelay $0x1  }
0x14b: {  	s31 =	sshll.u32 s25, $0xB;
	s26 =	sadd.s32 s4, s26  }
0x14c: {  	[tilespmem:s23], [sflag:$0x1] =	stream.linear.gather [hbm4b:s26+s23], $0x300, $0x38;
	[tilespmem:$0x16E80] =	vst v63  }
0x14d: {  	s26 =	sor.u32 s12, s31;
	_ =	swait.ge [sflag:s18], $0x300  }
0x14e: {  	s26 =	sshrl.u32 s26, $0x3;
	[sflag:s18] =	ssyncset.done $0x0  }
0x14f: {  	s26 =	sadd.s32 s5, s26;
	[sflag:s18] =	ssyncadd.s32 $0xFFFFFD00  }
0x150: {  	[tilespmem:s19], [sflag:$0x1] =	stream.linear.gather [hbm4b:s26+s23], $0x200, $0x38;
	[tilespmem:$0x16E80] =	vst v63  }
0x151: {  	_ =	swait.ge [sflag:s18], $0x200  }
0x152: {  	s25 =	sshll.u32 s25, $0x4;
	[sflag:s18] =	ssyncset.done $0x0  }
0x153: {  	s25 =	sadd.s32 s6, s25;
	[sflag:s18] =	ssyncadd.s32 $0xFFFFFE00  }
0x154: {  	[tilespmem:s16], [sflag:$0x1] =	stream.linear.gather [hbm4b:s25+s23], $0x80, $0x38;
	[tilespmem:$0x16E80] =	vst v63  }
0x155: {  	_ =	swait.ge [sflag:s18], $0x80  }
0x156: {  	[sflag:s18] =	ssyncset.done $0x0  }
0x157: {  	s25 =	simm.s32 $0x180;
	[sflag:s18] =	ssyncadd.s32 $0xFFFFFF80  }
0x158: {  	s26 =	simm.s32 $0x400;
	v3 =	vld [tilespmem:s25+$0xFFFFFE80]  }
0x159: {  	v4 =	vmov s23;
	v5 =	vld [tilespmem:s26+$0xFFFFFF00]  }
0x15a: {  	v4 =	vshll.u32 v4, $0x5  }
0x15b: {  	v6 =	vor.u32 v2, v4;
	_ =	sdelay $0x2  }
0x15c: {  	v3 =	vmul.f32 v3, v5;
	_ =	sdelay $0x1  }
0x15d: {  	[tilespmem:v6+s20+$0x0] =	vst.idx.msk $0xffff, v3  }
0x15e: {  	v3 =	vld [tilespmem:s25+$0xFFFFFF00];
	_ =	sdelay $0x1  }
0x15f: {  	v4 =	vor.u32 $0x1, v6;
	_ =	sdelay $0x2  }
0x160: {  	v3 =	vmul.f32 v3, v5;
	_ =	sdelay $0x1  }
0x161: {  	[tilespmem:v4+s20+$0x0] =	vst.idx.msk $0xffff, v3  }
0x162: {  	v3 =	vld [tilespmem:s25+$0xFFFFFF80];
	_ =	sdelay $0x1  }
0x163: {  	v4 =	vor.u32 $0x2, v6;
	_ =	sdelay $0x2  }
0x164: {  	v3 =	vmul.f32 v3, v5;
	_ =	sdelay $0x1  }
0x165: {  	[tilespmem:v4+s20+$0x0] =	vst.idx.msk $0xffff, v3  }
0x166: {  	v3 =	vld [tilespmem:s25+$0x0];
	_ =	sdelay $0x1  }
0x167: {  	v4 =	vor.u32 $0x3, v6;
	_ =	sdelay $0x2  }
0x168: {  	v3 =	vmul.f32 v3, v5;
	_ =	sdelay $0x1  }
0x169: {  	[tilespmem:v4+s20+$0x0] =	vst.idx.msk $0xffff, v3  }
0x16a: {  	v3 =	vld [tilespmem:s25+$0x80];
	_ =	sdelay $0x1  }
0x16b: {  	v4 =	vor.u32 $0x4, v6;
	_ =	sdelay $0x2  }
0x16c: {  	v3 =	vmul.f32 v3, v5;
	_ =	sdelay $0x1  }
0x16d: {  	[tilespmem:v4+s20+$0x0] =	vst.idx.msk $0xffff, v3  }
0x16e: {  	v3 =	vld [tilespmem:s25+$0x100];
	_ =	sdelay $0x1  }
0x16f: {  	v4 =	vor.u32 $0x5, v6;
	_ =	sdelay $0x2  }
0x170: {  	v3 =	vmul.f32 v3, v5;
	_ =	sdelay $0x1  }
0x171: {  	[tilespmem:v4+s20+$0x0] =	vst.idx.msk $0xffff, v3  }
0x172: {  	v3 =	vld [tilespmem:s26+$0xFFFFFF80]  }
0x173: {  	v4 =	vld [tilespmem:s25+$0xFFFFFE80];
	_ =	sdelay $0x1  }
0x174: {  	v5 =	vor.u32 $0x8, v6;
	_ =	sdelay $0x2  }
0x175: {  	v4 =	vmul.f32 v4, v3;
	_ =	sdelay $0x1  }
0x176: {  	[tilespmem:v5+s20+$0x0] =	vst.idx.msk $0xffff, v4  }
0x177: {  	v4 =	vld [tilespmem:s25+$0xFFFFFF00];
	_ =	sdelay $0x1  }
0x178: {  	v5 =	vor.u32 $0x9, v6;
	_ =	sdelay $0x2  }
0x179: {  	v4 =	vmul.f32 v4, v3;
	_ =	sdelay $0x1  }
0x17a: {  	[tilespmem:v5+s20+$0x0] =	vst.idx.msk $0xffff, v4  }
0x17b: {  	v4 =	vld [tilespmem:s25+$0xFFFFFF80];
	_ =	sdelay $0x1  }
0x17c: {  	v5 =	vor.u32 $0xA, v6;
	_ =	sdelay $0x2  }
0x17d: {  	v4 =	vmul.f32 v4, v3;
	_ =	sdelay $0x1  }
0x17e: {  	[tilespmem:v5+s20+$0x0] =	vst.idx.msk $0xffff, v4  }
0x17f: {  	v4 =	vld [tilespmem:s25+$0x0];
	_ =	sdelay $0x1  }
0x180: {  	v5 =	vor.u32 $0xB, v6;
	_ =	sdelay $0x2  }
0x181: {  	v4 =	vmul.f32 v4, v3;
	_ =	sdelay $0x1  }
0x182: {  	[tilespmem:v5+s20+$0x0] =	vst.idx.msk $0xffff, v4  }
0x183: {  	v4 =	vld [tilespmem:s25+$0x80];
	_ =	sdelay $0x1  }
0x184: {  	v5 =	vor.u32 $0xC, v6;
	_ =	sdelay $0x2  }
0x185: {  	v4 =	vmul.f32 v4, v3;
	_ =	sdelay $0x1  }
0x186: {  	[tilespmem:v5+s20+$0x0] =	vst.idx.msk $0xffff, v4  }
0x187: {  	v4 =	vld [tilespmem:s25+$0x100];
	_ =	sdelay $0x1  }
0x188: {  	v5 =	vor.u32 $0xD, v6;
	_ =	sdelay $0x2  }
0x189: {  	v3 =	vmul.f32 v4, v3;
	_ =	sdelay $0x1  }
0x18a: {  	[tilespmem:v5+s20+$0x0] =	vst.idx.msk $0xffff, v3  }
0x18b: {  	v3 =	vld [tilespmem:s26+$0x0]  }
0x18c: {  	v4 =	vld [tilespmem:s25+$0xFFFFFE80];
	_ =	sdelay $0x1  }
0x18d: {  	v5 =	vor.u32 $0x10, v6;
	_ =	sdelay $0x2  }
0x18e: {  	v4 =	vmul.f32 v4, v3;
	_ =	sdelay $0x1  }
0x18f: {  	[tilespmem:v5+s20+$0x0] =	vst.idx.msk $0xffff, v4  }
0x190: {  	v4 =	vld [tilespmem:s25+$0xFFFFFF00];
	_ =	sdelay $0x1  }
0x191: {  	v5 =	vor.u32 $0x11, v6;
	_ =	sdelay $0x2  }
0x192: {  	v4 =	vmul.f32 v4, v3;
	_ =	sdelay $0x1  }
0x193: {  	[tilespmem:v5+s20+$0x0] =	vst.idx.msk $0xffff, v4  }
0x194: {  	v4 =	vld [tilespmem:s25+$0xFFFFFF80];
	_ =	sdelay $0x1  }
0x195: {  	v5 =	vor.u32 $0x12, v6;
	_ =	sdelay $0x2  }
0x196: {  	v4 =	vmul.f32 v4, v3;
	_ =	sdelay $0x1  }
0x197: {  	[tilespmem:v5+s20+$0x0] =	vst.idx.msk $0xffff, v4  }
0x198: {  	v4 =	vld [tilespmem:s25+$0x0];
	_ =	sdelay $0x1  }
0x199: {  	v5 =	vor.u32 $0x13, v6;
	_ =	sdelay $0x2  }
0x19a: {  	v4 =	vmul.f32 v4, v3;
	_ =	sdelay $0x1  }
0x19b: {  	[tilespmem:v5+s20+$0x0] =	vst.idx.msk $0xffff, v4  }
0x19c: {  	v4 =	vld [tilespmem:s25+$0x80];
	_ =	sdelay $0x1  }
0x19d: {  	v5 =	vor.u32 $0x14, v6;
	_ =	sdelay $0x2  }
0x19e: {  	v4 =	vmul.f32 v4, v3;
	_ =	sdelay $0x1  }
0x19f: {  	[tilespmem:v5+s20+$0x0] =	vst.idx.msk $0xffff, v4  }
0x1a0: {  	v4 =	vld [tilespmem:s25+$0x100];
	_ =	sdelay $0x1  }
0x1a1: {  	v5 =	vor.u32 $0x15, v6;
	_ =	sdelay $0x2  }
0x1a2: {  	v3 =	vmul.f32 v4, v3;
	_ =	sdelay $0x1  }
0x1a3: {  	[tilespmem:v5+s20+$0x0] =	vst.idx.msk $0xffff, v3  }
0x1a4: {  	v4 =	vld [tilespmem:s26+$0x80]  }
0x1a5: {  	v3 =	vld [tilespmem:s25+$0xFFFFFE80];
	_ =	sdelay $0x1  }
0x1a6: {  	v5 =	vor.u32 $0x18, v6;
	_ =	sdelay $0x2  }
0x1a7: {  	v3 =	vmul.f32 v3, v4;
	_ =	sdelay $0x1  }
0x1a8: {  	[tilespmem:v5+s20+$0x0] =	vst.idx.msk $0xffff, v3  }
0x1a9: {  	v3 =	vld [tilespmem:s25+$0xFFFFFF00];
	_ =	sdelay $0x1  }
0x1aa: {  	v5 =	vor.u32 $0x19, v6;
	_ =	sdelay $0x2  }
0x1ab: {  	v3 =	vmul.f32 v3, v4;
	_ =	sdelay $0x1  }
0x1ac: {  	[tilespmem:v5+s20+$0x0] =	vst.idx.msk $0xffff, v3  }
0x1ad: {  	v3 =	vld [tilespmem:s25+$0xFFFFFF80];
	_ =	sdelay $0x1  }
0x1ae: {  	v5 =	vor.u32 $0x1A, v6;
	_ =	sdelay $0x2  }
0x1af: {  	v3 =	vmul.f32 v3, v4;
	_ =	sdelay $0x1  }
0x1b0: {  	[tilespmem:v5+s20+$0x0] =	vst.idx.msk $0xffff, v3  }
0x1b1: {  	v3 =	vld [tilespmem:s25+$0x0];
	_ =	sdelay $0x1  }
0x1b2: {  	v5 =	vor.u32 $0x1B, v6;
	_ =	sdelay $0x2  }
0x1b3: {  	v3 =	vmul.f32 v3, v4;
	_ =	sdelay $0x1  }
0x1b4: {  	[tilespmem:v5+s20+$0x0] =	vst.idx.msk $0xffff, v3  }
0x1b5: {  	v3 =	vld [tilespmem:s25+$0x80];
	_ =	sdelay $0x1  }
0x1b6: {  	v5 =	vor.u32 $0x1C, v6;
	_ =	sdelay $0x2  }
0x1b7: {  	v3 =	vmul.f32 v3, v4;
	_ =	sdelay $0x1  }
0x1b8: {  	[tilespmem:v5+s20+$0x0] =	vst.idx.msk $0xffff, v3  }
0x1b9: {  	s28 =	simm.s32 $0x10;
	v3 =	vor.u32 $0x1D, v6;
	v5 =	vld [tilespmem:s25+$0x100]  }
.LBB2_17:
0x1ba: {  	_ =	sdelay $0x2  }
0x1bb: {  	p0 =	sne.s32 s28, $0x70;
	s25 =	sadd.s32 $0x10, s25;
	s26 =	sadd.s32 $0x10, s26  }
0x1bc: {  	s29 =	smov.u32 s28;
	s28 =	sadd.s32 $0x10, s28;
	v4 =	vmul.f32 v5, v4;
	_ =	sdelay $0x1  }
0x1bd: {  	[tilespmem:v3+s20+$0x0] =	vst.idx.msk $0xffff, v4  }
0x1be: {  	v4 =	vld [tilespmem:s25+$0xFFFFFE80]  }
0x1bf: {  	v3 =	vmov s29;
	v5 =	vld [tilespmem:s26+$0xFFFFFF00]  }
0x1c0: {  	v3 =	vshll.u32 v3, $0x5  }
0x1c1: {  	v3 =	vor.u32 v2, v3;
	_ =	sdelay $0x2  }
0x1c2: {  	v4 =	vmul.f32 v4, v5;
	_ =	sdelay $0x1  }
0x1c3: {  	[tilespmem:v3+s20+$0x0] =	vst.idx.msk $0xffff, v4  }
0x1c4: {  	v4 =	vld [tilespmem:s25+$0xFFFFFF00];
	_ =	sdelay $0x1  }
0x1c5: {  	v6 =	vor.u32 $0x1, v3;
	_ =	sdelay $0x2  }
0x1c6: {  	v4 =	vmul.f32 v4, v5;
	_ =	sdelay $0x1  }
0x1c7: {  	[tilespmem:v6+s20+$0x0] =	vst.idx.msk $0xffff, v4  }
0x1c8: {  	v4 =	vld [tilespmem:s25+$0xFFFFFF80];
	_ =	sdelay $0x1  }
0x1c9: {  	v6 =	vor.u32 $0x2, v3;
	_ =	sdelay $0x2  }
0x1ca: {  	v4 =	vmul.f32 v4, v5;
	_ =	sdelay $0x1  }
0x1cb: {  	[tilespmem:v6+s20+$0x0] =	vst.idx.msk $0xffff, v4  }
0x1cc: {  	v4 =	vld [tilespmem:s25+$0x0];
	_ =	sdelay $0x1  }
0x1cd: {  	v6 =	vor.u32 $0x3, v3;
	_ =	sdelay $0x2  }
0x1ce: {  	v4 =	vmul.f32 v4, v5;
	_ =	sdelay $0x1  }
0x1cf: {  	[tilespmem:v6+s20+$0x0] =	vst.idx.msk $0xffff, v4  }
0x1d0: {  	v4 =	vld [tilespmem:s25+$0x80];
	_ =	sdelay $0x1  }
0x1d1: {  	v6 =	vor.u32 $0x4, v3;
	_ =	sdelay $0x2  }
0x1d2: {  	v4 =	vmul.f32 v4, v5;
	_ =	sdelay $0x1  }
0x1d3: {  	[tilespmem:v6+s20+$0x0] =	vst.idx.msk $0xffff, v4  }
0x1d4: {  	v4 =	vld [tilespmem:s25+$0x100];
	_ =	sdelay $0x1  }
0x1d5: {  	v6 =	vor.u32 $0x5, v3;
	_ =	sdelay $0x2  }
0x1d6: {  	v4 =	vmul.f32 v4, v5;
	_ =	sdelay $0x1  }
0x1d7: {  	[tilespmem:v6+s20+$0x0] =	vst.idx.msk $0xffff, v4  }
0x1d8: {  	v4 =	vld [tilespmem:s26+$0xFFFFFF80]  }
0x1d9: {  	v5 =	vld [tilespmem:s25+$0xFFFFFE80]  }
0x1da: {  	v6 =	vor.u32 $0x8, v3;
	_ =	sdelay $0x3  }
0x1db: {  	v5 =	vmul.f32 v5, v4;
	_ =	sdelay $0x1  }
0x1dc: {  	[tilespmem:v6+s20+$0x0] =	vst.idx.msk $0xffff, v5  }
0x1dd: {  	v5 =	vld [tilespmem:s25+$0xFFFFFF00]  }
0x1de: {  	v6 =	vor.u32 $0x9, v3;
	_ =	sdelay $0x3  }
0x1df: {  	v5 =	vmul.f32 v5, v4;
	_ =	sdelay $0x1  }
0x1e0: {  	[tilespmem:v6+s20+$0x0] =	vst.idx.msk $0xffff, v5  }
0x1e1: {  	v5 =	vld [tilespmem:s25+$0xFFFFFF80]  }
0x1e2: {  	v6 =	vor.u32 $0xA, v3;
	_ =	sdelay $0x3  }
0x1e3: {  	v5 =	vmul.f32 v5, v4;
	_ =	sdelay $0x1  }
0x1e4: {  	[tilespmem:v6+s20+$0x0] =	vst.idx.msk $0xffff, v5  }
0x1e5: {  	v5 =	vld [tilespmem:s25+$0x0]  }
0x1e6: {  	v6 =	vor.u32 $0xB, v3;
	_ =	sdelay $0x3  }
0x1e7: {  	v5 =	vmul.f32 v5, v4;
	_ =	sdelay $0x1  }
0x1e8: {  	[tilespmem:v6+s20+$0x0] =	vst.idx.msk $0xffff, v5  }
0x1e9: {  	v5 =	vld [tilespmem:s25+$0x80]  }
0x1ea: {  	v6 =	vor.u32 $0xC, v3;
	_ =	sdelay $0x3  }
0x1eb: {  	v5 =	vmul.f32 v5, v4;
	_ =	sdelay $0x1  }
0x1ec: {  	[tilespmem:v6+s20+$0x0] =	vst.idx.msk $0xffff, v5  }
0x1ed: {  	v5 =	vld [tilespmem:s25+$0x100]  }
0x1ee: {  	v6 =	vor.u32 $0xD, v3;
	_ =	sdelay $0x3  }
0x1ef: {  	v4 =	vmul.f32 v5, v4;
	_ =	sdelay $0x1  }
0x1f0: {  	[tilespmem:v6+s20+$0x0] =	vst.idx.msk $0xffff, v4  }
0x1f1: {  	v4 =	vld [tilespmem:s26+$0x0]  }
0x1f2: {  	v6 =	vor.u32 $0x10, v3;
	v5 =	vld [tilespmem:s25+$0xFFFFFE80];
	_ =	sdelay $0x4  }
0x1f3: {  	v5 =	vmul.f32 v5, v4;
	_ =	sdelay $0x1  }
0x1f4: {  	[tilespmem:v6+s20+$0x0] =	vst.idx.msk $0xffff, v5  }
0x1f5: {  	v6 =	vor.u32 $0x11, v3;
	v5 =	vld [tilespmem:s25+$0xFFFFFF00];
	_ =	sdelay $0x4  }
0x1f6: {  	v5 =	vmul.f32 v5, v4;
	_ =	sdelay $0x1  }
0x1f7: {  	[tilespmem:v6+s20+$0x0] =	vst.idx.msk $0xffff, v5  }
0x1f8: {  	v6 =	vor.u32 $0x12, v3;
	v5 =	vld [tilespmem:s25+$0xFFFFFF80];
	_ =	sdelay $0x4  }
0x1f9: {  	v5 =	vmul.f32 v5, v4;
	_ =	sdelay $0x1  }
0x1fa: {  	[tilespmem:v6+s20+$0x0] =	vst.idx.msk $0xffff, v5  }
0x1fb: {  	v6 =	vor.u32 $0x13, v3;
	v5 =	vld [tilespmem:s25+$0x0];
	_ =	sdelay $0x4  }
0x1fc: {  	v5 =	vmul.f32 v5, v4;
	_ =	sdelay $0x1  }
0x1fd: {  	[tilespmem:v6+s20+$0x0] =	vst.idx.msk $0xffff, v5  }
0x1fe: {  	v6 =	vor.u32 $0x14, v3;
	v5 =	vld [tilespmem:s25+$0x80];
	_ =	sdelay $0x4  }
0x1ff: {  	v5 =	vmul.f32 v5, v4;
	_ =	sdelay $0x1  }
0x200: {  	[tilespmem:v6+s20+$0x0] =	vst.idx.msk $0xffff, v5  }
0x201: {  	v6 =	vor.u32 $0x15, v3;
	v5 =	vld [tilespmem:s25+$0x100];
	_ =	sdelay $0x4  }
0x202: {  	v4 =	vmul.f32 v5, v4;
	_ =	sdelay $0x1  }
0x203: {  	[tilespmem:v6+s20+$0x0] =	vst.idx.msk $0xffff, v4  }
0x204: {  	v5 =	vor.u32 $0x18, v3;
	v4 =	vld [tilespmem:s26+$0x80]  }
0x205: {  	v6 =	vld [tilespmem:s25+$0xFFFFFE80];
	_ =	sdelay $0x4  }
0x206: {  	v6 =	vmul.f32 v6, v4;
	_ =	sdelay $0x1  }
0x207: {  	[tilespmem:v5+s20+$0x0] =	vst.idx.msk $0xffff, v6;
	v5 =	vor.u32 $0x19, v3  }
0x208: {  	v6 =	vld [tilespmem:s25+$0xFFFFFF00];
	_ =	sdelay $0x4  }
0x209: {  	v6 =	vmul.f32 v6, v4;
	_ =	sdelay $0x1  }
0x20a: {  	[tilespmem:v5+s20+$0x0] =	vst.idx.msk $0xffff, v6;
	v5 =	vor.u32 $0x1A, v3  }
0x20b: {  	v6 =	vld [tilespmem:s25+$0xFFFFFF80];
	_ =	sdelay $0x4  }
0x20c: {  	v6 =	vmul.f32 v6, v4;
	_ =	sdelay $0x1  }
0x20d: {  	[tilespmem:v5+s20+$0x0] =	vst.idx.msk $0xffff, v6;
	v5 =	vor.u32 $0x1B, v3  }
0x20e: {  	v6 =	vld [tilespmem:s25+$0x0];
	_ =	sdelay $0x4  }
0x20f: {  	v6 =	vmul.f32 v6, v4;
	_ =	sdelay $0x1  }
0x210: {  	[tilespmem:v5+s20+$0x0] =	vst.idx.msk $0xffff, v6;
	v5 =	vor.u32 $0x1C, v3  }
0x211: {  	v6 =	vld [tilespmem:s25+$0x80];
	_ =	sdelay $0x3  }
.Ltmp7:
0x212: {  	(pc) =	sbr.rel @p0 .LBB2_17-.Ltmp7, $3  }
0x213: {  	v6 =	vmul.f32 v6, v4;
	_ =	sdelay $0x1  }
0x214: {  	v3 =	vor.u32 $0x1D, v3;
	[tilespmem:v5+s20+$0x0] =	vst.idx.msk $0xffff, v6  }
0x215: {  	v5 =	vld [tilespmem:s25+$0x100]  }
0x216: {  	_ =	sdelay $0x3  }
0x217: {  	s24 =	sadd.s32 $0x1, s24;
	v4 =	vmul.f32 v5, v4  }
0x218: {  	p0 =	sne.s32 s24, s10  }
.Ltmp8:
0x219: {  	[tilespmem:v3+s20+$0x0] =	vst.idx.msk $0xffff, v4;
	(pc) =	sbr.rel @p0 .LBB2_16-.Ltmp8, $4  }
0x21a: {  	[spmem:s1] =	stream.indirect.scatter.add.f32 [tilespmem:s20], [sflag:$0x1], $0x20, s16, s15, $0xb8;
	[tilespmem:$0x16E80] =	vst v63  }
0x21b: {  	_ =	swait.ge [sflag:s18], $0x1000  }
0x21c: {  	[sflag:s18] =	ssyncset.done $0x0  }
0x21d: {  	[sflag:s18] =	ssyncadd.s32 $0xFFFFF000  }
0x21e: {  	s23 =	simm.s32 $0x0  }
0x21f: {  	s23 =	smin.u32 s23, $0x948  }
0x220: {  	s23 =	sadd.s32 s7, s23  }
0x221: {  	[bflag:$0x0] =	sbarrier.arrive $0xFFFF;
	v3 =	vadd.s32 s23, v0;
	s24 =	sadd.s32 $0x10, s23  }
0x222: {  	s25 =	sadd.s32 $0x20, s23;
	[tilespmem:$0x500] =	vst v3;
	v3 =	vadd.s32 s24, v0  }
0x223: {  	s28 =	sadd.s32 $0x40, s23;
	v4 =	vadd.s32 s25, v0;
	[tilespmem:$0x510] =	vst v3  }
0x224: {  	s30 =	sadd.s32 $0x60, s23;
	v62 =	vadd.s32 s28, v0;
	[tilespmem:$0x520] =	vst v4  }
0x225: {  	s31 =	sadd.s32 $0x70, s23;
	v63 =	vadd.s32 s30, v0;
	[tilespmem:$0x540] =	vst v62  }
0x226: {  	s26 =	sadd.s32 $0x50, s23;
	v3 =	vadd.s32 s31, v0;
	[tilespmem:$0x560] =	vst v63  }
0x227: {  	s29 =	sadd.s32 $0x30, s23;
	s23 =	sshll.u32 s23, $0x5;
	[tilespmem:$0x570] =	vst v3;
	v3 =	vadd.s32 s26, v0  }
0x228: {  	s31 =	sadd.s32 s23, s13;
	[tilespmem:$0x550] =	vst v3;
	v3 =	vadd.s32 s29, v0  }
0x229: {  	s23 =	simm.s32 $0x80;
	s24 =	sshrl.u32 s31, $0x3;
	[tilespmem:$0x530] =	vst v3  }
0x22a: {  	[tilespmem:s21], [sflag:$0x1] =	stream.indirect.gather [spmem:s1], $0x20, s16, s15, $0xb8;
	[tilespmem:$0x16E80] =	vst v63  }
.LBB2_20:
0x22b: {  	p0 =	sne.s32 s23, $0x980  }
0x22c: {  	_ =	swait.ge [sflag:s18], $0x1000;
	s25 =	smov.u32 s23;
	s23 =	sadd.s32 $0x80, s23  }
0x22d: {  	[sflag:s18] =	ssyncset.done $0x0  }
0x22e: {  	s24 =	sadd.s32 s8, s24;
	[sflag:s18] =	ssyncadd.s32 $0xFFFFF000  }
0x22f: {  	[hbm4b:s24+s2] =	stream.linear.scatter [tilespmem:s21], [sflag:$0x1], $0x1000, $0x38;
	[tilespmem:$0x16E80] =	vst v63  }
0x230: {  	s24 =	smin.u32 s25, $0x948;
	_ =	swait.ge [sflag:s18], $0x1000  }
0x231: {  	s24 =	sadd.s32 s7, s24;
	[sflag:s18] =	ssyncset.done $0x0  }
0x232: {  	v3 =	vadd.s32 s24, v0;
	s25 =	sadd.s32 $0x10, s24;
	s26 =	sadd.s32 $0x20, s24;
	[sflag:s18] =	ssyncadd.s32 $0xFFFFF000  }
0x233: {  	s28 =	sadd.s32 $0x70, s24;
	v4 =	vadd.s32 s26, v0;
	s26 =	sadd.s32 $0x50, s24;
	[tilespmem:$0x500] =	vst v3;
	v3 =	vadd.s32 s25, v0;
	s25 =	sadd.s32 $0x40, s24  }
0x234: {  	s29 =	sadd.s32 $0x30, s24;
	v6 =	vadd.s32 s28, v0;
	v5 =	vadd.s32 s26, v0;
	[tilespmem:$0x510] =	vst v3;
	v3 =	vadd.s32 s25, v0;
	s25 =	sadd.s32 $0x60, s24;
	s24 =	sshll.u32 s24, $0x5  }
0x235: {  	v7 =	vadd.s32 s29, v0;
	v8 =	vadd.s32 s25, v0;
	[tilespmem:$0x570] =	vst v6;
	s24 =	sadd.s32 s24, s13  }
0x236: {  	[tilespmem:$0x520] =	vst v4;
	s24 =	sshrl.u32 s24, $0x3  }
.Ltmp9:
0x237: {  	[tilespmem:$0x550] =	vst v5;
	(pc) =	sbr.rel @p0 .LBB2_20-.Ltmp9, $4  }
0x238: {  	[tilespmem:$0x540] =	vst v3  }
0x239: {  	[tilespmem:$0x530] =	vst v7  }
0x23a: {  	[tilespmem:$0x560] =	vst v8  }
0x23b: {  	[tilespmem:s21], [sflag:$0x1] =	stream.indirect.gather [spmem:s1], $0x20, s16, s15, $0xb8;
	[tilespmem:$0x16E80] =	vst v63  }
0x23c: {  	_ =	swait.ge [sflag:s18], $0x1000  }
0x23d: {  	s22 =	sadd.s32 $0x1, s22;
	[sflag:s18] =	ssyncset.done $0x0  }
0x23e: {  	s23 =	sadd.s32 s8, s24;
	p0 =	sne.s32 s22, s14;
	[sflag:s18] =	ssyncadd.s32 $0xFFFFF000  }
0x23f: {  	[hbm4b:s23+s2] =	stream.linear.scatter [tilespmem:s21], [sflag:$0x1], $0x1000, $0x38;
	[tilespmem:$0x16E80] =	vst v63  }
.Ltmp10:
0x240: {  	_ =	swait.ge [sflag:s18], $0x1000;
	(pc) =	sbr.rel @p0 .LBB2_1-.Ltmp10, $3  }
0x241: {  	[sflag:s18] =	ssyncset.done $0x0  }
0x242: {  	[sflag:s18] =	ssyncadd.s32 $0xFFFFF000  }
0x243: {  	[bflag:$0x0] =	sbarrier.arrive $0xFFFF;
	_ =	sdelay $0x1  }
0x244: {  	_ =	sfence.sel $0x180000  }
0x245: {  	[bflag:$0x0] =	sbarrier.arrive $0xFFFF  }
0x246: {  	p0 =	sne.s32 s3, $0x0;
	_ =	strace $0x9000004A  }
0x247: {  	s0 =	sadd.s32 @!p0 $0x100000, s0;
	[bflag:$0x2] =	sbarrier.arrive $0xFFFF  }
0x248: {  	[sflag:s0] =	ssyncadd.tile.s32 @!p0 $0x1;
	_ =	shalt  }
.Lfunc_end2:
_tile_overlayer_lowered:
.L_overlay_start_2:
0x249: {  	(tag) =	ssettag $0x2  }
0x24a: {  	s0 =	rddreg [dreg:$0x0];
	s2 =	stileid.u32  }
0x24b: {  	s1 =	rddreg [dreg:$0x1];
	p0 =	sne.s32 s2, $0x0  }
0x24c: {  	s3 =	rddreg [dreg:$0x2];
	[bflag:$0x3] =	sbarrier.arrive $0xFFFF;
	s2 =	simm.s32 @!p0 $0x1C01  }
0x24d: {  	[timem:s3], [sflag:s2] =	dma.local @!p0 [hbm:s0], s1  }
0x24e: {  	s0 =	simm.s32 @!p0 $0x1  }
0x24f: {  	_ =	swait.ge @!p0 [sflag:s0], s1  }
0x250: {  	s1 =	ssub.s32 @!p0 $0x0, s1;
	[sflag:s0] =	ssyncset.done @!p0 $0x0  }
0x251: {  	[sflag:s0] =	ssyncadd.s32 @!p0 s1  }
0x252: {  	[bflag:$0x3] =	sbarrier.arrive $0xFFFF  }
0x253: {  	_ =	shalt  }

</sc_bundles>
